<compile_context>
chip_gen: v7x
topology: tpu7x:2x2x1
jax: 0.10.2.dev20260603
libtpu: 0.0.44.dev20260713+nightly
codegen_flags: <defaults>
</compile_context>

<pallas_src>
import functools

import jax
import jax.numpy as jnp
from jax import lax
from jax.experimental import pallas as pl
from jax.experimental.pallas import tpu as pltpu
from jax.experimental.pallas import tpu_sc as plsc

B = 4096
T = 50
EMB = 128
N_EXT = 5
OUT = 3 * EMB + N_EXT
R = B * T

NC = 2
NS = 16
NW = NC * NS
NH = 2
BH = B // NH
B_W = BH // NW
NB = 2
C = NB * T
NCHUNK = B_W // NB


def _make_sc_body(h):
  return functools.partial(_sc_kernel_body, h)


def _sc_kernel_body(h, idxa_h, idxp_h, idxs_h, ext_h, ta_h, tp_h, ts_h, out_h,
                    idxa, idxp, idxs, rows0, rows1, rows2, exts, extd,
                    sem_g0, sem_g1, sem_g2, sem_w0, sem_w1, sem_w2, sem_we):
  wid = lax.axis_index("s") * NC + lax.axis_index("c")
  b0_w = wid * B_W
  iota = lax.iota(jnp.int32, 16)
  rows = (rows0, rows1, rows2)
  sem_g = (sem_g0, sem_g1, sem_g2)
  sem_w = (sem_w0, sem_w1, sem_w2)
  idx_all = (idxa, idxp, idxs)
  tabs = (ta_h, tp_h, ts_h)

  gb_w = h * BH + b0_w
  pltpu.sync_copy(idxa_h.at[pl.ds(gb_w, B_W)], idxa)
  pltpu.sync_copy(idxp_h.at[pl.ds(gb_w, B_W)], idxp)
  pltpu.sync_copy(idxs_h.at[pl.ds(gb_w, B_W)], idxs)

  def band(b0, t):
    return out_h.at[pl.ds(b0, NB), :, pl.ds(t * EMB, EMB)]

  def extra_band(b):
    return out_h.at[b, :, pl.ds(3 * EMB, N_EXT)]

  def body(ci, carry):
    b0 = b0_w + ci * NB

    gathers = []
    for t in range(3):
      @pl.when(ci > 0)
      def _(t=t):
        pltpu.make_async_copy(rows[t], band(b0_w, t), sem_w[t]).wait()
      for k in range(NB):
        gathers.append(pltpu.async_copy(
            tabs[t].at[idx_all[t].at[ci * NB + k]], rows[t].at[k], sem_g[t]))

    @pl.when(ci > 0)
    def _():
      for bb in range(NB):
        pltpu.make_async_copy(
            extd.at[pl.ds(bb * T, T)], extra_band(b0_w + bb), sem_we).wait()
    parity = lax.rem(ci, 2)

    @pl.when(parity == 0)
    def _():
      off = pl.multiple_of((h * BH + b0) * (N_EXT * T), 2 * C * N_EXT)
      pltpu.sync_copy(ext_h.at[pl.ds(off, 2 * C * N_EXT)], exts)
    half = parity * (C * N_EXT)
    for bb in range(NB):
      for j in range(N_EXT):
        for t0 in (0, 16, 32, 34):
          src = half + jnp.int32(bb * (N_EXT * T) + j * T + t0) + iota
          v = plsc.load_gather(exts, [src])
          r = jnp.int32(bb * T + t0) + iota
          plsc.store_scatter(extd, [r, jnp.full((16,), j, jnp.int32)], v)
    for bb in range(NB):
      pltpu.async_copy(extd.at[pl.ds(bb * T, T)], extra_band(b0 + bb), sem_we)

    for t in range(3):
      for k in range(NB):
        gathers[t * NB + k].wait()
      pltpu.async_copy(rows[t], band(b0, t), sem_w[t])
    return carry

  lax.fori_loop(0, NCHUNK, body, 0)
  for t in range(3):
    pltpu.make_async_copy(rows[t], band(b0_w, t), sem_w[t]).wait()
  for bb in range(NB):
    pltpu.make_async_copy(
        extd.at[pl.ds(bb * T, T)], extra_band(b0_w + bb), sem_we).wait()


BT = 128
OUT_PAD = 392


def _tc_transpose_body(y_ref, z_ref):
  for t in range(T):
    z_ref[t, :OUT, :] = y_ref[:, t, :].T


def _tc_transpose_alias_body(y_ref, z_in_ref, z_ref):
  del z_in_ref
  _tc_transpose_body(y_ref, z_ref)


_TC_PARAMS = dict(
    out_shape=jax.ShapeDtypeStruct((T, OUT_PAD, B), jnp.float32),
    compiler_params=pltpu.CompilerParams(vmem_limit_bytes=100 * 1024 * 1024),
)


def _tc_transpose_half(y, z, h):
  nblk = BH // BT
  out_spec = pl.BlockSpec((T, OUT_PAD, BT), lambda i, h=h: (0, 0, h * nblk + i))
  in_spec = pl.BlockSpec((BT, T, OUT), lambda i: (i, 0, 0))
  if z is None:
    return pl.pallas_call(
        _tc_transpose_body, grid=(nblk,), in_specs=[in_spec],
        out_specs=out_spec, **_TC_PARAMS)(y)
  return pl.pallas_call(
      _tc_transpose_alias_body, grid=(nblk,),
      in_specs=[in_spec, pl.BlockSpec(memory_space=pl.ANY)],
      out_specs=out_spec, input_output_aliases={1: 0}, **_TC_PARAMS)(y, z)


@jax.jit
def _run(idxa, idxp, idxs, ext, ta, tp, ts):
  mesh = plsc.VectorSubcoreMesh(core_axis_name="c", subcore_axis_name="s")
  ys = []
  for h in range(NH):
    f = pl.kernel(
        _make_sc_body(h),
        out_type=jax.ShapeDtypeStruct((BH, T, OUT), jnp.float32),
        mesh=mesh,
        compiler_params=pltpu.CompilerParams(needs_layout_passes=False),
        scratch_types=[
            pltpu.VMEM((B_W, T), jnp.int32),
            pltpu.VMEM((B_W, T), jnp.int32),
            pltpu.VMEM((B_W, T), jnp.int32),
            pltpu.VMEM((NB, T, EMB), jnp.float32),
            pltpu.VMEM((NB, T, EMB), jnp.float32),
            pltpu.VMEM((NB, T, EMB), jnp.float32),
            pltpu.VMEM((2 * C * N_EXT,), jnp.float32),
            pltpu.VMEM((C, N_EXT), jnp.float32),
            pltpu.SemaphoreType.DMA,
            pltpu.SemaphoreType.DMA,
            pltpu.SemaphoreType.DMA,
            pltpu.SemaphoreType.DMA,
            pltpu.SemaphoreType.DMA,
            pltpu.SemaphoreType.DMA,
            pltpu.SemaphoreType.DMA,
        ],
    )
    ys.append(f(idxa, idxp, idxs, ext, ta, tp, ts))
  z = None
  for h in range(NH):
    z = _tc_transpose_half(ys[h], z, h)
  return z


def kernel(obs, action_embeddings, parent_embeddings, sibling_embeddings):
  idxa = obs[:, 0, :].astype(jnp.int32)
  idxp = obs[:, 1, :].astype(jnp.int32)
  idxs = obs[:, 2, :].astype(jnp.int32)
  ext = obs[:, 3:, :].reshape(B * N_EXT * T)
  out_p = _run(idxa, idxp, idxs, ext, action_embeddings, parent_embeddings,
               sibling_embeddings)
  return jnp.transpose(out_p, (2, 0, 1))[:, :, :OUT]

# --- scband reference (transcript-rebuilt; emitter-appended) ---
"""Pipeline reference for scband-hierarchical-state-manager-25374666785581 (READ-ONLY COPY).

The authoritative reference and input builder live on the scoring server;
editing this copy changes nothing except your own understanding.
"""

import jax, jax.numpy as jnp
import numpy as np

B = 4096
T = 50
N_EXTRA = 4
N_ACTION = 1001
N_PARENT = 1001
N_SIBLING = 1001
EMB = 128


def setup_inputs(seed: int = 0) -> dict:
    key = jax.random.key(seed)
    k_idx, k_dang, k_extra, k_a, k_p, k_s = jax.random.split(key, 6)
    # obs layout along dim 1: [action, parent, sibling, dangling, extra_0..extra_3]
    idx = jax.random.randint(k_idx, (B, 3, T), 0, 1000).astype(jnp.float32)
    dangling = jax.random.randint(k_dang, (B, 1, T), 0, 64).astype(jnp.float32)
    extra = jax.random.normal(k_extra, (B, N_EXTRA, T), dtype=jnp.float32)
    obs = jnp.concatenate([idx, dangling, extra], axis=1)
    action_embeddings = jax.random.uniform(k_a, (N_ACTION, EMB), dtype=jnp.float32, minval=-1.0, maxval=1.0)
    parent_embeddings = jax.random.uniform(k_p, (N_PARENT, EMB), dtype=jnp.float32, minval=-1.0, maxval=1.0)
    sibling_embeddings = jax.random.uniform(k_s, (N_SIBLING, EMB), dtype=jnp.float32, minval=-1.0, maxval=1.0)
    return {
        "obs": obs,
        "action_embeddings": action_embeddings,
        "parent_embeddings": parent_embeddings,
        "sibling_embeddings": sibling_embeddings,
    }


def reference(obs, action_embeddings, parent_embeddings, sibling_embeddings):
    # sequence mode: obs is [B, n_obs_channels, T]
    action = obs[:, 0, :].astype(jnp.int32)
    parent = obs[:, 1, :].astype(jnp.int32)
    sibling = obs[:, 2, :].astype(jnp.int32)
    dangling = obs[:, 3, :]
    extra_obs = obs[:, 4:, :]

    observations = []
    # observe_action with embedding
    observations.append(jnp.take(action_embeddings, action, axis=0).astype(jnp.float32))
    # observe_parent with embedding
    observations.append(jnp.take(parent_embeddings, parent, axis=0).astype(jnp.float32))
    # observe_sibling with embedding
    observations.append(jnp.take(sibling_embeddings, sibling, axis=0).astype(jnp.float32))
    # observe_dangling
    observations.append(dangling[..., None].astype(jnp.float32))

    input_ = jnp.concatenate(observations, axis=-1)

    # extra_obs handling (sequence mode): stack extra_obs[:, i, :] along last dim
    # which is equivalent to transposing [B, n_extra, T] -> [B, T, n_extra]
    extra_stack = jnp.transpose(extra_obs, (0, 2, 1)).astype(jnp.float32)
    input_ = jnp.concatenate([input_, extra_stack], axis=-1)
    return input_

if __name__ == "__main__":
    import jax
    _d = setup_inputs()
    print(jax.jit(kernel)(*tuple(_d.values())))

</pallas_src>

<mosaic_0001>
#map = affine_map<(d0, d1) -> (0, 0)>
#map1 = affine_map<(d0, d1) -> (0)>
#map2 = affine_map<(d0, d1) -> (0, 0, 0)>
module attributes {stable_mosaic.version = 14 : i64} {
  func.func @_sc_kernel_body(%arg0: i32, %arg1: i32, %arg2: memref<4096x50xi32, #tpu.memory_space<hbm>>, %arg3: memref<4096x50xi32, #tpu.memory_space<hbm>>, %arg4: memref<4096x50xi32, #tpu.memory_space<hbm>>, %arg5: memref<1024000xf32, #tpu.memory_space<hbm>>, %arg6: memref<1001x128xf32, #tpu.memory_space<hbm>>, %arg7: memref<1001x128xf32, #tpu.memory_space<hbm>>, %arg8: memref<1001x128xf32, #tpu.memory_space<hbm>>, %arg9: memref<2048x50x389xf32, #tpu.memory_space<hbm>>, %arg10: memref<64x50xi32, #tpu.memory_space<vmem>>, %arg11: memref<64x50xi32, #tpu.memory_space<vmem>>, %arg12: memref<64x50xi32, #tpu.memory_space<vmem>>, %arg13: memref<2x50x128xf32, #tpu.memory_space<vmem>>, %arg14: memref<2x50x128xf32, #tpu.memory_space<vmem>>, %arg15: memref<2x50x128xf32, #tpu.memory_space<vmem>>, %arg16: memref<1000xf32, #tpu.memory_space<vmem>>, %arg17: memref<100x5xf32, #tpu.memory_space<vmem>>, %arg18: memref<!tpu.dma_semaphore, #tpu.memory_space<semaphore_mem>>, %arg19: memref<!tpu.dma_semaphore, #tpu.memory_space<semaphore_mem>>, %arg20: memref<!tpu.dma_semaphore, #tpu.memory_space<semaphore_mem>>, %arg21: memref<!tpu.dma_semaphore, #tpu.memory_space<semaphore_mem>>, %arg22: memref<!tpu.dma_semaphore, #tpu.memory_space<semaphore_mem>>, %arg23: memref<!tpu.dma_semaphore, #tpu.memory_space<semaphore_mem>>, %arg24: memref<!tpu.dma_semaphore, #tpu.memory_space<semaphore_mem>>) attributes {dimension_semantics = [#tpu.dimension_semantics<core_parallel>, #tpu.dimension_semantics<subcore_parallel>], iteration_bounds = array<i64: 2, 16>, scalar_prefetch = 0 : i64, scratch_operands = 15 : i64, tpu.core_type = #tpu.core_type<sc_vector_subcore>, window_params = [{transform_indices = #map}, {transform_indices = #map}, {transform_indices = #map}, {transform_indices = #map1}, {transform_indices = #map}, {transform_indices = #map}, {transform_indices = #map}, {transform_indices = #map2}]} {
    %mul3A = arith.constant 2 : i32
    %mul3A_0 = arith.muli %arg1, %mul3A : i32
    %add3A = arith.addi %mul3A_0, %arg0 : i32
    %mul3A_1 = arith.constant 64 : i32
    %mul3A_2 = arith.muli %add3A, %mul3A_1 : i32
    %iota3A = tpu.iota {dimensions = array<i32: 0>} : vector<16xi32>
    %add3A_3 = arith.constant 0 : i32
    %add3A_4 = arith.addi %add3A_3, %mul3A_2 : i32
    "tpu.region"() ({
      %run_scoped3A = tpu.sem_alloc : memref<!tpu.dma_semaphore, #tpu.memory_space<semaphore_mem>>
      %dma_start3A = arith.constant 0 : i32
      %dma_start3A_59 = tpu.memref_slice %arg2[%add3A_4, %dma_start3A] : memref<4096x50xi32, #tpu.memory_space<hbm>> -> memref<64x50xi32, #tpu.memory_space<hbm>>
      %dma_start3A_60 = arith.constant 0 : i32
      %dma_start3A_61 = tpu.memref_slice %arg2[%add3A_4, %dma_start3A_60] : memref<4096x50xi32, #tpu.memory_space<hbm>> -> memref<64x50xi32, #tpu.memory_space<hbm>>
      tpu.enqueue_dma source(%dma_start3A_61 : memref<64x50xi32, #tpu.memory_space<hbm>>) target(%arg10 : memref<64x50xi32, #tpu.memory_space<vmem>>) target_semaphore(%run_scoped3A : memref<!tpu.dma_semaphore, #tpu.memory_space<semaphore_mem>>)
      %dma_wait3A_62 = arith.constant 0 : i32
      %dma_wait3A_63 = tpu.memref_slice %arg2[%add3A_4, %dma_wait3A_62] : memref<4096x50xi32, #tpu.memory_space<hbm>> -> memref<64x50xi32, #tpu.memory_space<hbm>>
      %dma_wait3A_64 = arith.constant 0 : i32
      %dma_wait3A_65 = tpu.memref_slice %arg2[%add3A_4, %dma_wait3A_64] : memref<4096x50xi32, #tpu.memory_space<hbm>> -> memref<64x50xi32, #tpu.memory_space<hbm>>
      tpu.wait_dma2 semaphore(%run_scoped3A : memref<!tpu.dma_semaphore, #tpu.memory_space<semaphore_mem>>) src(%dma_wait3A_65 : memref<64x50xi32, #tpu.memory_space<hbm>>) dst(%arg10 : memref<64x50xi32, #tpu.memory_space<vmem>>)
      tpu.yield
    }) : () -> ()
    "tpu.region"() ({
      %run_scoped3A = tpu.sem_alloc : memref<!tpu.dma_semaphore, #tpu.memory_space<semaphore_mem>>
      %dma_start3A = arith.constant 0 : i32
      %dma_start3A_59 = tpu.memref_slice %arg3[%add3A_4, %dma_start3A] : memref<4096x50xi32, #tpu.memory_space<hbm>> -> memref<64x50xi32, #tpu.memory_space<hbm>>
      %dma_start3A_60 = arith.constant 0 : i32
      %dma_start3A_61 = tpu.memref_slice %arg3[%add3A_4, %dma_start3A_60] : memref<4096x50xi32, #tpu.memory_space<hbm>> -> memref<64x50xi32, #tpu.memory_space<hbm>>
      tpu.enqueue_dma source(%dma_start3A_61 : memref<64x50xi32, #tpu.memory_space<hbm>>) target(%arg11 : memref<64x50xi32, #tpu.memory_space<vmem>>) target_semaphore(%run_scoped3A : memref<!tpu.dma_semaphore, #tpu.memory_space<semaphore_mem>>)
      %dma_wait3A_62 = arith.constant 0 : i32
      %dma_wait3A_63 = tpu.memref_slice %arg3[%add3A_4, %dma_wait3A_62] : memref<4096x50xi32, #tpu.memory_space<hbm>> -> memref<64x50xi32, #tpu.memory_space<hbm>>
      %dma_wait3A_64 = arith.constant 0 : i32
      %dma_wait3A_65 = tpu.memref_slice %arg3[%add3A_4, %dma_wait3A_64] : memref<4096x50xi32, #tpu.memory_space<hbm>> -> memref<64x50xi32, #tpu.memory_space<hbm>>
      tpu.wait_dma2 semaphore(%run_scoped3A : memref<!tpu.dma_semaphore, #tpu.memory_space<semaphore_mem>>) src(%dma_wait3A_65 : memref<64x50xi32, #tpu.memory_space<hbm>>) dst(%arg11 : memref<64x50xi32, #tpu.memory_space<vmem>>)
      tpu.yield
    }) : () -> ()
    "tpu.region"() ({
      %run_scoped3A = tpu.sem_alloc : memref<!tpu.dma_semaphore, #tpu.memory_space<semaphore_mem>>
      %dma_start3A = arith.constant 0 : i32
      %dma_start3A_59 = tpu.memref_slice %arg4[%add3A_4, %dma_start3A] : memref<4096x50xi32, #tpu.memory_space<hbm>> -> memref<64x50xi32, #tpu.memory_space<hbm>>
      %dma_start3A_60 = arith.constant 0 : i32
      %dma_start3A_61 = tpu.memref_slice %arg4[%add3A_4, %dma_start3A_60] : memref<4096x50xi32, #tpu.memory_space<hbm>> -> memref<64x50xi32, #tpu.memory_space<hbm>>
      tpu.enqueue_dma source(%dma_start3A_61 : memref<64x50xi32, #tpu.memory_space<hbm>>) target(%arg12 : memref<64x50xi32, #tpu.memory_space<vmem>>) target_semaphore(%run_scoped3A : memref<!tpu.dma_semaphore, #tpu.memory_space<semaphore_mem>>)
      %dma_wait3A_62 = arith.constant 0 : i32
      %dma_wait3A_63 = tpu.memref_slice %arg4[%add3A_4, %dma_wait3A_62] : memref<4096x50xi32, #tpu.memory_space<hbm>> -> memref<64x50xi32, #tpu.memory_space<hbm>>
      %dma_wait3A_64 = arith.constant 0 : i32
      %dma_wait3A_65 = tpu.memref_slice %arg4[%add3A_4, %dma_wait3A_64] : memref<4096x50xi32, #tpu.memory_space<hbm>> -> memref<64x50xi32, #tpu.memory_space<hbm>>
      tpu.wait_dma2 semaphore(%run_scoped3A : memref<!tpu.dma_semaphore, #tpu.memory_space<semaphore_mem>>) src(%dma_wait3A_65 : memref<64x50xi32, #tpu.memory_space<hbm>>) dst(%arg12 : memref<64x50xi32, #tpu.memory_space<vmem>>)
      tpu.yield
    }) : () -> ()
    %scan3A = arith.constant 0 : i32
    %scan3A_5 = arith.constant 0 : i32
    %scan3A_6 = arith.constant 32 : i32
    %scan3A_7 = arith.addi %scan3A_5, %scan3A_6 : i32
    %scan3A_8 = arith.constant 1 : i32
    scf.for %scan3A_59 = %scan3A_5 to %scan3A_7 step %scan3A_8  : i32 {
      %mul3A_60 = arith.constant 2 : i32
      %mul3A_61 = arith.muli %scan3A_59, %mul3A_60 : i32
      %add3A_62 = arith.addi %mul3A_2, %mul3A_61 : i32
      %gt3A = arith.constant 0 : i32
      %gt3A_63 = arith.cmpi sgt, %scan3A_59, %gt3A : i32
      %convert_element_type3A = arith.extui %gt3A_63 : i1 to i32
      %cond3A = arith.constant 0 : i32
      %cond3A_64 = arith.cmpi ne, %convert_element_type3A, %cond3A : i32
      scf.if %cond3A_64 {
        %dma_wait3A_690 = arith.constant 0 : i32
        %dma_wait3A_691 = arith.constant 0 : i32
        %dma_wait3A_692 = tpu.memref_slice %arg9[%mul3A_2, %dma_wait3A_690, %dma_wait3A_691] : memref<2048x50x389xf32, #tpu.memory_space<hbm>> -> memref<2x50x128xf32, #tpu.memory_space<hbm>>
        %dma_wait3A_693 = arith.constant 0 : i32
        %dma_wait3A_694 = arith.constant 0 : i32
        %dma_wait3A_695 = tpu.memref_slice %arg9[%mul3A_2, %dma_wait3A_693, %dma_wait3A_694] : memref<2048x50x389xf32, #tpu.memory_space<hbm>> -> memref<2x50x128xf32, #tpu.memory_space<hbm>>
        tpu.wait_dma2 semaphore(%arg21 : memref<!tpu.dma_semaphore, #tpu.memory_space<semaphore_mem>>) src(%arg13 : memref<2x50x128xf32, #tpu.memory_space<vmem>>) dst(%dma_wait3A_695 : memref<2x50x128xf32, #tpu.memory_space<hbm>>)
      } else {
      }
      %mul3A_65 = arith.constant 2 : i32
      %mul3A_66 = arith.muli %scan3A_59, %mul3A_65 : i32
      %add3A_67 = arith.constant 0 : i32
      %add3A_68 = arith.addi %mul3A_66, %add3A_67 : i32
      %dma_start3A = arith.constant 0 : i32
      %dma_start3A_69 = arith.constant 0 : i32
      %dma_start3A_70 = arith.constant 0 : i32
      %dma_start3A_71 = tpu.memref_slice %arg13[%dma_start3A, %dma_start3A_69, %dma_start3A_70] : memref<2x50x128xf32, #tpu.memory_space<vmem>> -> memref<1x50x128xf32, #tpu.memory_space<vmem>>
      %dma_start3A_72 = tpu.memref_squeeze %dma_start3A_71 : memref<1x50x128xf32, #tpu.memory_space<vmem>> -> memref<50x128xf32, #tpu.memory_space<vmem>>
      %dma_start3A_73 = arith.constant 0 : i32
      %dma_start3A_74 = tpu.memref_slice %arg10[%add3A_68, %dma_start3A_73] : memref<64x50xi32, #tpu.memory_space<vmem>> -> memref<1x50xi32, #tpu.memory_space<vmem>>
      %dma_start3A_75 = tpu.memref_squeeze %dma_start3A_74 : memref<1x50xi32, #tpu.memory_space<vmem>> -> memref<50xi32, #tpu.memory_space<vmem>>
      %dma_start3A_76 = arith.constant 0 : i32
      %dma_start3A_77 = arith.constant 0 : i32
      %dma_start3A_78 = tpu.memref_slice %arg6[%dma_start3A_76, %dma_start3A_77] : memref<1001x128xf32, #tpu.memory_space<hbm>> -> memref<1001x128xf32, #tpu.memory_space<hbm>>
      tpu.enqueue_indirect_dma source(%dma_start3A_78 : memref<1001x128xf32, #tpu.memory_space<hbm>>) target(%dma_start3A_72 : memref<50x128xf32, #tpu.memory_space<vmem>>) offsets(%dma_start3A_75 : memref<50xi32, #tpu.memory_space<vmem>>) semaphore(%arg18 : memref<!tpu.dma_semaphore, #tpu.memory_space<semaphore_mem>>)
      %mul3A_79 = arith.constant 2 : i32
      %mul3A_80 = arith.muli %scan3A_59, %mul3A_79 : i32
      %add3A_81 = arith.constant 1 : i32
      %add3A_82 = arith.addi %mul3A_80, %add3A_81 : i32
      %dma_start3A_83 = arith.constant 1 : i32
      %dma_start3A_84 = arith.constant 0 : i32
      %dma_start3A_85 = arith.constant 0 : i32
      %dma_start3A_86 = tpu.memref_slice %arg13[%dma_start3A_83, %dma_start3A_84, %dma_start3A_85] : memref<2x50x128xf32, #tpu.memory_space<vmem>> -> memref<1x50x128xf32, #tpu.memory_space<vmem>>
      %dma_start3A_87 = tpu.memref_squeeze %dma_start3A_86 : memref<1x50x128xf32, #tpu.memory_space<vmem>> -> memref<50x128xf32, #tpu.memory_space<vmem>>
      %dma_start3A_88 = arith.constant 0 : i32
      %dma_start3A_89 = tpu.memref_slice %arg10[%add3A_82, %dma_start3A_88] : memref<64x50xi32, #tpu.memory_space<vmem>> -> memref<1x50xi32, #tpu.memory_space<vmem>>
      %dma_start3A_90 = tpu.memref_squeeze %dma_start3A_89 : memref<1x50xi32, #tpu.memory_space<vmem>> -> memref<50xi32, #tpu.memory_space<vmem>>
      %dma_start3A_91 = arith.constant 0 : i32
      %dma_start3A_92 = arith.constant 0 : i32
      %dma_start3A_93 = tpu.memref_slice %arg6[%dma_start3A_91, %dma_start3A_92] : memref<1001x128xf32, #tpu.memory_space<hbm>> -> memref<1001x128xf32, #tpu.memory_space<hbm>>
      tpu.enqueue_indirect_dma source(%dma_start3A_93 : memref<1001x128xf32, #tpu.memory_space<hbm>>) target(%dma_start3A_87 : memref<50x128xf32, #tpu.memory_space<vmem>>) offsets(%dma_start3A_90 : memref<50xi32, #tpu.memory_space<vmem>>) semaphore(%arg18 : memref<!tpu.dma_semaphore, #tpu.memory_space<semaphore_mem>>)
      %gt3A_94 = arith.constant 0 : i32
      %gt3A_95 = arith.cmpi sgt, %scan3A_59, %gt3A_94 : i32
      %convert_element_type3A_96 = arith.extui %gt3A_95 : i1 to i32
      %cond3A_97 = arith.constant 0 : i32
      %cond3A_98 = arith.cmpi ne, %convert_element_type3A_96, %cond3A_97 : i32
      scf.if %cond3A_98 {
        %dma_wait3A_690 = arith.constant 0 : i32
        %dma_wait3A_691 = arith.constant 128 : i32
        %dma_wait3A_692 = tpu.memref_slice %arg9[%mul3A_2, %dma_wait3A_690, %dma_wait3A_691] : memref<2048x50x389xf32, #tpu.memory_space<hbm>> -> memref<2x50x128xf32, #tpu.memory_space<hbm>>
        %dma_wait3A_693 = arith.constant 0 : i32
        %dma_wait3A_694 = arith.constant 128 : i32
        %dma_wait3A_695 = tpu.memref_slice %arg9[%mul3A_2, %dma_wait3A_693, %dma_wait3A_694] : memref<2048x50x389xf32, #tpu.memory_space<hbm>> -> memref<2x50x128xf32, #tpu.memory_space<hbm>>
        tpu.wait_dma2 semaphore(%arg22 : memref<!tpu.dma_semaphore, #tpu.memory_space<semaphore_mem>>) src(%arg14 : memref<2x50x128xf32, #tpu.memory_space<vmem>>) dst(%dma_wait3A_695 : memref<2x50x128xf32, #tpu.memory_space<hbm>>)
      } else {
      }
      %mul3A_99 = arith.constant 2 : i32
      %mul3A_100 = arith.muli %scan3A_59, %mul3A_99 : i32
      %add3A_101 = arith.constant 0 : i32
      %add3A_102 = arith.addi %mul3A_100, %add3A_101 : i32
      %dma_start3A_103 = arith.constant 0 : i32
      %dma_start3A_104 = arith.constant 0 : i32
      %dma_start3A_105 = arith.constant 0 : i32
      %dma_start3A_106 = tpu.memref_slice %arg14[%dma_start3A_103, %dma_start3A_104, %dma_start3A_105] : memref<2x50x128xf32, #tpu.memory_space<vmem>> -> memref<1x50x128xf32, #tpu.memory_space<vmem>>
      %dma_start3A_107 = tpu.memref_squeeze %dma_start3A_106 : memref<1x50x128xf32, #tpu.memory_space<vmem>> -> memref<50x128xf32, #tpu.memory_space<vmem>>
      %dma_start3A_108 = arith.constant 0 : i32
      %dma_start3A_109 = tpu.memref_slice %arg11[%add3A_102, %dma_start3A_108] : memref<64x50xi32, #tpu.memory_space<vmem>> -> memref<1x50xi32, #tpu.memory_space<vmem>>
      %dma_start3A_110 = tpu.memref_squeeze %dma_start3A_109 : memref<1x50xi32, #tpu.memory_space<vmem>> -> memref<50xi32, #tpu.memory_space<vmem>>
      %dma_start3A_111 = arith.constant 0 : i32
      %dma_start3A_112 = arith.constant 0 : i32
      %dma_start3A_113 = tpu.memref_slice %arg7[%dma_start3A_111, %dma_start3A_112] : memref<1001x128xf32, #tpu.memory_space<hbm>> -> memref<1001x128xf32, #tpu.memory_space<hbm>>
      tpu.enqueue_indirect_dma source(%dma_start3A_113 : memref<1001x128xf32, #tpu.memory_space<hbm>>) target(%dma_start3A_107 : memref<50x128xf32, #tpu.memory_space<vmem>>) offsets(%dma_start3A_110 : memref<50xi32, #tpu.memory_space<vmem>>) semaphore(%arg19 : memref<!tpu.dma_semaphore, #tpu.memory_space<semaphore_mem>>)
      %mul3A_114 = arith.constant 2 : i32
      %mul3A_115 = arith.muli %scan3A_59, %mul3A_114 : i32
      %add3A_116 = arith.constant 1 : i32
      %add3A_117 = arith.addi %mul3A_115, %add3A_116 : i32
      %dma_start3A_118 = arith.constant 1 : i32
      %dma_start3A_119 = arith.constant 0 : i32
      %dma_start3A_120 = arith.constant 0 : i32
      %dma_start3A_121 = tpu.memref_slice %arg14[%dma_start3A_118, %dma_start3A_119, %dma_start3A_120] : memref<2x50x128xf32, #tpu.memory_space<vmem>> -> memref<1x50x128xf32, #tpu.memory_space<vmem>>
      %dma_start3A_122 = tpu.memref_squeeze %dma_start3A_121 : memref<1x50x128xf32, #tpu.memory_space<vmem>> -> memref<50x128xf32, #tpu.memory_space<vmem>>
      %dma_start3A_123 = arith.constant 0 : i32
      %dma_start3A_124 = tpu.memref_slice %arg11[%add3A_117, %dma_start3A_123] : memref<64x50xi32, #tpu.memory_space<vmem>> -> memref<1x50xi32, #tpu.memory_space<vmem>>
      %dma_start3A_125 = tpu.memref_squeeze %dma_start3A_124 : memref<1x50xi32, #tpu.memory_space<vmem>> -> memref<50xi32, #tpu.memory_space<vmem>>
      %dma_start3A_126 = arith.constant 0 : i32
      %dma_start3A_127 = arith.constant 0 : i32
      %dma_start3A_128 = tpu.memref_slice %arg7[%dma_start3A_126, %dma_start3A_127] : memref<1001x128xf32, #tpu.memory_space<hbm>> -> memref<1001x128xf32, #tpu.memory_space<hbm>>
      tpu.enqueue_indirect_dma source(%dma_start3A_128 : memref<1001x128xf32, #tpu.memory_space<hbm>>) target(%dma_start3A_122 : memref<50x128xf32, #tpu.memory_space<vmem>>) offsets(%dma_start3A_125 : memref<50xi32, #tpu.memory_space<vmem>>) semaphore(%arg19 : memref<!tpu.dma_semaphore, #tpu.memory_space<semaphore_mem>>)
      %gt3A_129 = arith.constant 0 : i32
      %gt3A_130 = arith.cmpi sgt, %scan3A_59, %gt3A_129 : i32
      %convert_element_type3A_131 = arith.extui %gt3A_130 : i1 to i32
      %cond3A_132 = arith.constant 0 : i32
      %cond3A_133 = arith.cmpi ne, %convert_element_type3A_131, %cond3A_132 : i32
      scf.if %cond3A_133 {
        %dma_wait3A_690 = arith.constant 0 : i32
        %dma_wait3A_691 = arith.constant 256 : i32
        %dma_wait3A_692 = tpu.memref_slice %arg9[%mul3A_2, %dma_wait3A_690, %dma_wait3A_691] : memref<2048x50x389xf32, #tpu.memory_space<hbm>> -> memref<2x50x128xf32, #tpu.memory_space<hbm>>
        %dma_wait3A_693 = arith.constant 0 : i32
        %dma_wait3A_694 = arith.constant 256 : i32
        %dma_wait3A_695 = tpu.memref_slice %arg9[%mul3A_2, %dma_wait3A_693, %dma_wait3A_694] : memref<2048x50x389xf32, #tpu.memory_space<hbm>> -> memref<2x50x128xf32, #tpu.memory_space<hbm>>
        tpu.wait_dma2 semaphore(%arg23 : memref<!tpu.dma_semaphore, #tpu.memory_space<semaphore_mem>>) src(%arg15 : memref<2x50x128xf32, #tpu.memory_space<vmem>>) dst(%dma_wait3A_695 : memref<2x50x128xf32, #tpu.memory_space<hbm>>)
      } else {
      }
      %mul3A_134 = arith.constant 2 : i32
      %mul3A_135 = arith.muli %scan3A_59, %mul3A_134 : i32
      %add3A_136 = arith.constant 0 : i32
      %add3A_137 = arith.addi %mul3A_135, %add3A_136 : i32
      %dma_start3A_138 = arith.constant 0 : i32
      %dma_start3A_139 = arith.constant 0 : i32
      %dma_start3A_140 = arith.constant 0 : i32
      %dma_start3A_141 = tpu.memref_slice %arg15[%dma_start3A_138, %dma_start3A_139, %dma_start3A_140] : memref<2x50x128xf32, #tpu.memory_space<vmem>> -> memref<1x50x128xf32, #tpu.memory_space<vmem>>
      %dma_start3A_142 = tpu.memref_squeeze %dma_start3A_141 : memref<1x50x128xf32, #tpu.memory_space<vmem>> -> memref<50x128xf32, #tpu.memory_space<vmem>>
      %dma_start3A_143 = arith.constant 0 : i32
      %dma_start3A_144 = tpu.memref_slice %arg12[%add3A_137, %dma_start3A_143] : memref<64x50xi32, #tpu.memory_space<vmem>> -> memref<1x50xi32, #tpu.memory_space<vmem>>
      %dma_start3A_145 = tpu.memref_squeeze %dma_start3A_144 : memref<1x50xi32, #tpu.memory_space<vmem>> -> memref<50xi32, #tpu.memory_space<vmem>>
      %dma_start3A_146 = arith.constant 0 : i32
      %dma_start3A_147 = arith.constant 0 : i32
      %dma_start3A_148 = tpu.memref_slice %arg8[%dma_start3A_146, %dma_start3A_147] : memref<1001x128xf32, #tpu.memory_space<hbm>> -> memref<1001x128xf32, #tpu.memory_space<hbm>>
      tpu.enqueue_indirect_dma source(%dma_start3A_148 : memref<1001x128xf32, #tpu.memory_space<hbm>>) target(%dma_start3A_142 : memref<50x128xf32, #tpu.memory_space<vmem>>) offsets(%dma_start3A_145 : memref<50xi32, #tpu.memory_space<vmem>>) semaphore(%arg20 : memref<!tpu.dma_semaphore, #tpu.memory_space<semaphore_mem>>)
      %mul3A_149 = arith.constant 2 : i32
      %mul3A_150 = arith.muli %scan3A_59, %mul3A_149 : i32
      %add3A_151 = arith.constant 1 : i32
      %add3A_152 = arith.addi %mul3A_150, %add3A_151 : i32
      %dma_start3A_153 = arith.constant 1 : i32
      %dma_start3A_154 = arith.constant 0 : i32
      %dma_start3A_155 = arith.constant 0 : i32
      %dma_start3A_156 = tpu.memref_slice %arg15[%dma_start3A_153, %dma_start3A_154, %dma_start3A_155] : memref<2x50x128xf32, #tpu.memory_space<vmem>> -> memref<1x50x128xf32, #tpu.memory_space<vmem>>
      %dma_start3A_157 = tpu.memref_squeeze %dma_start3A_156 : memref<1x50x128xf32, #tpu.memory_space<vmem>> -> memref<50x128xf32, #tpu.memory_space<vmem>>
      %dma_start3A_158 = arith.constant 0 : i32
      %dma_start3A_159 = tpu.memref_slice %arg12[%add3A_152, %dma_start3A_158] : memref<64x50xi32, #tpu.memory_space<vmem>> -> memref<1x50xi32, #tpu.memory_space<vmem>>
      %dma_start3A_160 = tpu.memref_squeeze %dma_start3A_159 : memref<1x50xi32, #tpu.memory_space<vmem>> -> memref<50xi32, #tpu.memory_space<vmem>>
      %dma_start3A_161 = arith.constant 0 : i32
      %dma_start3A_162 = arith.constant 0 : i32
      %dma_start3A_163 = tpu.memref_slice %arg8[%dma_start3A_161, %dma_start3A_162] : memref<1001x128xf32, #tpu.memory_space<hbm>> -> memref<1001x128xf32, #tpu.memory_space<hbm>>
      tpu.enqueue_indirect_dma source(%dma_start3A_163 : memref<1001x128xf32, #tpu.memory_space<hbm>>) target(%dma_start3A_157 : memref<50x128xf32, #tpu.memory_space<vmem>>) offsets(%dma_start3A_160 : memref<50xi32, #tpu.memory_space<vmem>>) semaphore(%arg20 : memref<!tpu.dma_semaphore, #tpu.memory_space<semaphore_mem>>)
      %gt3A_164 = arith.constant 0 : i32
      %gt3A_165 = arith.cmpi sgt, %scan3A_59, %gt3A_164 : i32
      %convert_element_type3A_166 = arith.extui %gt3A_165 : i1 to i32
      %cond3A_167 = arith.constant 0 : i32
      %cond3A_168 = arith.cmpi ne, %convert_element_type3A_166, %cond3A_167 : i32
      scf.if %cond3A_168 {
        %add3A_690 = arith.constant 0 : i32
        %add3A_691 = arith.addi %mul3A_2, %add3A_690 : i32
        %dma_wait3A_692 = arith.constant 0 : i32
        %dma_wait3A_693 = arith.constant 0 : i32
        %dma_wait3A_694 = tpu.memref_slice %arg17[%dma_wait3A_692, %dma_wait3A_693] : memref<100x5xf32, #tpu.memory_space<vmem>> -> memref<50x5xf32, #tpu.memory_space<vmem>>
        %dma_wait3A_695 = arith.constant 0 : i32
        %dma_wait3A_696 = arith.constant 384 : i32
        %dma_wait3A_697 = tpu.memref_slice %arg9[%add3A_691, %dma_wait3A_695, %dma_wait3A_696] : memref<2048x50x389xf32, #tpu.memory_space<hbm>> -> memref<1x50x5xf32, #tpu.memory_space<hbm>>
        %dma_wait3A_698 = tpu.memref_squeeze %dma_wait3A_697 : memref<1x50x5xf32, #tpu.memory_space<hbm>> -> memref<50x5xf32, #tpu.memory_space<hbm>>
        %dma_wait3A_699 = arith.constant 0 : i32
        %dma_wait3A_700 = arith.constant 384 : i32
        %dma_wait3A_701 = tpu.memref_slice %arg9[%add3A_691, %dma_wait3A_699, %dma_wait3A_700] : memref<2048x50x389xf32, #tpu.memory_space<hbm>> -> memref<1x50x5xf32, #tpu.memory_space<hbm>>
        %dma_wait3A_702 = tpu.memref_squeeze %dma_wait3A_701 : memref<1x50x5xf32, #tpu.memory_space<hbm>> -> memref<50x5xf32, #tpu.memory_space<hbm>>
        %dma_wait3A_703 = arith.constant 0 : i32
        %dma_wait3A_704 = arith.constant 0 : i32
        %dma_wait3A_705 = tpu.memref_slice %arg17[%dma_wait3A_703, %dma_wait3A_704] : memref<100x5xf32, #tpu.memory_space<vmem>> -> memref<50x5xf32, #tpu.memory_space<vmem>>
        tpu.wait_dma2 semaphore(%arg24 : memref<!tpu.dma_semaphore, #tpu.memory_space<semaphore_mem>>) src(%dma_wait3A_705 : memref<50x5xf32, #tpu.memory_space<vmem>>) dst(%dma_wait3A_702 : memref<50x5xf32, #tpu.memory_space<hbm>>)
        %add3A_706 = arith.constant 1 : i32
        %add3A_707 = arith.addi %mul3A_2, %add3A_706 : i32
        %dma_wait3A_708 = arith.constant 50 : i32
        %dma_wait3A_709 = arith.constant 0 : i32
        %dma_wait3A_710 = tpu.memref_slice %arg17[%dma_wait3A_708, %dma_wait3A_709] : memref<100x5xf32, #tpu.memory_space<vmem>> -> memref<50x5xf32, #tpu.memory_space<vmem>>
        %dma_wait3A_711 = arith.constant 0 : i32
        %dma_wait3A_712 = arith.constant 384 : i32
        %dma_wait3A_713 = tpu.memref_slice %arg9[%add3A_707, %dma_wait3A_711, %dma_wait3A_712] : memref<2048x50x389xf32, #tpu.memory_space<hbm>> -> memref<1x50x5xf32, #tpu.memory_space<hbm>>
        %dma_wait3A_714 = tpu.memref_squeeze %dma_wait3A_713 : memref<1x50x5xf32, #tpu.memory_space<hbm>> -> memref<50x5xf32, #tpu.memory_space<hbm>>
        %dma_wait3A_715 = arith.constant 0 : i32
        %dma_wait3A_716 = arith.constant 384 : i32
        %dma_wait3A_717 = tpu.memref_slice %arg9[%add3A_707, %dma_wait3A_715, %dma_wait3A_716] : memref<2048x50x389xf32, #tpu.memory_space<hbm>> -> memref<1x50x5xf32, #tpu.memory_space<hbm>>
        %dma_wait3A_718 = tpu.memref_squeeze %dma_wait3A_717 : memref<1x50x5xf32, #tpu.memory_space<hbm>> -> memref<50x5xf32, #tpu.memory_space<hbm>>
        %dma_wait3A_719 = arith.constant 50 : i32
        %dma_wait3A_720 = arith.constant 0 : i32
        %dma_wait3A_721 = tpu.memref_slice %arg17[%dma_wait3A_719, %dma_wait3A_720] : memref<100x5xf32, #tpu.memory_space<vmem>> -> memref<50x5xf32, #tpu.memory_space<vmem>>
        tpu.wait_dma2 semaphore(%arg24 : memref<!tpu.dma_semaphore, #tpu.memory_space<semaphore_mem>>) src(%dma_wait3A_721 : memref<50x5xf32, #tpu.memory_space<vmem>>) dst(%dma_wait3A_718 : memref<50x5xf32, #tpu.memory_space<hbm>>)
      } else {
      }
      %rem3A = arith.constant 2 : i32
      %rem3A_169 = arith.remsi %scan3A_59, %rem3A : i32
      %eq3A = arith.constant 0 : i32
      %eq3A_170 = arith.cmpi eq, %rem3A_169, %eq3A : i32
      %convert_element_type3A_171 = arith.extui %eq3A_170 : i1 to i32
      %cond3A_172 = arith.constant 0 : i32
      %cond3A_173 = arith.cmpi ne, %convert_element_type3A_171, %cond3A_172 : i32
      scf.if %cond3A_173 {
        %add3A_690 = arith.constant 0 : i32
        %add3A_691 = arith.addi %add3A_690, %add3A_62 : i32
        %mul3A_692 = arith.constant 250 : i32
        %mul3A_693 = arith.muli %add3A_691, %mul3A_692 : i32
        %multiple_of3A = tpu.assume_multiple %mul3A_693, 1000 : i32
        "tpu.region"() ({
          %run_scoped3A = tpu.sem_alloc : memref<!tpu.dma_semaphore, #tpu.memory_space<semaphore_mem>>
          %dma_start3A_694 = tpu.memref_slice %arg5[%multiple_of3A] : memref<1024000xf32, #tpu.memory_space<hbm>> -> memref<1000xf32, #tpu.memory_space<hbm>>
          %dma_start3A_695 = tpu.memref_slice %arg5[%multiple_of3A] : memref<1024000xf32, #tpu.memory_space<hbm>> -> memref<1000xf32, #tpu.memory_space<hbm>>
          tpu.enqueue_dma source(%dma_start3A_695 : memref<1000xf32, #tpu.memory_space<hbm>>) target(%arg16 : memref<1000xf32, #tpu.memory_space<vmem>>) target_semaphore(%run_scoped3A : memref<!tpu.dma_semaphore, #tpu.memory_space<semaphore_mem>>)
          %dma_wait3A_696 = tpu.memref_slice %arg5[%multiple_of3A] : memref<1024000xf32, #tpu.memory_space<hbm>> -> memref<1000xf32, #tpu.memory_space<hbm>>
          %dma_wait3A_697 = tpu.memref_slice %arg5[%multiple_of3A] : memref<1024000xf32, #tpu.memory_space<hbm>> -> memref<1000xf32, #tpu.memory_space<hbm>>
          tpu.wait_dma2 semaphore(%run_scoped3A : memref<!tpu.dma_semaphore, #tpu.memory_space<semaphore_mem>>) src(%dma_wait3A_697 : memref<1000xf32, #tpu.memory_space<hbm>>) dst(%arg16 : memref<1000xf32, #tpu.memory_space<vmem>>)
          tpu.yield
        }) : () -> ()
      } else {
      }
      %mul3A_174 = arith.constant 500 : i32
      %mul3A_175 = arith.muli %rem3A_169, %mul3A_174 : i32
      %add3A_176 = arith.constant 0 : i32
      %add3A_177 = arith.addi %mul3A_175, %add3A_176 : i32
      %add3A_178 = vector.broadcast %add3A_177 : i32 to vector<16xi32>
      %add3A_179 = arith.addi %add3A_178, %iota3A : vector<16xi32>
      %gather3A = tpu.vector_load_idx %arg16[%add3A_179] : memref<1000xf32, #tpu.memory_space<vmem>>[vector<16xi32>], vector<16xf32>,
      %add3A_180 = arith.constant 0 : i32
      %add3A_181 = vector.broadcast %add3A_180 : i32 to vector<16xi32>
      %add3A_182 = arith.addi %add3A_181, %iota3A : vector<16xi32>
      %broadcast_in_dim3A = arith.constant 0 : i32
      %broadcast_in_dim3A_183 = vector.broadcast %broadcast_in_dim3A : i32 to vector<16xi32>
      tpu.vector_store_idx %arg17[%add3A_182, %broadcast_in_dim3A_183], %gather3A : memref<100x5xf32, #tpu.memory_space<vmem>>[vector<16xi32>, vector<16xi32>], vector<16xf32>,
      %add3A_184 = arith.constant 16 : i32
      %add3A_185 = arith.addi %mul3A_175, %add3A_184 : i32
      %add3A_186 = vector.broadcast %add3A_185 : i32 to vector<16xi32>
      %add3A_187 = arith.addi %add3A_186, %iota3A : vector<16xi32>
      %gather3A_188 = tpu.vector_load_idx %arg16[%add3A_187] : memref<1000xf32, #tpu.memory_space<vmem>>[vector<16xi32>], vector<16xf32>,
      %add3A_189 = arith.constant 16 : i32
      %add3A_190 = vector.broadcast %add3A_189 : i32 to vector<16xi32>
      %add3A_191 = arith.addi %add3A_190, %iota3A : vector<16xi32>
      %broadcast_in_dim3A_192 = arith.constant 0 : i32
      %broadcast_in_dim3A_193 = vector.broadcast %broadcast_in_dim3A_192 : i32 to vector<16xi32>
      tpu.vector_store_idx %arg17[%add3A_191, %broadcast_in_dim3A_193], %gather3A_188 : memref<100x5xf32, #tpu.memory_space<vmem>>[vector<16xi32>, vector<16xi32>], vector<16xf32>,
      %add3A_194 = arith.constant 32 : i32
      %add3A_195 = arith.addi %mul3A_175, %add3A_194 : i32
      %add3A_196 = vector.broadcast %add3A_195 : i32 to vector<16xi32>
      %add3A_197 = arith.addi %add3A_196, %iota3A : vector<16xi32>
      %gather3A_198 = tpu.vector_load_idx %arg16[%add3A_197] : memref<1000xf32, #tpu.memory_space<vmem>>[vector<16xi32>], vector<16xf32>,
      %add3A_199 = arith.constant 32 : i32
      %add3A_200 = vector.broadcast %add3A_199 : i32 to vector<16xi32>
      %add3A_201 = arith.addi %add3A_200, %iota3A : vector<16xi32>
      %broadcast_in_dim3A_202 = arith.constant 0 : i32
      %broadcast_in_dim3A_203 = vector.broadcast %broadcast_in_dim3A_202 : i32 to vector<16xi32>
      tpu.vector_store_idx %arg17[%add3A_201, %broadcast_in_dim3A_203], %gather3A_198 : memref<100x5xf32, #tpu.memory_space<vmem>>[vector<16xi32>, vector<16xi32>], vector<16xf32>,
      %add3A_204 = arith.constant 34 : i32
      %add3A_205 = arith.addi %mul3A_175, %add3A_204 : i32
      %add3A_206 = vector.broadcast %add3A_205 : i32 to vector<16xi32>
      %add3A_207 = arith.addi %add3A_206, %iota3A : vector<16xi32>
      %gather3A_208 = tpu.vector_load_idx %arg16[%add3A_207] : memref<1000xf32, #tpu.memory_space<vmem>>[vector<16xi32>], vector<16xf32>,
      %add3A_209 = arith.constant 34 : i32
      %add3A_210 = vector.broadcast %add3A_209 : i32 to vector<16xi32>
      %add3A_211 = arith.addi %add3A_210, %iota3A : vector<16xi32>
      %broadcast_in_dim3A_212 = arith.constant 0 : i32
      %broadcast_in_dim3A_213 = vector.broadcast %broadcast_in_dim3A_212 : i32 to vector<16xi32>
      tpu.vector_store_idx %arg17[%add3A_211, %broadcast_in_dim3A_213], %gather3A_208 : memref<100x5xf32, #tpu.memory_space<vmem>>[vector<16xi32>, vector<16xi32>], vector<16xf32>,
      %add3A_214 = arith.constant 50 : i32
      %add3A_215 = arith.addi %mul3A_175, %add3A_214 : i32
      %add3A_216 = vector.broadcast %add3A_215 : i32 to vector<16xi32>
      %add3A_217 = arith.addi %add3A_216, %iota3A : vector<16xi32>
      %gather3A_218 = tpu.vector_load_idx %arg16[%add3A_217] : memref<1000xf32, #tpu.memory_space<vmem>>[vector<16xi32>], vector<16xf32>,
      %add3A_219 = arith.constant 0 : i32
      %add3A_220 = vector.broadcast %add3A_219 : i32 to vector<16xi32>
      %add3A_221 = arith.addi %add3A_220, %iota3A : vector<16xi32>
      %broadcast_in_dim3A_222 = arith.constant 1 : i32
      %broadcast_in_dim3A_223 = vector.broadcast %broadcast_in_dim3A_222 : i32 to vector<16xi32>
      tpu.vector_store_idx %arg17[%add3A_221, %broadcast_in_dim3A_223], %gather3A_218 : memref<100x5xf32, #tpu.memory_space<vmem>>[vector<16xi32>, vector<16xi32>], vector<16xf32>,
      %add3A_224 = arith.constant 66 : i32
      %add3A_225 = arith.addi %mul3A_175, %add3A_224 : i32
      %add3A_226 = vector.broadcast %add3A_225 : i32 to vector<16xi32>
      %add3A_227 = arith.addi %add3A_226, %iota3A : vector<16xi32>
      %gather3A_228 = tpu.vector_load_idx %arg16[%add3A_227] : memref<1000xf32, #tpu.memory_space<vmem>>[vector<16xi32>], vector<16xf32>,
      %add3A_229 = arith.constant 16 : i32
      %add3A_230 = vector.broadcast %add3A_229 : i32 to vector<16xi32>
      %add3A_231 = arith.addi %add3A_230, %iota3A : vector<16xi32>
      %broadcast_in_dim3A_232 = arith.constant 1 : i32
      %broadcast_in_dim3A_233 = vector.broadcast %broadcast_in_dim3A_232 : i32 to vector<16xi32>
      tpu.vector_store_idx %arg17[%add3A_231, %broadcast_in_dim3A_233], %gather3A_228 : memref<100x5xf32, #tpu.memory_space<vmem>>[vector<16xi32>, vector<16xi32>], vector<16xf32>,
      %add3A_234 = arith.constant 82 : i32
      %add3A_235 = arith.addi %mul3A_175, %add3A_234 : i32
      %add3A_236 = vector.broadcast %add3A_235 : i32 to vector<16xi32>
      %add3A_237 = arith.addi %add3A_236, %iota3A : vector<16xi32>
      %gather3A_238 = tpu.vector_load_idx %arg16[%add3A_237] : memref<1000xf32, #tpu.memory_space<vmem>>[vector<16xi32>], vector<16xf32>,
      %add3A_239 = arith.constant 32 : i32
      %add3A_240 = vector.broadcast %add3A_239 : i32 to vector<16xi32>
      %add3A_241 = arith.addi %add3A_240, %iota3A : vector<16xi32>
      %broadcast_in_dim3A_242 = arith.constant 1 : i32
      %broadcast_in_dim3A_243 = vector.broadcast %broadcast_in_dim3A_242 : i32 to vector<16xi32>
      tpu.vector_store_idx %arg17[%add3A_241, %broadcast_in_dim3A_243], %gather3A_238 : memref<100x5xf32, #tpu.memory_space<vmem>>[vector<16xi32>, vector<16xi32>], vector<16xf32>,
      %add3A_244 = arith.constant 84 : i32
      %add3A_245 = arith.addi %mul3A_175, %add3A_244 : i32
      %add3A_246 = vector.broadcast %add3A_245 : i32 to vector<16xi32>
      %add3A_247 = arith.addi %add3A_246, %iota3A : vector<16xi32>
      %gather3A_248 = tpu.vector_load_idx %arg16[%add3A_247] : memref<1000xf32, #tpu.memory_space<vmem>>[vector<16xi32>], vector<16xf32>,
      %add3A_249 = arith.constant 34 : i32
      %add3A_250 = vector.broadcast %add3A_249 : i32 to vector<16xi32>
      %add3A_251 = arith.addi %add3A_250, %iota3A : vector<16xi32>
      %broadcast_in_dim3A_252 = arith.constant 1 : i32
      %broadcast_in_dim3A_253 = vector.broadcast %broadcast_in_dim3A_252 : i32 to vector<16xi32>
      tpu.vector_store_idx %arg17[%add3A_251, %broadcast_in_dim3A_253], %gather3A_248 : memref<100x5xf32, #tpu.memory_space<vmem>>[vector<16xi32>, vector<16xi32>], vector<16xf32>,
      %add3A_254 = arith.constant 100 : i32
      %add3A_255 = arith.addi %mul3A_175, %add3A_254 : i32
      %add3A_256 = vector.broadcast %add3A_255 : i32 to vector<16xi32>
      %add3A_257 = arith.addi %add3A_256, %iota3A : vector<16xi32>
      %gather3A_258 = tpu.vector_load_idx %arg16[%add3A_257] : memref<1000xf32, #tpu.memory_space<vmem>>[vector<16xi32>], vector<16xf32>,
      %add3A_259 = arith.constant 0 : i32
      %add3A_260 = vector.broadcast %add3A_259 : i32 to vector<16xi32>
      %add3A_261 = arith.addi %add3A_260, %iota3A : vector<16xi32>
      %broadcast_in_dim3A_262 = arith.constant 2 : i32
      %broadcast_in_dim3A_263 = vector.broadcast %broadcast_in_dim3A_262 : i32 to vector<16xi32>
      tpu.vector_store_idx %arg17[%add3A_261, %broadcast_in_dim3A_263], %gather3A_258 : memref<100x5xf32, #tpu.memory_space<vmem>>[vector<16xi32>, vector<16xi32>], vector<16xf32>,
      %add3A_264 = arith.constant 116 : i32
      %add3A_265 = arith.addi %mul3A_175, %add3A_264 : i32
      %add3A_266 = vector.broadcast %add3A_265 : i32 to vector<16xi32>
      %add3A_267 = arith.addi %add3A_266, %iota3A : vector<16xi32>
      %gather3A_268 = tpu.vector_load_idx %arg16[%add3A_267] : memref<1000xf32, #tpu.memory_space<vmem>>[vector<16xi32>], vector<16xf32>,
      %add3A_269 = arith.constant 16 : i32
      %add3A_270 = vector.broadcast %add3A_269 : i32 to vector<16xi32>
      %add3A_271 = arith.addi %add3A_270, %iota3A : vector<16xi32>
      %broadcast_in_dim3A_272 = arith.constant 2 : i32
      %broadcast_in_dim3A_273 = vector.broadcast %broadcast_in_dim3A_272 : i32 to vector<16xi32>
      tpu.vector_store_idx %arg17[%add3A_271, %broadcast_in_dim3A_273], %gather3A_268 : memref<100x5xf32, #tpu.memory_space<vmem>>[vector<16xi32>, vector<16xi32>], vector<16xf32>,
      %add3A_274 = arith.constant 132 : i32
      %add3A_275 = arith.addi %mul3A_175, %add3A_274 : i32
      %add3A_276 = vector.broadcast %add3A_275 : i32 to vector<16xi32>
      %add3A_277 = arith.addi %add3A_276, %iota3A : vector<16xi32>
      %gather3A_278 = tpu.vector_load_idx %arg16[%add3A_277] : memref<1000xf32, #tpu.memory_space<vmem>>[vector<16xi32>], vector<16xf32>,
      %add3A_279 = arith.constant 32 : i32
      %add3A_280 = vector.broadcast %add3A_279 : i32 to vector<16xi32>
      %add3A_281 = arith.addi %add3A_280, %iota3A : vector<16xi32>
      %broadcast_in_dim3A_282 = arith.constant 2 : i32
      %broadcast_in_dim3A_283 = vector.broadcast %broadcast_in_dim3A_282 : i32 to vector<16xi32>
      tpu.vector_store_idx %arg17[%add3A_281, %broadcast_in_dim3A_283], %gather3A_278 : memref<100x5xf32, #tpu.memory_space<vmem>>[vector<16xi32>, vector<16xi32>], vector<16xf32>,
      %add3A_284 = arith.constant 134 : i32
      %add3A_285 = arith.addi %mul3A_175, %add3A_284 : i32
      %add3A_286 = vector.broadcast %add3A_285 : i32 to vector<16xi32>
      %add3A_287 = arith.addi %add3A_286, %iota3A : vector<16xi32>
      %gather3A_288 = tpu.vector_load_idx %arg16[%add3A_287] : memref<1000xf32, #tpu.memory_space<vmem>>[vector<16xi32>], vector<16xf32>,
      %add3A_289 = arith.constant 34 : i32
      %add3A_290 = vector.broadcast %add3A_289 : i32 to vector<16xi32>
      %add3A_291 = arith.addi %add3A_290, %iota3A : vector<16xi32>
      %broadcast_in_dim3A_292 = arith.constant 2 : i32
      %broadcast_in_dim3A_293 = vector.broadcast %broadcast_in_dim3A_292 : i32 to vector<16xi32>
      tpu.vector_store_idx %arg17[%add3A_291, %broadcast_in_dim3A_293], %gather3A_288 : memref<100x5xf32, #tpu.memory_space<vmem>>[vector<16xi32>, vector<16xi32>], vector<16xf32>,
      %add3A_294 = arith.constant 150 : i32
      %add3A_295 = arith.addi %mul3A_175, %add3A_294 : i32
      %add3A_296 = vector.broadcast %add3A_295 : i32 to vector<16xi32>
      %add3A_297 = arith.addi %add3A_296, %iota3A : vector<16xi32>
      %gather3A_298 = tpu.vector_load_idx %arg16[%add3A_297] : memref<1000xf32, #tpu.memory_space<vmem>>[vector<16xi32>], vector<16xf32>,
      %add3A_299 = arith.constant 0 : i32
      %add3A_300 = vector.broadcast %add3A_299 : i32 to vector<16xi32>
      %add3A_301 = arith.addi %add3A_300, %iota3A : vector<16xi32>
      %broadcast_in_dim3A_302 = arith.constant 3 : i32
      %broadcast_in_dim3A_303 = vector.broadcast %broadcast_in_dim3A_302 : i32 to vector<16xi32>
      tpu.vector_store_idx %arg17[%add3A_301, %broadcast_in_dim3A_303], %gather3A_298 : memref<100x5xf32, #tpu.memory_space<vmem>>[vector<16xi32>, vector<16xi32>], vector<16xf32>,
      %add3A_304 = arith.constant 166 : i32
      %add3A_305 = arith.addi %mul3A_175, %add3A_304 : i32
      %add3A_306 = vector.broadcast %add3A_305 : i32 to vector<16xi32>
      %add3A_307 = arith.addi %add3A_306, %iota3A : vector<16xi32>
      %gather3A_308 = tpu.vector_load_idx %arg16[%add3A_307] : memref<1000xf32, #tpu.memory_space<vmem>>[vector<16xi32>], vector<16xf32>,
      %add3A_309 = arith.constant 16 : i32
      %add3A_310 = vector.broadcast %add3A_309 : i32 to vector<16xi32>
      %add3A_311 = arith.addi %add3A_310, %iota3A : vector<16xi32>
      %broadcast_in_dim3A_312 = arith.constant 3 : i32
      %broadcast_in_dim3A_313 = vector.broadcast %broadcast_in_dim3A_312 : i32 to vector<16xi32>
      tpu.vector_store_idx %arg17[%add3A_311, %broadcast_in_dim3A_313], %gather3A_308 : memref<100x5xf32, #tpu.memory_space<vmem>>[vector<16xi32>, vector<16xi32>], vector<16xf32>,
      %add3A_314 = arith.constant 182 : i32
      %add3A_315 = arith.addi %mul3A_175, %add3A_314 : i32
      %add3A_316 = vector.broadcast %add3A_315 : i32 to vector<16xi32>
      %add3A_317 = arith.addi %add3A_316, %iota3A : vector<16xi32>
      %gather3A_318 = tpu.vector_load_idx %arg16[%add3A_317] : memref<1000xf32, #tpu.memory_space<vmem>>[vector<16xi32>], vector<16xf32>,
      %add3A_319 = arith.constant 32 : i32
      %add3A_320 = vector.broadcast %add3A_319 : i32 to vector<16xi32>
      %add3A_321 = arith.addi %add3A_320, %iota3A : vector<16xi32>
      %broadcast_in_dim3A_322 = arith.constant 3 : i32
      %broadcast_in_dim3A_323 = vector.broadcast %broadcast_in_dim3A_322 : i32 to vector<16xi32>
      tpu.vector_store_idx %arg17[%add3A_321, %broadcast_in_dim3A_323], %gather3A_318 : memref<100x5xf32, #tpu.memory_space<vmem>>[vector<16xi32>, vector<16xi32>], vector<16xf32>,
      %add3A_324 = arith.constant 184 : i32
      %add3A_325 = arith.addi %mul3A_175, %add3A_324 : i32
      %add3A_326 = vector.broadcast %add3A_325 : i32 to vector<16xi32>
      %add3A_327 = arith.addi %add3A_326, %iota3A : vector<16xi32>
      %gather3A_328 = tpu.vector_load_idx %arg16[%add3A_327] : memref<1000xf32, #tpu.memory_space<vmem>>[vector<16xi32>], vector<16xf32>,
      %add3A_329 = arith.constant 34 : i32
      %add3A_330 = vector.broadcast %add3A_329 : i32 to vector<16xi32>
      %add3A_331 = arith.addi %add3A_330, %iota3A : vector<16xi32>
      %broadcast_in_dim3A_332 = arith.constant 3 : i32
      %broadcast_in_dim3A_333 = vector.broadcast %broadcast_in_dim3A_332 : i32 to vector<16xi32>
      tpu.vector_store_idx %arg17[%add3A_331, %broadcast_in_dim3A_333], %gather3A_328 : memref<100x5xf32, #tpu.memory_space<vmem>>[vector<16xi32>, vector<16xi32>], vector<16xf32>,
      %add3A_334 = arith.constant 200 : i32
      %add3A_335 = arith.addi %mul3A_175, %add3A_334 : i32
      %add3A_336 = vector.broadcast %add3A_335 : i32 to vector<16xi32>
      %add3A_337 = arith.addi %add3A_336, %iota3A : vector<16xi32>
      %gather3A_338 = tpu.vector_load_idx %arg16[%add3A_337] : memref<1000xf32, #tpu.memory_space<vmem>>[vector<16xi32>], vector<16xf32>,
      %add3A_339 = arith.constant 0 : i32
      %add3A_340 = vector.broadcast %add3A_339 : i32 to vector<16xi32>
      %add3A_341 = arith.addi %add3A_340, %iota3A : vector<16xi32>
      %broadcast_in_dim3A_342 = arith.constant 4 : i32
      %broadcast_in_dim3A_343 = vector.broadcast %broadcast_in_dim3A_342 : i32 to vector<16xi32>
      tpu.vector_store_idx %arg17[%add3A_341, %broadcast_in_dim3A_343], %gather3A_338 : memref<100x5xf32, #tpu.memory_space<vmem>>[vector<16xi32>, vector<16xi32>], vector<16xf32>,
      %add3A_344 = arith.constant 216 : i32
      %add3A_345 = arith.addi %mul3A_175, %add3A_344 : i32
      %add3A_346 = vector.broadcast %add3A_345 : i32 to vector<16xi32>
      %add3A_347 = arith.addi %add3A_346, %iota3A : vector<16xi32>
      %gather3A_348 = tpu.vector_load_idx %arg16[%add3A_347] : memref<1000xf32, #tpu.memory_space<vmem>>[vector<16xi32>], vector<16xf32>,
      %add3A_349 = arith.constant 16 : i32
      %add3A_350 = vector.broadcast %add3A_349 : i32 to vector<16xi32>
      %add3A_351 = arith.addi %add3A_350, %iota3A : vector<16xi32>
      %broadcast_in_dim3A_352 = arith.constant 4 : i32
      %broadcast_in_dim3A_353 = vector.broadcast %broadcast_in_dim3A_352 : i32 to vector<16xi32>
      tpu.vector_store_idx %arg17[%add3A_351, %broadcast_in_dim3A_353], %gather3A_348 : memref<100x5xf32, #tpu.memory_space<vmem>>[vector<16xi32>, vector<16xi32>], vector<16xf32>,
      %add3A_354 = arith.constant 232 : i32
      %add3A_355 = arith.addi %mul3A_175, %add3A_354 : i32
      %add3A_356 = vector.broadcast %add3A_355 : i32 to vector<16xi32>
      %add3A_357 = arith.addi %add3A_356, %iota3A : vector<16xi32>
      %gather3A_358 = tpu.vector_load_idx %arg16[%add3A_357] : memref<1000xf32, #tpu.memory_space<vmem>>[vector<16xi32>], vector<16xf32>,
      %add3A_359 = arith.constant 32 : i32
      %add3A_360 = vector.broadcast %add3A_359 : i32 to vector<16xi32>
      %add3A_361 = arith.addi %add3A_360, %iota3A : vector<16xi32>
      %broadcast_in_dim3A_362 = arith.constant 4 : i32
      %broadcast_in_dim3A_363 = vector.broadcast %broadcast_in_dim3A_362 : i32 to vector<16xi32>
      tpu.vector_store_idx %arg17[%add3A_361, %broadcast_in_dim3A_363], %gather3A_358 : memref<100x5xf32, #tpu.memory_space<vmem>>[vector<16xi32>, vector<16xi32>], vector<16xf32>,
      %add3A_364 = arith.constant 234 : i32
      %add3A_365 = arith.addi %mul3A_175, %add3A_364 : i32
      %add3A_366 = vector.broadcast %add3A_365 : i32 to vector<16xi32>
      %add3A_367 = arith.addi %add3A_366, %iota3A : vector<16xi32>
      %gather3A_368 = tpu.vector_load_idx %arg16[%add3A_367] : memref<1000xf32, #tpu.memory_space<vmem>>[vector<16xi32>], vector<16xf32>,
      %add3A_369 = arith.constant 34 : i32
      %add3A_370 = vector.broadcast %add3A_369 : i32 to vector<16xi32>
      %add3A_371 = arith.addi %add3A_370, %iota3A : vector<16xi32>
      %broadcast_in_dim3A_372 = arith.constant 4 : i32
      %broadcast_in_dim3A_373 = vector.broadcast %broadcast_in_dim3A_372 : i32 to vector<16xi32>
      tpu.vector_store_idx %arg17[%add3A_371, %broadcast_in_dim3A_373], %gather3A_368 : memref<100x5xf32, #tpu.memory_space<vmem>>[vector<16xi32>, vector<16xi32>], vector<16xf32>,
      %add3A_374 = arith.constant 250 : i32
      %add3A_375 = arith.addi %mul3A_175, %add3A_374 : i32
      %add3A_376 = vector.broadcast %add3A_375 : i32 to vector<16xi32>
      %add3A_377 = arith.addi %add3A_376, %iota3A : vector<16xi32>
      %gather3A_378 = tpu.vector_load_idx %arg16[%add3A_377] : memref<1000xf32, #tpu.memory_space<vmem>>[vector<16xi32>], vector<16xf32>,
      %add3A_379 = arith.constant 50 : i32
      %add3A_380 = vector.broadcast %add3A_379 : i32 to vector<16xi32>
      %add3A_381 = arith.addi %add3A_380, %iota3A : vector<16xi32>
      %broadcast_in_dim3A_382 = arith.constant 0 : i32
      %broadcast_in_dim3A_383 = vector.broadcast %broadcast_in_dim3A_382 : i32 to vector<16xi32>
      tpu.vector_store_idx %arg17[%add3A_381, %broadcast_in_dim3A_383], %gather3A_378 : memref<100x5xf32, #tpu.memory_space<vmem>>[vector<16xi32>, vector<16xi32>], vector<16xf32>,
      %add3A_384 = arith.constant 266 : i32
      %add3A_385 = arith.addi %mul3A_175, %add3A_384 : i32
      %add3A_386 = vector.broadcast %add3A_385 : i32 to vector<16xi32>
      %add3A_387 = arith.addi %add3A_386, %iota3A : vector<16xi32>
      %gather3A_388 = tpu.vector_load_idx %arg16[%add3A_387] : memref<1000xf32, #tpu.memory_space<vmem>>[vector<16xi32>], vector<16xf32>,
      %add3A_389 = arith.constant 66 : i32
      %add3A_390 = vector.broadcast %add3A_389 : i32 to vector<16xi32>
      %add3A_391 = arith.addi %add3A_390, %iota3A : vector<16xi32>
      %broadcast_in_dim3A_392 = arith.constant 0 : i32
      %broadcast_in_dim3A_393 = vector.broadcast %broadcast_in_dim3A_392 : i32 to vector<16xi32>
      tpu.vector_store_idx %arg17[%add3A_391, %broadcast_in_dim3A_393], %gather3A_388 : memref<100x5xf32, #tpu.memory_space<vmem>>[vector<16xi32>, vector<16xi32>], vector<16xf32>,
      %add3A_394 = arith.constant 282 : i32
      %add3A_395 = arith.addi %mul3A_175, %add3A_394 : i32
      %add3A_396 = vector.broadcast %add3A_395 : i32 to vector<16xi32>
      %add3A_397 = arith.addi %add3A_396, %iota3A : vector<16xi32>
      %gather3A_398 = tpu.vector_load_idx %arg16[%add3A_397] : memref<1000xf32, #tpu.memory_space<vmem>>[vector<16xi32>], vector<16xf32>,
      %add3A_399 = arith.constant 82 : i32
      %add3A_400 = vector.broadcast %add3A_399 : i32 to vector<16xi32>
      %add3A_401 = arith.addi %add3A_400, %iota3A : vector<16xi32>
      %broadcast_in_dim3A_402 = arith.constant 0 : i32
      %broadcast_in_dim3A_403 = vector.broadcast %broadcast_in_dim3A_402 : i32 to vector<16xi32>
      tpu.vector_store_idx %arg17[%add3A_401, %broadcast_in_dim3A_403], %gather3A_398 : memref<100x5xf32, #tpu.memory_space<vmem>>[vector<16xi32>, vector<16xi32>], vector<16xf32>,
      %add3A_404 = arith.constant 284 : i32
      %add3A_405 = arith.addi %mul3A_175, %add3A_404 : i32
      %add3A_406 = vector.broadcast %add3A_405 : i32 to vector<16xi32>
      %add3A_407 = arith.addi %add3A_406, %iota3A : vector<16xi32>
      %gather3A_408 = tpu.vector_load_idx %arg16[%add3A_407] : memref<1000xf32, #tpu.memory_space<vmem>>[vector<16xi32>], vector<16xf32>,
      %add3A_409 = arith.constant 84 : i32
      %add3A_410 = vector.broadcast %add3A_409 : i32 to vector<16xi32>
      %add3A_411 = arith.addi %add3A_410, %iota3A : vector<16xi32>
      %broadcast_in_dim3A_412 = arith.constant 0 : i32
      %broadcast_in_dim3A_413 = vector.broadcast %broadcast_in_dim3A_412 : i32 to vector<16xi32>
      tpu.vector_store_idx %arg17[%add3A_411, %broadcast_in_dim3A_413], %gather3A_408 : memref<100x5xf32, #tpu.memory_space<vmem>>[vector<16xi32>, vector<16xi32>], vector<16xf32>,
      %add3A_414 = arith.constant 300 : i32
      %add3A_415 = arith.addi %mul3A_175, %add3A_414 : i32
      %add3A_416 = vector.broadcast %add3A_415 : i32 to vector<16xi32>
      %add3A_417 = arith.addi %add3A_416, %iota3A : vector<16xi32>
      %gather3A_418 = tpu.vector_load_idx %arg16[%add3A_417] : memref<1000xf32, #tpu.memory_space<vmem>>[vector<16xi32>], vector<16xf32>,
      %add3A_419 = arith.constant 50 : i32
      %add3A_420 = vector.broadcast %add3A_419 : i32 to vector<16xi32>
      %add3A_421 = arith.addi %add3A_420, %iota3A : vector<16xi32>
      %broadcast_in_dim3A_422 = arith.constant 1 : i32
      %broadcast_in_dim3A_423 = vector.broadcast %broadcast_in_dim3A_422 : i32 to vector<16xi32>
      tpu.vector_store_idx %arg17[%add3A_421, %broadcast_in_dim3A_423], %gather3A_418 : memref<100x5xf32, #tpu.memory_space<vmem>>[vector<16xi32>, vector<16xi32>], vector<16xf32>,
      %add3A_424 = arith.constant 316 : i32
      %add3A_425 = arith.addi %mul3A_175, %add3A_424 : i32
      %add3A_426 = vector.broadcast %add3A_425 : i32 to vector<16xi32>
      %add3A_427 = arith.addi %add3A_426, %iota3A : vector<16xi32>
      %gather3A_428 = tpu.vector_load_idx %arg16[%add3A_427] : memref<1000xf32, #tpu.memory_space<vmem>>[vector<16xi32>], vector<16xf32>,
      %add3A_429 = arith.constant 66 : i32
      %add3A_430 = vector.broadcast %add3A_429 : i32 to vector<16xi32>
      %add3A_431 = arith.addi %add3A_430, %iota3A : vector<16xi32>
      %broadcast_in_dim3A_432 = arith.constant 1 : i32
      %broadcast_in_dim3A_433 = vector.broadcast %broadcast_in_dim3A_432 : i32 to vector<16xi32>
      tpu.vector_store_idx %arg17[%add3A_431, %broadcast_in_dim3A_433], %gather3A_428 : memref<100x5xf32, #tpu.memory_space<vmem>>[vector<16xi32>, vector<16xi32>], vector<16xf32>,
      %add3A_434 = arith.constant 332 : i32
      %add3A_435 = arith.addi %mul3A_175, %add3A_434 : i32
      %add3A_436 = vector.broadcast %add3A_435 : i32 to vector<16xi32>
      %add3A_437 = arith.addi %add3A_436, %iota3A : vector<16xi32>
      %gather3A_438 = tpu.vector_load_idx %arg16[%add3A_437] : memref<1000xf32, #tpu.memory_space<vmem>>[vector<16xi32>], vector<16xf32>,
      %add3A_439 = arith.constant 82 : i32
      %add3A_440 = vector.broadcast %add3A_439 : i32 to vector<16xi32>
      %add3A_441 = arith.addi %add3A_440, %iota3A : vector<16xi32>
      %broadcast_in_dim3A_442 = arith.constant 1 : i32
      %broadcast_in_dim3A_443 = vector.broadcast %broadcast_in_dim3A_442 : i32 to vector<16xi32>
      tpu.vector_store_idx %arg17[%add3A_441, %broadcast_in_dim3A_443], %gather3A_438 : memref<100x5xf32, #tpu.memory_space<vmem>>[vector<16xi32>, vector<16xi32>], vector<16xf32>,
      %add3A_444 = arith.constant 334 : i32
      %add3A_445 = arith.addi %mul3A_175, %add3A_444 : i32
      %add3A_446 = vector.broadcast %add3A_445 : i32 to vector<16xi32>
      %add3A_447 = arith.addi %add3A_446, %iota3A : vector<16xi32>
      %gather3A_448 = tpu.vector_load_idx %arg16[%add3A_447] : memref<1000xf32, #tpu.memory_space<vmem>>[vector<16xi32>], vector<16xf32>,
      %add3A_449 = arith.constant 84 : i32
      %add3A_450 = vector.broadcast %add3A_449 : i32 to vector<16xi32>
      %add3A_451 = arith.addi %add3A_450, %iota3A : vector<16xi32>
      %broadcast_in_dim3A_452 = arith.constant 1 : i32
      %broadcast_in_dim3A_453 = vector.broadcast %broadcast_in_dim3A_452 : i32 to vector<16xi32>
      tpu.vector_store_idx %arg17[%add3A_451, %broadcast_in_dim3A_453], %gather3A_448 : memref<100x5xf32, #tpu.memory_space<vmem>>[vector<16xi32>, vector<16xi32>], vector<16xf32>,
      %add3A_454 = arith.constant 350 : i32
      %add3A_455 = arith.addi %mul3A_175, %add3A_454 : i32
      %add3A_456 = vector.broadcast %add3A_455 : i32 to vector<16xi32>
      %add3A_457 = arith.addi %add3A_456, %iota3A : vector<16xi32>
      %gather3A_458 = tpu.vector_load_idx %arg16[%add3A_457] : memref<1000xf32, #tpu.memory_space<vmem>>[vector<16xi32>], vector<16xf32>,
      %add3A_459 = arith.constant 50 : i32
      %add3A_460 = vector.broadcast %add3A_459 : i32 to vector<16xi32>
      %add3A_461 = arith.addi %add3A_460, %iota3A : vector<16xi32>
      %broadcast_in_dim3A_462 = arith.constant 2 : i32
      %broadcast_in_dim3A_463 = vector.broadcast %broadcast_in_dim3A_462 : i32 to vector<16xi32>
      tpu.vector_store_idx %arg17[%add3A_461, %broadcast_in_dim3A_463], %gather3A_458 : memref<100x5xf32, #tpu.memory_space<vmem>>[vector<16xi32>, vector<16xi32>], vector<16xf32>,
      %add3A_464 = arith.constant 366 : i32
      %add3A_465 = arith.addi %mul3A_175, %add3A_464 : i32
      %add3A_466 = vector.broadcast %add3A_465 : i32 to vector<16xi32>
      %add3A_467 = arith.addi %add3A_466, %iota3A : vector<16xi32>
      %gather3A_468 = tpu.vector_load_idx %arg16[%add3A_467] : memref<1000xf32, #tpu.memory_space<vmem>>[vector<16xi32>], vector<16xf32>,
      %add3A_469 = arith.constant 66 : i32
      %add3A_470 = vector.broadcast %add3A_469 : i32 to vector<16xi32>
      %add3A_471 = arith.addi %add3A_470, %iota3A : vector<16xi32>
      %broadcast_in_dim3A_472 = arith.constant 2 : i32
      %broadcast_in_dim3A_473 = vector.broadcast %broadcast_in_dim3A_472 : i32 to vector<16xi32>
      tpu.vector_store_idx %arg17[%add3A_471, %broadcast_in_dim3A_473], %gather3A_468 : memref<100x5xf32, #tpu.memory_space<vmem>>[vector<16xi32>, vector<16xi32>], vector<16xf32>,
      %add3A_474 = arith.constant 382 : i32
      %add3A_475 = arith.addi %mul3A_175, %add3A_474 : i32
      %add3A_476 = vector.broadcast %add3A_475 : i32 to vector<16xi32>
      %add3A_477 = arith.addi %add3A_476, %iota3A : vector<16xi32>
      %gather3A_478 = tpu.vector_load_idx %arg16[%add3A_477] : memref<1000xf32, #tpu.memory_space<vmem>>[vector<16xi32>], vector<16xf32>,
      %add3A_479 = arith.constant 82 : i32
      %add3A_480 = vector.broadcast %add3A_479 : i32 to vector<16xi32>
      %add3A_481 = arith.addi %add3A_480, %iota3A : vector<16xi32>
      %broadcast_in_dim3A_482 = arith.constant 2 : i32
      %broadcast_in_dim3A_483 = vector.broadcast %broadcast_in_dim3A_482 : i32 to vector<16xi32>
      tpu.vector_store_idx %arg17[%add3A_481, %broadcast_in_dim3A_483], %gather3A_478 : memref<100x5xf32, #tpu.memory_space<vmem>>[vector<16xi32>, vector<16xi32>], vector<16xf32>,
      %add3A_484 = arith.constant 384 : i32
      %add3A_485 = arith.addi %mul3A_175, %add3A_484 : i32
      %add3A_486 = vector.broadcast %add3A_485 : i32 to vector<16xi32>
      %add3A_487 = arith.addi %add3A_486, %iota3A : vector<16xi32>
      %gather3A_488 = tpu.vector_load_idx %arg16[%add3A_487] : memref<1000xf32, #tpu.memory_space<vmem>>[vector<16xi32>], vector<16xf32>,
      %add3A_489 = arith.constant 84 : i32
      %add3A_490 = vector.broadcast %add3A_489 : i32 to vector<16xi32>
      %add3A_491 = arith.addi %add3A_490, %iota3A : vector<16xi32>
      %broadcast_in_dim3A_492 = arith.constant 2 : i32
      %broadcast_in_dim3A_493 = vector.broadcast %broadcast_in_dim3A_492 : i32 to vector<16xi32>
      tpu.vector_store_idx %arg17[%add3A_491, %broadcast_in_dim3A_493], %gather3A_488 : memref<100x5xf32, #tpu.memory_space<vmem>>[vector<16xi32>, vector<16xi32>], vector<16xf32>,
      %add3A_494 = arith.constant 400 : i32
      %add3A_495 = arith.addi %mul3A_175, %add3A_494 : i32
      %add3A_496 = vector.broadcast %add3A_495 : i32 to vector<16xi32>
      %add3A_497 = arith.addi %add3A_496, %iota3A : vector<16xi32>
      %gather3A_498 = tpu.vector_load_idx %arg16[%add3A_497] : memref<1000xf32, #tpu.memory_space<vmem>>[vector<16xi32>], vector<16xf32>,
      %add3A_499 = arith.constant 50 : i32
      %add3A_500 = vector.broadcast %add3A_499 : i32 to vector<16xi32>
      %add3A_501 = arith.addi %add3A_500, %iota3A : vector<16xi32>
      %broadcast_in_dim3A_502 = arith.constant 3 : i32
      %broadcast_in_dim3A_503 = vector.broadcast %broadcast_in_dim3A_502 : i32 to vector<16xi32>
      tpu.vector_store_idx %arg17[%add3A_501, %broadcast_in_dim3A_503], %gather3A_498 : memref<100x5xf32, #tpu.memory_space<vmem>>[vector<16xi32>, vector<16xi32>], vector<16xf32>,
      %add3A_504 = arith.constant 416 : i32
      %add3A_505 = arith.addi %mul3A_175, %add3A_504 : i32
      %add3A_506 = vector.broadcast %add3A_505 : i32 to vector<16xi32>
      %add3A_507 = arith.addi %add3A_506, %iota3A : vector<16xi32>
      %gather3A_508 = tpu.vector_load_idx %arg16[%add3A_507] : memref<1000xf32, #tpu.memory_space<vmem>>[vector<16xi32>], vector<16xf32>,
      %add3A_509 = arith.constant 66 : i32
      %add3A_510 = vector.broadcast %add3A_509 : i32 to vector<16xi32>
      %add3A_511 = arith.addi %add3A_510, %iota3A : vector<16xi32>
      %broadcast_in_dim3A_512 = arith.constant 3 : i32
      %broadcast_in_dim3A_513 = vector.broadcast %broadcast_in_dim3A_512 : i32 to vector<16xi32>
      tpu.vector_store_idx %arg17[%add3A_511, %broadcast_in_dim3A_513], %gather3A_508 : memref<100x5xf32, #tpu.memory_space<vmem>>[vector<16xi32>, vector<16xi32>], vector<16xf32>,
      %add3A_514 = arith.constant 432 : i32
      %add3A_515 = arith.addi %mul3A_175, %add3A_514 : i32
      %add3A_516 = vector.broadcast %add3A_515 : i32 to vector<16xi32>
      %add3A_517 = arith.addi %add3A_516, %iota3A : vector<16xi32>
      %gather3A_518 = tpu.vector_load_idx %arg16[%add3A_517] : memref<1000xf32, #tpu.memory_space<vmem>>[vector<16xi32>], vector<16xf32>,
      %add3A_519 = arith.constant 82 : i32
      %add3A_520 = vector.broadcast %add3A_519 : i32 to vector<16xi32>
      %add3A_521 = arith.addi %add3A_520, %iota3A : vector<16xi32>
      %broadcast_in_dim3A_522 = arith.constant 3 : i32
      %broadcast_in_dim3A_523 = vector.broadcast %broadcast_in_dim3A_522 : i32 to vector<16xi32>
      tpu.vector_store_idx %arg17[%add3A_521, %broadcast_in_dim3A_523], %gather3A_518 : memref<100x5xf32, #tpu.memory_space<vmem>>[vector<16xi32>, vector<16xi32>], vector<16xf32>,
      %add3A_524 = arith.constant 434 : i32
      %add3A_525 = arith.addi %mul3A_175, %add3A_524 : i32
      %add3A_526 = vector.broadcast %add3A_525 : i32 to vector<16xi32>
      %add3A_527 = arith.addi %add3A_526, %iota3A : vector<16xi32>
      %gather3A_528 = tpu.vector_load_idx %arg16[%add3A_527] : memref<1000xf32, #tpu.memory_space<vmem>>[vector<16xi32>], vector<16xf32>,
      %add3A_529 = arith.constant 84 : i32
      %add3A_530 = vector.broadcast %add3A_529 : i32 to vector<16xi32>
      %add3A_531 = arith.addi %add3A_530, %iota3A : vector<16xi32>
      %broadcast_in_dim3A_532 = arith.constant 3 : i32
      %broadcast_in_dim3A_533 = vector.broadcast %broadcast_in_dim3A_532 : i32 to vector<16xi32>
      tpu.vector_store_idx %arg17[%add3A_531, %broadcast_in_dim3A_533], %gather3A_528 : memref<100x5xf32, #tpu.memory_space<vmem>>[vector<16xi32>, vector<16xi32>], vector<16xf32>,
      %add3A_534 = arith.constant 450 : i32
      %add3A_535 = arith.addi %mul3A_175, %add3A_534 : i32
      %add3A_536 = vector.broadcast %add3A_535 : i32 to vector<16xi32>
      %add3A_537 = arith.addi %add3A_536, %iota3A : vector<16xi32>
      %gather3A_538 = tpu.vector_load_idx %arg16[%add3A_537] : memref<1000xf32, #tpu.memory_space<vmem>>[vector<16xi32>], vector<16xf32>,
      %add3A_539 = arith.constant 50 : i32
      %add3A_540 = vector.broadcast %add3A_539 : i32 to vector<16xi32>
      %add3A_541 = arith.addi %add3A_540, %iota3A : vector<16xi32>
      %broadcast_in_dim3A_542 = arith.constant 4 : i32
      %broadcast_in_dim3A_543 = vector.broadcast %broadcast_in_dim3A_542 : i32 to vector<16xi32>
      tpu.vector_store_idx %arg17[%add3A_541, %broadcast_in_dim3A_543], %gather3A_538 : memref<100x5xf32, #tpu.memory_space<vmem>>[vector<16xi32>, vector<16xi32>], vector<16xf32>,
      %add3A_544 = arith.constant 466 : i32
      %add3A_545 = arith.addi %mul3A_175, %add3A_544 : i32
      %add3A_546 = vector.broadcast %add3A_545 : i32 to vector<16xi32>
      %add3A_547 = arith.addi %add3A_546, %iota3A : vector<16xi32>
      %gather3A_548 = tpu.vector_load_idx %arg16[%add3A_547] : memref<1000xf32, #tpu.memory_space<vmem>>[vector<16xi32>], vector<16xf32>,
      %add3A_549 = arith.constant 66 : i32
      %add3A_550 = vector.broadcast %add3A_549 : i32 to vector<16xi32>
      %add3A_551 = arith.addi %add3A_550, %iota3A : vector<16xi32>
      %broadcast_in_dim3A_552 = arith.constant 4 : i32
      %broadcast_in_dim3A_553 = vector.broadcast %broadcast_in_dim3A_552 : i32 to vector<16xi32>
      tpu.vector_store_idx %arg17[%add3A_551, %broadcast_in_dim3A_553], %gather3A_548 : memref<100x5xf32, #tpu.memory_space<vmem>>[vector<16xi32>, vector<16xi32>], vector<16xf32>,
      %add3A_554 = arith.constant 482 : i32
      %add3A_555 = arith.addi %mul3A_175, %add3A_554 : i32
      %add3A_556 = vector.broadcast %add3A_555 : i32 to vector<16xi32>
      %add3A_557 = arith.addi %add3A_556, %iota3A : vector<16xi32>
      %gather3A_558 = tpu.vector_load_idx %arg16[%add3A_557] : memref<1000xf32, #tpu.memory_space<vmem>>[vector<16xi32>], vector<16xf32>,
      %add3A_559 = arith.constant 82 : i32
      %add3A_560 = vector.broadcast %add3A_559 : i32 to vector<16xi32>
      %add3A_561 = arith.addi %add3A_560, %iota3A : vector<16xi32>
      %broadcast_in_dim3A_562 = arith.constant 4 : i32
      %broadcast_in_dim3A_563 = vector.broadcast %broadcast_in_dim3A_562 : i32 to vector<16xi32>
      tpu.vector_store_idx %arg17[%add3A_561, %broadcast_in_dim3A_563], %gather3A_558 : memref<100x5xf32, #tpu.memory_space<vmem>>[vector<16xi32>, vector<16xi32>], vector<16xf32>,
      %add3A_564 = arith.constant 484 : i32
      %add3A_565 = arith.addi %mul3A_175, %add3A_564 : i32
      %add3A_566 = vector.broadcast %add3A_565 : i32 to vector<16xi32>
      %add3A_567 = arith.addi %add3A_566, %iota3A : vector<16xi32>
      %gather3A_568 = tpu.vector_load_idx %arg16[%add3A_567] : memref<1000xf32, #tpu.memory_space<vmem>>[vector<16xi32>], vector<16xf32>,
      %add3A_569 = arith.constant 84 : i32
      %add3A_570 = vector.broadcast %add3A_569 : i32 to vector<16xi32>
      %add3A_571 = arith.addi %add3A_570, %iota3A : vector<16xi32>
      %broadcast_in_dim3A_572 = arith.constant 4 : i32
      %broadcast_in_dim3A_573 = vector.broadcast %broadcast_in_dim3A_572 : i32 to vector<16xi32>
      tpu.vector_store_idx %arg17[%add3A_571, %broadcast_in_dim3A_573], %gather3A_568 : memref<100x5xf32, #tpu.memory_space<vmem>>[vector<16xi32>, vector<16xi32>], vector<16xf32>,
      %add3A_574 = arith.constant 0 : i32
      %add3A_575 = arith.addi %add3A_62, %add3A_574 : i32
      %dma_start3A_576 = arith.constant 0 : i32
      %dma_start3A_577 = arith.constant 0 : i32
      %dma_start3A_578 = tpu.memref_slice %arg17[%dma_start3A_576, %dma_start3A_577] : memref<100x5xf32, #tpu.memory_space<vmem>> -> memref<50x5xf32, #tpu.memory_space<vmem>>
      %dma_start3A_579 = arith.constant 0 : i32
      %dma_start3A_580 = arith.constant 384 : i32
      %dma_start3A_581 = tpu.memref_slice %arg9[%add3A_575, %dma_start3A_579, %dma_start3A_580] : memref<2048x50x389xf32, #tpu.memory_space<hbm>> -> memref<1x50x5xf32, #tpu.memory_space<hbm>>
      %dma_start3A_582 = tpu.memref_squeeze %dma_start3A_581 : memref<1x50x5xf32, #tpu.memory_space<hbm>> -> memref<50x5xf32, #tpu.memory_space<hbm>>
      %dma_start3A_583 = arith.constant 0 : i32
      %dma_start3A_584 = arith.constant 384 : i32
      %dma_start3A_585 = tpu.memref_slice %arg9[%add3A_575, %dma_start3A_583, %dma_start3A_584] : memref<2048x50x389xf32, #tpu.memory_space<hbm>> -> memref<1x50x5xf32, #tpu.memory_space<hbm>>
      %dma_start3A_586 = tpu.memref_squeeze %dma_start3A_585 : memref<1x50x5xf32, #tpu.memory_space<hbm>> -> memref<50x5xf32, #tpu.memory_space<hbm>>
      %dma_start3A_587 = arith.constant 0 : i32
      %dma_start3A_588 = arith.constant 0 : i32
      %dma_start3A_589 = tpu.memref_slice %arg17[%dma_start3A_587, %dma_start3A_588] : memref<100x5xf32, #tpu.memory_space<vmem>> -> memref<50x5xf32, #tpu.memory_space<vmem>>
      tpu.enqueue_dma source(%dma_start3A_589 : memref<50x5xf32, #tpu.memory_space<vmem>>) target(%dma_start3A_586 : memref<50x5xf32, #tpu.memory_space<hbm>>) target_semaphore(%arg24 : memref<!tpu.dma_semaphore, #tpu.memory_space<semaphore_mem>>)
      %add3A_590 = arith.constant 1 : i32
      %add3A_591 = arith.addi %add3A_62, %add3A_590 : i32
      %dma_start3A_592 = arith.constant 50 : i32
      %dma_start3A_593 = arith.constant 0 : i32
      %dma_start3A_594 = tpu.memref_slice %arg17[%dma_start3A_592, %dma_start3A_593] : memref<100x5xf32, #tpu.memory_space<vmem>> -> memref<50x5xf32, #tpu.memory_space<vmem>>
      %dma_start3A_595 = arith.constant 0 : i32
      %dma_start3A_596 = arith.constant 384 : i32
      %dma_start3A_597 = tpu.memref_slice %arg9[%add3A_591, %dma_start3A_595, %dma_start3A_596] : memref<2048x50x389xf32, #tpu.memory_space<hbm>> -> memref<1x50x5xf32, #tpu.memory_space<hbm>>
      %dma_start3A_598 = tpu.memref_squeeze %dma_start3A_597 : memref<1x50x5xf32, #tpu.memory_space<hbm>> -> memref<50x5xf32, #tpu.memory_space<hbm>>
      %dma_start3A_599 = arith.constant 0 : i32
      %dma_start3A_600 = arith.constant 384 : i32
      %dma_start3A_601 = tpu.memref_slice %arg9[%add3A_591, %dma_start3A_599, %dma_start3A_600] : memref<2048x50x389xf32, #tpu.memory_space<hbm>> -> memref<1x50x5xf32, #tpu.memory_space<hbm>>
      %dma_start3A_602 = tpu.memref_squeeze %dma_start3A_601 : memref<1x50x5xf32, #tpu.memory_space<hbm>> -> memref<50x5xf32, #tpu.memory_space<hbm>>
      %dma_start3A_603 = arith.constant 50 : i32
      %dma_start3A_604 = arith.constant 0 : i32
      %dma_start3A_605 = tpu.memref_slice %arg17[%dma_start3A_603, %dma_start3A_604] : memref<100x5xf32, #tpu.memory_space<vmem>> -> memref<50x5xf32, #tpu.memory_space<vmem>>
      tpu.enqueue_dma source(%dma_start3A_605 : memref<50x5xf32, #tpu.memory_space<vmem>>) target(%dma_start3A_602 : memref<50x5xf32, #tpu.memory_space<hbm>>) target_semaphore(%arg24 : memref<!tpu.dma_semaphore, #tpu.memory_space<semaphore_mem>>)
      %dma_wait3A_606 = arith.constant 0 : i32
      %dma_wait3A_607 = arith.constant 0 : i32
      %dma_wait3A_608 = arith.constant 0 : i32
      %dma_wait3A_609 = tpu.memref_slice %arg13[%dma_wait3A_606, %dma_wait3A_607, %dma_wait3A_608] : memref<2x50x128xf32, #tpu.memory_space<vmem>> -> memref<1x50x128xf32, #tpu.memory_space<vmem>>
      %dma_wait3A_610 = tpu.memref_squeeze %dma_wait3A_609 : memref<1x50x128xf32, #tpu.memory_space<vmem>> -> memref<50x128xf32, #tpu.memory_space<vmem>>
      %dma_wait3A_611 = arith.constant 0 : i32
      %dma_wait3A_612 = tpu.memref_slice %arg10[%add3A_68, %dma_wait3A_611] : memref<64x50xi32, #tpu.memory_space<vmem>> -> memref<1x50xi32, #tpu.memory_space<vmem>>
      %dma_wait3A_613 = tpu.memref_squeeze %dma_wait3A_612 : memref<1x50xi32, #tpu.memory_space<vmem>> -> memref<50xi32, #tpu.memory_space<vmem>>
      %dma_wait3A_614 = arith.constant 0 : i32
      %dma_wait3A_615 = arith.constant 0 : i32
      %dma_wait3A_616 = tpu.memref_slice %arg6[%dma_wait3A_614, %dma_wait3A_615] : memref<1001x128xf32, #tpu.memory_space<hbm>> -> memref<1001x128xf32, #tpu.memory_space<hbm>>
      tpu.wait_indirect_dma semaphore(%arg18 : memref<!tpu.dma_semaphore, #tpu.memory_space<semaphore_mem>>) src(%dma_wait3A_616 : memref<1001x128xf32, #tpu.memory_space<hbm>>) dst(%dma_wait3A_610 : memref<50x128xf32, #tpu.memory_space<vmem>>)
      %dma_wait3A_617 = arith.constant 1 : i32
      %dma_wait3A_618 = arith.constant 0 : i32
      %dma_wait3A_619 = arith.constant 0 : i32
      %dma_wait3A_620 = tpu.memref_slice %arg13[%dma_wait3A_617, %dma_wait3A_618, %dma_wait3A_619] : memref<2x50x128xf32, #tpu.memory_space<vmem>> -> memref<1x50x128xf32, #tpu.memory_space<vmem>>
      %dma_wait3A_621 = tpu.memref_squeeze %dma_wait3A_620 : memref<1x50x128xf32, #tpu.memory_space<vmem>> -> memref<50x128xf32, #tpu.memory_space<vmem>>
      %dma_wait3A_622 = arith.constant 0 : i32
      %dma_wait3A_623 = tpu.memref_slice %arg10[%add3A_82, %dma_wait3A_622] : memref<64x50xi32, #tpu.memory_space<vmem>> -> memref<1x50xi32, #tpu.memory_space<vmem>>
      %dma_wait3A_624 = tpu.memref_squeeze %dma_wait3A_623 : memref<1x50xi32, #tpu.memory_space<vmem>> -> memref<50xi32, #tpu.memory_space<vmem>>
      %dma_wait3A_625 = arith.constant 0 : i32
      %dma_wait3A_626 = arith.constant 0 : i32
      %dma_wait3A_627 = tpu.memref_slice %arg6[%dma_wait3A_625, %dma_wait3A_626] : memref<1001x128xf32, #tpu.memory_space<hbm>> -> memref<1001x128xf32, #tpu.memory_space<hbm>>
      tpu.wait_indirect_dma semaphore(%arg18 : memref<!tpu.dma_semaphore, #tpu.memory_space<semaphore_mem>>) src(%dma_wait3A_627 : memref<1001x128xf32, #tpu.memory_space<hbm>>) dst(%dma_wait3A_621 : memref<50x128xf32, #tpu.memory_space<vmem>>)
      %dma_start3A_628 = arith.constant 0 : i32
      %dma_start3A_629 = arith.constant 0 : i32
      %dma_start3A_630 = tpu.memref_slice %arg9[%add3A_62, %dma_start3A_628, %dma_start3A_629] : memref<2048x50x389xf32, #tpu.memory_space<hbm>> -> memref<2x50x128xf32, #tpu.memory_space<hbm>>
      %dma_start3A_631 = arith.constant 0 : i32
      %dma_start3A_632 = arith.constant 0 : i32
      %dma_start3A_633 = tpu.memref_slice %arg9[%add3A_62, %dma_start3A_631, %dma_start3A_632] : memref<2048x50x389xf32, #tpu.memory_space<hbm>> -> memref<2x50x128xf32, #tpu.memory_space<hbm>>
      tpu.enqueue_dma source(%arg13 : memref<2x50x128xf32, #tpu.memory_space<vmem>>) target(%dma_start3A_633 : memref<2x50x128xf32, #tpu.memory_space<hbm>>) target_semaphore(%arg21 : memref<!tpu.dma_semaphore, #tpu.memory_space<semaphore_mem>>)
      %dma_wait3A_634 = arith.constant 0 : i32
      %dma_wait3A_635 = arith.constant 0 : i32
      %dma_wait3A_636 = arith.constant 0 : i32
      %dma_wait3A_637 = tpu.memref_slice %arg14[%dma_wait3A_634, %dma_wait3A_635, %dma_wait3A_636] : memref<2x50x128xf32, #tpu.memory_space<vmem>> -> memref<1x50x128xf32, #tpu.memory_space<vmem>>
      %dma_wait3A_638 = tpu.memref_squeeze %dma_wait3A_637 : memref<1x50x128xf32, #tpu.memory_space<vmem>> -> memref<50x128xf32, #tpu.memory_space<vmem>>
      %dma_wait3A_639 = arith.constant 0 : i32
      %dma_wait3A_640 = tpu.memref_slice %arg11[%add3A_102, %dma_wait3A_639] : memref<64x50xi32, #tpu.memory_space<vmem>> -> memref<1x50xi32, #tpu.memory_space<vmem>>
      %dma_wait3A_641 = tpu.memref_squeeze %dma_wait3A_640 : memref<1x50xi32, #tpu.memory_space<vmem>> -> memref<50xi32, #tpu.memory_space<vmem>>
      %dma_wait3A_642 = arith.constant 0 : i32
      %dma_wait3A_643 = arith.constant 0 : i32
      %dma_wait3A_644 = tpu.memref_slice %arg7[%dma_wait3A_642, %dma_wait3A_643] : memref<1001x128xf32, #tpu.memory_space<hbm>> -> memref<1001x128xf32, #tpu.memory_space<hbm>>
      tpu.wait_indirect_dma semaphore(%arg19 : memref<!tpu.dma_semaphore, #tpu.memory_space<semaphore_mem>>) src(%dma_wait3A_644 : memref<1001x128xf32, #tpu.memory_space<hbm>>) dst(%dma_wait3A_638 : memref<50x128xf32, #tpu.memory_space<vmem>>)
      %dma_wait3A_645 = arith.constant 1 : i32
      %dma_wait3A_646 = arith.constant 0 : i32
      %dma_wait3A_647 = arith.constant 0 : i32
      %dma_wait3A_648 = tpu.memref_slice %arg14[%dma_wait3A_645, %dma_wait3A_646, %dma_wait3A_647] : memref<2x50x128xf32, #tpu.memory_space<vmem>> -> memref<1x50x128xf32, #tpu.memory_space<vmem>>
      %dma_wait3A_649 = tpu.memref_squeeze %dma_wait3A_648 : memref<1x50x128xf32, #tpu.memory_space<vmem>> -> memref<50x128xf32, #tpu.memory_space<vmem>>
      %dma_wait3A_650 = arith.constant 0 : i32
      %dma_wait3A_651 = tpu.memref_slice %arg11[%add3A_117, %dma_wait3A_650] : memref<64x50xi32, #tpu.memory_space<vmem>> -> memref<1x50xi32, #tpu.memory_space<vmem>>
      %dma_wait3A_652 = tpu.memref_squeeze %dma_wait3A_651 : memref<1x50xi32, #tpu.memory_space<vmem>> -> memref<50xi32, #tpu.memory_space<vmem>>
      %dma_wait3A_653 = arith.constant 0 : i32
      %dma_wait3A_654 = arith.constant 0 : i32
      %dma_wait3A_655 = tpu.memref_slice %arg7[%dma_wait3A_653, %dma_wait3A_654] : memref<1001x128xf32, #tpu.memory_space<hbm>> -> memref<1001x128xf32, #tpu.memory_space<hbm>>
      tpu.wait_indirect_dma semaphore(%arg19 : memref<!tpu.dma_semaphore, #tpu.memory_space<semaphore_mem>>) src(%dma_wait3A_655 : memref<1001x128xf32, #tpu.memory_space<hbm>>) dst(%dma_wait3A_649 : memref<50x128xf32, #tpu.memory_space<vmem>>)
      %dma_start3A_656 = arith.constant 0 : i32
      %dma_start3A_657 = arith.constant 128 : i32
      %dma_start3A_658 = tpu.memref_slice %arg9[%add3A_62, %dma_start3A_656, %dma_start3A_657] : memref<2048x50x389xf32, #tpu.memory_space<hbm>> -> memref<2x50x128xf32, #tpu.memory_space<hbm>>
      %dma_start3A_659 = arith.constant 0 : i32
      %dma_start3A_660 = arith.constant 128 : i32
      %dma_start3A_661 = tpu.memref_slice %arg9[%add3A_62, %dma_start3A_659, %dma_start3A_660] : memref<2048x50x389xf32, #tpu.memory_space<hbm>> -> memref<2x50x128xf32, #tpu.memory_space<hbm>>
      tpu.enqueue_dma source(%arg14 : memref<2x50x128xf32, #tpu.memory_space<vmem>>) target(%dma_start3A_661 : memref<2x50x128xf32, #tpu.memory_space<hbm>>) target_semaphore(%arg22 : memref<!tpu.dma_semaphore, #tpu.memory_space<semaphore_mem>>)
      %dma_wait3A_662 = arith.constant 0 : i32
      %dma_wait3A_663 = arith.constant 0 : i32
      %dma_wait3A_664 = arith.constant 0 : i32
      %dma_wait3A_665 = tpu.memref_slice %arg15[%dma_wait3A_662, %dma_wait3A_663, %dma_wait3A_664] : memref<2x50x128xf32, #tpu.memory_space<vmem>> -> memref<1x50x128xf32, #tpu.memory_space<vmem>>
      %dma_wait3A_666 = tpu.memref_squeeze %dma_wait3A_665 : memref<1x50x128xf32, #tpu.memory_space<vmem>> -> memref<50x128xf32, #tpu.memory_space<vmem>>
      %dma_wait3A_667 = arith.constant 0 : i32
      %dma_wait3A_668 = tpu.memref_slice %arg12[%add3A_137, %dma_wait3A_667] : memref<64x50xi32, #tpu.memory_space<vmem>> -> memref<1x50xi32, #tpu.memory_space<vmem>>
      %dma_wait3A_669 = tpu.memref_squeeze %dma_wait3A_668 : memref<1x50xi32, #tpu.memory_space<vmem>> -> memref<50xi32, #tpu.memory_space<vmem>>
      %dma_wait3A_670 = arith.constant 0 : i32
      %dma_wait3A_671 = arith.constant 0 : i32
      %dma_wait3A_672 = tpu.memref_slice %arg8[%dma_wait3A_670, %dma_wait3A_671] : memref<1001x128xf32, #tpu.memory_space<hbm>> -> memref<1001x128xf32, #tpu.memory_space<hbm>>
      tpu.wait_indirect_dma semaphore(%arg20 : memref<!tpu.dma_semaphore, #tpu.memory_space<semaphore_mem>>) src(%dma_wait3A_672 : memref<1001x128xf32, #tpu.memory_space<hbm>>) dst(%dma_wait3A_666 : memref<50x128xf32, #tpu.memory_space<vmem>>)
      %dma_wait3A_673 = arith.constant 1 : i32
      %dma_wait3A_674 = arith.constant 0 : i32
      %dma_wait3A_675 = arith.constant 0 : i32
      %dma_wait3A_676 = tpu.memref_slice %arg15[%dma_wait3A_673, %dma_wait3A_674, %dma_wait3A_675] : memref<2x50x128xf32, #tpu.memory_space<vmem>> -> memref<1x50x128xf32, #tpu.memory_space<vmem>>
      %dma_wait3A_677 = tpu.memref_squeeze %dma_wait3A_676 : memref<1x50x128xf32, #tpu.memory_space<vmem>> -> memref<50x128xf32, #tpu.memory_space<vmem>>
      %dma_wait3A_678 = arith.constant 0 : i32
      %dma_wait3A_679 = tpu.memref_slice %arg12[%add3A_152, %dma_wait3A_678] : memref<64x50xi32, #tpu.memory_space<vmem>> -> memref<1x50xi32, #tpu.memory_space<vmem>>
      %dma_wait3A_680 = tpu.memref_squeeze %dma_wait3A_679 : memref<1x50xi32, #tpu.memory_space<vmem>> -> memref<50xi32, #tpu.memory_space<vmem>>
      %dma_wait3A_681 = arith.constant 0 : i32
      %dma_wait3A_682 = arith.constant 0 : i32
      %dma_wait3A_683 = tpu.memref_slice %arg8[%dma_wait3A_681, %dma_wait3A_682] : memref<1001x128xf32, #tpu.memory_space<hbm>> -> memref<1001x128xf32, #tpu.memory_space<hbm>>
      tpu.wait_indirect_dma semaphore(%arg20 : memref<!tpu.dma_semaphore, #tpu.memory_space<semaphore_mem>>) src(%dma_wait3A_683 : memref<1001x128xf32, #tpu.memory_space<hbm>>) dst(%dma_wait3A_677 : memref<50x128xf32, #tpu.memory_space<vmem>>)
      %dma_start3A_684 = arith.constant 0 : i32
      %dma_start3A_685 = arith.constant 256 : i32
      %dma_start3A_686 = tpu.memref_slice %arg9[%add3A_62, %dma_start3A_684, %dma_start3A_685] : memref<2048x50x389xf32, #tpu.memory_space<hbm>> -> memref<2x50x128xf32, #tpu.memory_space<hbm>>
      %dma_start3A_687 = arith.constant 0 : i32
      %dma_start3A_688 = arith.constant 256 : i32
      %dma_start3A_689 = tpu.memref_slice %arg9[%add3A_62, %dma_start3A_687, %dma_start3A_688] : memref<2048x50x389xf32, #tpu.memory_space<hbm>> -> memref<2x50x128xf32, #tpu.memory_space<hbm>>
      tpu.enqueue_dma source(%arg15 : memref<2x50x128xf32, #tpu.memory_space<vmem>>) target(%dma_start3A_689 : memref<2x50x128xf32, #tpu.memory_space<hbm>>) target_semaphore(%arg23 : memref<!tpu.dma_semaphore, #tpu.memory_space<semaphore_mem>>)
    }
    %scan3A_9 = arith.constant 32 : i32
    %dma_wait3A = arith.constant 0 : i32
    %dma_wait3A_10 = arith.constant 0 : i32
    %dma_wait3A_11 = tpu.memref_slice %arg9[%mul3A_2, %dma_wait3A, %dma_wait3A_10] : memref<2048x50x389xf32, #tpu.memory_space<hbm>> -> memref<2x50x128xf32, #tpu.memory_space<hbm>>
    %dma_wait3A_12 = arith.constant 0 : i32
    %dma_wait3A_13 = arith.constant 0 : i32
    %dma_wait3A_14 = tpu.memref_slice %arg9[%mul3A_2, %dma_wait3A_12, %dma_wait3A_13] : memref<2048x50x389xf32, #tpu.memory_space<hbm>> -> memref<2x50x128xf32, #tpu.memory_space<hbm>>
    tpu.wait_dma2 semaphore(%arg21 : memref<!tpu.dma_semaphore, #tpu.memory_space<semaphore_mem>>) src(%arg13 : memref<2x50x128xf32, #tpu.memory_space<vmem>>) dst(%dma_wait3A_14 : memref<2x50x128xf32, #tpu.memory_space<hbm>>)
    %dma_wait3A_15 = arith.constant 0 : i32
    %dma_wait3A_16 = arith.constant 128 : i32
    %dma_wait3A_17 = tpu.memref_slice %arg9[%mul3A_2, %dma_wait3A_15, %dma_wait3A_16] : memref<2048x50x389xf32, #tpu.memory_space<hbm>> -> memref<2x50x128xf32, #tpu.memory_space<hbm>>
    %dma_wait3A_18 = arith.constant 0 : i32
    %dma_wait3A_19 = arith.constant 128 : i32
    %dma_wait3A_20 = tpu.memref_slice %arg9[%mul3A_2, %dma_wait3A_18, %dma_wait3A_19] : memref<2048x50x389xf32, #tpu.memory_space<hbm>> -> memref<2x50x128xf32, #tpu.memory_space<hbm>>
    tpu.wait_dma2 semaphore(%arg22 : memref<!tpu.dma_semaphore, #tpu.memory_space<semaphore_mem>>) src(%arg14 : memref<2x50x128xf32, #tpu.memory_space<vmem>>) dst(%dma_wait3A_20 : memref<2x50x128xf32, #tpu.memory_space<hbm>>)
    %dma_wait3A_21 = arith.constant 0 : i32
    %dma_wait3A_22 = arith.constant 256 : i32
    %dma_wait3A_23 = tpu.memref_slice %arg9[%mul3A_2, %dma_wait3A_21, %dma_wait3A_22] : memref<2048x50x389xf32, #tpu.memory_space<hbm>> -> memref<2x50x128xf32, #tpu.memory_space<hbm>>
    %dma_wait3A_24 = arith.constant 0 : i32
    %dma_wait3A_25 = arith.constant 256 : i32
    %dma_wait3A_26 = tpu.memref_slice %arg9[%mul3A_2, %dma_wait3A_24, %dma_wait3A_25] : memref<2048x50x389xf32, #tpu.memory_space<hbm>> -> memref<2x50x128xf32, #tpu.memory_space<hbm>>
    tpu.wait_dma2 semaphore(%arg23 : memref<!tpu.dma_semaphore, #tpu.memory_space<semaphore_mem>>) src(%arg15 : memref<2x50x128xf32, #tpu.memory_space<vmem>>) dst(%dma_wait3A_26 : memref<2x50x128xf32, #tpu.memory_space<hbm>>)
    %add3A_27 = arith.constant 0 : i32
    %add3A_28 = arith.addi %mul3A_2, %add3A_27 : i32
    %dma_wait3A_29 = arith.constant 0 : i32
    %dma_wait3A_30 = arith.constant 0 : i32
    %dma_wait3A_31 = tpu.memref_slice %arg17[%dma_wait3A_29, %dma_wait3A_30] : memref<100x5xf32, #tpu.memory_space<vmem>> -> memref<50x5xf32, #tpu.memory_space<vmem>>
    %dma_wait3A_32 = arith.constant 0 : i32
    %dma_wait3A_33 = arith.constant 384 : i32
    %dma_wait3A_34 = tpu.memref_slice %arg9[%add3A_28, %dma_wait3A_32, %dma_wait3A_33] : memref<2048x50x389xf32, #tpu.memory_space<hbm>> -> memref<1x50x5xf32, #tpu.memory_space<hbm>>
    %dma_wait3A_35 = tpu.memref_squeeze %dma_wait3A_34 : memref<1x50x5xf32, #tpu.memory_space<hbm>> -> memref<50x5xf32, #tpu.memory_space<hbm>>
    %dma_wait3A_36 = arith.constant 0 : i32
    %dma_wait3A_37 = arith.constant 384 : i32
    %dma_wait3A_38 = tpu.memref_slice %arg9[%add3A_28, %dma_wait3A_36, %dma_wait3A_37] : memref<2048x50x389xf32, #tpu.memory_space<hbm>> -> memref<1x50x5xf32, #tpu.memory_space<hbm>>
    %dma_wait3A_39 = tpu.memref_squeeze %dma_wait3A_38 : memref<1x50x5xf32, #tpu.memory_space<hbm>> -> memref<50x5xf32, #tpu.memory_space<hbm>>
    %dma_wait3A_40 = arith.constant 0 : i32
    %dma_wait3A_41 = arith.constant 0 : i32
    %dma_wait3A_42 = tpu.memref_slice %arg17[%dma_wait3A_40, %dma_wait3A_41] : memref<100x5xf32, #tpu.memory_space<vmem>> -> memref<50x5xf32, #tpu.memory_space<vmem>>
    tpu.wait_dma2 semaphore(%arg24 : memref<!tpu.dma_semaphore, #tpu.memory_space<semaphore_mem>>) src(%dma_wait3A_42 : memref<50x5xf32, #tpu.memory_space<vmem>>) dst(%dma_wait3A_39 : memref<50x5xf32, #tpu.memory_space<hbm>>)
    %add3A_43 = arith.constant 1 : i32
    %add3A_44 = arith.addi %mul3A_2, %add3A_43 : i32
    %dma_wait3A_45 = arith.constant 50 : i32
    %dma_wait3A_46 = arith.constant 0 : i32
    %dma_wait3A_47 = tpu.memref_slice %arg17[%dma_wait3A_45, %dma_wait3A_46] : memref<100x5xf32, #tpu.memory_space<vmem>> -> memref<50x5xf32, #tpu.memory_space<vmem>>
    %dma_wait3A_48 = arith.constant 0 : i32
    %dma_wait3A_49 = arith.constant 384 : i32
    %dma_wait3A_50 = tpu.memref_slice %arg9[%add3A_44, %dma_wait3A_48, %dma_wait3A_49] : memref<2048x50x389xf32, #tpu.memory_space<hbm>> -> memref<1x50x5xf32, #tpu.memory_space<hbm>>
    %dma_wait3A_51 = tpu.memref_squeeze %dma_wait3A_50 : memref<1x50x5xf32, #tpu.memory_space<hbm>> -> memref<50x5xf32, #tpu.memory_space<hbm>>
    %dma_wait3A_52 = arith.constant 0 : i32
    %dma_wait3A_53 = arith.constant 384 : i32
    %dma_wait3A_54 = tpu.memref_slice %arg9[%add3A_44, %dma_wait3A_52, %dma_wait3A_53] : memref<2048x50x389xf32, #tpu.memory_space<hbm>> -> memref<1x50x5xf32, #tpu.memory_space<hbm>>
    %dma_wait3A_55 = tpu.memref_squeeze %dma_wait3A_54 : memref<1x50x5xf32, #tpu.memory_space<hbm>> -> memref<50x5xf32, #tpu.memory_space<hbm>>
    %dma_wait3A_56 = arith.constant 50 : i32
    %dma_wait3A_57 = arith.constant 0 : i32
    %dma_wait3A_58 = tpu.memref_slice %arg17[%dma_wait3A_56, %dma_wait3A_57] : memref<100x5xf32, #tpu.memory_space<vmem>> -> memref<50x5xf32, #tpu.memory_space<vmem>>
    tpu.wait_dma2 semaphore(%arg24 : memref<!tpu.dma_semaphore, #tpu.memory_space<semaphore_mem>>) src(%dma_wait3A_58 : memref<50x5xf32, #tpu.memory_space<vmem>>) dst(%dma_wait3A_55 : memref<50x5xf32, #tpu.memory_space<hbm>>)
    return
  }
}

#map = affine_map<(d0, d1) -> (0, 0)>
#map1 = affine_map<(d0, d1) -> (0)>
#map2 = affine_map<(d0, d1) -> (0, 0, 0)>
module attributes {stable_mosaic.version = 14 : i64} {
  func.func @_sc_kernel_body(%arg0: i32, %arg1: i32, %arg2: memref<4096x50xi32, #tpu.memory_space<hbm>>, %arg3: memref<4096x50xi32, #tpu.memory_space<hbm>>, %arg4: memref<4096x50xi32, #tpu.memory_space<hbm>>, %arg5: memref<1024000xf32, #tpu.memory_space<hbm>>, %arg6: memref<1001x128xf32, #tpu.memory_space<hbm>>, %arg7: memref<1001x128xf32, #tpu.memory_space<hbm>>, %arg8: memref<1001x128xf32, #tpu.memory_space<hbm>>, %arg9: memref<2048x50x389xf32, #tpu.memory_space<hbm>>, %arg10: memref<64x50xi32, #tpu.memory_space<vmem>>, %arg11: memref<64x50xi32, #tpu.memory_space<vmem>>, %arg12: memref<64x50xi32, #tpu.memory_space<vmem>>, %arg13: memref<2x50x128xf32, #tpu.memory_space<vmem>>, %arg14: memref<2x50x128xf32, #tpu.memory_space<vmem>>, %arg15: memref<2x50x128xf32, #tpu.memory_space<vmem>>, %arg16: memref<1000xf32, #tpu.memory_space<vmem>>, %arg17: memref<100x5xf32, #tpu.memory_space<vmem>>, %arg18: memref<!tpu.dma_semaphore, #tpu.memory_space<semaphore_mem>>, %arg19: memref<!tpu.dma_semaphore, #tpu.memory_space<semaphore_mem>>, %arg20: memref<!tpu.dma_semaphore, #tpu.memory_space<semaphore_mem>>, %arg21: memref<!tpu.dma_semaphore, #tpu.memory_space<semaphore_mem>>, %arg22: memref<!tpu.dma_semaphore, #tpu.memory_space<semaphore_mem>>, %arg23: memref<!tpu.dma_semaphore, #tpu.memory_space<semaphore_mem>>, %arg24: memref<!tpu.dma_semaphore, #tpu.memory_space<semaphore_mem>>) attributes {dimension_semantics = [#tpu.dimension_semantics<core_parallel>, #tpu.dimension_semantics<subcore_parallel>], iteration_bounds = array<i64: 2, 16>, scalar_prefetch = 0 : i64, scratch_operands = 15 : i64, tpu.core_type = #tpu.core_type<sc_vector_subcore>, window_params = [{transform_indices = #map}, {transform_indices = #map}, {transform_indices = #map}, {transform_indices = #map1}, {transform_indices = #map}, {transform_indices = #map}, {transform_indices = #map}, {transform_indices = #map2}]} {
    %mul3A = arith.constant 2 : i32
    %mul3A_0 = arith.muli %arg1, %mul3A : i32
    %add3A = arith.addi %mul3A_0, %arg0 : i32
    %mul3A_1 = arith.constant 64 : i32
    %mul3A_2 = arith.muli %add3A, %mul3A_1 : i32
    %iota3A = tpu.iota {dimensions = array<i32: 0>} : vector<16xi32>
    %add3A_3 = arith.constant 2048 : i32
    %add3A_4 = arith.addi %add3A_3, %mul3A_2 : i32
    "tpu.region"() ({
      %run_scoped3A = tpu.sem_alloc : memref<!tpu.dma_semaphore, #tpu.memory_space<semaphore_mem>>
      %dma_start3A = arith.constant 0 : i32
      %dma_start3A_59 = tpu.memref_slice %arg2[%add3A_4, %dma_start3A] : memref<4096x50xi32, #tpu.memory_space<hbm>> -> memref<64x50xi32, #tpu.memory_space<hbm>>
      %dma_start3A_60 = arith.constant 0 : i32
      %dma_start3A_61 = tpu.memref_slice %arg2[%add3A_4, %dma_start3A_60] : memref<4096x50xi32, #tpu.memory_space<hbm>> -> memref<64x50xi32, #tpu.memory_space<hbm>>
      tpu.enqueue_dma source(%dma_start3A_61 : memref<64x50xi32, #tpu.memory_space<hbm>>) target(%arg10 : memref<64x50xi32, #tpu.memory_space<vmem>>) target_semaphore(%run_scoped3A : memref<!tpu.dma_semaphore, #tpu.memory_space<semaphore_mem>>)
      %dma_wait3A_62 = arith.constant 0 : i32
      %dma_wait3A_63 = tpu.memref_slice %arg2[%add3A_4, %dma_wait3A_62] : memref<4096x50xi32, #tpu.memory_space<hbm>> -> memref<64x50xi32, #tpu.memory_space<hbm>>
      %dma_wait3A_64 = arith.constant 0 : i32
      %dma_wait3A_65 = tpu.memref_slice %arg2[%add3A_4, %dma_wait3A_64] : memref<4096x50xi32, #tpu.memory_space<hbm>> -> memref<64x50xi32, #tpu.memory_space<hbm>>
      tpu.wait_dma2 semaphore(%run_scoped3A : memref<!tpu.dma_semaphore, #tpu.memory_space<semaphore_mem>>) src(%dma_wait3A_65 : memref<64x50xi32, #tpu.memory_space<hbm>>) dst(%arg10 : memref<64x50xi32, #tpu.memory_space<vmem>>)
      tpu.yield
    }) : () -> ()
    "tpu.region"() ({
      %run_scoped3A = tpu.sem_alloc : memref<!tpu.dma_semaphore, #tpu.memory_space<semaphore_mem>>
      %dma_start3A = arith.constant 0 : i32
      %dma_start3A_59 = tpu.memref_slice %arg3[%add3A_4, %dma_start3A] : memref<4096x50xi32, #tpu.memory_space<hbm>> -> memref<64x50xi32, #tpu.memory_space<hbm>>
      %dma_start3A_60 = arith.constant 0 : i32
      %dma_start3A_61 = tpu.memref_slice %arg3[%add3A_4, %dma_start3A_60] : memref<4096x50xi32, #tpu.memory_space<hbm>> -> memref<64x50xi32, #tpu.memory_space<hbm>>
      tpu.enqueue_dma source(%dma_start3A_61 : memref<64x50xi32, #tpu.memory_space<hbm>>) target(%arg11 : memref<64x50xi32, #tpu.memory_space<vmem>>) target_semaphore(%run_scoped3A : memref<!tpu.dma_semaphore, #tpu.memory_space<semaphore_mem>>)
      %dma_wait3A_62 = arith.constant 0 : i32
      %dma_wait3A_63 = tpu.memref_slice %arg3[%add3A_4, %dma_wait3A_62] : memref<4096x50xi32, #tpu.memory_space<hbm>> -> memref<64x50xi32, #tpu.memory_space<hbm>>
      %dma_wait3A_64 = arith.constant 0 : i32
      %dma_wait3A_65 = tpu.memref_slice %arg3[%add3A_4, %dma_wait3A_64] : memref<4096x50xi32, #tpu.memory_space<hbm>> -> memref<64x50xi32, #tpu.memory_space<hbm>>
      tpu.wait_dma2 semaphore(%run_scoped3A : memref<!tpu.dma_semaphore, #tpu.memory_space<semaphore_mem>>) src(%dma_wait3A_65 : memref<64x50xi32, #tpu.memory_space<hbm>>) dst(%arg11 : memref<64x50xi32, #tpu.memory_space<vmem>>)
      tpu.yield
    }) : () -> ()
    "tpu.region"() ({
      %run_scoped3A = tpu.sem_alloc : memref<!tpu.dma_semaphore, #tpu.memory_space<semaphore_mem>>
      %dma_start3A = arith.constant 0 : i32
      %dma_start3A_59 = tpu.memref_slice %arg4[%add3A_4, %dma_start3A] : memref<4096x50xi32, #tpu.memory_space<hbm>> -> memref<64x50xi32, #tpu.memory_space<hbm>>
      %dma_start3A_60 = arith.constant 0 : i32
      %dma_start3A_61 = tpu.memref_slice %arg4[%add3A_4, %dma_start3A_60] : memref<4096x50xi32, #tpu.memory_space<hbm>> -> memref<64x50xi32, #tpu.memory_space<hbm>>
      tpu.enqueue_dma source(%dma_start3A_61 : memref<64x50xi32, #tpu.memory_space<hbm>>) target(%arg12 : memref<64x50xi32, #tpu.memory_space<vmem>>) target_semaphore(%run_scoped3A : memref<!tpu.dma_semaphore, #tpu.memory_space<semaphore_mem>>)
      %dma_wait3A_62 = arith.constant 0 : i32
      %dma_wait3A_63 = tpu.memref_slice %arg4[%add3A_4, %dma_wait3A_62] : memref<4096x50xi32, #tpu.memory_space<hbm>> -> memref<64x50xi32, #tpu.memory_space<hbm>>
      %dma_wait3A_64 = arith.constant 0 : i32
      %dma_wait3A_65 = tpu.memref_slice %arg4[%add3A_4, %dma_wait3A_64] : memref<4096x50xi32, #tpu.memory_space<hbm>> -> memref<64x50xi32, #tpu.memory_space<hbm>>
      tpu.wait_dma2 semaphore(%run_scoped3A : memref<!tpu.dma_semaphore, #tpu.memory_space<semaphore_mem>>) src(%dma_wait3A_65 : memref<64x50xi32, #tpu.memory_space<hbm>>) dst(%arg12 : memref<64x50xi32, #tpu.memory_space<vmem>>)
      tpu.yield
    }) : () -> ()
    %scan3A = arith.constant 0 : i32
    %scan3A_5 = arith.constant 0 : i32
    %scan3A_6 = arith.constant 32 : i32
    %scan3A_7 = arith.addi %scan3A_5, %scan3A_6 : i32
    %scan3A_8 = arith.constant 1 : i32
    scf.for %scan3A_59 = %scan3A_5 to %scan3A_7 step %scan3A_8  : i32 {
      %mul3A_60 = arith.constant 2 : i32
      %mul3A_61 = arith.muli %scan3A_59, %mul3A_60 : i32
      %add3A_62 = arith.addi %mul3A_2, %mul3A_61 : i32
      %gt3A = arith.constant 0 : i32
      %gt3A_63 = arith.cmpi sgt, %scan3A_59, %gt3A : i32
      %convert_element_type3A = arith.extui %gt3A_63 : i1 to i32
      %cond3A = arith.constant 0 : i32
      %cond3A_64 = arith.cmpi ne, %convert_element_type3A, %cond3A : i32
      scf.if %cond3A_64 {
        %dma_wait3A_690 = arith.constant 0 : i32
        %dma_wait3A_691 = arith.constant 0 : i32
        %dma_wait3A_692 = tpu.memref_slice %arg9[%mul3A_2, %dma_wait3A_690, %dma_wait3A_691] : memref<2048x50x389xf32, #tpu.memory_space<hbm>> -> memref<2x50x128xf32, #tpu.memory_space<hbm>>
        %dma_wait3A_693 = arith.constant 0 : i32
        %dma_wait3A_694 = arith.constant 0 : i32
        %dma_wait3A_695 = tpu.memref_slice %arg9[%mul3A_2, %dma_wait3A_693, %dma_wait3A_694] : memref<2048x50x389xf32, #tpu.memory_space<hbm>> -> memref<2x50x128xf32, #tpu.memory_space<hbm>>
        tpu.wait_dma2 semaphore(%arg21 : memref<!tpu.dma_semaphore, #tpu.memory_space<semaphore_mem>>) src(%arg13 : memref<2x50x128xf32, #tpu.memory_space<vmem>>) dst(%dma_wait3A_695 : memref<2x50x128xf32, #tpu.memory_space<hbm>>)
      } else {
      }
      %mul3A_65 = arith.constant 2 : i32
      %mul3A_66 = arith.muli %scan3A_59, %mul3A_65 : i32
      %add3A_67 = arith.constant 0 : i32
      %add3A_68 = arith.addi %mul3A_66, %add3A_67 : i32
      %dma_start3A = arith.constant 0 : i32
      %dma_start3A_69 = arith.constant 0 : i32
      %dma_start3A_70 = arith.constant 0 : i32
      %dma_start3A_71 = tpu.memref_slice %arg13[%dma_start3A, %dma_start3A_69, %dma_start3A_70] : memref<2x50x128xf32, #tpu.memory_space<vmem>> -> memref<1x50x128xf32, #tpu.memory_space<vmem>>
      %dma_start3A_72 = tpu.memref_squeeze %dma_start3A_71 : memref<1x50x128xf32, #tpu.memory_space<vmem>> -> memref<50x128xf32, #tpu.memory_space<vmem>>
      %dma_start3A_73 = arith.constant 0 : i32
      %dma_start3A_74 = tpu.memref_slice %arg10[%add3A_68, %dma_start3A_73] : memref<64x50xi32, #tpu.memory_space<vmem>> -> memref<1x50xi32, #tpu.memory_space<vmem>>
      %dma_start3A_75 = tpu.memref_squeeze %dma_start3A_74 : memref<1x50xi32, #tpu.memory_space<vmem>> -> memref<50xi32, #tpu.memory_space<vmem>>
      %dma_start3A_76 = arith.constant 0 : i32
      %dma_start3A_77 = arith.constant 0 : i32
      %dma_start3A_78 = tpu.memref_slice %arg6[%dma_start3A_76, %dma_start3A_77] : memref<1001x128xf32, #tpu.memory_space<hbm>> -> memref<1001x128xf32, #tpu.memory_space<hbm>>
      tpu.enqueue_indirect_dma source(%dma_start3A_78 : memref<1001x128xf32, #tpu.memory_space<hbm>>) target(%dma_start3A_72 : memref<50x128xf32, #tpu.memory_space<vmem>>) offsets(%dma_start3A_75 : memref<50xi32, #tpu.memory_space<vmem>>) semaphore(%arg18 : memref<!tpu.dma_semaphore, #tpu.memory_space<semaphore_mem>>)
      %mul3A_79 = arith.constant 2 : i32
      %mul3A_80 = arith.muli %scan3A_59, %mul3A_79 : i32
      %add3A_81 = arith.constant 1 : i32
      %add3A_82 = arith.addi %mul3A_80, %add3A_81 : i32
      %dma_start3A_83 = arith.constant 1 : i32
      %dma_start3A_84 = arith.constant 0 : i32
      %dma_start3A_85 = arith.constant 0 : i32
      %dma_start3A_86 = tpu.memref_slice %arg13[%dma_start3A_83, %dma_start3A_84, %dma_start3A_85] : memref<2x50x128xf32, #tpu.memory_space<vmem>> -> memref<1x50x128xf32, #tpu.memory_space<vmem>>
      %dma_start3A_87 = tpu.memref_squeeze %dma_start3A_86 : memref<1x50x128xf32, #tpu.memory_space<vmem>> -> memref<50x128xf32, #tpu.memory_space<vmem>>
      %dma_start3A_88 = arith.constant 0 : i32
      %dma_start3A_89 = tpu.memref_slice %arg10[%add3A_82, %dma_start3A_88] : memref<64x50xi32, #tpu.memory_space<vmem>> -> memref<1x50xi32, #tpu.memory_space<vmem>>
      %dma_start3A_90 = tpu.memref_squeeze %dma_start3A_89 : memref<1x50xi32, #tpu.memory_space<vmem>> -> memref<50xi32, #tpu.memory_space<vmem>>
      %dma_start3A_91 = arith.constant 0 : i32
      %dma_start3A_92 = arith.constant 0 : i32
      %dma_start3A_93 = tpu.memref_slice %arg6[%dma_start3A_91, %dma_start3A_92] : memref<1001x128xf32, #tpu.memory_space<hbm>> -> memref<1001x128xf32, #tpu.memory_space<hbm>>
      tpu.enqueue_indirect_dma source(%dma_start3A_93 : memref<1001x128xf32, #tpu.memory_space<hbm>>) target(%dma_start3A_87 : memref<50x128xf32, #tpu.memory_space<vmem>>) offsets(%dma_start3A_90 : memref<50xi32, #tpu.memory_space<vmem>>) semaphore(%arg18 : memref<!tpu.dma_semaphore, #tpu.memory_space<semaphore_mem>>)
      %gt3A_94 = arith.constant 0 : i32
      %gt3A_95 = arith.cmpi sgt, %scan3A_59, %gt3A_94 : i32
      %convert_element_type3A_96 = arith.extui %gt3A_95 : i1 to i32
      %cond3A_97 = arith.constant 0 : i32
      %cond3A_98 = arith.cmpi ne, %convert_element_type3A_96, %cond3A_97 : i32
      scf.if %cond3A_98 {
        %dma_wait3A_690 = arith.constant 0 : i32
        %dma_wait3A_691 = arith.constant 128 : i32
        %dma_wait3A_692 = tpu.memref_slice %arg9[%mul3A_2, %dma_wait3A_690, %dma_wait3A_691] : memref<2048x50x389xf32, #tpu.memory_space<hbm>> -> memref<2x50x128xf32, #tpu.memory_space<hbm>>
        %dma_wait3A_693 = arith.constant 0 : i32
        %dma_wait3A_694 = arith.constant 128 : i32
        %dma_wait3A_695 = tpu.memref_slice %arg9[%mul3A_2, %dma_wait3A_693, %dma_wait3A_694] : memref<2048x50x389xf32, #tpu.memory_space<hbm>> -> memref<2x50x128xf32, #tpu.memory_space<hbm>>
        tpu.wait_dma2 semaphore(%arg22 : memref<!tpu.dma_semaphore, #tpu.memory_space<semaphore_mem>>) src(%arg14 : memref<2x50x128xf32, #tpu.memory_space<vmem>>) dst(%dma_wait3A_695 : memref<2x50x128xf32, #tpu.memory_space<hbm>>)
      } else {
      }
      %mul3A_99 = arith.constant 2 : i32
      %mul3A_100 = arith.muli %scan3A_59, %mul3A_99 : i32
      %add3A_101 = arith.constant 0 : i32
      %add3A_102 = arith.addi %mul3A_100, %add3A_101 : i32
      %dma_start3A_103 = arith.constant 0 : i32
      %dma_start3A_104 = arith.constant 0 : i32
      %dma_start3A_105 = arith.constant 0 : i32
      %dma_start3A_106 = tpu.memref_slice %arg14[%dma_start3A_103, %dma_start3A_104, %dma_start3A_105] : memref<2x50x128xf32, #tpu.memory_space<vmem>> -> memref<1x50x128xf32, #tpu.memory_space<vmem>>
      %dma_start3A_107 = tpu.memref_squeeze %dma_start3A_106 : memref<1x50x128xf32, #tpu.memory_space<vmem>> -> memref<50x128xf32, #tpu.memory_space<vmem>>
      %dma_start3A_108 = arith.constant 0 : i32
      %dma_start3A_109 = tpu.memref_slice %arg11[%add3A_102, %dma_start3A_108] : memref<64x50xi32, #tpu.memory_space<vmem>> -> memref<1x50xi32, #tpu.memory_space<vmem>>
      %dma_start3A_110 = tpu.memref_squeeze %dma_start3A_109 : memref<1x50xi32, #tpu.memory_space<vmem>> -> memref<50xi32, #tpu.memory_space<vmem>>
      %dma_start3A_111 = arith.constant 0 : i32
      %dma_start3A_112 = arith.constant 0 : i32
      %dma_start3A_113 = tpu.memref_slice %arg7[%dma_start3A_111, %dma_start3A_112] : memref<1001x128xf32, #tpu.memory_space<hbm>> -> memref<1001x128xf32, #tpu.memory_space<hbm>>
      tpu.enqueue_indirect_dma source(%dma_start3A_113 : memref<1001x128xf32, #tpu.memory_space<hbm>>) target(%dma_start3A_107 : memref<50x128xf32, #tpu.memory_space<vmem>>) offsets(%dma_start3A_110 : memref<50xi32, #tpu.memory_space<vmem>>) semaphore(%arg19 : memref<!tpu.dma_semaphore, #tpu.memory_space<semaphore_mem>>)
      %mul3A_114 = arith.constant 2 : i32
      %mul3A_115 = arith.muli %scan3A_59, %mul3A_114 : i32
      %add3A_116 = arith.constant 1 : i32
      %add3A_117 = arith.addi %mul3A_115, %add3A_116 : i32
      %dma_start3A_118 = arith.constant 1 : i32
      %dma_start3A_119 = arith.constant 0 : i32
      %dma_start3A_120 = arith.constant 0 : i32
      %dma_start3A_121 = tpu.memref_slice %arg14[%dma_start3A_118, %dma_start3A_119, %dma_start3A_120] : memref<2x50x128xf32, #tpu.memory_space<vmem>> -> memref<1x50x128xf32, #tpu.memory_space<vmem>>
      %dma_start3A_122 = tpu.memref_squeeze %dma_start3A_121 : memref<1x50x128xf32, #tpu.memory_space<vmem>> -> memref<50x128xf32, #tpu.memory_space<vmem>>
      %dma_start3A_123 = arith.constant 0 : i32
      %dma_start3A_124 = tpu.memref_slice %arg11[%add3A_117, %dma_start3A_123] : memref<64x50xi32, #tpu.memory_space<vmem>> -> memref<1x50xi32, #tpu.memory_space<vmem>>
      %dma_start3A_125 = tpu.memref_squeeze %dma_start3A_124 : memref<1x50xi32, #tpu.memory_space<vmem>> -> memref<50xi32, #tpu.memory_space<vmem>>
      %dma_start3A_126 = arith.constant 0 : i32
      %dma_start3A_127 = arith.constant 0 : i32
      %dma_start3A_128 = tpu.memref_slice %arg7[%dma_start3A_126, %dma_start3A_127] : memref<1001x128xf32, #tpu.memory_space<hbm>> -> memref<1001x128xf32, #tpu.memory_space<hbm>>
      tpu.enqueue_indirect_dma source(%dma_start3A_128 : memref<1001x128xf32, #tpu.memory_space<hbm>>) target(%dma_start3A_122 : memref<50x128xf32, #tpu.memory_space<vmem>>) offsets(%dma_start3A_125 : memref<50xi32, #tpu.memory_space<vmem>>) semaphore(%arg19 : memref<!tpu.dma_semaphore, #tpu.memory_space<semaphore_mem>>)
      %gt3A_129 = arith.constant 0 : i32
      %gt3A_130 = arith.cmpi sgt, %scan3A_59, %gt3A_129 : i32
      %convert_element_type3A_131 = arith.extui %gt3A_130 : i1 to i32
      %cond3A_132 = arith.constant 0 : i32
      %cond3A_133 = arith.cmpi ne, %convert_element_type3A_131, %cond3A_132 : i32
      scf.if %cond3A_133 {
        %dma_wait3A_690 = arith.constant 0 : i32
        %dma_wait3A_691 = arith.constant 256 : i32
        %dma_wait3A_692 = tpu.memref_slice %arg9[%mul3A_2, %dma_wait3A_690, %dma_wait3A_691] : memref<2048x50x389xf32, #tpu.memory_space<hbm>> -> memref<2x50x128xf32, #tpu.memory_space<hbm>>
        %dma_wait3A_693 = arith.constant 0 : i32
        %dma_wait3A_694 = arith.constant 256 : i32
        %dma_wait3A_695 = tpu.memref_slice %arg9[%mul3A_2, %dma_wait3A_693, %dma_wait3A_694] : memref<2048x50x389xf32, #tpu.memory_space<hbm>> -> memref<2x50x128xf32, #tpu.memory_space<hbm>>
        tpu.wait_dma2 semaphore(%arg23 : memref<!tpu.dma_semaphore, #tpu.memory_space<semaphore_mem>>) src(%arg15 : memref<2x50x128xf32, #tpu.memory_space<vmem>>) dst(%dma_wait3A_695 : memref<2x50x128xf32, #tpu.memory_space<hbm>>)
      } else {
      }
      %mul3A_134 = arith.constant 2 : i32
      %mul3A_135 = arith.muli %scan3A_59, %mul3A_134 : i32
      %add3A_136 = arith.constant 0 : i32
      %add3A_137 = arith.addi %mul3A_135, %add3A_136 : i32
      %dma_start3A_138 = arith.constant 0 : i32
      %dma_start3A_139 = arith.constant 0 : i32
      %dma_start3A_140 = arith.constant 0 : i32
      %dma_start3A_141 = tpu.memref_slice %arg15[%dma_start3A_138, %dma_start3A_139, %dma_start3A_140] : memref<2x50x128xf32, #tpu.memory_space<vmem>> -> memref<1x50x128xf32, #tpu.memory_space<vmem>>
      %dma_start3A_142 = tpu.memref_squeeze %dma_start3A_141 : memref<1x50x128xf32, #tpu.memory_space<vmem>> -> memref<50x128xf32, #tpu.memory_space<vmem>>
      %dma_start3A_143 = arith.constant 0 : i32
      %dma_start3A_144 = tpu.memref_slice %arg12[%add3A_137, %dma_start3A_143] : memref<64x50xi32, #tpu.memory_space<vmem>> -> memref<1x50xi32, #tpu.memory_space<vmem>>
      %dma_start3A_145 = tpu.memref_squeeze %dma_start3A_144 : memref<1x50xi32, #tpu.memory_space<vmem>> -> memref<50xi32, #tpu.memory_space<vmem>>
      %dma_start3A_146 = arith.constant 0 : i32
      %dma_start3A_147 = arith.constant 0 : i32
      %dma_start3A_148 = tpu.memref_slice %arg8[%dma_start3A_146, %dma_start3A_147] : memref<1001x128xf32, #tpu.memory_space<hbm>> -> memref<1001x128xf32, #tpu.memory_space<hbm>>
      tpu.enqueue_indirect_dma source(%dma_start3A_148 : memref<1001x128xf32, #tpu.memory_space<hbm>>) target(%dma_start3A_142 : memref<50x128xf32, #tpu.memory_space<vmem>>) offsets(%dma_start3A_145 : memref<50xi32, #tpu.memory_space<vmem>>) semaphore(%arg20 : memref<!tpu.dma_semaphore, #tpu.memory_space<semaphore_mem>>)
      %mul3A_149 = arith.constant 2 : i32
      %mul3A_150 = arith.muli %scan3A_59, %mul3A_149 : i32
      %add3A_151 = arith.constant 1 : i32
      %add3A_152 = arith.addi %mul3A_150, %add3A_151 : i32
      %dma_start3A_153 = arith.constant 1 : i32
      %dma_start3A_154 = arith.constant 0 : i32
      %dma_start3A_155 = arith.constant 0 : i32
      %dma_start3A_156 = tpu.memref_slice %arg15[%dma_start3A_153, %dma_start3A_154, %dma_start3A_155] : memref<2x50x128xf32, #tpu.memory_space<vmem>> -> memref<1x50x128xf32, #tpu.memory_space<vmem>>
      %dma_start3A_157 = tpu.memref_squeeze %dma_start3A_156 : memref<1x50x128xf32, #tpu.memory_space<vmem>> -> memref<50x128xf32, #tpu.memory_space<vmem>>
      %dma_start3A_158 = arith.constant 0 : i32
      %dma_start3A_159 = tpu.memref_slice %arg12[%add3A_152, %dma_start3A_158] : memref<64x50xi32, #tpu.memory_space<vmem>> -> memref<1x50xi32, #tpu.memory_space<vmem>>
      %dma_start3A_160 = tpu.memref_squeeze %dma_start3A_159 : memref<1x50xi32, #tpu.memory_space<vmem>> -> memref<50xi32, #tpu.memory_space<vmem>>
      %dma_start3A_161 = arith.constant 0 : i32
      %dma_start3A_162 = arith.constant 0 : i32
      %dma_start3A_163 = tpu.memref_slice %arg8[%dma_start3A_161, %dma_start3A_162] : memref<1001x128xf32, #tpu.memory_space<hbm>> -> memref<1001x128xf32, #tpu.memory_space<hbm>>
      tpu.enqueue_indirect_dma source(%dma_start3A_163 : memref<1001x128xf32, #tpu.memory_space<hbm>>) target(%dma_start3A_157 : memref<50x128xf32, #tpu.memory_space<vmem>>) offsets(%dma_start3A_160 : memref<50xi32, #tpu.memory_space<vmem>>) semaphore(%arg20 : memref<!tpu.dma_semaphore, #tpu.memory_space<semaphore_mem>>)
      %gt3A_164 = arith.constant 0 : i32
      %gt3A_165 = arith.cmpi sgt, %scan3A_59, %gt3A_164 : i32
      %convert_element_type3A_166 = arith.extui %gt3A_165 : i1 to i32
      %cond3A_167 = arith.constant 0 : i32
      %cond3A_168 = arith.cmpi ne, %convert_element_type3A_166, %cond3A_167 : i32
      scf.if %cond3A_168 {
        %add3A_690 = arith.constant 0 : i32
        %add3A_691 = arith.addi %mul3A_2, %add3A_690 : i32
        %dma_wait3A_692 = arith.constant 0 : i32
        %dma_wait3A_693 = arith.constant 0 : i32
        %dma_wait3A_694 = tpu.memref_slice %arg17[%dma_wait3A_692, %dma_wait3A_693] : memref<100x5xf32, #tpu.memory_space<vmem>> -> memref<50x5xf32, #tpu.memory_space<vmem>>
        %dma_wait3A_695 = arith.constant 0 : i32
        %dma_wait3A_696 = arith.constant 384 : i32
        %dma_wait3A_697 = tpu.memref_slice %arg9[%add3A_691, %dma_wait3A_695, %dma_wait3A_696] : memref<2048x50x389xf32, #tpu.memory_space<hbm>> -> memref<1x50x5xf32, #tpu.memory_space<hbm>>
        %dma_wait3A_698 = tpu.memref_squeeze %dma_wait3A_697 : memref<1x50x5xf32, #tpu.memory_space<hbm>> -> memref<50x5xf32, #tpu.memory_space<hbm>>
        %dma_wait3A_699 = arith.constant 0 : i32
        %dma_wait3A_700 = arith.constant 384 : i32
        %dma_wait3A_701 = tpu.memref_slice %arg9[%add3A_691, %dma_wait3A_699, %dma_wait3A_700] : memref<2048x50x389xf32, #tpu.memory_space<hbm>> -> memref<1x50x5xf32, #tpu.memory_space<hbm>>
        %dma_wait3A_702 = tpu.memref_squeeze %dma_wait3A_701 : memref<1x50x5xf32, #tpu.memory_space<hbm>> -> memref<50x5xf32, #tpu.memory_space<hbm>>
        %dma_wait3A_703 = arith.constant 0 : i32
        %dma_wait3A_704 = arith.constant 0 : i32
        %dma_wait3A_705 = tpu.memref_slice %arg17[%dma_wait3A_703, %dma_wait3A_704] : memref<100x5xf32, #tpu.memory_space<vmem>> -> memref<50x5xf32, #tpu.memory_space<vmem>>
        tpu.wait_dma2 semaphore(%arg24 : memref<!tpu.dma_semaphore, #tpu.memory_space<semaphore_mem>>) src(%dma_wait3A_705 : memref<50x5xf32, #tpu.memory_space<vmem>>) dst(%dma_wait3A_702 : memref<50x5xf32, #tpu.memory_space<hbm>>)
        %add3A_706 = arith.constant 1 : i32
        %add3A_707 = arith.addi %mul3A_2, %add3A_706 : i32
        %dma_wait3A_708 = arith.constant 50 : i32
        %dma_wait3A_709 = arith.constant 0 : i32
        %dma_wait3A_710 = tpu.memref_slice %arg17[%dma_wait3A_708, %dma_wait3A_709] : memref<100x5xf32, #tpu.memory_space<vmem>> -> memref<50x5xf32, #tpu.memory_space<vmem>>
        %dma_wait3A_711 = arith.constant 0 : i32
        %dma_wait3A_712 = arith.constant 384 : i32
        %dma_wait3A_713 = tpu.memref_slice %arg9[%add3A_707, %dma_wait3A_711, %dma_wait3A_712] : memref<2048x50x389xf32, #tpu.memory_space<hbm>> -> memref<1x50x5xf32, #tpu.memory_space<hbm>>
        %dma_wait3A_714 = tpu.memref_squeeze %dma_wait3A_713 : memref<1x50x5xf32, #tpu.memory_space<hbm>> -> memref<50x5xf32, #tpu.memory_space<hbm>>
        %dma_wait3A_715 = arith.constant 0 : i32
        %dma_wait3A_716 = arith.constant 384 : i32
        %dma_wait3A_717 = tpu.memref_slice %arg9[%add3A_707, %dma_wait3A_715, %dma_wait3A_716] : memref<2048x50x389xf32, #tpu.memory_space<hbm>> -> memref<1x50x5xf32, #tpu.memory_space<hbm>>
        %dma_wait3A_718 = tpu.memref_squeeze %dma_wait3A_717 : memref<1x50x5xf32, #tpu.memory_space<hbm>> -> memref<50x5xf32, #tpu.memory_space<hbm>>
        %dma_wait3A_719 = arith.constant 50 : i32
        %dma_wait3A_720 = arith.constant 0 : i32
        %dma_wait3A_721 = tpu.memref_slice %arg17[%dma_wait3A_719, %dma_wait3A_720] : memref<100x5xf32, #tpu.memory_space<vmem>> -> memref<50x5xf32, #tpu.memory_space<vmem>>
        tpu.wait_dma2 semaphore(%arg24 : memref<!tpu.dma_semaphore, #tpu.memory_space<semaphore_mem>>) src(%dma_wait3A_721 : memref<50x5xf32, #tpu.memory_space<vmem>>) dst(%dma_wait3A_718 : memref<50x5xf32, #tpu.memory_space<hbm>>)
      } else {
      }
      %rem3A = arith.constant 2 : i32
      %rem3A_169 = arith.remsi %scan3A_59, %rem3A : i32
      %eq3A = arith.constant 0 : i32
      %eq3A_170 = arith.cmpi eq, %rem3A_169, %eq3A : i32
      %convert_element_type3A_171 = arith.extui %eq3A_170 : i1 to i32
      %cond3A_172 = arith.constant 0 : i32
      %cond3A_173 = arith.cmpi ne, %convert_element_type3A_171, %cond3A_172 : i32
      scf.if %cond3A_173 {
        %add3A_690 = arith.constant 2048 : i32
        %add3A_691 = arith.addi %add3A_690, %add3A_62 : i32
        %mul3A_692 = arith.constant 250 : i32
        %mul3A_693 = arith.muli %add3A_691, %mul3A_692 : i32
        %multiple_of3A = tpu.assume_multiple %mul3A_693, 1000 : i32
        "tpu.region"() ({
          %run_scoped3A = tpu.sem_alloc : memref<!tpu.dma_semaphore, #tpu.memory_space<semaphore_mem>>
          %dma_start3A_694 = tpu.memref_slice %arg5[%multiple_of3A] : memref<1024000xf32, #tpu.memory_space<hbm>> -> memref<1000xf32, #tpu.memory_space<hbm>>
          %dma_start3A_695 = tpu.memref_slice %arg5[%multiple_of3A] : memref<1024000xf32, #tpu.memory_space<hbm>> -> memref<1000xf32, #tpu.memory_space<hbm>>
          tpu.enqueue_dma source(%dma_start3A_695 : memref<1000xf32, #tpu.memory_space<hbm>>) target(%arg16 : memref<1000xf32, #tpu.memory_space<vmem>>) target_semaphore(%run_scoped3A : memref<!tpu.dma_semaphore, #tpu.memory_space<semaphore_mem>>)
          %dma_wait3A_696 = tpu.memref_slice %arg5[%multiple_of3A] : memref<1024000xf32, #tpu.memory_space<hbm>> -> memref<1000xf32, #tpu.memory_space<hbm>>
          %dma_wait3A_697 = tpu.memref_slice %arg5[%multiple_of3A] : memref<1024000xf32, #tpu.memory_space<hbm>> -> memref<1000xf32, #tpu.memory_space<hbm>>
          tpu.wait_dma2 semaphore(%run_scoped3A : memref<!tpu.dma_semaphore, #tpu.memory_space<semaphore_mem>>) src(%dma_wait3A_697 : memref<1000xf32, #tpu.memory_space<hbm>>) dst(%arg16 : memref<1000xf32, #tpu.memory_space<vmem>>)
          tpu.yield
        }) : () -> ()
      } else {
      }
      %mul3A_174 = arith.constant 500 : i32
      %mul3A_175 = arith.muli %rem3A_169, %mul3A_174 : i32
      %add3A_176 = arith.constant 0 : i32
      %add3A_177 = arith.addi %mul3A_175, %add3A_176 : i32
      %add3A_178 = vector.broadcast %add3A_177 : i32 to vector<16xi32>
      %add3A_179 = arith.addi %add3A_178, %iota3A : vector<16xi32>
      %gather3A = tpu.vector_load_idx %arg16[%add3A_179] : memref<1000xf32, #tpu.memory_space<vmem>>[vector<16xi32>], vector<16xf32>,
      %add3A_180 = arith.constant 0 : i32
      %add3A_181 = vector.broadcast %add3A_180 : i32 to vector<16xi32>
      %add3A_182 = arith.addi %add3A_181, %iota3A : vector<16xi32>
      %broadcast_in_dim3A = arith.constant 0 : i32
      %broadcast_in_dim3A_183 = vector.broadcast %broadcast_in_dim3A : i32 to vector<16xi32>
      tpu.vector_store_idx %arg17[%add3A_182, %broadcast_in_dim3A_183], %gather3A : memref<100x5xf32, #tpu.memory_space<vmem>>[vector<16xi32>, vector<16xi32>], vector<16xf32>,
      %add3A_184 = arith.constant 16 : i32
      %add3A_185 = arith.addi %mul3A_175, %add3A_184 : i32
      %add3A_186 = vector.broadcast %add3A_185 : i32 to vector<16xi32>
      %add3A_187 = arith.addi %add3A_186, %iota3A : vector<16xi32>
      %gather3A_188 = tpu.vector_load_idx %arg16[%add3A_187] : memref<1000xf32, #tpu.memory_space<vmem>>[vector<16xi32>], vector<16xf32>,
      %add3A_189 = arith.constant 16 : i32
      %add3A_190 = vector.broadcast %add3A_189 : i32 to vector<16xi32>
      %add3A_191 = arith.addi %add3A_190, %iota3A : vector<16xi32>
      %broadcast_in_dim3A_192 = arith.constant 0 : i32
      %broadcast_in_dim3A_193 = vector.broadcast %broadcast_in_dim3A_192 : i32 to vector<16xi32>
      tpu.vector_store_idx %arg17[%add3A_191, %broadcast_in_dim3A_193], %gather3A_188 : memref<100x5xf32, #tpu.memory_space<vmem>>[vector<16xi32>, vector<16xi32>], vector<16xf32>,
      %add3A_194 = arith.constant 32 : i32
      %add3A_195 = arith.addi %mul3A_175, %add3A_194 : i32
      %add3A_196 = vector.broadcast %add3A_195 : i32 to vector<16xi32>
      %add3A_197 = arith.addi %add3A_196, %iota3A : vector<16xi32>
      %gather3A_198 = tpu.vector_load_idx %arg16[%add3A_197] : memref<1000xf32, #tpu.memory_space<vmem>>[vector<16xi32>], vector<16xf32>,
      %add3A_199 = arith.constant 32 : i32
      %add3A_200 = vector.broadcast %add3A_199 : i32 to vector<16xi32>
      %add3A_201 = arith.addi %add3A_200, %iota3A : vector<16xi32>
      %broadcast_in_dim3A_202 = arith.constant 0 : i32
      %broadcast_in_dim3A_203 = vector.broadcast %broadcast_in_dim3A_202 : i32 to vector<16xi32>
      tpu.vector_store_idx %arg17[%add3A_201, %broadcast_in_dim3A_203], %gather3A_198 : memref<100x5xf32, #tpu.memory_space<vmem>>[vector<16xi32>, vector<16xi32>], vector<16xf32>,
      %add3A_204 = arith.constant 34 : i32
      %add3A_205 = arith.addi %mul3A_175, %add3A_204 : i32
      %add3A_206 = vector.broadcast %add3A_205 : i32 to vector<16xi32>
      %add3A_207 = arith.addi %add3A_206, %iota3A : vector<16xi32>
      %gather3A_208 = tpu.vector_load_idx %arg16[%add3A_207] : memref<1000xf32, #tpu.memory_space<vmem>>[vector<16xi32>], vector<16xf32>,
      %add3A_209 = arith.constant 34 : i32
      %add3A_210 = vector.broadcast %add3A_209 : i32 to vector<16xi32>
      %add3A_211 = arith.addi %add3A_210, %iota3A : vector<16xi32>
      %broadcast_in_dim3A_212 = arith.constant 0 : i32
      %broadcast_in_dim3A_213 = vector.broadcast %broadcast_in_dim3A_212 : i32 to vector<16xi32>
      tpu.vector_store_idx %arg17[%add3A_211, %broadcast_in_dim3A_213], %gather3A_208 : memref<100x5xf32, #tpu.memory_space<vmem>>[vector<16xi32>, vector<16xi32>], vector<16xf32>,
      %add3A_214 = arith.constant 50 : i32
      %add3A_215 = arith.addi %mul3A_175, %add3A_214 : i32
      %add3A_216 = vector.broadcast %add3A_215 : i32 to vector<16xi32>
      %add3A_217 = arith.addi %add3A_216, %iota3A : vector<16xi32>
      %gather3A_218 = tpu.vector_load_idx %arg16[%add3A_217] : memref<1000xf32, #tpu.memory_space<vmem>>[vector<16xi32>], vector<16xf32>,
      %add3A_219 = arith.constant 0 : i32
      %add3A_220 = vector.broadcast %add3A_219 : i32 to vector<16xi32>
      %add3A_221 = arith.addi %add3A_220, %iota3A : vector<16xi32>
      %broadcast_in_dim3A_222 = arith.constant 1 : i32
      %broadcast_in_dim3A_223 = vector.broadcast %broadcast_in_dim3A_222 : i32 to vector<16xi32>
      tpu.vector_store_idx %arg17[%add3A_221, %broadcast_in_dim3A_223], %gather3A_218 : memref<100x5xf32, #tpu.memory_space<vmem>>[vector<16xi32>, vector<16xi32>], vector<16xf32>,
      %add3A_224 = arith.constant 66 : i32
      %add3A_225 = arith.addi %mul3A_175, %add3A_224 : i32
      %add3A_226 = vector.broadcast %add3A_225 : i32 to vector<16xi32>
      %add3A_227 = arith.addi %add3A_226, %iota3A : vector<16xi32>
      %gather3A_228 = tpu.vector_load_idx %arg16[%add3A_227] : memref<1000xf32, #tpu.memory_space<vmem>>[vector<16xi32>], vector<16xf32>,
      %add3A_229 = arith.constant 16 : i32
      %add3A_230 = vector.broadcast %add3A_229 : i32 to vector<16xi32>
      %add3A_231 = arith.addi %add3A_230, %iota3A : vector<16xi32>
      %broadcast_in_dim3A_232 = arith.constant 1 : i32
      %broadcast_in_dim3A_233 = vector.broadcast %broadcast_in_dim3A_232 : i32 to vector<16xi32>
      tpu.vector_store_idx %arg17[%add3A_231, %broadcast_in_dim3A_233], %gather3A_228 : memref<100x5xf32, #tpu.memory_space<vmem>>[vector<16xi32>, vector<16xi32>], vector<16xf32>,
      %add3A_234 = arith.constant 82 : i32
      %add3A_235 = arith.addi %mul3A_175, %add3A_234 : i32
      %add3A_236 = vector.broadcast %add3A_235 : i32 to vector<16xi32>
      %add3A_237 = arith.addi %add3A_236, %iota3A : vector<16xi32>
      %gather3A_238 = tpu.vector_load_idx %arg16[%add3A_237] : memref<1000xf32, #tpu.memory_space<vmem>>[vector<16xi32>], vector<16xf32>,
      %add3A_239 = arith.constant 32 : i32
      %add3A_240 = vector.broadcast %add3A_239 : i32 to vector<16xi32>
      %add3A_241 = arith.addi %add3A_240, %iota3A : vector<16xi32>
      %broadcast_in_dim3A_242 = arith.constant 1 : i32
      %broadcast_in_dim3A_243 = vector.broadcast %broadcast_in_dim3A_242 : i32 to vector<16xi32>
      tpu.vector_store_idx %arg17[%add3A_241, %broadcast_in_dim3A_243], %gather3A_238 : memref<100x5xf32, #tpu.memory_space<vmem>>[vector<16xi32>, vector<16xi32>], vector<16xf32>,
      %add3A_244 = arith.constant 84 : i32
      %add3A_245 = arith.addi %mul3A_175, %add3A_244 : i32
      %add3A_246 = vector.broadcast %add3A_245 : i32 to vector<16xi32>
      %add3A_247 = arith.addi %add3A_246, %iota3A : vector<16xi32>
      %gather3A_248 = tpu.vector_load_idx %arg16[%add3A_247] : memref<1000xf32, #tpu.memory_space<vmem>>[vector<16xi32>], vector<16xf32>,
      %add3A_249 = arith.constant 34 : i32
      %add3A_250 = vector.broadcast %add3A_249 : i32 to vector<16xi32>
      %add3A_251 = arith.addi %add3A_250, %iota3A : vector<16xi32>
      %broadcast_in_dim3A_252 = arith.constant 1 : i32
      %broadcast_in_dim3A_253 = vector.broadcast %broadcast_in_dim3A_252 : i32 to vector<16xi32>
      tpu.vector_store_idx %arg17[%add3A_251, %broadcast_in_dim3A_253], %gather3A_248 : memref<100x5xf32, #tpu.memory_space<vmem>>[vector<16xi32>, vector<16xi32>], vector<16xf32>,
      %add3A_254 = arith.constant 100 : i32
      %add3A_255 = arith.addi %mul3A_175, %add3A_254 : i32
      %add3A_256 = vector.broadcast %add3A_255 : i32 to vector<16xi32>
      %add3A_257 = arith.addi %add3A_256, %iota3A : vector<16xi32>
      %gather3A_258 = tpu.vector_load_idx %arg16[%add3A_257] : memref<1000xf32, #tpu.memory_space<vmem>>[vector<16xi32>], vector<16xf32>,
      %add3A_259 = arith.constant 0 : i32
      %add3A_260 = vector.broadcast %add3A_259 : i32 to vector<16xi32>
      %add3A_261 = arith.addi %add3A_260, %iota3A : vector<16xi32>
      %broadcast_in_dim3A_262 = arith.constant 2 : i32
      %broadcast_in_dim3A_263 = vector.broadcast %broadcast_in_dim3A_262 : i32 to vector<16xi32>
      tpu.vector_store_idx %arg17[%add3A_261, %broadcast_in_dim3A_263], %gather3A_258 : memref<100x5xf32, #tpu.memory_space<vmem>>[vector<16xi32>, vector<16xi32>], vector<16xf32>,
      %add3A_264 = arith.constant 116 : i32
      %add3A_265 = arith.addi %mul3A_175, %add3A_264 : i32
      %add3A_266 = vector.broadcast %add3A_265 : i32 to vector<16xi32>
      %add3A_267 = arith.addi %add3A_266, %iota3A : vector<16xi32>
      %gather3A_268 = tpu.vector_load_idx %arg16[%add3A_267] : memref<1000xf32, #tpu.memory_space<vmem>>[vector<16xi32>], vector<16xf32>,
      %add3A_269 = arith.constant 16 : i32
      %add3A_270 = vector.broadcast %add3A_269 : i32 to vector<16xi32>
      %add3A_271 = arith.addi %add3A_270, %iota3A : vector<16xi32>
      %broadcast_in_dim3A_272 = arith.constant 2 : i32
      %broadcast_in_dim3A_273 = vector.broadcast %broadcast_in_dim3A_272 : i32 to vector<16xi32>
      tpu.vector_store_idx %arg17[%add3A_271, %broadcast_in_dim3A_273], %gather3A_268 : memref<100x5xf32, #tpu.memory_space<vmem>>[vector<16xi32>, vector<16xi32>], vector<16xf32>,
      %add3A_274 = arith.constant 132 : i32
      %add3A_275 = arith.addi %mul3A_175, %add3A_274 : i32
      %add3A_276 = vector.broadcast %add3A_275 : i32 to vector<16xi32>
      %add3A_277 = arith.addi %add3A_276, %iota3A : vector<16xi32>
      %gather3A_278 = tpu.vector_load_idx %arg16[%add3A_277] : memref<1000xf32, #tpu.memory_space<vmem>>[vector<16xi32>], vector<16xf32>,
      %add3A_279 = arith.constant 32 : i32
      %add3A_280 = vector.broadcast %add3A_279 : i32 to vector<16xi32>
      %add3A_281 = arith.addi %add3A_280, %iota3A : vector<16xi32>
      %broadcast_in_dim3A_282 = arith.constant 2 : i32
      %broadcast_in_dim3A_283 = vector.broadcast %broadcast_in_dim3A_282 : i32 to vector<16xi32>
      tpu.vector_store_idx %arg17[%add3A_281, %broadcast_in_dim3A_283], %gather3A_278 : memref<100x5xf32, #tpu.memory_space<vmem>>[vector<16xi32>, vector<16xi32>], vector<16xf32>,
      %add3A_284 = arith.constant 134 : i32
      %add3A_285 = arith.addi %mul3A_175, %add3A_284 : i32
      %add3A_286 = vector.broadcast %add3A_285 : i32 to vector<16xi32>
      %add3A_287 = arith.addi %add3A_286, %iota3A : vector<16xi32>
      %gather3A_288 = tpu.vector_load_idx %arg16[%add3A_287] : memref<1000xf32, #tpu.memory_space<vmem>>[vector<16xi32>], vector<16xf32>,
      %add3A_289 = arith.constant 34 : i32
      %add3A_290 = vector.broadcast %add3A_289 : i32 to vector<16xi32>
      %add3A_291 = arith.addi %add3A_290, %iota3A : vector<16xi32>
      %broadcast_in_dim3A_292 = arith.constant 2 : i32
      %broadcast_in_dim3A_293 = vector.broadcast %broadcast_in_dim3A_292 : i32 to vector<16xi32>
      tpu.vector_store_idx %arg17[%add3A_291, %broadcast_in_dim3A_293], %gather3A_288 : memref<100x5xf32, #tpu.memory_space<vmem>>[vector<16xi32>, vector<16xi32>], vector<16xf32>,
      %add3A_294 = arith.constant 150 : i32
      %add3A_295 = arith.addi %mul3A_175, %add3A_294 : i32
      %add3A_296 = vector.broadcast %add3A_295 : i32 to vector<16xi32>
      %add3A_297 = arith.addi %add3A_296, %iota3A : vector<16xi32>
      %gather3A_298 = tpu.vector_load_idx %arg16[%add3A_297] : memref<1000xf32, #tpu.memory_space<vmem>>[vector<16xi32>], vector<16xf32>,
      %add3A_299 = arith.constant 0 : i32
      %add3A_300 = vector.broadcast %add3A_299 : i32 to vector<16xi32>
      %add3A_301 = arith.addi %add3A_300, %iota3A : vector<16xi32>
      %broadcast_in_dim3A_302 = arith.constant 3 : i32
      %broadcast_in_dim3A_303 = vector.broadcast %broadcast_in_dim3A_302 : i32 to vector<16xi32>
      tpu.vector_store_idx %arg17[%add3A_301, %broadcast_in_dim3A_303], %gather3A_298 : memref<100x5xf32, #tpu.memory_space<vmem>>[vector<16xi32>, vector<16xi32>], vector<16xf32>,
      %add3A_304 = arith.constant 166 : i32
      %add3A_305 = arith.addi %mul3A_175, %add3A_304 : i32
      %add3A_306 = vector.broadcast %add3A_305 : i32 to vector<16xi32>
      %add3A_307 = arith.addi %add3A_306, %iota3A : vector<16xi32>
      %gather3A_308 = tpu.vector_load_idx %arg16[%add3A_307] : memref<1000xf32, #tpu.memory_space<vmem>>[vector<16xi32>], vector<16xf32>,
      %add3A_309 = arith.constant 16 : i32
      %add3A_310 = vector.broadcast %add3A_309 : i32 to vector<16xi32>
      %add3A_311 = arith.addi %add3A_310, %iota3A : vector<16xi32>
      %broadcast_in_dim3A_312 = arith.constant 3 : i32
      %broadcast_in_dim3A_313 = vector.broadcast %broadcast_in_dim3A_312 : i32 to vector<16xi32>
      tpu.vector_store_idx %arg17[%add3A_311, %broadcast_in_dim3A_313], %gather3A_308 : memref<100x5xf32, #tpu.memory_space<vmem>>[vector<16xi32>, vector<16xi32>], vector<16xf32>,
      %add3A_314 = arith.constant 182 : i32
      %add3A_315 = arith.addi %mul3A_175, %add3A_314 : i32
      %add3A_316 = vector.broadcast %add3A_315 : i32 to vector<16xi32>
      %add3A_317 = arith.addi %add3A_316, %iota3A : vector<16xi32>
      %gather3A_318 = tpu.vector_load_idx %arg16[%add3A_317] : memref<1000xf32, #tpu.memory_space<vmem>>[vector<16xi32>], vector<16xf32>,
      %add3A_319 = arith.constant 32 : i32
      %add3A_320 = vector.broadcast %add3A_319 : i32 to vector<16xi32>
      %add3A_321 = arith.addi %add3A_320, %iota3A : vector<16xi32>
      %broadcast_in_dim3A_322 = arith.constant 3 : i32
      %broadcast_in_dim3A_323 = vector.broadcast %broadcast_in_dim3A_322 : i32 to vector<16xi32>
      tpu.vector_store_idx %arg17[%add3A_321, %broadcast_in_dim3A_323], %gather3A_318 : memref<100x5xf32, #tpu.memory_space<vmem>>[vector<16xi32>, vector<16xi32>], vector<16xf32>,
      %add3A_324 = arith.constant 184 : i32
      %add3A_325 = arith.addi %mul3A_175, %add3A_324 : i32
      %add3A_326 = vector.broadcast %add3A_325 : i32 to vector<16xi32>
      %add3A_327 = arith.addi %add3A_326, %iota3A : vector<16xi32>
      %gather3A_328 = tpu.vector_load_idx %arg16[%add3A_327] : memref<1000xf32, #tpu.memory_space<vmem>>[vector<16xi32>], vector<16xf32>,
      %add3A_329 = arith.constant 34 : i32
      %add3A_330 = vector.broadcast %add3A_329 : i32 to vector<16xi32>
      %add3A_331 = arith.addi %add3A_330, %iota3A : vector<16xi32>
      %broadcast_in_dim3A_332 = arith.constant 3 : i32
      %broadcast_in_dim3A_333 = vector.broadcast %broadcast_in_dim3A_332 : i32 to vector<16xi32>
      tpu.vector_store_idx %arg17[%add3A_331, %broadcast_in_dim3A_333], %gather3A_328 : memref<100x5xf32, #tpu.memory_space<vmem>>[vector<16xi32>, vector<16xi32>], vector<16xf32>,
      %add3A_334 = arith.constant 200 : i32
      %add3A_335 = arith.addi %mul3A_175, %add3A_334 : i32
      %add3A_336 = vector.broadcast %add3A_335 : i32 to vector<16xi32>
      %add3A_337 = arith.addi %add3A_336, %iota3A : vector<16xi32>
      %gather3A_338 = tpu.vector_load_idx %arg16[%add3A_337] : memref<1000xf32, #tpu.memory_space<vmem>>[vector<16xi32>], vector<16xf32>,
      %add3A_339 = arith.constant 0 : i32
      %add3A_340 = vector.broadcast %add3A_339 : i32 to vector<16xi32>
      %add3A_341 = arith.addi %add3A_340, %iota3A : vector<16xi32>
      %broadcast_in_dim3A_342 = arith.constant 4 : i32
      %broadcast_in_dim3A_343 = vector.broadcast %broadcast_in_dim3A_342 : i32 to vector<16xi32>
      tpu.vector_store_idx %arg17[%add3A_341, %broadcast_in_dim3A_343], %gather3A_338 : memref<100x5xf32, #tpu.memory_space<vmem>>[vector<16xi32>, vector<16xi32>], vector<16xf32>,
      %add3A_344 = arith.constant 216 : i32
      %add3A_345 = arith.addi %mul3A_175, %add3A_344 : i32
      %add3A_346 = vector.broadcast %add3A_345 : i32 to vector<16xi32>
      %add3A_347 = arith.addi %add3A_346, %iota3A : vector<16xi32>
      %gather3A_348 = tpu.vector_load_idx %arg16[%add3A_347] : memref<1000xf32, #tpu.memory_space<vmem>>[vector<16xi32>], vector<16xf32>,
      %add3A_349 = arith.constant 16 : i32
      %add3A_350 = vector.broadcast %add3A_349 : i32 to vector<16xi32>
      %add3A_351 = arith.addi %add3A_350, %iota3A : vector<16xi32>
      %broadcast_in_dim3A_352 = arith.constant 4 : i32
      %broadcast_in_dim3A_353 = vector.broadcast %broadcast_in_dim3A_352 : i32 to vector<16xi32>
      tpu.vector_store_idx %arg17[%add3A_351, %broadcast_in_dim3A_353], %gather3A_348 : memref<100x5xf32, #tpu.memory_space<vmem>>[vector<16xi32>, vector<16xi32>], vector<16xf32>,
      %add3A_354 = arith.constant 232 : i32
      %add3A_355 = arith.addi %mul3A_175, %add3A_354 : i32
      %add3A_356 = vector.broadcast %add3A_355 : i32 to vector<16xi32>
      %add3A_357 = arith.addi %add3A_356, %iota3A : vector<16xi32>
      %gather3A_358 = tpu.vector_load_idx %arg16[%add3A_357] : memref<1000xf32, #tpu.memory_space<vmem>>[vector<16xi32>], vector<16xf32>,
      %add3A_359 = arith.constant 32 : i32
      %add3A_360 = vector.broadcast %add3A_359 : i32 to vector<16xi32>
      %add3A_361 = arith.addi %add3A_360, %iota3A : vector<16xi32>
      %broadcast_in_dim3A_362 = arith.constant 4 : i32
      %broadcast_in_dim3A_363 = vector.broadcast %broadcast_in_dim3A_362 : i32 to vector<16xi32>
      tpu.vector_store_idx %arg17[%add3A_361, %broadcast_in_dim3A_363], %gather3A_358 : memref<100x5xf32, #tpu.memory_space<vmem>>[vector<16xi32>, vector<16xi32>], vector<16xf32>,
      %add3A_364 = arith.constant 234 : i32
      %add3A_365 = arith.addi %mul3A_175, %add3A_364 : i32
      %add3A_366 = vector.broadcast %add3A_365 : i32 to vector<16xi32>
      %add3A_367 = arith.addi %add3A_366, %iota3A : vector<16xi32>
      %gather3A_368 = tpu.vector_load_idx %arg16[%add3A_367] : memref<1000xf32, #tpu.memory_space<vmem>>[vector<16xi32>], vector<16xf32>,
      %add3A_369 = arith.constant 34 : i32
      %add3A_370 = vector.broadcast %add3A_369 : i32 to vector<16xi32>
      %add3A_371 = arith.addi %add3A_370, %iota3A : vector<16xi32>
      %broadcast_in_dim3A_372 = arith.constant 4 : i32
      %broadcast_in_dim3A_373 = vector.broadcast %broadcast_in_dim3A_372 : i32 to vector<16xi32>
      tpu.vector_store_idx %arg17[%add3A_371, %broadcast_in_dim3A_373], %gather3A_368 : memref<100x5xf32, #tpu.memory_space<vmem>>[vector<16xi32>, vector<16xi32>], vector<16xf32>,
      %add3A_374 = arith.constant 250 : i32
      %add3A_375 = arith.addi %mul3A_175, %add3A_374 : i32
      %add3A_376 = vector.broadcast %add3A_375 : i32 to vector<16xi32>
      %add3A_377 = arith.addi %add3A_376, %iota3A : vector<16xi32>
      %gather3A_378 = tpu.vector_load_idx %arg16[%add3A_377] : memref<1000xf32, #tpu.memory_space<vmem>>[vector<16xi32>], vector<16xf32>,
      %add3A_379 = arith.constant 50 : i32
      %add3A_380 = vector.broadcast %add3A_379 : i32 to vector<16xi32>
      %add3A_381 = arith.addi %add3A_380, %iota3A : vector<16xi32>
      %broadcast_in_dim3A_382 = arith.constant 0 : i32
      %broadcast_in_dim3A_383 = vector.broadcast %broadcast_in_dim3A_382 : i32 to vector<16xi32>
      tpu.vector_store_idx %arg17[%add3A_381, %broadcast_in_dim3A_383], %gather3A_378 : memref<100x5xf32, #tpu.memory_space<vmem>>[vector<16xi32>, vector<16xi32>], vector<16xf32>,
      %add3A_384 = arith.constant 266 : i32
      %add3A_385 = arith.addi %mul3A_175, %add3A_384 : i32
      %add3A_386 = vector.broadcast %add3A_385 : i32 to vector<16xi32>
      %add3A_387 = arith.addi %add3A_386, %iota3A : vector<16xi32>
      %gather3A_388 = tpu.vector_load_idx %arg16[%add3A_387] : memref<1000xf32, #tpu.memory_space<vmem>>[vector<16xi32>], vector<16xf32>,
      %add3A_389 = arith.constant 66 : i32
      %add3A_390 = vector.broadcast %add3A_389 : i32 to vector<16xi32>
      %add3A_391 = arith.addi %add3A_390, %iota3A : vector<16xi32>
      %broadcast_in_dim3A_392 = arith.constant 0 : i32
      %broadcast_in_dim3A_393 = vector.broadcast %broadcast_in_dim3A_392 : i32 to vector<16xi32>
      tpu.vector_store_idx %arg17[%add3A_391, %broadcast_in_dim3A_393], %gather3A_388 : memref<100x5xf32, #tpu.memory_space<vmem>>[vector<16xi32>, vector<16xi32>], vector<16xf32>,
      %add3A_394 = arith.constant 282 : i32
      %add3A_395 = arith.addi %mul3A_175, %add3A_394 : i32
      %add3A_396 = vector.broadcast %add3A_395 : i32 to vector<16xi32>
      %add3A_397 = arith.addi %add3A_396, %iota3A : vector<16xi32>
      %gather3A_398 = tpu.vector_load_idx %arg16[%add3A_397] : memref<1000xf32, #tpu.memory_space<vmem>>[vector<16xi32>], vector<16xf32>,
      %add3A_399 = arith.constant 82 : i32
      %add3A_400 = vector.broadcast %add3A_399 : i32 to vector<16xi32>
      %add3A_401 = arith.addi %add3A_400, %iota3A : vector<16xi32>
      %broadcast_in_dim3A_402 = arith.constant 0 : i32
      %broadcast_in_dim3A_403 = vector.broadcast %broadcast_in_dim3A_402 : i32 to vector<16xi32>
      tpu.vector_store_idx %arg17[%add3A_401, %broadcast_in_dim3A_403], %gather3A_398 : memref<100x5xf32, #tpu.memory_space<vmem>>[vector<16xi32>, vector<16xi32>], vector<16xf32>,
      %add3A_404 = arith.constant 284 : i32
      %add3A_405 = arith.addi %mul3A_175, %add3A_404 : i32
      %add3A_406 = vector.broadcast %add3A_405 : i32 to vector<16xi32>
      %add3A_407 = arith.addi %add3A_406, %iota3A : vector<16xi32>
      %gather3A_408 = tpu.vector_load_idx %arg16[%add3A_407] : memref<1000xf32, #tpu.memory_space<vmem>>[vector<16xi32>], vector<16xf32>,
      %add3A_409 = arith.constant 84 : i32
      %add3A_410 = vector.broadcast %add3A_409 : i32 to vector<16xi32>
      %add3A_411 = arith.addi %add3A_410, %iota3A : vector<16xi32>
      %broadcast_in_dim3A_412 = arith.constant 0 : i32
      %broadcast_in_dim3A_413 = vector.broadcast %broadcast_in_dim3A_412 : i32 to vector<16xi32>
      tpu.vector_store_idx %arg17[%add3A_411, %broadcast_in_dim3A_413], %gather3A_408 : memref<100x5xf32, #tpu.memory_space<vmem>>[vector<16xi32>, vector<16xi32>], vector<16xf32>,
      %add3A_414 = arith.constant 300 : i32
      %add3A_415 = arith.addi %mul3A_175, %add3A_414 : i32
      %add3A_416 = vector.broadcast %add3A_415 : i32 to vector<16xi32>
      %add3A_417 = arith.addi %add3A_416, %iota3A : vector<16xi32>
      %gather3A_418 = tpu.vector_load_idx %arg16[%add3A_417] : memref<1000xf32, #tpu.memory_space<vmem>>[vector<16xi32>], vector<16xf32>,
      %add3A_419 = arith.constant 50 : i32
      %add3A_420 = vector.broadcast %add3A_419 : i32 to vector<16xi32>
      %add3A_421 = arith.addi %add3A_420, %iota3A : vector<16xi32>
      %broadcast_in_dim3A_422 = arith.constant 1 : i32
      %broadcast_in_dim3A_423 = vector.broadcast %broadcast_in_dim3A_422 : i32 to vector<16xi32>
      tpu.vector_store_idx %arg17[%add3A_421, %broadcast_in_dim3A_423], %gather3A_418 : memref<100x5xf32, #tpu.memory_space<vmem>>[vector<16xi32>, vector<16xi32>], vector<16xf32>,
      %add3A_424 = arith.constant 316 : i32
      %add3A_425 = arith.addi %mul3A_175, %add3A_424 : i32
      %add3A_426 = vector.broadcast %add3A_425 : i32 to vector<16xi32>
      %add3A_427 = arith.addi %add3A_426, %iota3A : vector<16xi32>
      %gather3A_428 = tpu.vector_load_idx %arg16[%add3A_427] : memref<1000xf32, #tpu.memory_space<vmem>>[vector<16xi32>], vector<16xf32>,
      %add3A_429 = arith.constant 66 : i32
      %add3A_430 = vector.broadcast %add3A_429 : i32 to vector<16xi32>
      %add3A_431 = arith.addi %add3A_430, %iota3A : vector<16xi32>
      %broadcast_in_dim3A_432 = arith.constant 1 : i32
      %broadcast_in_dim3A_433 = vector.broadcast %broadcast_in_dim3A_432 : i32 to vector<16xi32>
      tpu.vector_store_idx %arg17[%add3A_431, %broadcast_in_dim3A_433], %gather3A_428 : memref<100x5xf32, #tpu.memory_space<vmem>>[vector<16xi32>, vector<16xi32>], vector<16xf32>,
      %add3A_434 = arith.constant 332 : i32
      %add3A_435 = arith.addi %mul3A_175, %add3A_434 : i32
      %add3A_436 = vector.broadcast %add3A_435 : i32 to vector<16xi32>
      %add3A_437 = arith.addi %add3A_436, %iota3A : vector<16xi32>
      %gather3A_438 = tpu.vector_load_idx %arg16[%add3A_437] : memref<1000xf32, #tpu.memory_space<vmem>>[vector<16xi32>], vector<16xf32>,
      %add3A_439 = arith.constant 82 : i32
      %add3A_440 = vector.broadcast %add3A_439 : i32 to vector<16xi32>
      %add3A_441 = arith.addi %add3A_440, %iota3A : vector<16xi32>
      %broadcast_in_dim3A_442 = arith.constant 1 : i32
      %broadcast_in_dim3A_443 = vector.broadcast %broadcast_in_dim3A_442 : i32 to vector<16xi32>
      tpu.vector_store_idx %arg17[%add3A_441, %broadcast_in_dim3A_443], %gather3A_438 : memref<100x5xf32, #tpu.memory_space<vmem>>[vector<16xi32>, vector<16xi32>], vector<16xf32>,
      %add3A_444 = arith.constant 334 : i32
      %add3A_445 = arith.addi %mul3A_175, %add3A_444 : i32
      %add3A_446 = vector.broadcast %add3A_445 : i32 to vector<16xi32>
      %add3A_447 = arith.addi %add3A_446, %iota3A : vector<16xi32>
      %gather3A_448 = tpu.vector_load_idx %arg16[%add3A_447] : memref<1000xf32, #tpu.memory_space<vmem>>[vector<16xi32>], vector<16xf32>,
      %add3A_449 = arith.constant 84 : i32
      %add3A_450 = vector.broadcast %add3A_449 : i32 to vector<16xi32>
      %add3A_451 = arith.addi %add3A_450, %iota3A : vector<16xi32>
      %broadcast_in_dim3A_452 = arith.constant 1 : i32
      %broadcast_in_dim3A_453 = vector.broadcast %broadcast_in_dim3A_452 : i32 to vector<16xi32>
      tpu.vector_store_idx %arg17[%add3A_451, %broadcast_in_dim3A_453], %gather3A_448 : memref<100x5xf32, #tpu.memory_space<vmem>>[vector<16xi32>, vector<16xi32>], vector<16xf32>,
      %add3A_454 = arith.constant 350 : i32
      %add3A_455 = arith.addi %mul3A_175, %add3A_454 : i32
      %add3A_456 = vector.broadcast %add3A_455 : i32 to vector<16xi32>
      %add3A_457 = arith.addi %add3A_456, %iota3A : vector<16xi32>
      %gather3A_458 = tpu.vector_load_idx %arg16[%add3A_457] : memref<1000xf32, #tpu.memory_space<vmem>>[vector<16xi32>], vector<16xf32>,
      %add3A_459 = arith.constant 50 : i32
      %add3A_460 = vector.broadcast %add3A_459 : i32 to vector<16xi32>
      %add3A_461 = arith.addi %add3A_460, %iota3A : vector<16xi32>
      %broadcast_in_dim3A_462 = arith.constant 2 : i32
      %broadcast_in_dim3A_463 = vector.broadcast %broadcast_in_dim3A_462 : i32 to vector<16xi32>
      tpu.vector_store_idx %arg17[%add3A_461, %broadcast_in_dim3A_463], %gather3A_458 : memref<100x5xf32, #tpu.memory_space<vmem>>[vector<16xi32>, vector<16xi32>], vector<16xf32>,
      %add3A_464 = arith.constant 366 : i32
      %add3A_465 = arith.addi %mul3A_175, %add3A_464 : i32
      %add3A_466 = vector.broadcast %add3A_465 : i32 to vector<16xi32>
      %add3A_467 = arith.addi %add3A_466, %iota3A : vector<16xi32>
      %gather3A_468 = tpu.vector_load_idx %arg16[%add3A_467] : memref<1000xf32, #tpu.memory_space<vmem>>[vector<16xi32>], vector<16xf32>,
      %add3A_469 = arith.constant 66 : i32
      %add3A_470 = vector.broadcast %add3A_469 : i32 to vector<16xi32>
      %add3A_471 = arith.addi %add3A_470, %iota3A : vector<16xi32>
      %broadcast_in_dim3A_472 = arith.constant 2 : i32
      %broadcast_in_dim3A_473 = vector.broadcast %broadcast_in_dim3A_472 : i32 to vector<16xi32>
      tpu.vector_store_idx %arg17[%add3A_471, %broadcast_in_dim3A_473], %gather3A_468 : memref<100x5xf32, #tpu.memory_space<vmem>>[vector<16xi32>, vector<16xi32>], vector<16xf32>,
      %add3A_474 = arith.constant 382 : i32
      %add3A_475 = arith.addi %mul3A_175, %add3A_474 : i32
      %add3A_476 = vector.broadcast %add3A_475 : i32 to vector<16xi32>
      %add3A_477 = arith.addi %add3A_476, %iota3A : vector<16xi32>
      %gather3A_478 = tpu.vector_load_idx %arg16[%add3A_477] : memref<1000xf32, #tpu.memory_space<vmem>>[vector<16xi32>], vector<16xf32>,
      %add3A_479 = arith.constant 82 : i32
      %add3A_480 = vector.broadcast %add3A_479 : i32 to vector<16xi32>
      %add3A_481 = arith.addi %add3A_480, %iota3A : vector<16xi32>
      %broadcast_in_dim3A_482 = arith.constant 2 : i32
      %broadcast_in_dim3A_483 = vector.broadcast %broadcast_in_dim3A_482 : i32 to vector<16xi32>
      tpu.vector_store_idx %arg17[%add3A_481, %broadcast_in_dim3A_483], %gather3A_478 : memref<100x5xf32, #tpu.memory_space<vmem>>[vector<16xi32>, vector<16xi32>], vector<16xf32>,
      %add3A_484 = arith.constant 384 : i32
      %add3A_485 = arith.addi %mul3A_175, %add3A_484 : i32
      %add3A_486 = vector.broadcast %add3A_485 : i32 to vector<16xi32>
      %add3A_487 = arith.addi %add3A_486, %iota3A : vector<16xi32>
      %gather3A_488 = tpu.vector_load_idx %arg16[%add3A_487] : memref<1000xf32, #tpu.memory_space<vmem>>[vector<16xi32>], vector<16xf32>,
      %add3A_489 = arith.constant 84 : i32
      %add3A_490 = vector.broadcast %add3A_489 : i32 to vector<16xi32>
      %add3A_491 = arith.addi %add3A_490, %iota3A : vector<16xi32>
      %broadcast_in_dim3A_492 = arith.constant 2 : i32
      %broadcast_in_dim3A_493 = vector.broadcast %broadcast_in_dim3A_492 : i32 to vector<16xi32>
      tpu.vector_store_idx %arg17[%add3A_491, %broadcast_in_dim3A_493], %gather3A_488 : memref<100x5xf32, #tpu.memory_space<vmem>>[vector<16xi32>, vector<16xi32>], vector<16xf32>,
      %add3A_494 = arith.constant 400 : i32
      %add3A_495 = arith.addi %mul3A_175, %add3A_494 : i32
      %add3A_496 = vector.broadcast %add3A_495 : i32 to vector<16xi32>
      %add3A_497 = arith.addi %add3A_496, %iota3A : vector<16xi32>
      %gather3A_498 = tpu.vector_load_idx %arg16[%add3A_497] : memref<1000xf32, #tpu.memory_space<vmem>>[vector<16xi32>], vector<16xf32>,
      %add3A_499 = arith.constant 50 : i32
      %add3A_500 = vector.broadcast %add3A_499 : i32 to vector<16xi32>
      %add3A_501 = arith.addi %add3A_500, %iota3A : vector<16xi32>
      %broadcast_in_dim3A_502 = arith.constant 3 : i32
      %broadcast_in_dim3A_503 = vector.broadcast %broadcast_in_dim3A_502 : i32 to vector<16xi32>
      tpu.vector_store_idx %arg17[%add3A_501, %broadcast_in_dim3A_503], %gather3A_498 : memref<100x5xf32, #tpu.memory_space<vmem>>[vector<16xi32>, vector<16xi32>], vector<16xf32>,
      %add3A_504 = arith.constant 416 : i32
      %add3A_505 = arith.addi %mul3A_175, %add3A_504 : i32
      %add3A_506 = vector.broadcast %add3A_505 : i32 to vector<16xi32>
      %add3A_507 = arith.addi %add3A_506, %iota3A : vector<16xi32>
      %gather3A_508 = tpu.vector_load_idx %arg16[%add3A_507] : memref<1000xf32, #tpu.memory_space<vmem>>[vector<16xi32>], vector<16xf32>,
      %add3A_509 = arith.constant 66 : i32
      %add3A_510 = vector.broadcast %add3A_509 : i32 to vector<16xi32>
      %add3A_511 = arith.addi %add3A_510, %iota3A : vector<16xi32>
      %broadcast_in_dim3A_512 = arith.constant 3 : i32
      %broadcast_in_dim3A_513 = vector.broadcast %broadcast_in_dim3A_512 : i32 to vector<16xi32>
      tpu.vector_store_idx %arg17[%add3A_511, %broadcast_in_dim3A_513], %gather3A_508 : memref<100x5xf32, #tpu.memory_space<vmem>>[vector<16xi32>, vector<16xi32>], vector<16xf32>,
      %add3A_514 = arith.constant 432 : i32
      %add3A_515 = arith.addi %mul3A_175, %add3A_514 : i32
      %add3A_516 = vector.broadcast %add3A_515 : i32 to vector<16xi32>
      %add3A_517 = arith.addi %add3A_516, %iota3A : vector<16xi32>
      %gather3A_518 = tpu.vector_load_idx %arg16[%add3A_517] : memref<1000xf32, #tpu.memory_space<vmem>>[vector<16xi32>], vector<16xf32>,
      %add3A_519 = arith.constant 82 : i32
      %add3A_520 = vector.broadcast %add3A_519 : i32 to vector<16xi32>
      %add3A_521 = arith.addi %add3A_520, %iota3A : vector<16xi32>
      %broadcast_in_dim3A_522 = arith.constant 3 : i32
      %broadcast_in_dim3A_523 = vector.broadcast %broadcast_in_dim3A_522 : i32 to vector<16xi32>
      tpu.vector_store_idx %arg17[%add3A_521, %broadcast_in_dim3A_523], %gather3A_518 : memref<100x5xf32, #tpu.memory_space<vmem>>[vector<16xi32>, vector<16xi32>], vector<16xf32>,
      %add3A_524 = arith.constant 434 : i32
      %add3A_525 = arith.addi %mul3A_175, %add3A_524 : i32
      %add3A_526 = vector.broadcast %add3A_525 : i32 to vector<16xi32>
      %add3A_527 = arith.addi %add3A_526, %iota3A : vector<16xi32>
      %gather3A_528 = tpu.vector_load_idx %arg16[%add3A_527] : memref<1000xf32, #tpu.memory_space<vmem>>[vector<16xi32>], vector<16xf32>,
      %add3A_529 = arith.constant 84 : i32
      %add3A_530 = vector.broadcast %add3A_529 : i32 to vector<16xi32>
      %add3A_531 = arith.addi %add3A_530, %iota3A : vector<16xi32>
      %broadcast_in_dim3A_532 = arith.constant 3 : i32
      %broadcast_in_dim3A_533 = vector.broadcast %broadcast_in_dim3A_532 : i32 to vector<16xi32>
      tpu.vector_store_idx %arg17[%add3A_531, %broadcast_in_dim3A_533], %gather3A_528 : memref<100x5xf32, #tpu.memory_space<vmem>>[vector<16xi32>, vector<16xi32>], vector<16xf32>,
      %add3A_534 = arith.constant 450 : i32
      %add3A_535 = arith.addi %mul3A_175, %add3A_534 : i32
      %add3A_536 = vector.broadcast %add3A_535 : i32 to vector<16xi32>
      %add3A_537 = arith.addi %add3A_536, %iota3A : vector<16xi32>
      %gather3A_538 = tpu.vector_load_idx %arg16[%add3A_537] : memref<1000xf32, #tpu.memory_space<vmem>>[vector<16xi32>], vector<16xf32>,
      %add3A_539 = arith.constant 50 : i32
      %add3A_540 = vector.broadcast %add3A_539 : i32 to vector<16xi32>
      %add3A_541 = arith.addi %add3A_540, %iota3A : vector<16xi32>
      %broadcast_in_dim3A_542 = arith.constant 4 : i32
      %broadcast_in_dim3A_543 = vector.broadcast %broadcast_in_dim3A_542 : i32 to vector<16xi32>
      tpu.vector_store_idx %arg17[%add3A_541, %broadcast_in_dim3A_543], %gather3A_538 : memref<100x5xf32, #tpu.memory_space<vmem>>[vector<16xi32>, vector<16xi32>], vector<16xf32>,
      %add3A_544 = arith.constant 466 : i32
      %add3A_545 = arith.addi %mul3A_175, %add3A_544 : i32
      %add3A_546 = vector.broadcast %add3A_545 : i32 to vector<16xi32>
      %add3A_547 = arith.addi %add3A_546, %iota3A : vector<16xi32>
      %gather3A_548 = tpu.vector_load_idx %arg16[%add3A_547] : memref<1000xf32, #tpu.memory_space<vmem>>[vector<16xi32>], vector<16xf32>,
      %add3A_549 = arith.constant 66 : i32
      %add3A_550 = vector.broadcast %add3A_549 : i32 to vector<16xi32>
      %add3A_551 = arith.addi %add3A_550, %iota3A : vector<16xi32>
      %broadcast_in_dim3A_552 = arith.constant 4 : i32
      %broadcast_in_dim3A_553 = vector.broadcast %broadcast_in_dim3A_552 : i32 to vector<16xi32>
      tpu.vector_store_idx %arg17[%add3A_551, %broadcast_in_dim3A_553], %gather3A_548 : memref<100x5xf32, #tpu.memory_space<vmem>>[vector<16xi32>, vector<16xi32>], vector<16xf32>,
      %add3A_554 = arith.constant 482 : i32
      %add3A_555 = arith.addi %mul3A_175, %add3A_554 : i32
      %add3A_556 = vector.broadcast %add3A_555 : i32 to vector<16xi32>
      %add3A_557 = arith.addi %add3A_556, %iota3A : vector<16xi32>
      %gather3A_558 = tpu.vector_load_idx %arg16[%add3A_557] : memref<1000xf32, #tpu.memory_space<vmem>>[vector<16xi32>], vector<16xf32>,
      %add3A_559 = arith.constant 82 : i32
      %add3A_560 = vector.broadcast %add3A_559 : i32 to vector<16xi32>
      %add3A_561 = arith.addi %add3A_560, %iota3A : vector<16xi32>
      %broadcast_in_dim3A_562 = arith.constant 4 : i32
      %broadcast_in_dim3A_563 = vector.broadcast %broadcast_in_dim3A_562 : i32 to vector<16xi32>
      tpu.vector_store_idx %arg17[%add3A_561, %broadcast_in_dim3A_563], %gather3A_558 : memref<100x5xf32, #tpu.memory_space<vmem>>[vector<16xi32>, vector<16xi32>], vector<16xf32>,
      %add3A_564 = arith.constant 484 : i32
      %add3A_565 = arith.addi %mul3A_175, %add3A_564 : i32
      %add3A_566 = vector.broadcast %add3A_565 : i32 to vector<16xi32>
      %add3A_567 = arith.addi %add3A_566, %iota3A : vector<16xi32>
      %gather3A_568 = tpu.vector_load_idx %arg16[%add3A_567] : memref<1000xf32, #tpu.memory_space<vmem>>[vector<16xi32>], vector<16xf32>,
      %add3A_569 = arith.constant 84 : i32
      %add3A_570 = vector.broadcast %add3A_569 : i32 to vector<16xi32>
      %add3A_571 = arith.addi %add3A_570, %iota3A : vector<16xi32>
      %broadcast_in_dim3A_572 = arith.constant 4 : i32
      %broadcast_in_dim3A_573 = vector.broadcast %broadcast_in_dim3A_572 : i32 to vector<16xi32>
      tpu.vector_store_idx %arg17[%add3A_571, %broadcast_in_dim3A_573], %gather3A_568 : memref<100x5xf32, #tpu.memory_space<vmem>>[vector<16xi32>, vector<16xi32>], vector<16xf32>,
      %add3A_574 = arith.constant 0 : i32
      %add3A_575 = arith.addi %add3A_62, %add3A_574 : i32
      %dma_start3A_576 = arith.constant 0 : i32
      %dma_start3A_577 = arith.constant 0 : i32
      %dma_start3A_578 = tpu.memref_slice %arg17[%dma_start3A_576, %dma_start3A_577] : memref<100x5xf32, #tpu.memory_space<vmem>> -> memref<50x5xf32, #tpu.memory_space<vmem>>
      %dma_start3A_579 = arith.constant 0 : i32
      %dma_start3A_580 = arith.constant 384 : i32
      %dma_start3A_581 = tpu.memref_slice %arg9[%add3A_575, %dma_start3A_579, %dma_start3A_580] : memref<2048x50x389xf32, #tpu.memory_space<hbm>> -> memref<1x50x5xf32, #tpu.memory_space<hbm>>
      %dma_start3A_582 = tpu.memref_squeeze %dma_start3A_581 : memref<1x50x5xf32, #tpu.memory_space<hbm>> -> memref<50x5xf32, #tpu.memory_space<hbm>>
      %dma_start3A_583 = arith.constant 0 : i32
      %dma_start3A_584 = arith.constant 384 : i32
      %dma_start3A_585 = tpu.memref_slice %arg9[%add3A_575, %dma_start3A_583, %dma_start3A_584] : memref<2048x50x389xf32, #tpu.memory_space<hbm>> -> memref<1x50x5xf32, #tpu.memory_space<hbm>>
      %dma_start3A_586 = tpu.memref_squeeze %dma_start3A_585 : memref<1x50x5xf32, #tpu.memory_space<hbm>> -> memref<50x5xf32, #tpu.memory_space<hbm>>
      %dma_start3A_587 = arith.constant 0 : i32
      %dma_start3A_588 = arith.constant 0 : i32
      %dma_start3A_589 = tpu.memref_slice %arg17[%dma_start3A_587, %dma_start3A_588] : memref<100x5xf32, #tpu.memory_space<vmem>> -> memref<50x5xf32, #tpu.memory_space<vmem>>
      tpu.enqueue_dma source(%dma_start3A_589 : memref<50x5xf32, #tpu.memory_space<vmem>>) target(%dma_start3A_586 : memref<50x5xf32, #tpu.memory_space<hbm>>) target_semaphore(%arg24 : memref<!tpu.dma_semaphore, #tpu.memory_space<semaphore_mem>>)
      %add3A_590 = arith.constant 1 : i32
      %add3A_591 = arith.addi %add3A_62, %add3A_590 : i32
      %dma_start3A_592 = arith.constant 50 : i32
      %dma_start3A_593 = arith.constant 0 : i32
      %dma_start3A_594 = tpu.memref_slice %arg17[%dma_start3A_592, %dma_start3A_593] : memref<100x5xf32, #tpu.memory_space<vmem>> -> memref<50x5xf32, #tpu.memory_space<vmem>>
      %dma_start3A_595 = arith.constant 0 : i32
      %dma_start3A_596 = arith.constant 384 : i32
      %dma_start3A_597 = tpu.memref_slice %arg9[%add3A_591, %dma_start3A_595, %dma_start3A_596] : memref<2048x50x389xf32, #tpu.memory_space<hbm>> -> memref<1x50x5xf32, #tpu.memory_space<hbm>>
      %dma_start3A_598 = tpu.memref_squeeze %dma_start3A_597 : memref<1x50x5xf32, #tpu.memory_space<hbm>> -> memref<50x5xf32, #tpu.memory_space<hbm>>
      %dma_start3A_599 = arith.constant 0 : i32
      %dma_start3A_600 = arith.constant 384 : i32
      %dma_start3A_601 = tpu.memref_slice %arg9[%add3A_591, %dma_start3A_599, %dma_start3A_600] : memref<2048x50x389xf32, #tpu.memory_space<hbm>> -> memref<1x50x5xf32, #tpu.memory_space<hbm>>
      %dma_start3A_602 = tpu.memref_squeeze %dma_start3A_601 : memref<1x50x5xf32, #tpu.memory_space<hbm>> -> memref<50x5xf32, #tpu.memory_space<hbm>>
      %dma_start3A_603 = arith.constant 50 : i32
      %dma_start3A_604 = arith.constant 0 : i32
      %dma_start3A_605 = tpu.memref_slice %arg17[%dma_start3A_603, %dma_start3A_604] : memref<100x5xf32, #tpu.memory_space<vmem>> -> memref<50x5xf32, #tpu.memory_space<vmem>>
      tpu.enqueue_dma source(%dma_start3A_605 : memref<50x5xf32, #tpu.memory_space<vmem>>) target(%dma_start3A_602 : memref<50x5xf32, #tpu.memory_space<hbm>>) target_semaphore(%arg24 : memref<!tpu.dma_semaphore, #tpu.memory_space<semaphore_mem>>)
      %dma_wait3A_606 = arith.constant 0 : i32
      %dma_wait3A_607 = arith.constant 0 : i32
      %dma_wait3A_608 = arith.constant 0 : i32
      %dma_wait3A_609 = tpu.memref_slice %arg13[%dma_wait3A_606, %dma_wait3A_607, %dma_wait3A_608] : memref<2x50x128xf32, #tpu.memory_space<vmem>> -> memref<1x50x128xf32, #tpu.memory_space<vmem>>
      %dma_wait3A_610 = tpu.memref_squeeze %dma_wait3A_609 : memref<1x50x128xf32, #tpu.memory_space<vmem>> -> memref<50x128xf32, #tpu.memory_space<vmem>>
      %dma_wait3A_611 = arith.constant 0 : i32
      %dma_wait3A_612 = tpu.memref_slice %arg10[%add3A_68, %dma_wait3A_611] : memref<64x50xi32, #tpu.memory_space<vmem>> -> memref<1x50xi32, #tpu.memory_space<vmem>>
      %dma_wait3A_613 = tpu.memref_squeeze %dma_wait3A_612 : memref<1x50xi32, #tpu.memory_space<vmem>> -> memref<50xi32, #tpu.memory_space<vmem>>
      %dma_wait3A_614 = arith.constant 0 : i32
      %dma_wait3A_615 = arith.constant 0 : i32
      %dma_wait3A_616 = tpu.memref_slice %arg6[%dma_wait3A_614, %dma_wait3A_615] : memref<1001x128xf32, #tpu.memory_space<hbm>> -> memref<1001x128xf32, #tpu.memory_space<hbm>>
      tpu.wait_indirect_dma semaphore(%arg18 : memref<!tpu.dma_semaphore, #tpu.memory_space<semaphore_mem>>) src(%dma_wait3A_616 : memref<1001x128xf32, #tpu.memory_space<hbm>>) dst(%dma_wait3A_610 : memref<50x128xf32, #tpu.memory_space<vmem>>)
      %dma_wait3A_617 = arith.constant 1 : i32
      %dma_wait3A_618 = arith.constant 0 : i32
      %dma_wait3A_619 = arith.constant 0 : i32
      %dma_wait3A_620 = tpu.memref_slice %arg13[%dma_wait3A_617, %dma_wait3A_618, %dma_wait3A_619] : memref<2x50x128xf32, #tpu.memory_space<vmem>> -> memref<1x50x128xf32, #tpu.memory_space<vmem>>
      %dma_wait3A_621 = tpu.memref_squeeze %dma_wait3A_620 : memref<1x50x128xf32, #tpu.memory_space<vmem>> -> memref<50x128xf32, #tpu.memory_space<vmem>>
      %dma_wait3A_622 = arith.constant 0 : i32
      %dma_wait3A_623 = tpu.memref_slice %arg10[%add3A_82, %dma_wait3A_622] : memref<64x50xi32, #tpu.memory_space<vmem>> -> memref<1x50xi32, #tpu.memory_space<vmem>>
      %dma_wait3A_624 = tpu.memref_squeeze %dma_wait3A_623 : memref<1x50xi32, #tpu.memory_space<vmem>> -> memref<50xi32, #tpu.memory_space<vmem>>
      %dma_wait3A_625 = arith.constant 0 : i32
      %dma_wait3A_626 = arith.constant 0 : i32
      %dma_wait3A_627 = tpu.memref_slice %arg6[%dma_wait3A_625, %dma_wait3A_626] : memref<1001x128xf32, #tpu.memory_space<hbm>> -> memref<1001x128xf32, #tpu.memory_space<hbm>>
      tpu.wait_indirect_dma semaphore(%arg18 : memref<!tpu.dma_semaphore, #tpu.memory_space<semaphore_mem>>) src(%dma_wait3A_627 : memref<1001x128xf32, #tpu.memory_space<hbm>>) dst(%dma_wait3A_621 : memref<50x128xf32, #tpu.memory_space<vmem>>)
      %dma_start3A_628 = arith.constant 0 : i32
      %dma_start3A_629 = arith.constant 0 : i32
      %dma_start3A_630 = tpu.memref_slice %arg9[%add3A_62, %dma_start3A_628, %dma_start3A_629] : memref<2048x50x389xf32, #tpu.memory_space<hbm>> -> memref<2x50x128xf32, #tpu.memory_space<hbm>>
      %dma_start3A_631 = arith.constant 0 : i32
      %dma_start3A_632 = arith.constant 0 : i32
      %dma_start3A_633 = tpu.memref_slice %arg9[%add3A_62, %dma_start3A_631, %dma_start3A_632] : memref<2048x50x389xf32, #tpu.memory_space<hbm>> -> memref<2x50x128xf32, #tpu.memory_space<hbm>>
      tpu.enqueue_dma source(%arg13 : memref<2x50x128xf32, #tpu.memory_space<vmem>>) target(%dma_start3A_633 : memref<2x50x128xf32, #tpu.memory_space<hbm>>) target_semaphore(%arg21 : memref<!tpu.dma_semaphore, #tpu.memory_space<semaphore_mem>>)
      %dma_wait3A_634 = arith.constant 0 : i32
      %dma_wait3A_635 = arith.constant 0 : i32
      %dma_wait3A_636 = arith.constant 0 : i32
      %dma_wait3A_637 = tpu.memref_slice %arg14[%dma_wait3A_634, %dma_wait3A_635, %dma_wait3A_636] : memref<2x50x128xf32, #tpu.memory_space<vmem>> -> memref<1x50x128xf32, #tpu.memory_space<vmem>>
      %dma_wait3A_638 = tpu.memref_squeeze %dma_wait3A_637 : memref<1x50x128xf32, #tpu.memory_space<vmem>> -> memref<50x128xf32, #tpu.memory_space<vmem>>
      %dma_wait3A_639 = arith.constant 0 : i32
      %dma_wait3A_640 = tpu.memref_slice %arg11[%add3A_102, %dma_wait3A_639] : memref<64x50xi32, #tpu.memory_space<vmem>> -> memref<1x50xi32, #tpu.memory_space<vmem>>
      %dma_wait3A_641 = tpu.memref_squeeze %dma_wait3A_640 : memref<1x50xi32, #tpu.memory_space<vmem>> -> memref<50xi32, #tpu.memory_space<vmem>>
      %dma_wait3A_642 = arith.constant 0 : i32
      %dma_wait3A_643 = arith.constant 0 : i32
      %dma_wait3A_644 = tpu.memref_slice %arg7[%dma_wait3A_642, %dma_wait3A_643] : memref<1001x128xf32, #tpu.memory_space<hbm>> -> memref<1001x128xf32, #tpu.memory_space<hbm>>
      tpu.wait_indirect_dma semaphore(%arg19 : memref<!tpu.dma_semaphore, #tpu.memory_space<semaphore_mem>>) src(%dma_wait3A_644 : memref<1001x128xf32, #tpu.memory_space<hbm>>) dst(%dma_wait3A_638 : memref<50x128xf32, #tpu.memory_space<vmem>>)
      %dma_wait3A_645 = arith.constant 1 : i32
      %dma_wait3A_646 = arith.constant 0 : i32
      %dma_wait3A_647 = arith.constant 0 : i32
      %dma_wait3A_648 = tpu.memref_slice %arg14[%dma_wait3A_645, %dma_wait3A_646, %dma_wait3A_647] : memref<2x50x128xf32, #tpu.memory_space<vmem>> -> memref<1x50x128xf32, #tpu.memory_space<vmem>>
      %dma_wait3A_649 = tpu.memref_squeeze %dma_wait3A_648 : memref<1x50x128xf32, #tpu.memory_space<vmem>> -> memref<50x128xf32, #tpu.memory_space<vmem>>
      %dma_wait3A_650 = arith.constant 0 : i32
      %dma_wait3A_651 = tpu.memref_slice %arg11[%add3A_117, %dma_wait3A_650] : memref<64x50xi32, #tpu.memory_space<vmem>> -> memref<1x50xi32, #tpu.memory_space<vmem>>
      %dma_wait3A_652 = tpu.memref_squeeze %dma_wait3A_651 : memref<1x50xi32, #tpu.memory_space<vmem>> -> memref<50xi32, #tpu.memory_space<vmem>>
      %dma_wait3A_653 = arith.constant 0 : i32
      %dma_wait3A_654 = arith.constant 0 : i32
      %dma_wait3A_655 = tpu.memref_slice %arg7[%dma_wait3A_653, %dma_wait3A_654] : memref<1001x128xf32, #tpu.memory_space<hbm>> -> memref<1001x128xf32, #tpu.memory_space<hbm>>
      tpu.wait_indirect_dma semaphore(%arg19 : memref<!tpu.dma_semaphore, #tpu.memory_space<semaphore_mem>>) src(%dma_wait3A_655 : memref<1001x128xf32, #tpu.memory_space<hbm>>) dst(%dma_wait3A_649 : memref<50x128xf32, #tpu.memory_space<vmem>>)
      %dma_start3A_656 = arith.constant 0 : i32
      %dma_start3A_657 = arith.constant 128 : i32
      %dma_start3A_658 = tpu.memref_slice %arg9[%add3A_62, %dma_start3A_656, %dma_start3A_657] : memref<2048x50x389xf32, #tpu.memory_space<hbm>> -> memref<2x50x128xf32, #tpu.memory_space<hbm>>
      %dma_start3A_659 = arith.constant 0 : i32
      %dma_start3A_660 = arith.constant 128 : i32
      %dma_start3A_661 = tpu.memref_slice %arg9[%add3A_62, %dma_start3A_659, %dma_start3A_660] : memref<2048x50x389xf32, #tpu.memory_space<hbm>> -> memref<2x50x128xf32, #tpu.memory_space<hbm>>
      tpu.enqueue_dma source(%arg14 : memref<2x50x128xf32, #tpu.memory_space<vmem>>) target(%dma_start3A_661 : memref<2x50x128xf32, #tpu.memory_space<hbm>>) target_semaphore(%arg22 : memref<!tpu.dma_semaphore, #tpu.memory_space<semaphore_mem>>)
      %dma_wait3A_662 = arith.constant 0 : i32
      %dma_wait3A_663 = arith.constant 0 : i32
      %dma_wait3A_664 = arith.constant 0 : i32
      %dma_wait3A_665 = tpu.memref_slice %arg15[%dma_wait3A_662, %dma_wait3A_663, %dma_wait3A_664] : memref<2x50x128xf32, #tpu.memory_space<vmem>> -> memref<1x50x128xf32, #tpu.memory_space<vmem>>
      %dma_wait3A_666 = tpu.memref_squeeze %dma_wait3A_665 : memref<1x50x128xf32, #tpu.memory_space<vmem>> -> memref<50x128xf32, #tpu.memory_space<vmem>>
      %dma_wait3A_667 = arith.constant 0 : i32
      %dma_wait3A_668 = tpu.memref_slice %arg12[%add3A_137, %dma_wait3A_667] : memref<64x50xi32, #tpu.memory_space<vmem>> -> memref<1x50xi32, #tpu.memory_space<vmem>>
      %dma_wait3A_669 = tpu.memref_squeeze %dma_wait3A_668 : memref<1x50xi32, #tpu.memory_space<vmem>> -> memref<50xi32, #tpu.memory_space<vmem>>
      %dma_wait3A_670 = arith.constant 0 : i32
      %dma_wait3A_671 = arith.constant 0 : i32
      %dma_wait3A_672 = tpu.memref_slice %arg8[%dma_wait3A_670, %dma_wait3A_671] : memref<1001x128xf32, #tpu.memory_space<hbm>> -> memref<1001x128xf32, #tpu.memory_space<hbm>>
      tpu.wait_indirect_dma semaphore(%arg20 : memref<!tpu.dma_semaphore, #tpu.memory_space<semaphore_mem>>) src(%dma_wait3A_672 : memref<1001x128xf32, #tpu.memory_space<hbm>>) dst(%dma_wait3A_666 : memref<50x128xf32, #tpu.memory_space<vmem>>)
      %dma_wait3A_673 = arith.constant 1 : i32
      %dma_wait3A_674 = arith.constant 0 : i32
      %dma_wait3A_675 = arith.constant 0 : i32
      %dma_wait3A_676 = tpu.memref_slice %arg15[%dma_wait3A_673, %dma_wait3A_674, %dma_wait3A_675] : memref<2x50x128xf32, #tpu.memory_space<vmem>> -> memref<1x50x128xf32, #tpu.memory_space<vmem>>
      %dma_wait3A_677 = tpu.memref_squeeze %dma_wait3A_676 : memref<1x50x128xf32, #tpu.memory_space<vmem>> -> memref<50x128xf32, #tpu.memory_space<vmem>>
      %dma_wait3A_678 = arith.constant 0 : i32
      %dma_wait3A_679 = tpu.memref_slice %arg12[%add3A_152, %dma_wait3A_678] : memref<64x50xi32, #tpu.memory_space<vmem>> -> memref<1x50xi32, #tpu.memory_space<vmem>>
      %dma_wait3A_680 = tpu.memref_squeeze %dma_wait3A_679 : memref<1x50xi32, #tpu.memory_space<vmem>> -> memref<50xi32, #tpu.memory_space<vmem>>
      %dma_wait3A_681 = arith.constant 0 : i32
      %dma_wait3A_682 = arith.constant 0 : i32
      %dma_wait3A_683 = tpu.memref_slice %arg8[%dma_wait3A_681, %dma_wait3A_682] : memref<1001x128xf32, #tpu.memory_space<hbm>> -> memref<1001x128xf32, #tpu.memory_space<hbm>>
      tpu.wait_indirect_dma semaphore(%arg20 : memref<!tpu.dma_semaphore, #tpu.memory_space<semaphore_mem>>) src(%dma_wait3A_683 : memref<1001x128xf32, #tpu.memory_space<hbm>>) dst(%dma_wait3A_677 : memref<50x128xf32, #tpu.memory_space<vmem>>)
      %dma_start3A_684 = arith.constant 0 : i32
      %dma_start3A_685 = arith.constant 256 : i32
      %dma_start3A_686 = tpu.memref_slice %arg9[%add3A_62, %dma_start3A_684, %dma_start3A_685] : memref<2048x50x389xf32, #tpu.memory_space<hbm>> -> memref<2x50x128xf32, #tpu.memory_space<hbm>>
      %dma_start3A_687 = arith.constant 0 : i32
      %dma_start3A_688 = arith.constant 256 : i32
      %dma_start3A_689 = tpu.memref_slice %arg9[%add3A_62, %dma_start3A_687, %dma_start3A_688] : memref<2048x50x389xf32, #tpu.memory_space<hbm>> -> memref<2x50x128xf32, #tpu.memory_space<hbm>>
      tpu.enqueue_dma source(%arg15 : memref<2x50x128xf32, #tpu.memory_space<vmem>>) target(%dma_start3A_689 : memref<2x50x128xf32, #tpu.memory_space<hbm>>) target_semaphore(%arg23 : memref<!tpu.dma_semaphore, #tpu.memory_space<semaphore_mem>>)
    }
    %scan3A_9 = arith.constant 32 : i32
    %dma_wait3A = arith.constant 0 : i32
    %dma_wait3A_10 = arith.constant 0 : i32
    %dma_wait3A_11 = tpu.memref_slice %arg9[%mul3A_2, %dma_wait3A, %dma_wait3A_10] : memref<2048x50x389xf32, #tpu.memory_space<hbm>> -> memref<2x50x128xf32, #tpu.memory_space<hbm>>
    %dma_wait3A_12 = arith.constant 0 : i32
    %dma_wait3A_13 = arith.constant 0 : i32
    %dma_wait3A_14 = tpu.memref_slice %arg9[%mul3A_2, %dma_wait3A_12, %dma_wait3A_13] : memref<2048x50x389xf32, #tpu.memory_space<hbm>> -> memref<2x50x128xf32, #tpu.memory_space<hbm>>
    tpu.wait_dma2 semaphore(%arg21 : memref<!tpu.dma_semaphore, #tpu.memory_space<semaphore_mem>>) src(%arg13 : memref<2x50x128xf32, #tpu.memory_space<vmem>>) dst(%dma_wait3A_14 : memref<2x50x128xf32, #tpu.memory_space<hbm>>)
    %dma_wait3A_15 = arith.constant 0 : i32
    %dma_wait3A_16 = arith.constant 128 : i32
    %dma_wait3A_17 = tpu.memref_slice %arg9[%mul3A_2, %dma_wait3A_15, %dma_wait3A_16] : memref<2048x50x389xf32, #tpu.memory_space<hbm>> -> memref<2x50x128xf32, #tpu.memory_space<hbm>>
    %dma_wait3A_18 = arith.constant 0 : i32
    %dma_wait3A_19 = arith.constant 128 : i32
    %dma_wait3A_20 = tpu.memref_slice %arg9[%mul3A_2, %dma_wait3A_18, %dma_wait3A_19] : memref<2048x50x389xf32, #tpu.memory_space<hbm>> -> memref<2x50x128xf32, #tpu.memory_space<hbm>>
    tpu.wait_dma2 semaphore(%arg22 : memref<!tpu.dma_semaphore, #tpu.memory_space<semaphore_mem>>) src(%arg14 : memref<2x50x128xf32, #tpu.memory_space<vmem>>) dst(%dma_wait3A_20 : memref<2x50x128xf32, #tpu.memory_space<hbm>>)
    %dma_wait3A_21 = arith.constant 0 : i32
    %dma_wait3A_22 = arith.constant 256 : i32
    %dma_wait3A_23 = tpu.memref_slice %arg9[%mul3A_2, %dma_wait3A_21, %dma_wait3A_22] : memref<2048x50x389xf32, #tpu.memory_space<hbm>> -> memref<2x50x128xf32, #tpu.memory_space<hbm>>
    %dma_wait3A_24 = arith.constant 0 : i32
    %dma_wait3A_25 = arith.constant 256 : i32
    %dma_wait3A_26 = tpu.memref_slice %arg9[%mul3A_2, %dma_wait3A_24, %dma_wait3A_25] : memref<2048x50x389xf32, #tpu.memory_space<hbm>> -> memref<2x50x128xf32, #tpu.memory_space<hbm>>
    tpu.wait_dma2 semaphore(%arg23 : memref<!tpu.dma_semaphore, #tpu.memory_space<semaphore_mem>>) src(%arg15 : memref<2x50x128xf32, #tpu.memory_space<vmem>>) dst(%dma_wait3A_26 : memref<2x50x128xf32, #tpu.memory_space<hbm>>)
    %add3A_27 = arith.constant 0 : i32
    %add3A_28 = arith.addi %mul3A_2, %add3A_27 : i32
    %dma_wait3A_29 = arith.constant 0 : i32
    %dma_wait3A_30 = arith.constant 0 : i32
    %dma_wait3A_31 = tpu.memref_slice %arg17[%dma_wait3A_29, %dma_wait3A_30] : memref<100x5xf32, #tpu.memory_space<vmem>> -> memref<50x5xf32, #tpu.memory_space<vmem>>
    %dma_wait3A_32 = arith.constant 0 : i32
    %dma_wait3A_33 = arith.constant 384 : i32
    %dma_wait3A_34 = tpu.memref_slice %arg9[%add3A_28, %dma_wait3A_32, %dma_wait3A_33] : memref<2048x50x389xf32, #tpu.memory_space<hbm>> -> memref<1x50x5xf32, #tpu.memory_space<hbm>>
    %dma_wait3A_35 = tpu.memref_squeeze %dma_wait3A_34 : memref<1x50x5xf32, #tpu.memory_space<hbm>> -> memref<50x5xf32, #tpu.memory_space<hbm>>
    %dma_wait3A_36 = arith.constant 0 : i32
    %dma_wait3A_37 = arith.constant 384 : i32
    %dma_wait3A_38 = tpu.memref_slice %arg9[%add3A_28, %dma_wait3A_36, %dma_wait3A_37] : memref<2048x50x389xf32, #tpu.memory_space<hbm>> -> memref<1x50x5xf32, #tpu.memory_space<hbm>>
    %dma_wait3A_39 = tpu.memref_squeeze %dma_wait3A_38 : memref<1x50x5xf32, #tpu.memory_space<hbm>> -> memref<50x5xf32, #tpu.memory_space<hbm>>
    %dma_wait3A_40 = arith.constant 0 : i32
    %dma_wait3A_41 = arith.constant 0 : i32
    %dma_wait3A_42 = tpu.memref_slice %arg17[%dma_wait3A_40, %dma_wait3A_41] : memref<100x5xf32, #tpu.memory_space<vmem>> -> memref<50x5xf32, #tpu.memory_space<vmem>>
    tpu.wait_dma2 semaphore(%arg24 : memref<!tpu.dma_semaphore, #tpu.memory_space<semaphore_mem>>) src(%dma_wait3A_42 : memref<50x5xf32, #tpu.memory_space<vmem>>) dst(%dma_wait3A_39 : memref<50x5xf32, #tpu.memory_space<hbm>>)
    %add3A_43 = arith.constant 1 : i32
    %add3A_44 = arith.addi %mul3A_2, %add3A_43 : i32
    %dma_wait3A_45 = arith.constant 50 : i32
    %dma_wait3A_46 = arith.constant 0 : i32
    %dma_wait3A_47 = tpu.memref_slice %arg17[%dma_wait3A_45, %dma_wait3A_46] : memref<100x5xf32, #tpu.memory_space<vmem>> -> memref<50x5xf32, #tpu.memory_space<vmem>>
    %dma_wait3A_48 = arith.constant 0 : i32
    %dma_wait3A_49 = arith.constant 384 : i32
    %dma_wait3A_50 = tpu.memref_slice %arg9[%add3A_44, %dma_wait3A_48, %dma_wait3A_49] : memref<2048x50x389xf32, #tpu.memory_space<hbm>> -> memref<1x50x5xf32, #tpu.memory_space<hbm>>
    %dma_wait3A_51 = tpu.memref_squeeze %dma_wait3A_50 : memref<1x50x5xf32, #tpu.memory_space<hbm>> -> memref<50x5xf32, #tpu.memory_space<hbm>>
    %dma_wait3A_52 = arith.constant 0 : i32
    %dma_wait3A_53 = arith.constant 384 : i32
    %dma_wait3A_54 = tpu.memref_slice %arg9[%add3A_44, %dma_wait3A_52, %dma_wait3A_53] : memref<2048x50x389xf32, #tpu.memory_space<hbm>> -> memref<1x50x5xf32, #tpu.memory_space<hbm>>
    %dma_wait3A_55 = tpu.memref_squeeze %dma_wait3A_54 : memref<1x50x5xf32, #tpu.memory_space<hbm>> -> memref<50x5xf32, #tpu.memory_space<hbm>>
    %dma_wait3A_56 = arith.constant 50 : i32
    %dma_wait3A_57 = arith.constant 0 : i32
    %dma_wait3A_58 = tpu.memref_slice %arg17[%dma_wait3A_56, %dma_wait3A_57] : memref<100x5xf32, #tpu.memory_space<vmem>> -> memref<50x5xf32, #tpu.memory_space<vmem>>
    tpu.wait_dma2 semaphore(%arg24 : memref<!tpu.dma_semaphore, #tpu.memory_space<semaphore_mem>>) src(%dma_wait3A_58 : memref<50x5xf32, #tpu.memory_space<vmem>>) dst(%dma_wait3A_55 : memref<50x5xf32, #tpu.memory_space<hbm>>)
    return
  }
}

module attributes {stable_mosaic.version = 14 : i64} {
  func.func @_tc_transpose_body(%arg0: i32, %arg1: memref<128x50x389xf32, #tpu.memory_space<vmem>>, %arg2: memref<50x392x128xf32, #tpu.memory_space<vmem>>) attributes {dimension_semantics = [#tpu.dimension_semantics<arbitrary>], iteration_bounds = array<i64: 16>, scalar_prefetch = 0 : i64, scratch_operands = 0 : i64, tpu.core_type = #tpu.core_type<tc>, window_params = [{transform_indices = @transform_0, window_bounds = array<i64: 128, 50, 389>}, {transform_indices = @transform_1, window_bounds = array<i64: 50, 392, 128>}]} {
    %get3A = arith.constant 0 : index
    %get3A_0 = arith.constant 0 : index
    %get3A_1 = arith.constant 0 : index
    %get3A_2 = vector.load %arg1[%get3A, %get3A_0, %get3A_1] : memref<128x50x389xf32, #tpu.memory_space<vmem>>, vector<128x1x389xf32>
    %get3A_3 = vector.shape_cast %get3A_2 : vector<128x1x389xf32> to vector<128x389xf32>
    %transpose3A = tpu.transpose %get3A_3, [1, 0] : vector<128x389xf32> -> vector<389x128xf32>
    %swap3A = arith.constant 0 : index
    %swap3A_4 = arith.constant 0 : index
    %swap3A_5 = arith.constant 0 : index
    %swap3A_6 = vector.load %arg2[%swap3A, %swap3A_4, %swap3A_5] : memref<50x392x128xf32, #tpu.memory_space<vmem>>, vector<1x389x128xf32>
    %swap3A_7 = vector.shape_cast %swap3A_6 : vector<1x389x128xf32> to vector<389x128xf32>
    %swap3A_8 = vector.shape_cast %transpose3A : vector<389x128xf32> to vector<1x389x128xf32>
    tpu.vector_store %arg2[%swap3A, %swap3A_4, %swap3A_5], %swap3A_8 {strides = array<i32>} : memref<50x392x128xf32, #tpu.memory_space<vmem>>, vector<1x389x128xf32>,
    %get3A_9 = arith.constant 0 : index
    %get3A_10 = arith.constant 1 : index
    %get3A_11 = arith.constant 0 : index
    %get3A_12 = vector.load %arg1[%get3A_9, %get3A_10, %get3A_11] : memref<128x50x389xf32, #tpu.memory_space<vmem>>, vector<128x1x389xf32>
    %get3A_13 = vector.shape_cast %get3A_12 : vector<128x1x389xf32> to vector<128x389xf32>
    %transpose3A_14 = tpu.transpose %get3A_13, [1, 0] : vector<128x389xf32> -> vector<389x128xf32>
    %swap3A_15 = arith.constant 1 : index
    %swap3A_16 = arith.constant 0 : index
    %swap3A_17 = arith.constant 0 : index
    %swap3A_18 = vector.load %arg2[%swap3A_15, %swap3A_16, %swap3A_17] : memref<50x392x128xf32, #tpu.memory_space<vmem>>, vector<1x389x128xf32>
    %swap3A_19 = vector.shape_cast %swap3A_18 : vector<1x389x128xf32> to vector<389x128xf32>
    %swap3A_20 = vector.shape_cast %transpose3A_14 : vector<389x128xf32> to vector<1x389x128xf32>
    tpu.vector_store %arg2[%swap3A_15, %swap3A_16, %swap3A_17], %swap3A_20 {strides = array<i32>} : memref<50x392x128xf32, #tpu.memory_space<vmem>>, vector<1x389x128xf32>,
    %get3A_21 = arith.constant 0 : index
    %get3A_22 = arith.constant 2 : index
    %get3A_23 = arith.constant 0 : index
    %get3A_24 = vector.load %arg1[%get3A_21, %get3A_22, %get3A_23] : memref<128x50x389xf32, #tpu.memory_space<vmem>>, vector<128x1x389xf32>
    %get3A_25 = vector.shape_cast %get3A_24 : vector<128x1x389xf32> to vector<128x389xf32>
    %transpose3A_26 = tpu.transpose %get3A_25, [1, 0] : vector<128x389xf32> -> vector<389x128xf32>
    %swap3A_27 = arith.constant 2 : index
    %swap3A_28 = arith.constant 0 : index
    %swap3A_29 = arith.constant 0 : index
    %swap3A_30 = vector.load %arg2[%swap3A_27, %swap3A_28, %swap3A_29] : memref<50x392x128xf32, #tpu.memory_space<vmem>>, vector<1x389x128xf32>
    %swap3A_31 = vector.shape_cast %swap3A_30 : vector<1x389x128xf32> to vector<389x128xf32>
    %swap3A_32 = vector.shape_cast %transpose3A_26 : vector<389x128xf32> to vector<1x389x128xf32>
    tpu.vector_store %arg2[%swap3A_27, %swap3A_28, %swap3A_29], %swap3A_32 {strides = array<i32>} : memref<50x392x128xf32, #tpu.memory_space<vmem>>, vector<1x389x128xf32>,
    %get3A_33 = arith.constant 0 : index
    %get3A_34 = arith.constant 3 : index
    %get3A_35 = arith.constant 0 : index
    %get3A_36 = vector.load %arg1[%get3A_33, %get3A_34, %get3A_35] : memref<128x50x389xf32, #tpu.memory_space<vmem>>, vector<128x1x389xf32>
    %get3A_37 = vector.shape_cast %get3A_36 : vector<128x1x389xf32> to vector<128x389xf32>
    %transpose3A_38 = tpu.transpose %get3A_37, [1, 0] : vector<128x389xf32> -> vector<389x128xf32>
    %swap3A_39 = arith.constant 3 : index
    %swap3A_40 = arith.constant 0 : index
    %swap3A_41 = arith.constant 0 : index
    %swap3A_42 = vector.load %arg2[%swap3A_39, %swap3A_40, %swap3A_41] : memref<50x392x128xf32, #tpu.memory_space<vmem>>, vector<1x389x128xf32>
    %swap3A_43 = vector.shape_cast %swap3A_42 : vector<1x389x128xf32> to vector<389x128xf32>
    %swap3A_44 = vector.shape_cast %transpose3A_38 : vector<389x128xf32> to vector<1x389x128xf32>
    tpu.vector_store %arg2[%swap3A_39, %swap3A_40, %swap3A_41], %swap3A_44 {strides = array<i32>} : memref<50x392x128xf32, #tpu.memory_space<vmem>>, vector<1x389x128xf32>,
    %get3A_45 = arith.constant 0 : index
    %get3A_46 = arith.constant 4 : index
    %get3A_47 = arith.constant 0 : index
    %get3A_48 = vector.load %arg1[%get3A_45, %get3A_46, %get3A_47] : memref<128x50x389xf32, #tpu.memory_space<vmem>>, vector<128x1x389xf32>
    %get3A_49 = vector.shape_cast %get3A_48 : vector<128x1x389xf32> to vector<128x389xf32>
    %transpose3A_50 = tpu.transpose %get3A_49, [1, 0] : vector<128x389xf32> -> vector<389x128xf32>
    %swap3A_51 = arith.constant 4 : index
    %swap3A_52 = arith.constant 0 : index
    %swap3A_53 = arith.constant 0 : index
    %swap3A_54 = vector.load %arg2[%swap3A_51, %swap3A_52, %swap3A_53] : memref<50x392x128xf32, #tpu.memory_space<vmem>>, vector<1x389x128xf32>
    %swap3A_55 = vector.shape_cast %swap3A_54 : vector<1x389x128xf32> to vector<389x128xf32>
    %swap3A_56 = vector.shape_cast %transpose3A_50 : vector<389x128xf32> to vector<1x389x128xf32>
    tpu.vector_store %arg2[%swap3A_51, %swap3A_52, %swap3A_53], %swap3A_56 {strides = array<i32>} : memref<50x392x128xf32, #tpu.memory_space<vmem>>, vector<1x389x128xf32>,
    %get3A_57 = arith.constant 0 : index
    %get3A_58 = arith.constant 5 : index
    %get3A_59 = arith.constant 0 : index
    %get3A_60 = vector.load %arg1[%get3A_57, %get3A_58, %get3A_59] : memref<128x50x389xf32, #tpu.memory_space<vmem>>, vector<128x1x389xf32>
    %get3A_61 = vector.shape_cast %get3A_60 : vector<128x1x389xf32> to vector<128x389xf32>
    %transpose3A_62 = tpu.transpose %get3A_61, [1, 0] : vector<128x389xf32> -> vector<389x128xf32>
    %swap3A_63 = arith.constant 5 : index
    %swap3A_64 = arith.constant 0 : index
    %swap3A_65 = arith.constant 0 : index
    %swap3A_66 = vector.load %arg2[%swap3A_63, %swap3A_64, %swap3A_65] : memref<50x392x128xf32, #tpu.memory_space<vmem>>, vector<1x389x128xf32>
    %swap3A_67 = vector.shape_cast %swap3A_66 : vector<1x389x128xf32> to vector<389x128xf32>
    %swap3A_68 = vector.shape_cast %transpose3A_62 : vector<389x128xf32> to vector<1x389x128xf32>
    tpu.vector_store %arg2[%swap3A_63, %swap3A_64, %swap3A_65], %swap3A_68 {strides = array<i32>} : memref<50x392x128xf32, #tpu.memory_space<vmem>>, vector<1x389x128xf32>,
    %get3A_69 = arith.constant 0 : index
    %get3A_70 = arith.constant 6 : index
    %get3A_71 = arith.constant 0 : index
    %get3A_72 = vector.load %arg1[%get3A_69, %get3A_70, %get3A_71] : memref<128x50x389xf32, #tpu.memory_space<vmem>>, vector<128x1x389xf32>
    %get3A_73 = vector.shape_cast %get3A_72 : vector<128x1x389xf32> to vector<128x389xf32>
    %transpose3A_74 = tpu.transpose %get3A_73, [1, 0] : vector<128x389xf32> -> vector<389x128xf32>
    %swap3A_75 = arith.constant 6 : index
    %swap3A_76 = arith.constant 0 : index
    %swap3A_77 = arith.constant 0 : index
    %swap3A_78 = vector.load %arg2[%swap3A_75, %swap3A_76, %swap3A_77] : memref<50x392x128xf32, #tpu.memory_space<vmem>>, vector<1x389x128xf32>
    %swap3A_79 = vector.shape_cast %swap3A_78 : vector<1x389x128xf32> to vector<389x128xf32>
    %swap3A_80 = vector.shape_cast %transpose3A_74 : vector<389x128xf32> to vector<1x389x128xf32>
    tpu.vector_store %arg2[%swap3A_75, %swap3A_76, %swap3A_77], %swap3A_80 {strides = array<i32>} : memref<50x392x128xf32, #tpu.memory_space<vmem>>, vector<1x389x128xf32>,
    %get3A_81 = arith.constant 0 : index
    %get3A_82 = arith.constant 7 : index
    %get3A_83 = arith.constant 0 : index
    %get3A_84 = vector.load %arg1[%get3A_81, %get3A_82, %get3A_83] : memref<128x50x389xf32, #tpu.memory_space<vmem>>, vector<128x1x389xf32>
    %get3A_85 = vector.shape_cast %get3A_84 : vector<128x1x389xf32> to vector<128x389xf32>
    %transpose3A_86 = tpu.transpose %get3A_85, [1, 0] : vector<128x389xf32> -> vector<389x128xf32>
    %swap3A_87 = arith.constant 7 : index
    %swap3A_88 = arith.constant 0 : index
    %swap3A_89 = arith.constant 0 : index
    %swap3A_90 = vector.load %arg2[%swap3A_87, %swap3A_88, %swap3A_89] : memref<50x392x128xf32, #tpu.memory_space<vmem>>, vector<1x389x128xf32>
    %swap3A_91 = vector.shape_cast %swap3A_90 : vector<1x389x128xf32> to vector<389x128xf32>
    %swap3A_92 = vector.shape_cast %transpose3A_86 : vector<389x128xf32> to vector<1x389x128xf32>
    tpu.vector_store %arg2[%swap3A_87, %swap3A_88, %swap3A_89], %swap3A_92 {strides = array<i32>} : memref<50x392x128xf32, #tpu.memory_space<vmem>>, vector<1x389x128xf32>,
    %get3A_93 = arith.constant 0 : index
    %get3A_94 = arith.constant 8 : index
    %get3A_95 = arith.constant 0 : index
    %get3A_96 = vector.load %arg1[%get3A_93, %get3A_94, %get3A_95] : memref<128x50x389xf32, #tpu.memory_space<vmem>>, vector<128x1x389xf32>
    %get3A_97 = vector.shape_cast %get3A_96 : vector<128x1x389xf32> to vector<128x389xf32>
    %transpose3A_98 = tpu.transpose %get3A_97, [1, 0] : vector<128x389xf32> -> vector<389x128xf32>
    %swap3A_99 = arith.constant 8 : index
    %swap3A_100 = arith.constant 0 : index
    %swap3A_101 = arith.constant 0 : index
    %swap3A_102 = vector.load %arg2[%swap3A_99, %swap3A_100, %swap3A_101] : memref<50x392x128xf32, #tpu.memory_space<vmem>>, vector<1x389x128xf32>
    %swap3A_103 = vector.shape_cast %swap3A_102 : vector<1x389x128xf32> to vector<389x128xf32>
    %swap3A_104 = vector.shape_cast %transpose3A_98 : vector<389x128xf32> to vector<1x389x128xf32>
    tpu.vector_store %arg2[%swap3A_99, %swap3A_100, %swap3A_101], %swap3A_104 {strides = array<i32>} : memref<50x392x128xf32, #tpu.memory_space<vmem>>, vector<1x389x128xf32>,
    %get3A_105 = arith.constant 0 : index
    %get3A_106 = arith.constant 9 : index
    %get3A_107 = arith.constant 0 : index
    %get3A_108 = vector.load %arg1[%get3A_105, %get3A_106, %get3A_107] : memref<128x50x389xf32, #tpu.memory_space<vmem>>, vector<128x1x389xf32>
    %get3A_109 = vector.shape_cast %get3A_108 : vector<128x1x389xf32> to vector<128x389xf32>
    %transpose3A_110 = tpu.transpose %get3A_109, [1, 0] : vector<128x389xf32> -> vector<389x128xf32>
    %swap3A_111 = arith.constant 9 : index
    %swap3A_112 = arith.constant 0 : index
    %swap3A_113 = arith.constant 0 : index
    %swap3A_114 = vector.load %arg2[%swap3A_111, %swap3A_112, %swap3A_113] : memref<50x392x128xf32, #tpu.memory_space<vmem>>, vector<1x389x128xf32>
    %swap3A_115 = vector.shape_cast %swap3A_114 : vector<1x389x128xf32> to vector<389x128xf32>
    %swap3A_116 = vector.shape_cast %transpose3A_110 : vector<389x128xf32> to vector<1x389x128xf32>
    tpu.vector_store %arg2[%swap3A_111, %swap3A_112, %swap3A_113], %swap3A_116 {strides = array<i32>} : memref<50x392x128xf32, #tpu.memory_space<vmem>>, vector<1x389x128xf32>,
    %get3A_117 = arith.constant 0 : index
    %get3A_118 = arith.constant 10 : index
    %get3A_119 = arith.constant 0 : index
    %get3A_120 = vector.load %arg1[%get3A_117, %get3A_118, %get3A_119] : memref<128x50x389xf32, #tpu.memory_space<vmem>>, vector<128x1x389xf32>
    %get3A_121 = vector.shape_cast %get3A_120 : vector<128x1x389xf32> to vector<128x389xf32>
    %transpose3A_122 = tpu.transpose %get3A_121, [1, 0] : vector<128x389xf32> -> vector<389x128xf32>
    %swap3A_123 = arith.constant 10 : index
    %swap3A_124 = arith.constant 0 : index
    %swap3A_125 = arith.constant 0 : index
    %swap3A_126 = vector.load %arg2[%swap3A_123, %swap3A_124, %swap3A_125] : memref<50x392x128xf32, #tpu.memory_space<vmem>>, vector<1x389x128xf32>
    %swap3A_127 = vector.shape_cast %swap3A_126 : vector<1x389x128xf32> to vector<389x128xf32>
    %swap3A_128 = vector.shape_cast %transpose3A_122 : vector<389x128xf32> to vector<1x389x128xf32>
    tpu.vector_store %arg2[%swap3A_123, %swap3A_124, %swap3A_125], %swap3A_128 {strides = array<i32>} : memref<50x392x128xf32, #tpu.memory_space<vmem>>, vector<1x389x128xf32>,
    %get3A_129 = arith.constant 0 : index
    %get3A_130 = arith.constant 11 : index
    %get3A_131 = arith.constant 0 : index
    %get3A_132 = vector.load %arg1[%get3A_129, %get3A_130, %get3A_131] : memref<128x50x389xf32, #tpu.memory_space<vmem>>, vector<128x1x389xf32>
    %get3A_133 = vector.shape_cast %get3A_132 : vector<128x1x389xf32> to vector<128x389xf32>
    %transpose3A_134 = tpu.transpose %get3A_133, [1, 0] : vector<128x389xf32> -> vector<389x128xf32>
    %swap3A_135 = arith.constant 11 : index
    %swap3A_136 = arith.constant 0 : index
    %swap3A_137 = arith.constant 0 : index
    %swap3A_138 = vector.load %arg2[%swap3A_135, %swap3A_136, %swap3A_137] : memref<50x392x128xf32, #tpu.memory_space<vmem>>, vector<1x389x128xf32>
    %swap3A_139 = vector.shape_cast %swap3A_138 : vector<1x389x128xf32> to vector<389x128xf32>
    %swap3A_140 = vector.shape_cast %transpose3A_134 : vector<389x128xf32> to vector<1x389x128xf32>
    tpu.vector_store %arg2[%swap3A_135, %swap3A_136, %swap3A_137], %swap3A_140 {strides = array<i32>} : memref<50x392x128xf32, #tpu.memory_space<vmem>>, vector<1x389x128xf32>,
    %get3A_141 = arith.constant 0 : index
    %get3A_142 = arith.constant 12 : index
    %get3A_143 = arith.constant 0 : index
    %get3A_144 = vector.load %arg1[%get3A_141, %get3A_142, %get3A_143] : memref<128x50x389xf32, #tpu.memory_space<vmem>>, vector<128x1x389xf32>
    %get3A_145 = vector.shape_cast %get3A_144 : vector<128x1x389xf32> to vector<128x389xf32>
    %transpose3A_146 = tpu.transpose %get3A_145, [1, 0] : vector<128x389xf32> -> vector<389x128xf32>
    %swap3A_147 = arith.constant 12 : index
    %swap3A_148 = arith.constant 0 : index
    %swap3A_149 = arith.constant 0 : index
    %swap3A_150 = vector.load %arg2[%swap3A_147, %swap3A_148, %swap3A_149] : memref<50x392x128xf32, #tpu.memory_space<vmem>>, vector<1x389x128xf32>
    %swap3A_151 = vector.shape_cast %swap3A_150 : vector<1x389x128xf32> to vector<389x128xf32>
    %swap3A_152 = vector.shape_cast %transpose3A_146 : vector<389x128xf32> to vector<1x389x128xf32>
    tpu.vector_store %arg2[%swap3A_147, %swap3A_148, %swap3A_149], %swap3A_152 {strides = array<i32>} : memref<50x392x128xf32, #tpu.memory_space<vmem>>, vector<1x389x128xf32>,
    %get3A_153 = arith.constant 0 : index
    %get3A_154 = arith.constant 13 : index
    %get3A_155 = arith.constant 0 : index
    %get3A_156 = vector.load %arg1[%get3A_153, %get3A_154, %get3A_155] : memref<128x50x389xf32, #tpu.memory_space<vmem>>, vector<128x1x389xf32>
    %get3A_157 = vector.shape_cast %get3A_156 : vector<128x1x389xf32> to vector<128x389xf32>
    %transpose3A_158 = tpu.transpose %get3A_157, [1, 0] : vector<128x389xf32> -> vector<389x128xf32>
    %swap3A_159 = arith.constant 13 : index
    %swap3A_160 = arith.constant 0 : index
    %swap3A_161 = arith.constant 0 : index
    %swap3A_162 = vector.load %arg2[%swap3A_159, %swap3A_160, %swap3A_161] : memref<50x392x128xf32, #tpu.memory_space<vmem>>, vector<1x389x128xf32>
    %swap3A_163 = vector.shape_cast %swap3A_162 : vector<1x389x128xf32> to vector<389x128xf32>
    %swap3A_164 = vector.shape_cast %transpose3A_158 : vector<389x128xf32> to vector<1x389x128xf32>
    tpu.vector_store %arg2[%swap3A_159, %swap3A_160, %swap3A_161], %swap3A_164 {strides = array<i32>} : memref<50x392x128xf32, #tpu.memory_space<vmem>>, vector<1x389x128xf32>,
    %get3A_165 = arith.constant 0 : index
    %get3A_166 = arith.constant 14 : index
    %get3A_167 = arith.constant 0 : index
    %get3A_168 = vector.load %arg1[%get3A_165, %get3A_166, %get3A_167] : memref<128x50x389xf32, #tpu.memory_space<vmem>>, vector<128x1x389xf32>
    %get3A_169 = vector.shape_cast %get3A_168 : vector<128x1x389xf32> to vector<128x389xf32>
    %transpose3A_170 = tpu.transpose %get3A_169, [1, 0] : vector<128x389xf32> -> vector<389x128xf32>
    %swap3A_171 = arith.constant 14 : index
    %swap3A_172 = arith.constant 0 : index
    %swap3A_173 = arith.constant 0 : index
    %swap3A_174 = vector.load %arg2[%swap3A_171, %swap3A_172, %swap3A_173] : memref<50x392x128xf32, #tpu.memory_space<vmem>>, vector<1x389x128xf32>
    %swap3A_175 = vector.shape_cast %swap3A_174 : vector<1x389x128xf32> to vector<389x128xf32>
    %swap3A_176 = vector.shape_cast %transpose3A_170 : vector<389x128xf32> to vector<1x389x128xf32>
    tpu.vector_store %arg2[%swap3A_171, %swap3A_172, %swap3A_173], %swap3A_176 {strides = array<i32>} : memref<50x392x128xf32, #tpu.memory_space<vmem>>, vector<1x389x128xf32>,
    %get3A_177 = arith.constant 0 : index
    %get3A_178 = arith.constant 15 : index
    %get3A_179 = arith.constant 0 : index
    %get3A_180 = vector.load %arg1[%get3A_177, %get3A_178, %get3A_179] : memref<128x50x389xf32, #tpu.memory_space<vmem>>, vector<128x1x389xf32>
    %get3A_181 = vector.shape_cast %get3A_180 : vector<128x1x389xf32> to vector<128x389xf32>
    %transpose3A_182 = tpu.transpose %get3A_181, [1, 0] : vector<128x389xf32> -> vector<389x128xf32>
    %swap3A_183 = arith.constant 15 : index
    %swap3A_184 = arith.constant 0 : index
    %swap3A_185 = arith.constant 0 : index
    %swap3A_186 = vector.load %arg2[%swap3A_183, %swap3A_184, %swap3A_185] : memref<50x392x128xf32, #tpu.memory_space<vmem>>, vector<1x389x128xf32>
    %swap3A_187 = vector.shape_cast %swap3A_186 : vector<1x389x128xf32> to vector<389x128xf32>
    %swap3A_188 = vector.shape_cast %transpose3A_182 : vector<389x128xf32> to vector<1x389x128xf32>
    tpu.vector_store %arg2[%swap3A_183, %swap3A_184, %swap3A_185], %swap3A_188 {strides = array<i32>} : memref<50x392x128xf32, #tpu.memory_space<vmem>>, vector<1x389x128xf32>,
    %get3A_189 = arith.constant 0 : index
    %get3A_190 = arith.constant 16 : index
    %get3A_191 = arith.constant 0 : index
    %get3A_192 = vector.load %arg1[%get3A_189, %get3A_190, %get3A_191] : memref<128x50x389xf32, #tpu.memory_space<vmem>>, vector<128x1x389xf32>
    %get3A_193 = vector.shape_cast %get3A_192 : vector<128x1x389xf32> to vector<128x389xf32>
    %transpose3A_194 = tpu.transpose %get3A_193, [1, 0] : vector<128x389xf32> -> vector<389x128xf32>
    %swap3A_195 = arith.constant 16 : index
    %swap3A_196 = arith.constant 0 : index
    %swap3A_197 = arith.constant 0 : index
    %swap3A_198 = vector.load %arg2[%swap3A_195, %swap3A_196, %swap3A_197] : memref<50x392x128xf32, #tpu.memory_space<vmem>>, vector<1x389x128xf32>
    %swap3A_199 = vector.shape_cast %swap3A_198 : vector<1x389x128xf32> to vector<389x128xf32>
    %swap3A_200 = vector.shape_cast %transpose3A_194 : vector<389x128xf32> to vector<1x389x128xf32>
    tpu.vector_store %arg2[%swap3A_195, %swap3A_196, %swap3A_197], %swap3A_200 {strides = array<i32>} : memref<50x392x128xf32, #tpu.memory_space<vmem>>, vector<1x389x128xf32>,
    %get3A_201 = arith.constant 0 : index
    %get3A_202 = arith.constant 17 : index
    %get3A_203 = arith.constant 0 : index
    %get3A_204 = vector.load %arg1[%get3A_201, %get3A_202, %get3A_203] : memref<128x50x389xf32, #tpu.memory_space<vmem>>, vector<128x1x389xf32>
    %get3A_205 = vector.shape_cast %get3A_204 : vector<128x1x389xf32> to vector<128x389xf32>
    %transpose3A_206 = tpu.transpose %get3A_205, [1, 0] : vector<128x389xf32> -> vector<389x128xf32>
    %swap3A_207 = arith.constant 17 : index
    %swap3A_208 = arith.constant 0 : index
    %swap3A_209 = arith.constant 0 : index
    %swap3A_210 = vector.load %arg2[%swap3A_207, %swap3A_208, %swap3A_209] : memref<50x392x128xf32, #tpu.memory_space<vmem>>, vector<1x389x128xf32>
    %swap3A_211 = vector.shape_cast %swap3A_210 : vector<1x389x128xf32> to vector<389x128xf32>
    %swap3A_212 = vector.shape_cast %transpose3A_206 : vector<389x128xf32> to vector<1x389x128xf32>
    tpu.vector_store %arg2[%swap3A_207, %swap3A_208, %swap3A_209], %swap3A_212 {strides = array<i32>} : memref<50x392x128xf32, #tpu.memory_space<vmem>>, vector<1x389x128xf32>,
    %get3A_213 = arith.constant 0 : index
    %get3A_214 = arith.constant 18 : index
    %get3A_215 = arith.constant 0 : index
    %get3A_216 = vector.load %arg1[%get3A_213, %get3A_214, %get3A_215] : memref<128x50x389xf32, #tpu.memory_space<vmem>>, vector<128x1x389xf32>
    %get3A_217 = vector.shape_cast %get3A_216 : vector<128x1x389xf32> to vector<128x389xf32>
    %transpose3A_218 = tpu.transpose %get3A_217, [1, 0] : vector<128x389xf32> -> vector<389x128xf32>
    %swap3A_219 = arith.constant 18 : index
    %swap3A_220 = arith.constant 0 : index
    %swap3A_221 = arith.constant 0 : index
    %swap3A_222 = vector.load %arg2[%swap3A_219, %swap3A_220, %swap3A_221] : memref<50x392x128xf32, #tpu.memory_space<vmem>>, vector<1x389x128xf32>
    %swap3A_223 = vector.shape_cast %swap3A_222 : vector<1x389x128xf32> to vector<389x128xf32>
    %swap3A_224 = vector.shape_cast %transpose3A_218 : vector<389x128xf32> to vector<1x389x128xf32>
    tpu.vector_store %arg2[%swap3A_219, %swap3A_220, %swap3A_221], %swap3A_224 {strides = array<i32>} : memref<50x392x128xf32, #tpu.memory_space<vmem>>, vector<1x389x128xf32>,
    %get3A_225 = arith.constant 0 : index
    %get3A_226 = arith.constant 19 : index
    %get3A_227 = arith.constant 0 : index
    %get3A_228 = vector.load %arg1[%get3A_225, %get3A_226, %get3A_227] : memref<128x50x389xf32, #tpu.memory_space<vmem>>, vector<128x1x389xf32>
    %get3A_229 = vector.shape_cast %get3A_228 : vector<128x1x389xf32> to vector<128x389xf32>
    %transpose3A_230 = tpu.transpose %get3A_229, [1, 0] : vector<128x389xf32> -> vector<389x128xf32>
    %swap3A_231 = arith.constant 19 : index
    %swap3A_232 = arith.constant 0 : index
    %swap3A_233 = arith.constant 0 : index
    %swap3A_234 = vector.load %arg2[%swap3A_231, %swap3A_232, %swap3A_233] : memref<50x392x128xf32, #tpu.memory_space<vmem>>, vector<1x389x128xf32>
    %swap3A_235 = vector.shape_cast %swap3A_234 : vector<1x389x128xf32> to vector<389x128xf32>
    %swap3A_236 = vector.shape_cast %transpose3A_230 : vector<389x128xf32> to vector<1x389x128xf32>
    tpu.vector_store %arg2[%swap3A_231, %swap3A_232, %swap3A_233], %swap3A_236 {strides = array<i32>} : memref<50x392x128xf32, #tpu.memory_space<vmem>>, vector<1x389x128xf32>,
    %get3A_237 = arith.constant 0 : index
    %get3A_238 = arith.constant 20 : index
    %get3A_239 = arith.constant 0 : index
    %get3A_240 = vector.load %arg1[%get3A_237, %get3A_238, %get3A_239] : memref<128x50x389xf32, #tpu.memory_space<vmem>>, vector<128x1x389xf32>
    %get3A_241 = vector.shape_cast %get3A_240 : vector<128x1x389xf32> to vector<128x389xf32>
    %transpose3A_242 = tpu.transpose %get3A_241, [1, 0] : vector<128x389xf32> -> vector<389x128xf32>
    %swap3A_243 = arith.constant 20 : index
    %swap3A_244 = arith.constant 0 : index
    %swap3A_245 = arith.constant 0 : index
    %swap3A_246 = vector.load %arg2[%swap3A_243, %swap3A_244, %swap3A_245] : memref<50x392x128xf32, #tpu.memory_space<vmem>>, vector<1x389x128xf32>
    %swap3A_247 = vector.shape_cast %swap3A_246 : vector<1x389x128xf32> to vector<389x128xf32>
    %swap3A_248 = vector.shape_cast %transpose3A_242 : vector<389x128xf32> to vector<1x389x128xf32>
    tpu.vector_store %arg2[%swap3A_243, %swap3A_244, %swap3A_245], %swap3A_248 {strides = array<i32>} : memref<50x392x128xf32, #tpu.memory_space<vmem>>, vector<1x389x128xf32>,
    %get3A_249 = arith.constant 0 : index
    %get3A_250 = arith.constant 21 : index
    %get3A_251 = arith.constant 0 : index
    %get3A_252 = vector.load %arg1[%get3A_249, %get3A_250, %get3A_251] : memref<128x50x389xf32, #tpu.memory_space<vmem>>, vector<128x1x389xf32>
    %get3A_253 = vector.shape_cast %get3A_252 : vector<128x1x389xf32> to vector<128x389xf32>
    %transpose3A_254 = tpu.transpose %get3A_253, [1, 0] : vector<128x389xf32> -> vector<389x128xf32>
    %swap3A_255 = arith.constant 21 : index
    %swap3A_256 = arith.constant 0 : index
    %swap3A_257 = arith.constant 0 : index
    %swap3A_258 = vector.load %arg2[%swap3A_255, %swap3A_256, %swap3A_257] : memref<50x392x128xf32, #tpu.memory_space<vmem>>, vector<1x389x128xf32>
    %swap3A_259 = vector.shape_cast %swap3A_258 : vector<1x389x128xf32> to vector<389x128xf32>
    %swap3A_260 = vector.shape_cast %transpose3A_254 : vector<389x128xf32> to vector<1x389x128xf32>
    tpu.vector_store %arg2[%swap3A_255, %swap3A_256, %swap3A_257], %swap3A_260 {strides = array<i32>} : memref<50x392x128xf32, #tpu.memory_space<vmem>>, vector<1x389x128xf32>,
    %get3A_261 = arith.constant 0 : index
    %get3A_262 = arith.constant 22 : index
    %get3A_263 = arith.constant 0 : index
    %get3A_264 = vector.load %arg1[%get3A_261, %get3A_262, %get3A_263] : memref<128x50x389xf32, #tpu.memory_space<vmem>>, vector<128x1x389xf32>
    %get3A_265 = vector.shape_cast %get3A_264 : vector<128x1x389xf32> to vector<128x389xf32>
    %transpose3A_266 = tpu.transpose %get3A_265, [1, 0] : vector<128x389xf32> -> vector<389x128xf32>
    %swap3A_267 = arith.constant 22 : index
    %swap3A_268 = arith.constant 0 : index
    %swap3A_269 = arith.constant 0 : index
    %swap3A_270 = vector.load %arg2[%swap3A_267, %swap3A_268, %swap3A_269] : memref<50x392x128xf32, #tpu.memory_space<vmem>>, vector<1x389x128xf32>
    %swap3A_271 = vector.shape_cast %swap3A_270 : vector<1x389x128xf32> to vector<389x128xf32>
    %swap3A_272 = vector.shape_cast %transpose3A_266 : vector<389x128xf32> to vector<1x389x128xf32>
    tpu.vector_store %arg2[%swap3A_267, %swap3A_268, %swap3A_269], %swap3A_272 {strides = array<i32>} : memref<50x392x128xf32, #tpu.memory_space<vmem>>, vector<1x389x128xf32>,
    %get3A_273 = arith.constant 0 : index
    %get3A_274 = arith.constant 23 : index
    %get3A_275 = arith.constant 0 : index
    %get3A_276 = vector.load %arg1[%get3A_273, %get3A_274, %get3A_275] : memref<128x50x389xf32, #tpu.memory_space<vmem>>, vector<128x1x389xf32>
    %get3A_277 = vector.shape_cast %get3A_276 : vector<128x1x389xf32> to vector<128x389xf32>
    %transpose3A_278 = tpu.transpose %get3A_277, [1, 0] : vector<128x389xf32> -> vector<389x128xf32>
    %swap3A_279 = arith.constant 23 : index
    %swap3A_280 = arith.constant 0 : index
    %swap3A_281 = arith.constant 0 : index
    %swap3A_282 = vector.load %arg2[%swap3A_279, %swap3A_280, %swap3A_281] : memref<50x392x128xf32, #tpu.memory_space<vmem>>, vector<1x389x128xf32>
    %swap3A_283 = vector.shape_cast %swap3A_282 : vector<1x389x128xf32> to vector<389x128xf32>
    %swap3A_284 = vector.shape_cast %transpose3A_278 : vector<389x128xf32> to vector<1x389x128xf32>
    tpu.vector_store %arg2[%swap3A_279, %swap3A_280, %swap3A_281], %swap3A_284 {strides = array<i32>} : memref<50x392x128xf32, #tpu.memory_space<vmem>>, vector<1x389x128xf32>,
    %get3A_285 = arith.constant 0 : index
    %get3A_286 = arith.constant 24 : index
    %get3A_287 = arith.constant 0 : index
    %get3A_288 = vector.load %arg1[%get3A_285, %get3A_286, %get3A_287] : memref<128x50x389xf32, #tpu.memory_space<vmem>>, vector<128x1x389xf32>
    %get3A_289 = vector.shape_cast %get3A_288 : vector<128x1x389xf32> to vector<128x389xf32>
    %transpose3A_290 = tpu.transpose %get3A_289, [1, 0] : vector<128x389xf32> -> vector<389x128xf32>
    %swap3A_291 = arith.constant 24 : index
    %swap3A_292 = arith.constant 0 : index
    %swap3A_293 = arith.constant 0 : index
    %swap3A_294 = vector.load %arg2[%swap3A_291, %swap3A_292, %swap3A_293] : memref<50x392x128xf32, #tpu.memory_space<vmem>>, vector<1x389x128xf32>
    %swap3A_295 = vector.shape_cast %swap3A_294 : vector<1x389x128xf32> to vector<389x128xf32>
    %swap3A_296 = vector.shape_cast %transpose3A_290 : vector<389x128xf32> to vector<1x389x128xf32>
    tpu.vector_store %arg2[%swap3A_291, %swap3A_292, %swap3A_293], %swap3A_296 {strides = array<i32>} : memref<50x392x128xf32, #tpu.memory_space<vmem>>, vector<1x389x128xf32>,
    %get3A_297 = arith.constant 0 : index
    %get3A_298 = arith.constant 25 : index
    %get3A_299 = arith.constant 0 : index
    %get3A_300 = vector.load %arg1[%get3A_297, %get3A_298, %get3A_299] : memref<128x50x389xf32, #tpu.memory_space<vmem>>, vector<128x1x389xf32>
    %get3A_301 = vector.shape_cast %get3A_300 : vector<128x1x389xf32> to vector<128x389xf32>
    %transpose3A_302 = tpu.transpose %get3A_301, [1, 0] : vector<128x389xf32> -> vector<389x128xf32>
    %swap3A_303 = arith.constant 25 : index
    %swap3A_304 = arith.constant 0 : index
    %swap3A_305 = arith.constant 0 : index
    %swap3A_306 = vector.load %arg2[%swap3A_303, %swap3A_304, %swap3A_305] : memref<50x392x128xf32, #tpu.memory_space<vmem>>, vector<1x389x128xf32>
    %swap3A_307 = vector.shape_cast %swap3A_306 : vector<1x389x128xf32> to vector<389x128xf32>
    %swap3A_308 = vector.shape_cast %transpose3A_302 : vector<389x128xf32> to vector<1x389x128xf32>
    tpu.vector_store %arg2[%swap3A_303, %swap3A_304, %swap3A_305], %swap3A_308 {strides = array<i32>} : memref<50x392x128xf32, #tpu.memory_space<vmem>>, vector<1x389x128xf32>,
    %get3A_309 = arith.constant 0 : index
    %get3A_310 = arith.constant 26 : index
    %get3A_311 = arith.constant 0 : index
    %get3A_312 = vector.load %arg1[%get3A_309, %get3A_310, %get3A_311] : memref<128x50x389xf32, #tpu.memory_space<vmem>>, vector<128x1x389xf32>
    %get3A_313 = vector.shape_cast %get3A_312 : vector<128x1x389xf32> to vector<128x389xf32>
    %transpose3A_314 = tpu.transpose %get3A_313, [1, 0] : vector<128x389xf32> -> vector<389x128xf32>
    %swap3A_315 = arith.constant 26 : index
    %swap3A_316 = arith.constant 0 : index
    %swap3A_317 = arith.constant 0 : index
    %swap3A_318 = vector.load %arg2[%swap3A_315, %swap3A_316, %swap3A_317] : memref<50x392x128xf32, #tpu.memory_space<vmem>>, vector<1x389x128xf32>
    %swap3A_319 = vector.shape_cast %swap3A_318 : vector<1x389x128xf32> to vector<389x128xf32>
    %swap3A_320 = vector.shape_cast %transpose3A_314 : vector<389x128xf32> to vector<1x389x128xf32>
    tpu.vector_store %arg2[%swap3A_315, %swap3A_316, %swap3A_317], %swap3A_320 {strides = array<i32>} : memref<50x392x128xf32, #tpu.memory_space<vmem>>, vector<1x389x128xf32>,
    %get3A_321 = arith.constant 0 : index
    %get3A_322 = arith.constant 27 : index
    %get3A_323 = arith.constant 0 : index
    %get3A_324 = vector.load %arg1[%get3A_321, %get3A_322, %get3A_323] : memref<128x50x389xf32, #tpu.memory_space<vmem>>, vector<128x1x389xf32>
    %get3A_325 = vector.shape_cast %get3A_324 : vector<128x1x389xf32> to vector<128x389xf32>
    %transpose3A_326 = tpu.transpose %get3A_325, [1, 0] : vector<128x389xf32> -> vector<389x128xf32>
    %swap3A_327 = arith.constant 27 : index
    %swap3A_328 = arith.constant 0 : index
    %swap3A_329 = arith.constant 0 : index
    %swap3A_330 = vector.load %arg2[%swap3A_327, %swap3A_328, %swap3A_329] : memref<50x392x128xf32, #tpu.memory_space<vmem>>, vector<1x389x128xf32>
    %swap3A_331 = vector.shape_cast %swap3A_330 : vector<1x389x128xf32> to vector<389x128xf32>
    %swap3A_332 = vector.shape_cast %transpose3A_326 : vector<389x128xf32> to vector<1x389x128xf32>
    tpu.vector_store %arg2[%swap3A_327, %swap3A_328, %swap3A_329], %swap3A_332 {strides = array<i32>} : memref<50x392x128xf32, #tpu.memory_space<vmem>>, vector<1x389x128xf32>,
    %get3A_333 = arith.constant 0 : index
    %get3A_334 = arith.constant 28 : index
    %get3A_335 = arith.constant 0 : index
    %get3A_336 = vector.load %arg1[%get3A_333, %get3A_334, %get3A_335] : memref<128x50x389xf32, #tpu.memory_space<vmem>>, vector<128x1x389xf32>
    %get3A_337 = vector.shape_cast %get3A_336 : vector<128x1x389xf32> to vector<128x389xf32>
    %transpose3A_338 = tpu.transpose %get3A_337, [1, 0] : vector<128x389xf32> -> vector<389x128xf32>
    %swap3A_339 = arith.constant 28 : index
    %swap3A_340 = arith.constant 0 : index
    %swap3A_341 = arith.constant 0 : index
    %swap3A_342 = vector.load %arg2[%swap3A_339, %swap3A_340, %swap3A_341] : memref<50x392x128xf32, #tpu.memory_space<vmem>>, vector<1x389x128xf32>
    %swap3A_343 = vector.shape_cast %swap3A_342 : vector<1x389x128xf32> to vector<389x128xf32>
    %swap3A_344 = vector.shape_cast %transpose3A_338 : vector<389x128xf32> to vector<1x389x128xf32>
    tpu.vector_store %arg2[%swap3A_339, %swap3A_340, %swap3A_341], %swap3A_344 {strides = array<i32>} : memref<50x392x128xf32, #tpu.memory_space<vmem>>, vector<1x389x128xf32>,
    %get3A_345 = arith.constant 0 : index
    %get3A_346 = arith.constant 29 : index
    %get3A_347 = arith.constant 0 : index
    %get3A_348 = vector.load %arg1[%get3A_345, %get3A_346, %get3A_347] : memref<128x50x389xf32, #tpu.memory_space<vmem>>, vector<128x1x389xf32>
    %get3A_349 = vector.shape_cast %get3A_348 : vector<128x1x389xf32> to vector<128x389xf32>
    %transpose3A_350 = tpu.transpose %get3A_349, [1, 0] : vector<128x389xf32> -> vector<389x128xf32>
    %swap3A_351 = arith.constant 29 : index
    %swap3A_352 = arith.constant 0 : index
    %swap3A_353 = arith.constant 0 : index
    %swap3A_354 = vector.load %arg2[%swap3A_351, %swap3A_352, %swap3A_353] : memref<50x392x128xf32, #tpu.memory_space<vmem>>, vector<1x389x128xf32>
    %swap3A_355 = vector.shape_cast %swap3A_354 : vector<1x389x128xf32> to vector<389x128xf32>
    %swap3A_356 = vector.shape_cast %transpose3A_350 : vector<389x128xf32> to vector<1x389x128xf32>
    tpu.vector_store %arg2[%swap3A_351, %swap3A_352, %swap3A_353], %swap3A_356 {strides = array<i32>} : memref<50x392x128xf32, #tpu.memory_space<vmem>>, vector<1x389x128xf32>,
    %get3A_357 = arith.constant 0 : index
    %get3A_358 = arith.constant 30 : index
    %get3A_359 = arith.constant 0 : index
    %get3A_360 = vector.load %arg1[%get3A_357, %get3A_358, %get3A_359] : memref<128x50x389xf32, #tpu.memory_space<vmem>>, vector<128x1x389xf32>
    %get3A_361 = vector.shape_cast %get3A_360 : vector<128x1x389xf32> to vector<128x389xf32>
    %transpose3A_362 = tpu.transpose %get3A_361, [1, 0] : vector<128x389xf32> -> vector<389x128xf32>
    %swap3A_363 = arith.constant 30 : index
    %swap3A_364 = arith.constant 0 : index
    %swap3A_365 = arith.constant 0 : index
    %swap3A_366 = vector.load %arg2[%swap3A_363, %swap3A_364, %swap3A_365] : memref<50x392x128xf32, #tpu.memory_space<vmem>>, vector<1x389x128xf32>
    %swap3A_367 = vector.shape_cast %swap3A_366 : vector<1x389x128xf32> to vector<389x128xf32>
    %swap3A_368 = vector.shape_cast %transpose3A_362 : vector<389x128xf32> to vector<1x389x128xf32>
    tpu.vector_store %arg2[%swap3A_363, %swap3A_364, %swap3A_365], %swap3A_368 {strides = array<i32>} : memref<50x392x128xf32, #tpu.memory_space<vmem>>, vector<1x389x128xf32>,
    %get3A_369 = arith.constant 0 : index
    %get3A_370 = arith.constant 31 : index
    %get3A_371 = arith.constant 0 : index
    %get3A_372 = vector.load %arg1[%get3A_369, %get3A_370, %get3A_371] : memref<128x50x389xf32, #tpu.memory_space<vmem>>, vector<128x1x389xf32>
    %get3A_373 = vector.shape_cast %get3A_372 : vector<128x1x389xf32> to vector<128x389xf32>
    %transpose3A_374 = tpu.transpose %get3A_373, [1, 0] : vector<128x389xf32> -> vector<389x128xf32>
    %swap3A_375 = arith.constant 31 : index
    %swap3A_376 = arith.constant 0 : index
    %swap3A_377 = arith.constant 0 : index
    %swap3A_378 = vector.load %arg2[%swap3A_375, %swap3A_376, %swap3A_377] : memref<50x392x128xf32, #tpu.memory_space<vmem>>, vector<1x389x128xf32>
    %swap3A_379 = vector.shape_cast %swap3A_378 : vector<1x389x128xf32> to vector<389x128xf32>
    %swap3A_380 = vector.shape_cast %transpose3A_374 : vector<389x128xf32> to vector<1x389x128xf32>
    tpu.vector_store %arg2[%swap3A_375, %swap3A_376, %swap3A_377], %swap3A_380 {strides = array<i32>} : memref<50x392x128xf32, #tpu.memory_space<vmem>>, vector<1x389x128xf32>,
    %get3A_381 = arith.constant 0 : index
    %get3A_382 = arith.constant 32 : index
    %get3A_383 = arith.constant 0 : index
    %get3A_384 = vector.load %arg1[%get3A_381, %get3A_382, %get3A_383] : memref<128x50x389xf32, #tpu.memory_space<vmem>>, vector<128x1x389xf32>
    %get3A_385 = vector.shape_cast %get3A_384 : vector<128x1x389xf32> to vector<128x389xf32>
    %transpose3A_386 = tpu.transpose %get3A_385, [1, 0] : vector<128x389xf32> -> vector<389x128xf32>
    %swap3A_387 = arith.constant 32 : index
    %swap3A_388 = arith.constant 0 : index
    %swap3A_389 = arith.constant 0 : index
    %swap3A_390 = vector.load %arg2[%swap3A_387, %swap3A_388, %swap3A_389] : memref<50x392x128xf32, #tpu.memory_space<vmem>>, vector<1x389x128xf32>
    %swap3A_391 = vector.shape_cast %swap3A_390 : vector<1x389x128xf32> to vector<389x128xf32>
    %swap3A_392 = vector.shape_cast %transpose3A_386 : vector<389x128xf32> to vector<1x389x128xf32>
    tpu.vector_store %arg2[%swap3A_387, %swap3A_388, %swap3A_389], %swap3A_392 {strides = array<i32>} : memref<50x392x128xf32, #tpu.memory_space<vmem>>, vector<1x389x128xf32>,
    %get3A_393 = arith.constant 0 : index
    %get3A_394 = arith.constant 33 : index
    %get3A_395 = arith.constant 0 : index
    %get3A_396 = vector.load %arg1[%get3A_393, %get3A_394, %get3A_395] : memref<128x50x389xf32, #tpu.memory_space<vmem>>, vector<128x1x389xf32>
    %get3A_397 = vector.shape_cast %get3A_396 : vector<128x1x389xf32> to vector<128x389xf32>
    %transpose3A_398 = tpu.transpose %get3A_397, [1, 0] : vector<128x389xf32> -> vector<389x128xf32>
    %swap3A_399 = arith.constant 33 : index
    %swap3A_400 = arith.constant 0 : index
    %swap3A_401 = arith.constant 0 : index
    %swap3A_402 = vector.load %arg2[%swap3A_399, %swap3A_400, %swap3A_401] : memref<50x392x128xf32, #tpu.memory_space<vmem>>, vector<1x389x128xf32>
    %swap3A_403 = vector.shape_cast %swap3A_402 : vector<1x389x128xf32> to vector<389x128xf32>
    %swap3A_404 = vector.shape_cast %transpose3A_398 : vector<389x128xf32> to vector<1x389x128xf32>
    tpu.vector_store %arg2[%swap3A_399, %swap3A_400, %swap3A_401], %swap3A_404 {strides = array<i32>} : memref<50x392x128xf32, #tpu.memory_space<vmem>>, vector<1x389x128xf32>,
    %get3A_405 = arith.constant 0 : index
    %get3A_406 = arith.constant 34 : index
    %get3A_407 = arith.constant 0 : index
    %get3A_408 = vector.load %arg1[%get3A_405, %get3A_406, %get3A_407] : memref<128x50x389xf32, #tpu.memory_space<vmem>>, vector<128x1x389xf32>
    %get3A_409 = vector.shape_cast %get3A_408 : vector<128x1x389xf32> to vector<128x389xf32>
    %transpose3A_410 = tpu.transpose %get3A_409, [1, 0] : vector<128x389xf32> -> vector<389x128xf32>
    %swap3A_411 = arith.constant 34 : index
    %swap3A_412 = arith.constant 0 : index
    %swap3A_413 = arith.constant 0 : index
    %swap3A_414 = vector.load %arg2[%swap3A_411, %swap3A_412, %swap3A_413] : memref<50x392x128xf32, #tpu.memory_space<vmem>>, vector<1x389x128xf32>
    %swap3A_415 = vector.shape_cast %swap3A_414 : vector<1x389x128xf32> to vector<389x128xf32>
    %swap3A_416 = vector.shape_cast %transpose3A_410 : vector<389x128xf32> to vector<1x389x128xf32>
    tpu.vector_store %arg2[%swap3A_411, %swap3A_412, %swap3A_413], %swap3A_416 {strides = array<i32>} : memref<50x392x128xf32, #tpu.memory_space<vmem>>, vector<1x389x128xf32>,
    %get3A_417 = arith.constant 0 : index
    %get3A_418 = arith.constant 35 : index
    %get3A_419 = arith.constant 0 : index
    %get3A_420 = vector.load %arg1[%get3A_417, %get3A_418, %get3A_419] : memref<128x50x389xf32, #tpu.memory_space<vmem>>, vector<128x1x389xf32>
    %get3A_421 = vector.shape_cast %get3A_420 : vector<128x1x389xf32> to vector<128x389xf32>
    %transpose3A_422 = tpu.transpose %get3A_421, [1, 0] : vector<128x389xf32> -> vector<389x128xf32>
    %swap3A_423 = arith.constant 35 : index
    %swap3A_424 = arith.constant 0 : index
    %swap3A_425 = arith.constant 0 : index
    %swap3A_426 = vector.load %arg2[%swap3A_423, %swap3A_424, %swap3A_425] : memref<50x392x128xf32, #tpu.memory_space<vmem>>, vector<1x389x128xf32>
    %swap3A_427 = vector.shape_cast %swap3A_426 : vector<1x389x128xf32> to vector<389x128xf32>
    %swap3A_428 = vector.shape_cast %transpose3A_422 : vector<389x128xf32> to vector<1x389x128xf32>
    tpu.vector_store %arg2[%swap3A_423, %swap3A_424, %swap3A_425], %swap3A_428 {strides = array<i32>} : memref<50x392x128xf32, #tpu.memory_space<vmem>>, vector<1x389x128xf32>,
    %get3A_429 = arith.constant 0 : index
    %get3A_430 = arith.constant 36 : index
    %get3A_431 = arith.constant 0 : index
    %get3A_432 = vector.load %arg1[%get3A_429, %get3A_430, %get3A_431] : memref<128x50x389xf32, #tpu.memory_space<vmem>>, vector<128x1x389xf32>
    %get3A_433 = vector.shape_cast %get3A_432 : vector<128x1x389xf32> to vector<128x389xf32>
    %transpose3A_434 = tpu.transpose %get3A_433, [1, 0] : vector<128x389xf32> -> vector<389x128xf32>
    %swap3A_435 = arith.constant 36 : index
    %swap3A_436 = arith.constant 0 : index
    %swap3A_437 = arith.constant 0 : index
    %swap3A_438 = vector.load %arg2[%swap3A_435, %swap3A_436, %swap3A_437] : memref<50x392x128xf32, #tpu.memory_space<vmem>>, vector<1x389x128xf32>
    %swap3A_439 = vector.shape_cast %swap3A_438 : vector<1x389x128xf32> to vector<389x128xf32>
    %swap3A_440 = vector.shape_cast %transpose3A_434 : vector<389x128xf32> to vector<1x389x128xf32>
    tpu.vector_store %arg2[%swap3A_435, %swap3A_436, %swap3A_437], %swap3A_440 {strides = array<i32>} : memref<50x392x128xf32, #tpu.memory_space<vmem>>, vector<1x389x128xf32>,
    %get3A_441 = arith.constant 0 : index
    %get3A_442 = arith.constant 37 : index
    %get3A_443 = arith.constant 0 : index
    %get3A_444 = vector.load %arg1[%get3A_441, %get3A_442, %get3A_443] : memref<128x50x389xf32, #tpu.memory_space<vmem>>, vector<128x1x389xf32>
    %get3A_445 = vector.shape_cast %get3A_444 : vector<128x1x389xf32> to vector<128x389xf32>
    %transpose3A_446 = tpu.transpose %get3A_445, [1, 0] : vector<128x389xf32> -> vector<389x128xf32>
    %swap3A_447 = arith.constant 37 : index
    %swap3A_448 = arith.constant 0 : index
    %swap3A_449 = arith.constant 0 : index
    %swap3A_450 = vector.load %arg2[%swap3A_447, %swap3A_448, %swap3A_449] : memref<50x392x128xf32, #tpu.memory_space<vmem>>, vector<1x389x128xf32>
    %swap3A_451 = vector.shape_cast %swap3A_450 : vector<1x389x128xf32> to vector<389x128xf32>
    %swap3A_452 = vector.shape_cast %transpose3A_446 : vector<389x128xf32> to vector<1x389x128xf32>
    tpu.vector_store %arg2[%swap3A_447, %swap3A_448, %swap3A_449], %swap3A_452 {strides = array<i32>} : memref<50x392x128xf32, #tpu.memory_space<vmem>>, vector<1x389x128xf32>,
    %get3A_453 = arith.constant 0 : index
    %get3A_454 = arith.constant 38 : index
    %get3A_455 = arith.constant 0 : index
    %get3A_456 = vector.load %arg1[%get3A_453, %get3A_454, %get3A_455] : memref<128x50x389xf32, #tpu.memory_space<vmem>>, vector<128x1x389xf32>
    %get3A_457 = vector.shape_cast %get3A_456 : vector<128x1x389xf32> to vector<128x389xf32>
    %transpose3A_458 = tpu.transpose %get3A_457, [1, 0] : vector<128x389xf32> -> vector<389x128xf32>
    %swap3A_459 = arith.constant 38 : index
    %swap3A_460 = arith.constant 0 : index
    %swap3A_461 = arith.constant 0 : index
    %swap3A_462 = vector.load %arg2[%swap3A_459, %swap3A_460, %swap3A_461] : memref<50x392x128xf32, #tpu.memory_space<vmem>>, vector<1x389x128xf32>
    %swap3A_463 = vector.shape_cast %swap3A_462 : vector<1x389x128xf32> to vector<389x128xf32>
    %swap3A_464 = vector.shape_cast %transpose3A_458 : vector<389x128xf32> to vector<1x389x128xf32>
    tpu.vector_store %arg2[%swap3A_459, %swap3A_460, %swap3A_461], %swap3A_464 {strides = array<i32>} : memref<50x392x128xf32, #tpu.memory_space<vmem>>, vector<1x389x128xf32>,
    %get3A_465 = arith.constant 0 : index
    %get3A_466 = arith.constant 39 : index
    %get3A_467 = arith.constant 0 : index
    %get3A_468 = vector.load %arg1[%get3A_465, %get3A_466, %get3A_467] : memref<128x50x389xf32, #tpu.memory_space<vmem>>, vector<128x1x389xf32>
    %get3A_469 = vector.shape_cast %get3A_468 : vector<128x1x389xf32> to vector<128x389xf32>
    %transpose3A_470 = tpu.transpose %get3A_469, [1, 0] : vector<128x389xf32> -> vector<389x128xf32>
    %swap3A_471 = arith.constant 39 : index
    %swap3A_472 = arith.constant 0 : index
    %swap3A_473 = arith.constant 0 : index
    %swap3A_474 = vector.load %arg2[%swap3A_471, %swap3A_472, %swap3A_473] : memref<50x392x128xf32, #tpu.memory_space<vmem>>, vector<1x389x128xf32>
    %swap3A_475 = vector.shape_cast %swap3A_474 : vector<1x389x128xf32> to vector<389x128xf32>
    %swap3A_476 = vector.shape_cast %transpose3A_470 : vector<389x128xf32> to vector<1x389x128xf32>
    tpu.vector_store %arg2[%swap3A_471, %swap3A_472, %swap3A_473], %swap3A_476 {strides = array<i32>} : memref<50x392x128xf32, #tpu.memory_space<vmem>>, vector<1x389x128xf32>,
    %get3A_477 = arith.constant 0 : index
    %get3A_478 = arith.constant 40 : index
    %get3A_479 = arith.constant 0 : index
    %get3A_480 = vector.load %arg1[%get3A_477, %get3A_478, %get3A_479] : memref<128x50x389xf32, #tpu.memory_space<vmem>>, vector<128x1x389xf32>
    %get3A_481 = vector.shape_cast %get3A_480 : vector<128x1x389xf32> to vector<128x389xf32>
    %transpose3A_482 = tpu.transpose %get3A_481, [1, 0] : vector<128x389xf32> -> vector<389x128xf32>
    %swap3A_483 = arith.constant 40 : index
    %swap3A_484 = arith.constant 0 : index
    %swap3A_485 = arith.constant 0 : index
    %swap3A_486 = vector.load %arg2[%swap3A_483, %swap3A_484, %swap3A_485] : memref<50x392x128xf32, #tpu.memory_space<vmem>>, vector<1x389x128xf32>
    %swap3A_487 = vector.shape_cast %swap3A_486 : vector<1x389x128xf32> to vector<389x128xf32>
    %swap3A_488 = vector.shape_cast %transpose3A_482 : vector<389x128xf32> to vector<1x389x128xf32>
    tpu.vector_store %arg2[%swap3A_483, %swap3A_484, %swap3A_485], %swap3A_488 {strides = array<i32>} : memref<50x392x128xf32, #tpu.memory_space<vmem>>, vector<1x389x128xf32>,
    %get3A_489 = arith.constant 0 : index
    %get3A_490 = arith.constant 41 : index
    %get3A_491 = arith.constant 0 : index
    %get3A_492 = vector.load %arg1[%get3A_489, %get3A_490, %get3A_491] : memref<128x50x389xf32, #tpu.memory_space<vmem>>, vector<128x1x389xf32>
    %get3A_493 = vector.shape_cast %get3A_492 : vector<128x1x389xf32> to vector<128x389xf32>
    %transpose3A_494 = tpu.transpose %get3A_493, [1, 0] : vector<128x389xf32> -> vector<389x128xf32>
    %swap3A_495 = arith.constant 41 : index
    %swap3A_496 = arith.constant 0 : index
    %swap3A_497 = arith.constant 0 : index
    %swap3A_498 = vector.load %arg2[%swap3A_495, %swap3A_496, %swap3A_497] : memref<50x392x128xf32, #tpu.memory_space<vmem>>, vector<1x389x128xf32>
    %swap3A_499 = vector.shape_cast %swap3A_498 : vector<1x389x128xf32> to vector<389x128xf32>
    %swap3A_500 = vector.shape_cast %transpose3A_494 : vector<389x128xf32> to vector<1x389x128xf32>
    tpu.vector_store %arg2[%swap3A_495, %swap3A_496, %swap3A_497], %swap3A_500 {strides = array<i32>} : memref<50x392x128xf32, #tpu.memory_space<vmem>>, vector<1x389x128xf32>,
    %get3A_501 = arith.constant 0 : index
    %get3A_502 = arith.constant 42 : index
    %get3A_503 = arith.constant 0 : index
    %get3A_504 = vector.load %arg1[%get3A_501, %get3A_502, %get3A_503] : memref<128x50x389xf32, #tpu.memory_space<vmem>>, vector<128x1x389xf32>
    %get3A_505 = vector.shape_cast %get3A_504 : vector<128x1x389xf32> to vector<128x389xf32>
    %transpose3A_506 = tpu.transpose %get3A_505, [1, 0] : vector<128x389xf32> -> vector<389x128xf32>
    %swap3A_507 = arith.constant 42 : index
    %swap3A_508 = arith.constant 0 : index
    %swap3A_509 = arith.constant 0 : index
    %swap3A_510 = vector.load %arg2[%swap3A_507, %swap3A_508, %swap3A_509] : memref<50x392x128xf32, #tpu.memory_space<vmem>>, vector<1x389x128xf32>
    %swap3A_511 = vector.shape_cast %swap3A_510 : vector<1x389x128xf32> to vector<389x128xf32>
    %swap3A_512 = vector.shape_cast %transpose3A_506 : vector<389x128xf32> to vector<1x389x128xf32>
    tpu.vector_store %arg2[%swap3A_507, %swap3A_508, %swap3A_509], %swap3A_512 {strides = array<i32>} : memref<50x392x128xf32, #tpu.memory_space<vmem>>, vector<1x389x128xf32>,
    %get3A_513 = arith.constant 0 : index
    %get3A_514 = arith.constant 43 : index
    %get3A_515 = arith.constant 0 : index
    %get3A_516 = vector.load %arg1[%get3A_513, %get3A_514, %get3A_515] : memref<128x50x389xf32, #tpu.memory_space<vmem>>, vector<128x1x389xf32>
    %get3A_517 = vector.shape_cast %get3A_516 : vector<128x1x389xf32> to vector<128x389xf32>
    %transpose3A_518 = tpu.transpose %get3A_517, [1, 0] : vector<128x389xf32> -> vector<389x128xf32>
    %swap3A_519 = arith.constant 43 : index
    %swap3A_520 = arith.constant 0 : index
    %swap3A_521 = arith.constant 0 : index
    %swap3A_522 = vector.load %arg2[%swap3A_519, %swap3A_520, %swap3A_521] : memref<50x392x128xf32, #tpu.memory_space<vmem>>, vector<1x389x128xf32>
    %swap3A_523 = vector.shape_cast %swap3A_522 : vector<1x389x128xf32> to vector<389x128xf32>
    %swap3A_524 = vector.shape_cast %transpose3A_518 : vector<389x128xf32> to vector<1x389x128xf32>
    tpu.vector_store %arg2[%swap3A_519, %swap3A_520, %swap3A_521], %swap3A_524 {strides = array<i32>} : memref<50x392x128xf32, #tpu.memory_space<vmem>>, vector<1x389x128xf32>,
    %get3A_525 = arith.constant 0 : index
    %get3A_526 = arith.constant 44 : index
    %get3A_527 = arith.constant 0 : index
    %get3A_528 = vector.load %arg1[%get3A_525, %get3A_526, %get3A_527] : memref<128x50x389xf32, #tpu.memory_space<vmem>>, vector<128x1x389xf32>
    %get3A_529 = vector.shape_cast %get3A_528 : vector<128x1x389xf32> to vector<128x389xf32>
    %transpose3A_530 = tpu.transpose %get3A_529, [1, 0] : vector<128x389xf32> -> vector<389x128xf32>
    %swap3A_531 = arith.constant 44 : index
    %swap3A_532 = arith.constant 0 : index
    %swap3A_533 = arith.constant 0 : index
    %swap3A_534 = vector.load %arg2[%swap3A_531, %swap3A_532, %swap3A_533] : memref<50x392x128xf32, #tpu.memory_space<vmem>>, vector<1x389x128xf32>
    %swap3A_535 = vector.shape_cast %swap3A_534 : vector<1x389x128xf32> to vector<389x128xf32>
    %swap3A_536 = vector.shape_cast %transpose3A_530 : vector<389x128xf32> to vector<1x389x128xf32>
    tpu.vector_store %arg2[%swap3A_531, %swap3A_532, %swap3A_533], %swap3A_536 {strides = array<i32>} : memref<50x392x128xf32, #tpu.memory_space<vmem>>, vector<1x389x128xf32>,
    %get3A_537 = arith.constant 0 : index
    %get3A_538 = arith.constant 45 : index
    %get3A_539 = arith.constant 0 : index
    %get3A_540 = vector.load %arg1[%get3A_537, %get3A_538, %get3A_539] : memref<128x50x389xf32, #tpu.memory_space<vmem>>, vector<128x1x389xf32>
    %get3A_541 = vector.shape_cast %get3A_540 : vector<128x1x389xf32> to vector<128x389xf32>
    %transpose3A_542 = tpu.transpose %get3A_541, [1, 0] : vector<128x389xf32> -> vector<389x128xf32>
    %swap3A_543 = arith.constant 45 : index
    %swap3A_544 = arith.constant 0 : index
    %swap3A_545 = arith.constant 0 : index
    %swap3A_546 = vector.load %arg2[%swap3A_543, %swap3A_544, %swap3A_545] : memref<50x392x128xf32, #tpu.memory_space<vmem>>, vector<1x389x128xf32>
    %swap3A_547 = vector.shape_cast %swap3A_546 : vector<1x389x128xf32> to vector<389x128xf32>
    %swap3A_548 = vector.shape_cast %transpose3A_542 : vector<389x128xf32> to vector<1x389x128xf32>
    tpu.vector_store %arg2[%swap3A_543, %swap3A_544, %swap3A_545], %swap3A_548 {strides = array<i32>} : memref<50x392x128xf32, #tpu.memory_space<vmem>>, vector<1x389x128xf32>,
    %get3A_549 = arith.constant 0 : index
    %get3A_550 = arith.constant 46 : index
    %get3A_551 = arith.constant 0 : index
    %get3A_552 = vector.load %arg1[%get3A_549, %get3A_550, %get3A_551] : memref<128x50x389xf32, #tpu.memory_space<vmem>>, vector<128x1x389xf32>
    %get3A_553 = vector.shape_cast %get3A_552 : vector<128x1x389xf32> to vector<128x389xf32>
    %transpose3A_554 = tpu.transpose %get3A_553, [1, 0] : vector<128x389xf32> -> vector<389x128xf32>
    %swap3A_555 = arith.constant 46 : index
    %swap3A_556 = arith.constant 0 : index
    %swap3A_557 = arith.constant 0 : index
    %swap3A_558 = vector.load %arg2[%swap3A_555, %swap3A_556, %swap3A_557] : memref<50x392x128xf32, #tpu.memory_space<vmem>>, vector<1x389x128xf32>
    %swap3A_559 = vector.shape_cast %swap3A_558 : vector<1x389x128xf32> to vector<389x128xf32>
    %swap3A_560 = vector.shape_cast %transpose3A_554 : vector<389x128xf32> to vector<1x389x128xf32>
    tpu.vector_store %arg2[%swap3A_555, %swap3A_556, %swap3A_557], %swap3A_560 {strides = array<i32>} : memref<50x392x128xf32, #tpu.memory_space<vmem>>, vector<1x389x128xf32>,
    %get3A_561 = arith.constant 0 : index
    %get3A_562 = arith.constant 47 : index
    %get3A_563 = arith.constant 0 : index
    %get3A_564 = vector.load %arg1[%get3A_561, %get3A_562, %get3A_563] : memref<128x50x389xf32, #tpu.memory_space<vmem>>, vector<128x1x389xf32>
    %get3A_565 = vector.shape_cast %get3A_564 : vector<128x1x389xf32> to vector<128x389xf32>
    %transpose3A_566 = tpu.transpose %get3A_565, [1, 0] : vector<128x389xf32> -> vector<389x128xf32>
    %swap3A_567 = arith.constant 47 : index
    %swap3A_568 = arith.constant 0 : index
    %swap3A_569 = arith.constant 0 : index
    %swap3A_570 = vector.load %arg2[%swap3A_567, %swap3A_568, %swap3A_569] : memref<50x392x128xf32, #tpu.memory_space<vmem>>, vector<1x389x128xf32>
    %swap3A_571 = vector.shape_cast %swap3A_570 : vector<1x389x128xf32> to vector<389x128xf32>
    %swap3A_572 = vector.shape_cast %transpose3A_566 : vector<389x128xf32> to vector<1x389x128xf32>
    tpu.vector_store %arg2[%swap3A_567, %swap3A_568, %swap3A_569], %swap3A_572 {strides = array<i32>} : memref<50x392x128xf32, #tpu.memory_space<vmem>>, vector<1x389x128xf32>,
    %get3A_573 = arith.constant 0 : index
    %get3A_574 = arith.constant 48 : index
    %get3A_575 = arith.constant 0 : index
    %get3A_576 = vector.load %arg1[%get3A_573, %get3A_574, %get3A_575] : memref<128x50x389xf32, #tpu.memory_space<vmem>>, vector<128x1x389xf32>
    %get3A_577 = vector.shape_cast %get3A_576 : vector<128x1x389xf32> to vector<128x389xf32>
    %transpose3A_578 = tpu.transpose %get3A_577, [1, 0] : vector<128x389xf32> -> vector<389x128xf32>
    %swap3A_579 = arith.constant 48 : index
    %swap3A_580 = arith.constant 0 : index
    %swap3A_581 = arith.constant 0 : index
    %swap3A_582 = vector.load %arg2[%swap3A_579, %swap3A_580, %swap3A_581] : memref<50x392x128xf32, #tpu.memory_space<vmem>>, vector<1x389x128xf32>
    %swap3A_583 = vector.shape_cast %swap3A_582 : vector<1x389x128xf32> to vector<389x128xf32>
    %swap3A_584 = vector.shape_cast %transpose3A_578 : vector<389x128xf32> to vector<1x389x128xf32>
    tpu.vector_store %arg2[%swap3A_579, %swap3A_580, %swap3A_581], %swap3A_584 {strides = array<i32>} : memref<50x392x128xf32, #tpu.memory_space<vmem>>, vector<1x389x128xf32>,
    %get3A_585 = arith.constant 0 : index
    %get3A_586 = arith.constant 49 : index
    %get3A_587 = arith.constant 0 : index
    %get3A_588 = vector.load %arg1[%get3A_585, %get3A_586, %get3A_587] : memref<128x50x389xf32, #tpu.memory_space<vmem>>, vector<128x1x389xf32>
    %get3A_589 = vector.shape_cast %get3A_588 : vector<128x1x389xf32> to vector<128x389xf32>
    %transpose3A_590 = tpu.transpose %get3A_589, [1, 0] : vector<128x389xf32> -> vector<389x128xf32>
    %swap3A_591 = arith.constant 49 : index
    %swap3A_592 = arith.constant 0 : index
    %swap3A_593 = arith.constant 0 : index
    %swap3A_594 = vector.load %arg2[%swap3A_591, %swap3A_592, %swap3A_593] : memref<50x392x128xf32, #tpu.memory_space<vmem>>, vector<1x389x128xf32>
    %swap3A_595 = vector.shape_cast %swap3A_594 : vector<1x389x128xf32> to vector<389x128xf32>
    %swap3A_596 = vector.shape_cast %transpose3A_590 : vector<389x128xf32> to vector<1x389x128xf32>
    tpu.vector_store %arg2[%swap3A_591, %swap3A_592, %swap3A_593], %swap3A_596 {strides = array<i32>} : memref<50x392x128xf32, #tpu.memory_space<vmem>>, vector<1x389x128xf32>,
    return
  }
  func.func @transform_0(%arg0: i32) -> (i32, i32, i32) {
    %c0_i32 = arith.constant 0 : i32
    %c0_i32_0 = arith.constant 0 : i32
    %c0_i32_1 = arith.constant 0 : i32
    return %arg0, %c0_i32, %c0_i32_0 : i32, i32, i32
  }
  func.func @transform_1(%arg0: i32) -> (i32, i32, i32) {
    %add3A = arith.constant 0 : i32
    %add3A_0 = arith.addi %add3A, %arg0 : i32
    %c0_i32 = arith.constant 0 : i32
    %c0_i32_1 = arith.constant 0 : i32
    %c0_i32_2 = arith.constant 0 : i32
    return %c0_i32, %c0_i32_1, %add3A_0 : i32, i32, i32
  }
}

module attributes {stable_mosaic.version = 14 : i64} {
  func.func @_tc_transpose_alias_body(%arg0: i32, %arg1: memref<128x50x389xf32, #tpu.memory_space<vmem>>, %arg2: memref<50x392x4096xf32, #tpu.memory_space<any>>, %arg3: memref<50x392x128xf32, #tpu.memory_space<vmem>>) attributes {dimension_semantics = [#tpu.dimension_semantics<arbitrary>], iteration_bounds = array<i64: 16>, scalar_prefetch = 0 : i64, scratch_operands = 0 : i64, tpu.core_type = #tpu.core_type<tc>, window_params = [{transform_indices = @transform_0, window_bounds = array<i64: 128, 50, 389>}, {}, {transform_indices = @transform_2, window_bounds = array<i64: 50, 392, 128>}]} {
    %get3A = arith.constant 0 : index
    %get3A_0 = arith.constant 0 : index
    %get3A_1 = arith.constant 0 : index
    %get3A_2 = vector.load %arg1[%get3A, %get3A_0, %get3A_1] : memref<128x50x389xf32, #tpu.memory_space<vmem>>, vector<128x1x389xf32>
    %get3A_3 = vector.shape_cast %get3A_2 : vector<128x1x389xf32> to vector<128x389xf32>
    %transpose3A = tpu.transpose %get3A_3, [1, 0] : vector<128x389xf32> -> vector<389x128xf32>
    %swap3A = arith.constant 0 : index
    %swap3A_4 = arith.constant 0 : index
    %swap3A_5 = arith.constant 0 : index
    %swap3A_6 = vector.load %arg3[%swap3A, %swap3A_4, %swap3A_5] : memref<50x392x128xf32, #tpu.memory_space<vmem>>, vector<1x389x128xf32>
    %swap3A_7 = vector.shape_cast %swap3A_6 : vector<1x389x128xf32> to vector<389x128xf32>
    %swap3A_8 = vector.shape_cast %transpose3A : vector<389x128xf32> to vector<1x389x128xf32>
    tpu.vector_store %arg3[%swap3A, %swap3A_4, %swap3A_5], %swap3A_8 {strides = array<i32>} : memref<50x392x128xf32, #tpu.memory_space<vmem>>, vector<1x389x128xf32>,
    %get3A_9 = arith.constant 0 : index
    %get3A_10 = arith.constant 1 : index
    %get3A_11 = arith.constant 0 : index
    %get3A_12 = vector.load %arg1[%get3A_9, %get3A_10, %get3A_11] : memref<128x50x389xf32, #tpu.memory_space<vmem>>, vector<128x1x389xf32>
    %get3A_13 = vector.shape_cast %get3A_12 : vector<128x1x389xf32> to vector<128x389xf32>
    %transpose3A_14 = tpu.transpose %get3A_13, [1, 0] : vector<128x389xf32> -> vector<389x128xf32>
    %swap3A_15 = arith.constant 1 : index
    %swap3A_16 = arith.constant 0 : index
    %swap3A_17 = arith.constant 0 : index
    %swap3A_18 = vector.load %arg3[%swap3A_15, %swap3A_16, %swap3A_17] : memref<50x392x128xf32, #tpu.memory_space<vmem>>, vector<1x389x128xf32>
    %swap3A_19 = vector.shape_cast %swap3A_18 : vector<1x389x128xf32> to vector<389x128xf32>
    %swap3A_20 = vector.shape_cast %transpose3A_14 : vector<389x128xf32> to vector<1x389x128xf32>
    tpu.vector_store %arg3[%swap3A_15, %swap3A_16, %swap3A_17], %swap3A_20 {strides = array<i32>} : memref<50x392x128xf32, #tpu.memory_space<vmem>>, vector<1x389x128xf32>,
    %get3A_21 = arith.constant 0 : index
    %get3A_22 = arith.constant 2 : index
    %get3A_23 = arith.constant 0 : index
    %get3A_24 = vector.load %arg1[%get3A_21, %get3A_22, %get3A_23] : memref<128x50x389xf32, #tpu.memory_space<vmem>>, vector<128x1x389xf32>
    %get3A_25 = vector.shape_cast %get3A_24 : vector<128x1x389xf32> to vector<128x389xf32>
    %transpose3A_26 = tpu.transpose %get3A_25, [1, 0] : vector<128x389xf32> -> vector<389x128xf32>
    %swap3A_27 = arith.constant 2 : index
    %swap3A_28 = arith.constant 0 : index
    %swap3A_29 = arith.constant 0 : index
    %swap3A_30 = vector.load %arg3[%swap3A_27, %swap3A_28, %swap3A_29] : memref<50x392x128xf32, #tpu.memory_space<vmem>>, vector<1x389x128xf32>
    %swap3A_31 = vector.shape_cast %swap3A_30 : vector<1x389x128xf32> to vector<389x128xf32>
    %swap3A_32 = vector.shape_cast %transpose3A_26 : vector<389x128xf32> to vector<1x389x128xf32>
    tpu.vector_store %arg3[%swap3A_27, %swap3A_28, %swap3A_29], %swap3A_32 {strides = array<i32>} : memref<50x392x128xf32, #tpu.memory_space<vmem>>, vector<1x389x128xf32>,
    %get3A_33 = arith.constant 0 : index
    %get3A_34 = arith.constant 3 : index
    %get3A_35 = arith.constant 0 : index
    %get3A_36 = vector.load %arg1[%get3A_33, %get3A_34, %get3A_35] : memref<128x50x389xf32, #tpu.memory_space<vmem>>, vector<128x1x389xf32>
    %get3A_37 = vector.shape_cast %get3A_36 : vector<128x1x389xf32> to vector<128x389xf32>
    %transpose3A_38 = tpu.transpose %get3A_37, [1, 0] : vector<128x389xf32> -> vector<389x128xf32>
    %swap3A_39 = arith.constant 3 : index
    %swap3A_40 = arith.constant 0 : index
    %swap3A_41 = arith.constant 0 : index
    %swap3A_42 = vector.load %arg3[%swap3A_39, %swap3A_40, %swap3A_41] : memref<50x392x128xf32, #tpu.memory_space<vmem>>, vector<1x389x128xf32>
    %swap3A_43 = vector.shape_cast %swap3A_42 : vector<1x389x128xf32> to vector<389x128xf32>
    %swap3A_44 = vector.shape_cast %transpose3A_38 : vector<389x128xf32> to vector<1x389x128xf32>
    tpu.vector_store %arg3[%swap3A_39, %swap3A_40, %swap3A_41], %swap3A_44 {strides = array<i32>} : memref<50x392x128xf32, #tpu.memory_space<vmem>>, vector<1x389x128xf32>,
    %get3A_45 = arith.constant 0 : index
    %get3A_46 = arith.constant 4 : index
    %get3A_47 = arith.constant 0 : index
    %get3A_48 = vector.load %arg1[%get3A_45, %get3A_46, %get3A_47] : memref<128x50x389xf32, #tpu.memory_space<vmem>>, vector<128x1x389xf32>
    %get3A_49 = vector.shape_cast %get3A_48 : vector<128x1x389xf32> to vector<128x389xf32>
    %transpose3A_50 = tpu.transpose %get3A_49, [1, 0] : vector<128x389xf32> -> vector<389x128xf32>
    %swap3A_51 = arith.constant 4 : index
    %swap3A_52 = arith.constant 0 : index
    %swap3A_53 = arith.constant 0 : index
    %swap3A_54 = vector.load %arg3[%swap3A_51, %swap3A_52, %swap3A_53] : memref<50x392x128xf32, #tpu.memory_space<vmem>>, vector<1x389x128xf32>
    %swap3A_55 = vector.shape_cast %swap3A_54 : vector<1x389x128xf32> to vector<389x128xf32>
    %swap3A_56 = vector.shape_cast %transpose3A_50 : vector<389x128xf32> to vector<1x389x128xf32>
    tpu.vector_store %arg3[%swap3A_51, %swap3A_52, %swap3A_53], %swap3A_56 {strides = array<i32>} : memref<50x392x128xf32, #tpu.memory_space<vmem>>, vector<1x389x128xf32>,
    %get3A_57 = arith.constant 0 : index
    %get3A_58 = arith.constant 5 : index
    %get3A_59 = arith.constant 0 : index
    %get3A_60 = vector.load %arg1[%get3A_57, %get3A_58, %get3A_59] : memref<128x50x389xf32, #tpu.memory_space<vmem>>, vector<128x1x389xf32>
    %get3A_61 = vector.shape_cast %get3A_60 : vector<128x1x389xf32> to vector<128x389xf32>
    %transpose3A_62 = tpu.transpose %get3A_61, [1, 0] : vector<128x389xf32> -> vector<389x128xf32>
    %swap3A_63 = arith.constant 5 : index
    %swap3A_64 = arith.constant 0 : index
    %swap3A_65 = arith.constant 0 : index
    %swap3A_66 = vector.load %arg3[%swap3A_63, %swap3A_64, %swap3A_65] : memref<50x392x128xf32, #tpu.memory_space<vmem>>, vector<1x389x128xf32>
    %swap3A_67 = vector.shape_cast %swap3A_66 : vector<1x389x128xf32> to vector<389x128xf32>
    %swap3A_68 = vector.shape_cast %transpose3A_62 : vector<389x128xf32> to vector<1x389x128xf32>
    tpu.vector_store %arg3[%swap3A_63, %swap3A_64, %swap3A_65], %swap3A_68 {strides = array<i32>} : memref<50x392x128xf32, #tpu.memory_space<vmem>>, vector<1x389x128xf32>,
    %get3A_69 = arith.constant 0 : index
    %get3A_70 = arith.constant 6 : index
    %get3A_71 = arith.constant 0 : index
    %get3A_72 = vector.load %arg1[%get3A_69, %get3A_70, %get3A_71] : memref<128x50x389xf32, #tpu.memory_space<vmem>>, vector<128x1x389xf32>
    %get3A_73 = vector.shape_cast %get3A_72 : vector<128x1x389xf32> to vector<128x389xf32>
    %transpose3A_74 = tpu.transpose %get3A_73, [1, 0] : vector<128x389xf32> -> vector<389x128xf32>
    %swap3A_75 = arith.constant 6 : index
    %swap3A_76 = arith.constant 0 : index
    %swap3A_77 = arith.constant 0 : index
    %swap3A_78 = vector.load %arg3[%swap3A_75, %swap3A_76, %swap3A_77] : memref<50x392x128xf32, #tpu.memory_space<vmem>>, vector<1x389x128xf32>
    %swap3A_79 = vector.shape_cast %swap3A_78 : vector<1x389x128xf32> to vector<389x128xf32>
    %swap3A_80 = vector.shape_cast %transpose3A_74 : vector<389x128xf32> to vector<1x389x128xf32>
    tpu.vector_store %arg3[%swap3A_75, %swap3A_76, %swap3A_77], %swap3A_80 {strides = array<i32>} : memref<50x392x128xf32, #tpu.memory_space<vmem>>, vector<1x389x128xf32>,
    %get3A_81 = arith.constant 0 : index
    %get3A_82 = arith.constant 7 : index
    %get3A_83 = arith.constant 0 : index
    %get3A_84 = vector.load %arg1[%get3A_81, %get3A_82, %get3A_83] : memref<128x50x389xf32, #tpu.memory_space<vmem>>, vector<128x1x389xf32>
    %get3A_85 = vector.shape_cast %get3A_84 : vector<128x1x389xf32> to vector<128x389xf32>
    %transpose3A_86 = tpu.transpose %get3A_85, [1, 0] : vector<128x389xf32> -> vector<389x128xf32>
    %swap3A_87 = arith.constant 7 : index
    %swap3A_88 = arith.constant 0 : index
    %swap3A_89 = arith.constant 0 : index
    %swap3A_90 = vector.load %arg3[%swap3A_87, %swap3A_88, %swap3A_89] : memref<50x392x128xf32, #tpu.memory_space<vmem>>, vector<1x389x128xf32>
    %swap3A_91 = vector.shape_cast %swap3A_90 : vector<1x389x128xf32> to vector<389x128xf32>
    %swap3A_92 = vector.shape_cast %transpose3A_86 : vector<389x128xf32> to vector<1x389x128xf32>
    tpu.vector_store %arg3[%swap3A_87, %swap3A_88, %swap3A_89], %swap3A_92 {strides = array<i32>} : memref<50x392x128xf32, #tpu.memory_space<vmem>>, vector<1x389x128xf32>,
    %get3A_93 = arith.constant 0 : index
    %get3A_94 = arith.constant 8 : index
    %get3A_95 = arith.constant 0 : index
    %get3A_96 = vector.load %arg1[%get3A_93, %get3A_94, %get3A_95] : memref<128x50x389xf32, #tpu.memory_space<vmem>>, vector<128x1x389xf32>
    %get3A_97 = vector.shape_cast %get3A_96 : vector<128x1x389xf32> to vector<128x389xf32>
    %transpose3A_98 = tpu.transpose %get3A_97, [1, 0] : vector<128x389xf32> -> vector<389x128xf32>
    %swap3A_99 = arith.constant 8 : index
    %swap3A_100 = arith.constant 0 : index
    %swap3A_101 = arith.constant 0 : index
    %swap3A_102 = vector.load %arg3[%swap3A_99, %swap3A_100, %swap3A_101] : memref<50x392x128xf32, #tpu.memory_space<vmem>>, vector<1x389x128xf32>
    %swap3A_103 = vector.shape_cast %swap3A_102 : vector<1x389x128xf32> to vector<389x128xf32>
    %swap3A_104 = vector.shape_cast %transpose3A_98 : vector<389x128xf32> to vector<1x389x128xf32>
    tpu.vector_store %arg3[%swap3A_99, %swap3A_100, %swap3A_101], %swap3A_104 {strides = array<i32>} : memref<50x392x128xf32, #tpu.memory_space<vmem>>, vector<1x389x128xf32>,
    %get3A_105 = arith.constant 0 : index
    %get3A_106 = arith.constant 9 : index
    %get3A_107 = arith.constant 0 : index
    %get3A_108 = vector.load %arg1[%get3A_105, %get3A_106, %get3A_107] : memref<128x50x389xf32, #tpu.memory_space<vmem>>, vector<128x1x389xf32>
    %get3A_109 = vector.shape_cast %get3A_108 : vector<128x1x389xf32> to vector<128x389xf32>
    %transpose3A_110 = tpu.transpose %get3A_109, [1, 0] : vector<128x389xf32> -> vector<389x128xf32>
    %swap3A_111 = arith.constant 9 : index
    %swap3A_112 = arith.constant 0 : index
    %swap3A_113 = arith.constant 0 : index
    %swap3A_114 = vector.load %arg3[%swap3A_111, %swap3A_112, %swap3A_113] : memref<50x392x128xf32, #tpu.memory_space<vmem>>, vector<1x389x128xf32>
    %swap3A_115 = vector.shape_cast %swap3A_114 : vector<1x389x128xf32> to vector<389x128xf32>
    %swap3A_116 = vector.shape_cast %transpose3A_110 : vector<389x128xf32> to vector<1x389x128xf32>
    tpu.vector_store %arg3[%swap3A_111, %swap3A_112, %swap3A_113], %swap3A_116 {strides = array<i32>} : memref<50x392x128xf32, #tpu.memory_space<vmem>>, vector<1x389x128xf32>,
    %get3A_117 = arith.constant 0 : index
    %get3A_118 = arith.constant 10 : index
    %get3A_119 = arith.constant 0 : index
    %get3A_120 = vector.load %arg1[%get3A_117, %get3A_118, %get3A_119] : memref<128x50x389xf32, #tpu.memory_space<vmem>>, vector<128x1x389xf32>
    %get3A_121 = vector.shape_cast %get3A_120 : vector<128x1x389xf32> to vector<128x389xf32>
    %transpose3A_122 = tpu.transpose %get3A_121, [1, 0] : vector<128x389xf32> -> vector<389x128xf32>
    %swap3A_123 = arith.constant 10 : index
    %swap3A_124 = arith.constant 0 : index
    %swap3A_125 = arith.constant 0 : index
    %swap3A_126 = vector.load %arg3[%swap3A_123, %swap3A_124, %swap3A_125] : memref<50x392x128xf32, #tpu.memory_space<vmem>>, vector<1x389x128xf32>
    %swap3A_127 = vector.shape_cast %swap3A_126 : vector<1x389x128xf32> to vector<389x128xf32>
    %swap3A_128 = vector.shape_cast %transpose3A_122 : vector<389x128xf32> to vector<1x389x128xf32>
    tpu.vector_store %arg3[%swap3A_123, %swap3A_124, %swap3A_125], %swap3A_128 {strides = array<i32>} : memref<50x392x128xf32, #tpu.memory_space<vmem>>, vector<1x389x128xf32>,
    %get3A_129 = arith.constant 0 : index
    %get3A_130 = arith.constant 11 : index
    %get3A_131 = arith.constant 0 : index
    %get3A_132 = vector.load %arg1[%get3A_129, %get3A_130, %get3A_131] : memref<128x50x389xf32, #tpu.memory_space<vmem>>, vector<128x1x389xf32>
    %get3A_133 = vector.shape_cast %get3A_132 : vector<128x1x389xf32> to vector<128x389xf32>
    %transpose3A_134 = tpu.transpose %get3A_133, [1, 0] : vector<128x389xf32> -> vector<389x128xf32>
    %swap3A_135 = arith.constant 11 : index
    %swap3A_136 = arith.constant 0 : index
    %swap3A_137 = arith.constant 0 : index
    %swap3A_138 = vector.load %arg3[%swap3A_135, %swap3A_136, %swap3A_137] : memref<50x392x128xf32, #tpu.memory_space<vmem>>, vector<1x389x128xf32>
    %swap3A_139 = vector.shape_cast %swap3A_138 : vector<1x389x128xf32> to vector<389x128xf32>
    %swap3A_140 = vector.shape_cast %transpose3A_134 : vector<389x128xf32> to vector<1x389x128xf32>
    tpu.vector_store %arg3[%swap3A_135, %swap3A_136, %swap3A_137], %swap3A_140 {strides = array<i32>} : memref<50x392x128xf32, #tpu.memory_space<vmem>>, vector<1x389x128xf32>,
    %get3A_141 = arith.constant 0 : index
    %get3A_142 = arith.constant 12 : index
    %get3A_143 = arith.constant 0 : index
    %get3A_144 = vector.load %arg1[%get3A_141, %get3A_142, %get3A_143] : memref<128x50x389xf32, #tpu.memory_space<vmem>>, vector<128x1x389xf32>
    %get3A_145 = vector.shape_cast %get3A_144 : vector<128x1x389xf32> to vector<128x389xf32>
    %transpose3A_146 = tpu.transpose %get3A_145, [1, 0] : vector<128x389xf32> -> vector<389x128xf32>
    %swap3A_147 = arith.constant 12 : index
    %swap3A_148 = arith.constant 0 : index
    %swap3A_149 = arith.constant 0 : index
    %swap3A_150 = vector.load %arg3[%swap3A_147, %swap3A_148, %swap3A_149] : memref<50x392x128xf32, #tpu.memory_space<vmem>>, vector<1x389x128xf32>
    %swap3A_151 = vector.shape_cast %swap3A_150 : vector<1x389x128xf32> to vector<389x128xf32>
    %swap3A_152 = vector.shape_cast %transpose3A_146 : vector<389x128xf32> to vector<1x389x128xf32>
    tpu.vector_store %arg3[%swap3A_147, %swap3A_148, %swap3A_149], %swap3A_152 {strides = array<i32>} : memref<50x392x128xf32, #tpu.memory_space<vmem>>, vector<1x389x128xf32>,
    %get3A_153 = arith.constant 0 : index
    %get3A_154 = arith.constant 13 : index
    %get3A_155 = arith.constant 0 : index
    %get3A_156 = vector.load %arg1[%get3A_153, %get3A_154, %get3A_155] : memref<128x50x389xf32, #tpu.memory_space<vmem>>, vector<128x1x389xf32>
    %get3A_157 = vector.shape_cast %get3A_156 : vector<128x1x389xf32> to vector<128x389xf32>
    %transpose3A_158 = tpu.transpose %get3A_157, [1, 0] : vector<128x389xf32> -> vector<389x128xf32>
    %swap3A_159 = arith.constant 13 : index
    %swap3A_160 = arith.constant 0 : index
    %swap3A_161 = arith.constant 0 : index
    %swap3A_162 = vector.load %arg3[%swap3A_159, %swap3A_160, %swap3A_161] : memref<50x392x128xf32, #tpu.memory_space<vmem>>, vector<1x389x128xf32>
    %swap3A_163 = vector.shape_cast %swap3A_162 : vector<1x389x128xf32> to vector<389x128xf32>
    %swap3A_164 = vector.shape_cast %transpose3A_158 : vector<389x128xf32> to vector<1x389x128xf32>
    tpu.vector_store %arg3[%swap3A_159, %swap3A_160, %swap3A_161], %swap3A_164 {strides = array<i32>} : memref<50x392x128xf32, #tpu.memory_space<vmem>>, vector<1x389x128xf32>,
    %get3A_165 = arith.constant 0 : index
    %get3A_166 = arith.constant 14 : index
    %get3A_167 = arith.constant 0 : index
    %get3A_168 = vector.load %arg1[%get3A_165, %get3A_166, %get3A_167] : memref<128x50x389xf32, #tpu.memory_space<vmem>>, vector<128x1x389xf32>
    %get3A_169 = vector.shape_cast %get3A_168 : vector<128x1x389xf32> to vector<128x389xf32>
    %transpose3A_170 = tpu.transpose %get3A_169, [1, 0] : vector<128x389xf32> -> vector<389x128xf32>
    %swap3A_171 = arith.constant 14 : index
    %swap3A_172 = arith.constant 0 : index
    %swap3A_173 = arith.constant 0 : index
    %swap3A_174 = vector.load %arg3[%swap3A_171, %swap3A_172, %swap3A_173] : memref<50x392x128xf32, #tpu.memory_space<vmem>>, vector<1x389x128xf32>
    %swap3A_175 = vector.shape_cast %swap3A_174 : vector<1x389x128xf32> to vector<389x128xf32>
    %swap3A_176 = vector.shape_cast %transpose3A_170 : vector<389x128xf32> to vector<1x389x128xf32>
    tpu.vector_store %arg3[%swap3A_171, %swap3A_172, %swap3A_173], %swap3A_176 {strides = array<i32>} : memref<50x392x128xf32, #tpu.memory_space<vmem>>, vector<1x389x128xf32>,
    %get3A_177 = arith.constant 0 : index
    %get3A_178 = arith.constant 15 : index
    %get3A_179 = arith.constant 0 : index
    %get3A_180 = vector.load %arg1[%get3A_177, %get3A_178, %get3A_179] : memref<128x50x389xf32, #tpu.memory_space<vmem>>, vector<128x1x389xf32>
    %get3A_181 = vector.shape_cast %get3A_180 : vector<128x1x389xf32> to vector<128x389xf32>
    %transpose3A_182 = tpu.transpose %get3A_181, [1, 0] : vector<128x389xf32> -> vector<389x128xf32>
    %swap3A_183 = arith.constant 15 : index
    %swap3A_184 = arith.constant 0 : index
    %swap3A_185 = arith.constant 0 : index
    %swap3A_186 = vector.load %arg3[%swap3A_183, %swap3A_184, %swap3A_185] : memref<50x392x128xf32, #tpu.memory_space<vmem>>, vector<1x389x128xf32>
    %swap3A_187 = vector.shape_cast %swap3A_186 : vector<1x389x128xf32> to vector<389x128xf32>
    %swap3A_188 = vector.shape_cast %transpose3A_182 : vector<389x128xf32> to vector<1x389x128xf32>
    tpu.vector_store %arg3[%swap3A_183, %swap3A_184, %swap3A_185], %swap3A_188 {strides = array<i32>} : memref<50x392x128xf32, #tpu.memory_space<vmem>>, vector<1x389x128xf32>,
    %get3A_189 = arith.constant 0 : index
    %get3A_190 = arith.constant 16 : index
    %get3A_191 = arith.constant 0 : index
    %get3A_192 = vector.load %arg1[%get3A_189, %get3A_190, %get3A_191] : memref<128x50x389xf32, #tpu.memory_space<vmem>>, vector<128x1x389xf32>
    %get3A_193 = vector.shape_cast %get3A_192 : vector<128x1x389xf32> to vector<128x389xf32>
    %transpose3A_194 = tpu.transpose %get3A_193, [1, 0] : vector<128x389xf32> -> vector<389x128xf32>
    %swap3A_195 = arith.constant 16 : index
    %swap3A_196 = arith.constant 0 : index
    %swap3A_197 = arith.constant 0 : index
    %swap3A_198 = vector.load %arg3[%swap3A_195, %swap3A_196, %swap3A_197] : memref<50x392x128xf32, #tpu.memory_space<vmem>>, vector<1x389x128xf32>
    %swap3A_199 = vector.shape_cast %swap3A_198 : vector<1x389x128xf32> to vector<389x128xf32>
    %swap3A_200 = vector.shape_cast %transpose3A_194 : vector<389x128xf32> to vector<1x389x128xf32>
    tpu.vector_store %arg3[%swap3A_195, %swap3A_196, %swap3A_197], %swap3A_200 {strides = array<i32>} : memref<50x392x128xf32, #tpu.memory_space<vmem>>, vector<1x389x128xf32>,
    %get3A_201 = arith.constant 0 : index
    %get3A_202 = arith.constant 17 : index
    %get3A_203 = arith.constant 0 : index
    %get3A_204 = vector.load %arg1[%get3A_201, %get3A_202, %get3A_203] : memref<128x50x389xf32, #tpu.memory_space<vmem>>, vector<128x1x389xf32>
    %get3A_205 = vector.shape_cast %get3A_204 : vector<128x1x389xf32> to vector<128x389xf32>
    %transpose3A_206 = tpu.transpose %get3A_205, [1, 0] : vector<128x389xf32> -> vector<389x128xf32>
    %swap3A_207 = arith.constant 17 : index
    %swap3A_208 = arith.constant 0 : index
    %swap3A_209 = arith.constant 0 : index
    %swap3A_210 = vector.load %arg3[%swap3A_207, %swap3A_208, %swap3A_209] : memref<50x392x128xf32, #tpu.memory_space<vmem>>, vector<1x389x128xf32>
    %swap3A_211 = vector.shape_cast %swap3A_210 : vector<1x389x128xf32> to vector<389x128xf32>
    %swap3A_212 = vector.shape_cast %transpose3A_206 : vector<389x128xf32> to vector<1x389x128xf32>
    tpu.vector_store %arg3[%swap3A_207, %swap3A_208, %swap3A_209], %swap3A_212 {strides = array<i32>} : memref<50x392x128xf32, #tpu.memory_space<vmem>>, vector<1x389x128xf32>,
    %get3A_213 = arith.constant 0 : index
    %get3A_214 = arith.constant 18 : index
    %get3A_215 = arith.constant 0 : index
    %get3A_216 = vector.load %arg1[%get3A_213, %get3A_214, %get3A_215] : memref<128x50x389xf32, #tpu.memory_space<vmem>>, vector<128x1x389xf32>
    %get3A_217 = vector.shape_cast %get3A_216 : vector<128x1x389xf32> to vector<128x389xf32>
    %transpose3A_218 = tpu.transpose %get3A_217, [1, 0] : vector<128x389xf32> -> vector<389x128xf32>
    %swap3A_219 = arith.constant 18 : index
    %swap3A_220 = arith.constant 0 : index
    %swap3A_221 = arith.constant 0 : index
    %swap3A_222 = vector.load %arg3[%swap3A_219, %swap3A_220, %swap3A_221] : memref<50x392x128xf32, #tpu.memory_space<vmem>>, vector<1x389x128xf32>
    %swap3A_223 = vector.shape_cast %swap3A_222 : vector<1x389x128xf32> to vector<389x128xf32>
    %swap3A_224 = vector.shape_cast %transpose3A_218 : vector<389x128xf32> to vector<1x389x128xf32>
    tpu.vector_store %arg3[%swap3A_219, %swap3A_220, %swap3A_221], %swap3A_224 {strides = array<i32>} : memref<50x392x128xf32, #tpu.memory_space<vmem>>, vector<1x389x128xf32>,
    %get3A_225 = arith.constant 0 : index
    %get3A_226 = arith.constant 19 : index
    %get3A_227 = arith.constant 0 : index
    %get3A_228 = vector.load %arg1[%get3A_225, %get3A_226, %get3A_227] : memref<128x50x389xf32, #tpu.memory_space<vmem>>, vector<128x1x389xf32>
    %get3A_229 = vector.shape_cast %get3A_228 : vector<128x1x389xf32> to vector<128x389xf32>
    %transpose3A_230 = tpu.transpose %get3A_229, [1, 0] : vector<128x389xf32> -> vector<389x128xf32>
    %swap3A_231 = arith.constant 19 : index
    %swap3A_232 = arith.constant 0 : index
    %swap3A_233 = arith.constant 0 : index
    %swap3A_234 = vector.load %arg3[%swap3A_231, %swap3A_232, %swap3A_233] : memref<50x392x128xf32, #tpu.memory_space<vmem>>, vector<1x389x128xf32>
    %swap3A_235 = vector.shape_cast %swap3A_234 : vector<1x389x128xf32> to vector<389x128xf32>
    %swap3A_236 = vector.shape_cast %transpose3A_230 : vector<389x128xf32> to vector<1x389x128xf32>
    tpu.vector_store %arg3[%swap3A_231, %swap3A_232, %swap3A_233], %swap3A_236 {strides = array<i32>} : memref<50x392x128xf32, #tpu.memory_space<vmem>>, vector<1x389x128xf32>,
    %get3A_237 = arith.constant 0 : index
    %get3A_238 = arith.constant 20 : index
    %get3A_239 = arith.constant 0 : index
    %get3A_240 = vector.load %arg1[%get3A_237, %get3A_238, %get3A_239] : memref<128x50x389xf32, #tpu.memory_space<vmem>>, vector<128x1x389xf32>
    %get3A_241 = vector.shape_cast %get3A_240 : vector<128x1x389xf32> to vector<128x389xf32>
    %transpose3A_242 = tpu.transpose %get3A_241, [1, 0] : vector<128x389xf32> -> vector<389x128xf32>
    %swap3A_243 = arith.constant 20 : index
    %swap3A_244 = arith.constant 0 : index
    %swap3A_245 = arith.constant 0 : index
    %swap3A_246 = vector.load %arg3[%swap3A_243, %swap3A_244, %swap3A_245] : memref<50x392x128xf32, #tpu.memory_space<vmem>>, vector<1x389x128xf32>
    %swap3A_247 = vector.shape_cast %swap3A_246 : vector<1x389x128xf32> to vector<389x128xf32>
    %swap3A_248 = vector.shape_cast %transpose3A_242 : vector<389x128xf32> to vector<1x389x128xf32>
    tpu.vector_store %arg3[%swap3A_243, %swap3A_244, %swap3A_245], %swap3A_248 {strides = array<i32>} : memref<50x392x128xf32, #tpu.memory_space<vmem>>, vector<1x389x128xf32>,
    %get3A_249 = arith.constant 0 : index
    %get3A_250 = arith.constant 21 : index
    %get3A_251 = arith.constant 0 : index
    %get3A_252 = vector.load %arg1[%get3A_249, %get3A_250, %get3A_251] : memref<128x50x389xf32, #tpu.memory_space<vmem>>, vector<128x1x389xf32>
    %get3A_253 = vector.shape_cast %get3A_252 : vector<128x1x389xf32> to vector<128x389xf32>
    %transpose3A_254 = tpu.transpose %get3A_253, [1, 0] : vector<128x389xf32> -> vector<389x128xf32>
    %swap3A_255 = arith.constant 21 : index
    %swap3A_256 = arith.constant 0 : index
    %swap3A_257 = arith.constant 0 : index
    %swap3A_258 = vector.load %arg3[%swap3A_255, %swap3A_256, %swap3A_257] : memref<50x392x128xf32, #tpu.memory_space<vmem>>, vector<1x389x128xf32>
    %swap3A_259 = vector.shape_cast %swap3A_258 : vector<1x389x128xf32> to vector<389x128xf32>
    %swap3A_260 = vector.shape_cast %transpose3A_254 : vector<389x128xf32> to vector<1x389x128xf32>
    tpu.vector_store %arg3[%swap3A_255, %swap3A_256, %swap3A_257], %swap3A_260 {strides = array<i32>} : memref<50x392x128xf32, #tpu.memory_space<vmem>>, vector<1x389x128xf32>,
    %get3A_261 = arith.constant 0 : index
    %get3A_262 = arith.constant 22 : index
    %get3A_263 = arith.constant 0 : index
    %get3A_264 = vector.load %arg1[%get3A_261, %get3A_262, %get3A_263] : memref<128x50x389xf32, #tpu.memory_space<vmem>>, vector<128x1x389xf32>
    %get3A_265 = vector.shape_cast %get3A_264 : vector<128x1x389xf32> to vector<128x389xf32>
    %transpose3A_266 = tpu.transpose %get3A_265, [1, 0] : vector<128x389xf32> -> vector<389x128xf32>
    %swap3A_267 = arith.constant 22 : index
    %swap3A_268 = arith.constant 0 : index
    %swap3A_269 = arith.constant 0 : index
    %swap3A_270 = vector.load %arg3[%swap3A_267, %swap3A_268, %swap3A_269] : memref<50x392x128xf32, #tpu.memory_space<vmem>>, vector<1x389x128xf32>
    %swap3A_271 = vector.shape_cast %swap3A_270 : vector<1x389x128xf32> to vector<389x128xf32>
    %swap3A_272 = vector.shape_cast %transpose3A_266 : vector<389x128xf32> to vector<1x389x128xf32>
    tpu.vector_store %arg3[%swap3A_267, %swap3A_268, %swap3A_269], %swap3A_272 {strides = array<i32>} : memref<50x392x128xf32, #tpu.memory_space<vmem>>, vector<1x389x128xf32>,
    %get3A_273 = arith.constant 0 : index
    %get3A_274 = arith.constant 23 : index
    %get3A_275 = arith.constant 0 : index
    %get3A_276 = vector.load %arg1[%get3A_273, %get3A_274, %get3A_275] : memref<128x50x389xf32, #tpu.memory_space<vmem>>, vector<128x1x389xf32>
    %get3A_277 = vector.shape_cast %get3A_276 : vector<128x1x389xf32> to vector<128x389xf32>
    %transpose3A_278 = tpu.transpose %get3A_277, [1, 0] : vector<128x389xf32> -> vector<389x128xf32>
    %swap3A_279 = arith.constant 23 : index
    %swap3A_280 = arith.constant 0 : index
    %swap3A_281 = arith.constant 0 : index
    %swap3A_282 = vector.load %arg3[%swap3A_279, %swap3A_280, %swap3A_281] : memref<50x392x128xf32, #tpu.memory_space<vmem>>, vector<1x389x128xf32>
    %swap3A_283 = vector.shape_cast %swap3A_282 : vector<1x389x128xf32> to vector<389x128xf32>
    %swap3A_284 = vector.shape_cast %transpose3A_278 : vector<389x128xf32> to vector<1x389x128xf32>
    tpu.vector_store %arg3[%swap3A_279, %swap3A_280, %swap3A_281], %swap3A_284 {strides = array<i32>} : memref<50x392x128xf32, #tpu.memory_space<vmem>>, vector<1x389x128xf32>,
    %get3A_285 = arith.constant 0 : index
    %get3A_286 = arith.constant 24 : index
    %get3A_287 = arith.constant 0 : index
    %get3A_288 = vector.load %arg1[%get3A_285, %get3A_286, %get3A_287] : memref<128x50x389xf32, #tpu.memory_space<vmem>>, vector<128x1x389xf32>
    %get3A_289 = vector.shape_cast %get3A_288 : vector<128x1x389xf32> to vector<128x389xf32>
    %transpose3A_290 = tpu.transpose %get3A_289, [1, 0] : vector<128x389xf32> -> vector<389x128xf32>
    %swap3A_291 = arith.constant 24 : index
    %swap3A_292 = arith.constant 0 : index
    %swap3A_293 = arith.constant 0 : index
    %swap3A_294 = vector.load %arg3[%swap3A_291, %swap3A_292, %swap3A_293] : memref<50x392x128xf32, #tpu.memory_space<vmem>>, vector<1x389x128xf32>
    %swap3A_295 = vector.shape_cast %swap3A_294 : vector<1x389x128xf32> to vector<389x128xf32>
    %swap3A_296 = vector.shape_cast %transpose3A_290 : vector<389x128xf32> to vector<1x389x128xf32>
    tpu.vector_store %arg3[%swap3A_291, %swap3A_292, %swap3A_293], %swap3A_296 {strides = array<i32>} : memref<50x392x128xf32, #tpu.memory_space<vmem>>, vector<1x389x128xf32>,
    %get3A_297 = arith.constant 0 : index
    %get3A_298 = arith.constant 25 : index
    %get3A_299 = arith.constant 0 : index
    %get3A_300 = vector.load %arg1[%get3A_297, %get3A_298, %get3A_299] : memref<128x50x389xf32, #tpu.memory_space<vmem>>, vector<128x1x389xf32>
    %get3A_301 = vector.shape_cast %get3A_300 : vector<128x1x389xf32> to vector<128x389xf32>
    %transpose3A_302 = tpu.transpose %get3A_301, [1, 0] : vector<128x389xf32> -> vector<389x128xf32>
    %swap3A_303 = arith.constant 25 : index
    %swap3A_304 = arith.constant 0 : index
    %swap3A_305 = arith.constant 0 : index
    %swap3A_306 = vector.load %arg3[%swap3A_303, %swap3A_304, %swap3A_305] : memref<50x392x128xf32, #tpu.memory_space<vmem>>, vector<1x389x128xf32>
    %swap3A_307 = vector.shape_cast %swap3A_306 : vector<1x389x128xf32> to vector<389x128xf32>
    %swap3A_308 = vector.shape_cast %transpose3A_302 : vector<389x128xf32> to vector<1x389x128xf32>
    tpu.vector_store %arg3[%swap3A_303, %swap3A_304, %swap3A_305], %swap3A_308 {strides = array<i32>} : memref<50x392x128xf32, #tpu.memory_space<vmem>>, vector<1x389x128xf32>,
    %get3A_309 = arith.constant 0 : index
    %get3A_310 = arith.constant 26 : index
    %get3A_311 = arith.constant 0 : index
    %get3A_312 = vector.load %arg1[%get3A_309, %get3A_310, %get3A_311] : memref<128x50x389xf32, #tpu.memory_space<vmem>>, vector<128x1x389xf32>
    %get3A_313 = vector.shape_cast %get3A_312 : vector<128x1x389xf32> to vector<128x389xf32>
    %transpose3A_314 = tpu.transpose %get3A_313, [1, 0] : vector<128x389xf32> -> vector<389x128xf32>
    %swap3A_315 = arith.constant 26 : index
    %swap3A_316 = arith.constant 0 : index
    %swap3A_317 = arith.constant 0 : index
    %swap3A_318 = vector.load %arg3[%swap3A_315, %swap3A_316, %swap3A_317] : memref<50x392x128xf32, #tpu.memory_space<vmem>>, vector<1x389x128xf32>
    %swap3A_319 = vector.shape_cast %swap3A_318 : vector<1x389x128xf32> to vector<389x128xf32>
    %swap3A_320 = vector.shape_cast %transpose3A_314 : vector<389x128xf32> to vector<1x389x128xf32>
    tpu.vector_store %arg3[%swap3A_315, %swap3A_316, %swap3A_317], %swap3A_320 {strides = array<i32>} : memref<50x392x128xf32, #tpu.memory_space<vmem>>, vector<1x389x128xf32>,
    %get3A_321 = arith.constant 0 : index
    %get3A_322 = arith.constant 27 : index
    %get3A_323 = arith.constant 0 : index
    %get3A_324 = vector.load %arg1[%get3A_321, %get3A_322, %get3A_323] : memref<128x50x389xf32, #tpu.memory_space<vmem>>, vector<128x1x389xf32>
    %get3A_325 = vector.shape_cast %get3A_324 : vector<128x1x389xf32> to vector<128x389xf32>
    %transpose3A_326 = tpu.transpose %get3A_325, [1, 0] : vector<128x389xf32> -> vector<389x128xf32>
    %swap3A_327 = arith.constant 27 : index
    %swap3A_328 = arith.constant 0 : index
    %swap3A_329 = arith.constant 0 : index
    %swap3A_330 = vector.load %arg3[%swap3A_327, %swap3A_328, %swap3A_329] : memref<50x392x128xf32, #tpu.memory_space<vmem>>, vector<1x389x128xf32>
    %swap3A_331 = vector.shape_cast %swap3A_330 : vector<1x389x128xf32> to vector<389x128xf32>
    %swap3A_332 = vector.shape_cast %transpose3A_326 : vector<389x128xf32> to vector<1x389x128xf32>
    tpu.vector_store %arg3[%swap3A_327, %swap3A_328, %swap3A_329], %swap3A_332 {strides = array<i32>} : memref<50x392x128xf32, #tpu.memory_space<vmem>>, vector<1x389x128xf32>,
    %get3A_333 = arith.constant 0 : index
    %get3A_334 = arith.constant 28 : index
    %get3A_335 = arith.constant 0 : index
    %get3A_336 = vector.load %arg1[%get3A_333, %get3A_334, %get3A_335] : memref<128x50x389xf32, #tpu.memory_space<vmem>>, vector<128x1x389xf32>
    %get3A_337 = vector.shape_cast %get3A_336 : vector<128x1x389xf32> to vector<128x389xf32>
    %transpose3A_338 = tpu.transpose %get3A_337, [1, 0] : vector<128x389xf32> -> vector<389x128xf32>
    %swap3A_339 = arith.constant 28 : index
    %swap3A_340 = arith.constant 0 : index
    %swap3A_341 = arith.constant 0 : index
    %swap3A_342 = vector.load %arg3[%swap3A_339, %swap3A_340, %swap3A_341] : memref<50x392x128xf32, #tpu.memory_space<vmem>>, vector<1x389x128xf32>
    %swap3A_343 = vector.shape_cast %swap3A_342 : vector<1x389x128xf32> to vector<389x128xf32>
    %swap3A_344 = vector.shape_cast %transpose3A_338 : vector<389x128xf32> to vector<1x389x128xf32>
    tpu.vector_store %arg3[%swap3A_339, %swap3A_340, %swap3A_341], %swap3A_344 {strides = array<i32>} : memref<50x392x128xf32, #tpu.memory_space<vmem>>, vector<1x389x128xf32>,
    %get3A_345 = arith.constant 0 : index
    %get3A_346 = arith.constant 29 : index
    %get3A_347 = arith.constant 0 : index
    %get3A_348 = vector.load %arg1[%get3A_345, %get3A_346, %get3A_347] : memref<128x50x389xf32, #tpu.memory_space<vmem>>, vector<128x1x389xf32>
    %get3A_349 = vector.shape_cast %get3A_348 : vector<128x1x389xf32> to vector<128x389xf32>
    %transpose3A_350 = tpu.transpose %get3A_349, [1, 0] : vector<128x389xf32> -> vector<389x128xf32>
    %swap3A_351 = arith.constant 29 : index
    %swap3A_352 = arith.constant 0 : index
    %swap3A_353 = arith.constant 0 : index
    %swap3A_354 = vector.load %arg3[%swap3A_351, %swap3A_352, %swap3A_353] : memref<50x392x128xf32, #tpu.memory_space<vmem>>, vector<1x389x128xf32>
    %swap3A_355 = vector.shape_cast %swap3A_354 : vector<1x389x128xf32> to vector<389x128xf32>
    %swap3A_356 = vector.shape_cast %transpose3A_350 : vector<389x128xf32> to vector<1x389x128xf32>
    tpu.vector_store %arg3[%swap3A_351, %swap3A_352, %swap3A_353], %swap3A_356 {strides = array<i32>} : memref<50x392x128xf32, #tpu.memory_space<vmem>>, vector<1x389x128xf32>,
    %get3A_357 = arith.constant 0 : index
    %get3A_358 = arith.constant 30 : index
    %get3A_359 = arith.constant 0 : index
    %get3A_360 = vector.load %arg1[%get3A_357, %get3A_358, %get3A_359] : memref<128x50x389xf32, #tpu.memory_space<vmem>>, vector<128x1x389xf32>
    %get3A_361 = vector.shape_cast %get3A_360 : vector<128x1x389xf32> to vector<128x389xf32>
    %transpose3A_362 = tpu.transpose %get3A_361, [1, 0] : vector<128x389xf32> -> vector<389x128xf32>
    %swap3A_363 = arith.constant 30 : index
    %swap3A_364 = arith.constant 0 : index
    %swap3A_365 = arith.constant 0 : index
    %swap3A_366 = vector.load %arg3[%swap3A_363, %swap3A_364, %swap3A_365] : memref<50x392x128xf32, #tpu.memory_space<vmem>>, vector<1x389x128xf32>
    %swap3A_367 = vector.shape_cast %swap3A_366 : vector<1x389x128xf32> to vector<389x128xf32>
    %swap3A_368 = vector.shape_cast %transpose3A_362 : vector<389x128xf32> to vector<1x389x128xf32>
    tpu.vector_store %arg3[%swap3A_363, %swap3A_364, %swap3A_365], %swap3A_368 {strides = array<i32>} : memref<50x392x128xf32, #tpu.memory_space<vmem>>, vector<1x389x128xf32>,
    %get3A_369 = arith.constant 0 : index
    %get3A_370 = arith.constant 31 : index
    %get3A_371 = arith.constant 0 : index
    %get3A_372 = vector.load %arg1[%get3A_369, %get3A_370, %get3A_371] : memref<128x50x389xf32, #tpu.memory_space<vmem>>, vector<128x1x389xf32>
    %get3A_373 = vector.shape_cast %get3A_372 : vector<128x1x389xf32> to vector<128x389xf32>
    %transpose3A_374 = tpu.transpose %get3A_373, [1, 0] : vector<128x389xf32> -> vector<389x128xf32>
    %swap3A_375 = arith.constant 31 : index
    %swap3A_376 = arith.constant 0 : index
    %swap3A_377 = arith.constant 0 : index
    %swap3A_378 = vector.load %arg3[%swap3A_375, %swap3A_376, %swap3A_377] : memref<50x392x128xf32, #tpu.memory_space<vmem>>, vector<1x389x128xf32>
    %swap3A_379 = vector.shape_cast %swap3A_378 : vector<1x389x128xf32> to vector<389x128xf32>
    %swap3A_380 = vector.shape_cast %transpose3A_374 : vector<389x128xf32> to vector<1x389x128xf32>
    tpu.vector_store %arg3[%swap3A_375, %swap3A_376, %swap3A_377], %swap3A_380 {strides = array<i32>} : memref<50x392x128xf32, #tpu.memory_space<vmem>>, vector<1x389x128xf32>,
    %get3A_381 = arith.constant 0 : index
    %get3A_382 = arith.constant 32 : index
    %get3A_383 = arith.constant 0 : index
    %get3A_384 = vector.load %arg1[%get3A_381, %get3A_382, %get3A_383] : memref<128x50x389xf32, #tpu.memory_space<vmem>>, vector<128x1x389xf32>
    %get3A_385 = vector.shape_cast %get3A_384 : vector<128x1x389xf32> to vector<128x389xf32>
    %transpose3A_386 = tpu.transpose %get3A_385, [1, 0] : vector<128x389xf32> -> vector<389x128xf32>
    %swap3A_387 = arith.constant 32 : index
    %swap3A_388 = arith.constant 0 : index
    %swap3A_389 = arith.constant 0 : index
    %swap3A_390 = vector.load %arg3[%swap3A_387, %swap3A_388, %swap3A_389] : memref<50x392x128xf32, #tpu.memory_space<vmem>>, vector<1x389x128xf32>
    %swap3A_391 = vector.shape_cast %swap3A_390 : vector<1x389x128xf32> to vector<389x128xf32>
    %swap3A_392 = vector.shape_cast %transpose3A_386 : vector<389x128xf32> to vector<1x389x128xf32>
    tpu.vector_store %arg3[%swap3A_387, %swap3A_388, %swap3A_389], %swap3A_392 {strides = array<i32>} : memref<50x392x128xf32, #tpu.memory_space<vmem>>, vector<1x389x128xf32>,
    %get3A_393 = arith.constant 0 : index
    %get3A_394 = arith.constant 33 : index
    %get3A_395 = arith.constant 0 : index
    %get3A_396 = vector.load %arg1[%get3A_393, %get3A_394, %get3A_395] : memref<128x50x389xf32, #tpu.memory_space<vmem>>, vector<128x1x389xf32>
    %get3A_397 = vector.shape_cast %get3A_396 : vector<128x1x389xf32> to vector<128x389xf32>
    %transpose3A_398 = tpu.transpose %get3A_397, [1, 0] : vector<128x389xf32> -> vector<389x128xf32>
    %swap3A_399 = arith.constant 33 : index
    %swap3A_400 = arith.constant 0 : index
    %swap3A_401 = arith.constant 0 : index
    %swap3A_402 = vector.load %arg3[%swap3A_399, %swap3A_400, %swap3A_401] : memref<50x392x128xf32, #tpu.memory_space<vmem>>, vector<1x389x128xf32>
    %swap3A_403 = vector.shape_cast %swap3A_402 : vector<1x389x128xf32> to vector<389x128xf32>
    %swap3A_404 = vector.shape_cast %transpose3A_398 : vector<389x128xf32> to vector<1x389x128xf32>
    tpu.vector_store %arg3[%swap3A_399, %swap3A_400, %swap3A_401], %swap3A_404 {strides = array<i32>} : memref<50x392x128xf32, #tpu.memory_space<vmem>>, vector<1x389x128xf32>,
    %get3A_405 = arith.constant 0 : index
    %get3A_406 = arith.constant 34 : index
    %get3A_407 = arith.constant 0 : index
    %get3A_408 = vector.load %arg1[%get3A_405, %get3A_406, %get3A_407] : memref<128x50x389xf32, #tpu.memory_space<vmem>>, vector<128x1x389xf32>
    %get3A_409 = vector.shape_cast %get3A_408 : vector<128x1x389xf32> to vector<128x389xf32>
    %transpose3A_410 = tpu.transpose %get3A_409, [1, 0] : vector<128x389xf32> -> vector<389x128xf32>
    %swap3A_411 = arith.constant 34 : index
    %swap3A_412 = arith.constant 0 : index
    %swap3A_413 = arith.constant 0 : index
    %swap3A_414 = vector.load %arg3[%swap3A_411, %swap3A_412, %swap3A_413] : memref<50x392x128xf32, #tpu.memory_space<vmem>>, vector<1x389x128xf32>
    %swap3A_415 = vector.shape_cast %swap3A_414 : vector<1x389x128xf32> to vector<389x128xf32>
    %swap3A_416 = vector.shape_cast %transpose3A_410 : vector<389x128xf32> to vector<1x389x128xf32>
    tpu.vector_store %arg3[%swap3A_411, %swap3A_412, %swap3A_413], %swap3A_416 {strides = array<i32>} : memref<50x392x128xf32, #tpu.memory_space<vmem>>, vector<1x389x128xf32>,
    %get3A_417 = arith.constant 0 : index
    %get3A_418 = arith.constant 35 : index
    %get3A_419 = arith.constant 0 : index
    %get3A_420 = vector.load %arg1[%get3A_417, %get3A_418, %get3A_419] : memref<128x50x389xf32, #tpu.memory_space<vmem>>, vector<128x1x389xf32>
    %get3A_421 = vector.shape_cast %get3A_420 : vector<128x1x389xf32> to vector<128x389xf32>
    %transpose3A_422 = tpu.transpose %get3A_421, [1, 0] : vector<128x389xf32> -> vector<389x128xf32>
    %swap3A_423 = arith.constant 35 : index
    %swap3A_424 = arith.constant 0 : index
    %swap3A_425 = arith.constant 0 : index
    %swap3A_426 = vector.load %arg3[%swap3A_423, %swap3A_424, %swap3A_425] : memref<50x392x128xf32, #tpu.memory_space<vmem>>, vector<1x389x128xf32>
    %swap3A_427 = vector.shape_cast %swap3A_426 : vector<1x389x128xf32> to vector<389x128xf32>
    %swap3A_428 = vector.shape_cast %transpose3A_422 : vector<389x128xf32> to vector<1x389x128xf32>
    tpu.vector_store %arg3[%swap3A_423, %swap3A_424, %swap3A_425], %swap3A_428 {strides = array<i32>} : memref<50x392x128xf32, #tpu.memory_space<vmem>>, vector<1x389x128xf32>,
    %get3A_429 = arith.constant 0 : index
    %get3A_430 = arith.constant 36 : index
    %get3A_431 = arith.constant 0 : index
    %get3A_432 = vector.load %arg1[%get3A_429, %get3A_430, %get3A_431] : memref<128x50x389xf32, #tpu.memory_space<vmem>>, vector<128x1x389xf32>
    %get3A_433 = vector.shape_cast %get3A_432 : vector<128x1x389xf32> to vector<128x389xf32>
    %transpose3A_434 = tpu.transpose %get3A_433, [1, 0] : vector<128x389xf32> -> vector<389x128xf32>
    %swap3A_435 = arith.constant 36 : index
    %swap3A_436 = arith.constant 0 : index
    %swap3A_437 = arith.constant 0 : index
    %swap3A_438 = vector.load %arg3[%swap3A_435, %swap3A_436, %swap3A_437] : memref<50x392x128xf32, #tpu.memory_space<vmem>>, vector<1x389x128xf32>
    %swap3A_439 = vector.shape_cast %swap3A_438 : vector<1x389x128xf32> to vector<389x128xf32>
    %swap3A_440 = vector.shape_cast %transpose3A_434 : vector<389x128xf32> to vector<1x389x128xf32>
    tpu.vector_store %arg3[%swap3A_435, %swap3A_436, %swap3A_437], %swap3A_440 {strides = array<i32>} : memref<50x392x128xf32, #tpu.memory_space<vmem>>, vector<1x389x128xf32>,
    %get3A_441 = arith.constant 0 : index
    %get3A_442 = arith.constant 37 : index
    %get3A_443 = arith.constant 0 : index
    %get3A_444 = vector.load %arg1[%get3A_441, %get3A_442, %get3A_443] : memref<128x50x389xf32, #tpu.memory_space<vmem>>, vector<128x1x389xf32>
    %get3A_445 = vector.shape_cast %get3A_444 : vector<128x1x389xf32> to vector<128x389xf32>
    %transpose3A_446 = tpu.transpose %get3A_445, [1, 0] : vector<128x389xf32> -> vector<389x128xf32>
    %swap3A_447 = arith.constant 37 : index
    %swap3A_448 = arith.constant 0 : index
    %swap3A_449 = arith.constant 0 : index
    %swap3A_450 = vector.load %arg3[%swap3A_447, %swap3A_448, %swap3A_449] : memref<50x392x128xf32, #tpu.memory_space<vmem>>, vector<1x389x128xf32>
    %swap3A_451 = vector.shape_cast %swap3A_450 : vector<1x389x128xf32> to vector<389x128xf32>
    %swap3A_452 = vector.shape_cast %transpose3A_446 : vector<389x128xf32> to vector<1x389x128xf32>
    tpu.vector_store %arg3[%swap3A_447, %swap3A_448, %swap3A_449], %swap3A_452 {strides = array<i32>} : memref<50x392x128xf32, #tpu.memory_space<vmem>>, vector<1x389x128xf32>,
    %get3A_453 = arith.constant 0 : index
    %get3A_454 = arith.constant 38 : index
    %get3A_455 = arith.constant 0 : index
    %get3A_456 = vector.load %arg1[%get3A_453, %get3A_454, %get3A_455] : memref<128x50x389xf32, #tpu.memory_space<vmem>>, vector<128x1x389xf32>
    %get3A_457 = vector.shape_cast %get3A_456 : vector<128x1x389xf32> to vector<128x389xf32>
    %transpose3A_458 = tpu.transpose %get3A_457, [1, 0] : vector<128x389xf32> -> vector<389x128xf32>
    %swap3A_459 = arith.constant 38 : index
    %swap3A_460 = arith.constant 0 : index
    %swap3A_461 = arith.constant 0 : index
    %swap3A_462 = vector.load %arg3[%swap3A_459, %swap3A_460, %swap3A_461] : memref<50x392x128xf32, #tpu.memory_space<vmem>>, vector<1x389x128xf32>
    %swap3A_463 = vector.shape_cast %swap3A_462 : vector<1x389x128xf32> to vector<389x128xf32>
    %swap3A_464 = vector.shape_cast %transpose3A_458 : vector<389x128xf32> to vector<1x389x128xf32>
    tpu.vector_store %arg3[%swap3A_459, %swap3A_460, %swap3A_461], %swap3A_464 {strides = array<i32>} : memref<50x392x128xf32, #tpu.memory_space<vmem>>, vector<1x389x128xf32>,
    %get3A_465 = arith.constant 0 : index
    %get3A_466 = arith.constant 39 : index
    %get3A_467 = arith.constant 0 : index
    %get3A_468 = vector.load %arg1[%get3A_465, %get3A_466, %get3A_467] : memref<128x50x389xf32, #tpu.memory_space<vmem>>, vector<128x1x389xf32>
    %get3A_469 = vector.shape_cast %get3A_468 : vector<128x1x389xf32> to vector<128x389xf32>
    %transpose3A_470 = tpu.transpose %get3A_469, [1, 0] : vector<128x389xf32> -> vector<389x128xf32>
    %swap3A_471 = arith.constant 39 : index
    %swap3A_472 = arith.constant 0 : index
    %swap3A_473 = arith.constant 0 : index
    %swap3A_474 = vector.load %arg3[%swap3A_471, %swap3A_472, %swap3A_473] : memref<50x392x128xf32, #tpu.memory_space<vmem>>, vector<1x389x128xf32>
    %swap3A_475 = vector.shape_cast %swap3A_474 : vector<1x389x128xf32> to vector<389x128xf32>
    %swap3A_476 = vector.shape_cast %transpose3A_470 : vector<389x128xf32> to vector<1x389x128xf32>
    tpu.vector_store %arg3[%swap3A_471, %swap3A_472, %swap3A_473], %swap3A_476 {strides = array<i32>} : memref<50x392x128xf32, #tpu.memory_space<vmem>>, vector<1x389x128xf32>,
    %get3A_477 = arith.constant 0 : index
    %get3A_478 = arith.constant 40 : index
    %get3A_479 = arith.constant 0 : index
    %get3A_480 = vector.load %arg1[%get3A_477, %get3A_478, %get3A_479] : memref<128x50x389xf32, #tpu.memory_space<vmem>>, vector<128x1x389xf32>
    %get3A_481 = vector.shape_cast %get3A_480 : vector<128x1x389xf32> to vector<128x389xf32>
    %transpose3A_482 = tpu.transpose %get3A_481, [1, 0] : vector<128x389xf32> -> vector<389x128xf32>
    %swap3A_483 = arith.constant 40 : index
    %swap3A_484 = arith.constant 0 : index
    %swap3A_485 = arith.constant 0 : index
    %swap3A_486 = vector.load %arg3[%swap3A_483, %swap3A_484, %swap3A_485] : memref<50x392x128xf32, #tpu.memory_space<vmem>>, vector<1x389x128xf32>
    %swap3A_487 = vector.shape_cast %swap3A_486 : vector<1x389x128xf32> to vector<389x128xf32>
    %swap3A_488 = vector.shape_cast %transpose3A_482 : vector<389x128xf32> to vector<1x389x128xf32>
    tpu.vector_store %arg3[%swap3A_483, %swap3A_484, %swap3A_485], %swap3A_488 {strides = array<i32>} : memref<50x392x128xf32, #tpu.memory_space<vmem>>, vector<1x389x128xf32>,
    %get3A_489 = arith.constant 0 : index
    %get3A_490 = arith.constant 41 : index
    %get3A_491 = arith.constant 0 : index
    %get3A_492 = vector.load %arg1[%get3A_489, %get3A_490, %get3A_491] : memref<128x50x389xf32, #tpu.memory_space<vmem>>, vector<128x1x389xf32>
    %get3A_493 = vector.shape_cast %get3A_492 : vector<128x1x389xf32> to vector<128x389xf32>
    %transpose3A_494 = tpu.transpose %get3A_493, [1, 0] : vector<128x389xf32> -> vector<389x128xf32>
    %swap3A_495 = arith.constant 41 : index
    %swap3A_496 = arith.constant 0 : index
    %swap3A_497 = arith.constant 0 : index
    %swap3A_498 = vector.load %arg3[%swap3A_495, %swap3A_496, %swap3A_497] : memref<50x392x128xf32, #tpu.memory_space<vmem>>, vector<1x389x128xf32>
    %swap3A_499 = vector.shape_cast %swap3A_498 : vector<1x389x128xf32> to vector<389x128xf32>
    %swap3A_500 = vector.shape_cast %transpose3A_494 : vector<389x128xf32> to vector<1x389x128xf32>
    tpu.vector_store %arg3[%swap3A_495, %swap3A_496, %swap3A_497], %swap3A_500 {strides = array<i32>} : memref<50x392x128xf32, #tpu.memory_space<vmem>>, vector<1x389x128xf32>,
    %get3A_501 = arith.constant 0 : index
    %get3A_502 = arith.constant 42 : index
    %get3A_503 = arith.constant 0 : index
    %get3A_504 = vector.load %arg1[%get3A_501, %get3A_502, %get3A_503] : memref<128x50x389xf32, #tpu.memory_space<vmem>>, vector<128x1x389xf32>
    %get3A_505 = vector.shape_cast %get3A_504 : vector<128x1x389xf32> to vector<128x389xf32>
    %transpose3A_506 = tpu.transpose %get3A_505, [1, 0] : vector<128x389xf32> -> vector<389x128xf32>
    %swap3A_507 = arith.constant 42 : index
    %swap3A_508 = arith.constant 0 : index
    %swap3A_509 = arith.constant 0 : index
    %swap3A_510 = vector.load %arg3[%swap3A_507, %swap3A_508, %swap3A_509] : memref<50x392x128xf32, #tpu.memory_space<vmem>>, vector<1x389x128xf32>
    %swap3A_511 = vector.shape_cast %swap3A_510 : vector<1x389x128xf32> to vector<389x128xf32>
    %swap3A_512 = vector.shape_cast %transpose3A_506 : vector<389x128xf32> to vector<1x389x128xf32>
    tpu.vector_store %arg3[%swap3A_507, %swap3A_508, %swap3A_509], %swap3A_512 {strides = array<i32>} : memref<50x392x128xf32, #tpu.memory_space<vmem>>, vector<1x389x128xf32>,
    %get3A_513 = arith.constant 0 : index
    %get3A_514 = arith.constant 43 : index
    %get3A_515 = arith.constant 0 : index
    %get3A_516 = vector.load %arg1[%get3A_513, %get3A_514, %get3A_515] : memref<128x50x389xf32, #tpu.memory_space<vmem>>, vector<128x1x389xf32>
    %get3A_517 = vector.shape_cast %get3A_516 : vector<128x1x389xf32> to vector<128x389xf32>
    %transpose3A_518 = tpu.transpose %get3A_517, [1, 0] : vector<128x389xf32> -> vector<389x128xf32>
    %swap3A_519 = arith.constant 43 : index
    %swap3A_520 = arith.constant 0 : index
    %swap3A_521 = arith.constant 0 : index
    %swap3A_522 = vector.load %arg3[%swap3A_519, %swap3A_520, %swap3A_521] : memref<50x392x128xf32, #tpu.memory_space<vmem>>, vector<1x389x128xf32>
    %swap3A_523 = vector.shape_cast %swap3A_522 : vector<1x389x128xf32> to vector<389x128xf32>
    %swap3A_524 = vector.shape_cast %transpose3A_518 : vector<389x128xf32> to vector<1x389x128xf32>
    tpu.vector_store %arg3[%swap3A_519, %swap3A_520, %swap3A_521], %swap3A_524 {strides = array<i32>} : memref<50x392x128xf32, #tpu.memory_space<vmem>>, vector<1x389x128xf32>,
    %get3A_525 = arith.constant 0 : index
    %get3A_526 = arith.constant 44 : index
    %get3A_527 = arith.constant 0 : index
    %get3A_528 = vector.load %arg1[%get3A_525, %get3A_526, %get3A_527] : memref<128x50x389xf32, #tpu.memory_space<vmem>>, vector<128x1x389xf32>
    %get3A_529 = vector.shape_cast %get3A_528 : vector<128x1x389xf32> to vector<128x389xf32>
    %transpose3A_530 = tpu.transpose %get3A_529, [1, 0] : vector<128x389xf32> -> vector<389x128xf32>
    %swap3A_531 = arith.constant 44 : index
    %swap3A_532 = arith.constant 0 : index
    %swap3A_533 = arith.constant 0 : index
    %swap3A_534 = vector.load %arg3[%swap3A_531, %swap3A_532, %swap3A_533] : memref<50x392x128xf32, #tpu.memory_space<vmem>>, vector<1x389x128xf32>
    %swap3A_535 = vector.shape_cast %swap3A_534 : vector<1x389x128xf32> to vector<389x128xf32>
    %swap3A_536 = vector.shape_cast %transpose3A_530 : vector<389x128xf32> to vector<1x389x128xf32>
    tpu.vector_store %arg3[%swap3A_531, %swap3A_532, %swap3A_533], %swap3A_536 {strides = array<i32>} : memref<50x392x128xf32, #tpu.memory_space<vmem>>, vector<1x389x128xf32>,
    %get3A_537 = arith.constant 0 : index
    %get3A_538 = arith.constant 45 : index
    %get3A_539 = arith.constant 0 : index
    %get3A_540 = vector.load %arg1[%get3A_537, %get3A_538, %get3A_539] : memref<128x50x389xf32, #tpu.memory_space<vmem>>, vector<128x1x389xf32>
    %get3A_541 = vector.shape_cast %get3A_540 : vector<128x1x389xf32> to vector<128x389xf32>
    %transpose3A_542 = tpu.transpose %get3A_541, [1, 0] : vector<128x389xf32> -> vector<389x128xf32>
    %swap3A_543 = arith.constant 45 : index
    %swap3A_544 = arith.constant 0 : index
    %swap3A_545 = arith.constant 0 : index
    %swap3A_546 = vector.load %arg3[%swap3A_543, %swap3A_544, %swap3A_545] : memref<50x392x128xf32, #tpu.memory_space<vmem>>, vector<1x389x128xf32>
    %swap3A_547 = vector.shape_cast %swap3A_546 : vector<1x389x128xf32> to vector<389x128xf32>
    %swap3A_548 = vector.shape_cast %transpose3A_542 : vector<389x128xf32> to vector<1x389x128xf32>
    tpu.vector_store %arg3[%swap3A_543, %swap3A_544, %swap3A_545], %swap3A_548 {strides = array<i32>} : memref<50x392x128xf32, #tpu.memory_space<vmem>>, vector<1x389x128xf32>,
    %get3A_549 = arith.constant 0 : index
    %get3A_550 = arith.constant 46 : index
    %get3A_551 = arith.constant 0 : index
    %get3A_552 = vector.load %arg1[%get3A_549, %get3A_550, %get3A_551] : memref<128x50x389xf32, #tpu.memory_space<vmem>>, vector<128x1x389xf32>
    %get3A_553 = vector.shape_cast %get3A_552 : vector<128x1x389xf32> to vector<128x389xf32>
    %transpose3A_554 = tpu.transpose %get3A_553, [1, 0] : vector<128x389xf32> -> vector<389x128xf32>
    %swap3A_555 = arith.constant 46 : index
    %swap3A_556 = arith.constant 0 : index
    %swap3A_557 = arith.constant 0 : index
    %swap3A_558 = vector.load %arg3[%swap3A_555, %swap3A_556, %swap3A_557] : memref<50x392x128xf32, #tpu.memory_space<vmem>>, vector<1x389x128xf32>
    %swap3A_559 = vector.shape_cast %swap3A_558 : vector<1x389x128xf32> to vector<389x128xf32>
    %swap3A_560 = vector.shape_cast %transpose3A_554 : vector<389x128xf32> to vector<1x389x128xf32>
    tpu.vector_store %arg3[%swap3A_555, %swap3A_556, %swap3A_557], %swap3A_560 {strides = array<i32>} : memref<50x392x128xf32, #tpu.memory_space<vmem>>, vector<1x389x128xf32>,
    %get3A_561 = arith.constant 0 : index
    %get3A_562 = arith.constant 47 : index
    %get3A_563 = arith.constant 0 : index
    %get3A_564 = vector.load %arg1[%get3A_561, %get3A_562, %get3A_563] : memref<128x50x389xf32, #tpu.memory_space<vmem>>, vector<128x1x389xf32>
    %get3A_565 = vector.shape_cast %get3A_564 : vector<128x1x389xf32> to vector<128x389xf32>
    %transpose3A_566 = tpu.transpose %get3A_565, [1, 0] : vector<128x389xf32> -> vector<389x128xf32>
    %swap3A_567 = arith.constant 47 : index
    %swap3A_568 = arith.constant 0 : index
    %swap3A_569 = arith.constant 0 : index
    %swap3A_570 = vector.load %arg3[%swap3A_567, %swap3A_568, %swap3A_569] : memref<50x392x128xf32, #tpu.memory_space<vmem>>, vector<1x389x128xf32>
    %swap3A_571 = vector.shape_cast %swap3A_570 : vector<1x389x128xf32> to vector<389x128xf32>
    %swap3A_572 = vector.shape_cast %transpose3A_566 : vector<389x128xf32> to vector<1x389x128xf32>
    tpu.vector_store %arg3[%swap3A_567, %swap3A_568, %swap3A_569], %swap3A_572 {strides = array<i32>} : memref<50x392x128xf32, #tpu.memory_space<vmem>>, vector<1x389x128xf32>,
    %get3A_573 = arith.constant 0 : index
    %get3A_574 = arith.constant 48 : index
    %get3A_575 = arith.constant 0 : index
    %get3A_576 = vector.load %arg1[%get3A_573, %get3A_574, %get3A_575] : memref<128x50x389xf32, #tpu.memory_space<vmem>>, vector<128x1x389xf32>
    %get3A_577 = vector.shape_cast %get3A_576 : vector<128x1x389xf32> to vector<128x389xf32>
    %transpose3A_578 = tpu.transpose %get3A_577, [1, 0] : vector<128x389xf32> -> vector<389x128xf32>
    %swap3A_579 = arith.constant 48 : index
    %swap3A_580 = arith.constant 0 : index
    %swap3A_581 = arith.constant 0 : index
    %swap3A_582 = vector.load %arg3[%swap3A_579, %swap3A_580, %swap3A_581] : memref<50x392x128xf32, #tpu.memory_space<vmem>>, vector<1x389x128xf32>
    %swap3A_583 = vector.shape_cast %swap3A_582 : vector<1x389x128xf32> to vector<389x128xf32>
    %swap3A_584 = vector.shape_cast %transpose3A_578 : vector<389x128xf32> to vector<1x389x128xf32>
    tpu.vector_store %arg3[%swap3A_579, %swap3A_580, %swap3A_581], %swap3A_584 {strides = array<i32>} : memref<50x392x128xf32, #tpu.memory_space<vmem>>, vector<1x389x128xf32>,
    %get3A_585 = arith.constant 0 : index
    %get3A_586 = arith.constant 49 : index
    %get3A_587 = arith.constant 0 : index
    %get3A_588 = vector.load %arg1[%get3A_585, %get3A_586, %get3A_587] : memref<128x50x389xf32, #tpu.memory_space<vmem>>, vector<128x1x389xf32>
    %get3A_589 = vector.shape_cast %get3A_588 : vector<128x1x389xf32> to vector<128x389xf32>
    %transpose3A_590 = tpu.transpose %get3A_589, [1, 0] : vector<128x389xf32> -> vector<389x128xf32>
    %swap3A_591 = arith.constant 49 : index
    %swap3A_592 = arith.constant 0 : index
    %swap3A_593 = arith.constant 0 : index
    %swap3A_594 = vector.load %arg3[%swap3A_591, %swap3A_592, %swap3A_593] : memref<50x392x128xf32, #tpu.memory_space<vmem>>, vector<1x389x128xf32>
    %swap3A_595 = vector.shape_cast %swap3A_594 : vector<1x389x128xf32> to vector<389x128xf32>
    %swap3A_596 = vector.shape_cast %transpose3A_590 : vector<389x128xf32> to vector<1x389x128xf32>
    tpu.vector_store %arg3[%swap3A_591, %swap3A_592, %swap3A_593], %swap3A_596 {strides = array<i32>} : memref<50x392x128xf32, #tpu.memory_space<vmem>>, vector<1x389x128xf32>,
    return
  }
  func.func @transform_0(%arg0: i32) -> (i32, i32, i32) {
    %c0_i32 = arith.constant 0 : i32
    %c0_i32_0 = arith.constant 0 : i32
    %c0_i32_1 = arith.constant 0 : i32
    return %arg0, %c0_i32, %c0_i32_0 : i32, i32, i32
  }
  func.func @transform_2(%arg0: i32) -> (i32, i32, i32) {
    %add3A = arith.constant 16 : i32
    %add3A_0 = arith.addi %add3A, %arg0 : i32
    %c0_i32 = arith.constant 0 : i32
    %c0_i32_1 = arith.constant 0 : i32
    %c0_i32_2 = arith.constant 0 : i32
    return %c0_i32, %c0_i32_1, %add3A_0 : i32, i32, i32
  }
}

</mosaic_0001>

<sc_bundles>
// kernel: _run.6.cloned.1.call-start
scs
__scs_entry_jumppad:
0x0: {  	(pc) =	sbr.rel $0x88, $3  }
0x1: {  	(tag) =	ssettag $0x0;
	lr =	simm.s32 $0x1  }
0x2: {  	[smem:$0x3F9A] =	sst lr;
	_ =	strace $0xD0000000  }
0x3: {  	_ = 	snop  }
0x4: {  	_ = 	snop  }
0x5: {  	_ = 	snop  }
0x6: {  	_ = 	snop  }
0x7: {  	_ = 	snop  }
__scs_overlays_trampoline_lowered:
0x8: {  	[smem:$0x3FA9] =	sst s0  }
0x9: {  	[smem:$0x3FAA] =	sst s1  }
0xa: {  	[smem:$0x3FAB] =	sst s2  }
0xb: {  	[smem:$0x3FAC] =	sst s3  }
0xc: {  	[smem:$0x3FAD] =	sst s4  }
0xd: {  	[smem:$0x3FAE] =	sst s5  }
0xe: {  	[smem:$0x3FAF] =	sst s6  }
0xf: {  	[smem:$0x3FB0] =	sst s7  }
0x10: {  	[smem:$0x3FB1] =	sst s8  }
0x11: {  	[smem:$0x3FB2] =	sst s9;
	s0 =	simm.s32 @!p0 $0x0  }
0x12: {  	s1 =	sld [smem:$0x3F98];
	s0 =	simm.s32 @p0 $0x1  }
0x13: {  	[smem:$0x3FB3] =	sst s0;
	s0 =	simm.s32 @!p1 $0x0  }
0x14: {  	s2 =	sld [smem:$0x3F97];
	s0 =	simm.s32 @p1 $0x1  }
0x15: {  	[smem:$0x3FB4] =	sst s0;
	s0 =	simm.s32 @!p2 $0x0  }
0x16: {  	s3 =	sld [smem:$0x3FDB];
	s0 =	simm.s32 @p2 $0x1  }
0x17: {  	s4 =	simm.s32 $0x1BF5;
	[smem:$0x3FB6] =	sst s0  }
0x18: {  	s0 =	sld [smem:$0x3F99];
	_ =	swait.ge [sflag:s4], $0x0  }
0x19: {  	s7 =	sld [smem:$0x3F9A]  }
0x1a: {  	s8 =	sadd.s32 $0xFFFFE003, lr  }
0x1b: {  	s9 =	sadd.s32 $0xFFFFFEF7, lr;
	s5 =	simm.s32 $0xFFFFFFFF;
	p2 =	slt.u32 s8, $0xFFFFF086  }
0x1c: {  	p1 =	slt.u32 s9, $0xF7A;
	s5 =	simm.s32 @!p2 $0x0  }
0x1d: {  	s5 =	simm.s32 @p1 $0x1;
	p0 =	seq.s32 s7, s2  }
0x1e: {  	s7 =	smul.u32 @!p0 $0xF7A, s2;
	p2 =	seq.s32 @!p0 s5, $0x0  }
0x1f: {  	s9 =	smul.u32 $0xF7A, s1;
	s8 =	simm.s32 @!p0 $0x1BF5;
	p2 =	por !p2, p0  }
0x20: {  	[sflag:s8] =	ssyncset.s32 @!p0 $0xFFFFF086;
	s6 =	sadd.s32 @!p0 s3, s7;
	s7 =	simm.s32 @!p0 $0x108  }
0x21: {  	s3 =	sadd.s32 s3, s9;
	s6 =	sadd.s32 @!p0 $0x88, s6;
	s7 =	simm.s32 @p2 $0x1082  }
0x22: {  	[simem:s7], [sflag:s8] =	dma.local @!p0 [hbm:s6], $0xF7A  }
0x23: {  	s9 =	sor.u32 $0xD0000000, s2;
	s6 =	simm.s32 $0x108;
	_ =	swait.ge @!p0 [sflag:s8], $0x0  }
0x24: {  	s3 =	sadd.s32 $0x88, s3;
	s6 =	simm.s32 @!p1 $0x1082;
	[sflag:s4] =	ssyncset.s32 $0xFFFFF086  }
0x25: {  	[simem:s6], [sflag:s4] =	dma.local [hbm:s3], $0xF7A  }
0x26: {  	[smem:$0x3F9A] =	sst s1;
	(tag) =	ssettag s2;
	_ =	strace s9  }
0x27: {  	s1 =	sld [smem:$0x3FAA]  }
0x28: {  	s2 =	sld [smem:$0x3FAB]  }
0x29: {  	s4 =	sld [smem:$0x3FAD]  }
0x2a: {  	p0 =	seq.s32 s5, $0x0;
	s5 =	sld [smem:$0x3FAE]  }
0x2b: {  	s6 =	sld [smem:$0x3FAF]  }
0x2c: {  	s7 =	sld [smem:$0x3FB0]  }
0x2d: {  	s3 =	simm.s32 $0x108;
	s8 =	sld [smem:$0x3FB1]  }
0x2e: {  	s3 =	simm.s32 @!p0 $0x1082;
	s9 =	sld [smem:$0x3FB2]  }
0x2f: {  	lr =	sadd.s32 s0, s3;
	s0 =	sld [smem:$0x3FA9]  }
0x30: {  	s3 =	sld [smem:$0x3FAC]  }
0x31: {  	[smem:$0x3FB5] =	sst s10  }
0x32: {  	s10 =	sld [smem:$0x3FB3];
	_ =	sdelay $0x3  }
0x33: {  	p0 =	seq.s32 s10, $0x1;
	s10 =	sld [smem:$0x3FB5];
	_ =	sdelay $0x3  }
0x34: {  	[smem:$0x3FB5] =	sst s10  }
0x35: {  	s10 =	sld [smem:$0x3FB4];
	_ =	sdelay $0x3  }
0x36: {  	p1 =	seq.s32 s10, $0x1;
	s10 =	sld [smem:$0x3FB5];
	_ =	sdelay $0x3  }
0x37: {  	[smem:$0x3FB5] =	sst s10  }
0x38: {  	s10 =	sld [smem:$0x3FB6]  }
0x39: {  	_ = 	snop;
	(pc) =	sbr.ind lr, $3  }
0x3a: {  	_ = 	snop  }
0x3b: {  	_ = 	snop  }
0x3c: {  	p2 =	seq.s32 s10, $0x1;
	s10 =	sld [smem:$0x3FB5]  }
0x3d: {  	_ =	shalt  }
0x3e: {  	_ =	shalt  }
0x3f: {  	_ =	shalt  }
0x40: {  	_ =	shalt  }
0x41: {  	_ =	shalt  }
0x42: {  	_ =	shalt  }
0x43: {  	_ =	shalt  }
0x44: {  	_ =	shalt  }
0x45: {  	_ =	shalt  }
0x46: {  	_ =	shalt  }
0x47: {  	_ =	shalt  }
0x48: {  	_ =	shalt  }
0x49: {  	_ =	shalt  }
0x4a: {  	_ =	shalt  }
0x4b: {  	_ =	shalt  }
0x4c: {  	_ =	shalt  }
0x4d: {  	_ =	shalt  }
0x4e: {  	_ =	shalt  }
0x4f: {  	_ =	shalt  }
0x50: {  	_ =	shalt  }
0x51: {  	_ =	shalt  }
0x52: {  	_ =	shalt  }
0x53: {  	_ =	shalt  }
0x54: {  	_ =	shalt  }
0x55: {  	_ =	shalt  }
0x56: {  	_ =	shalt  }
0x57: {  	_ =	shalt  }
0x58: {  	_ =	shalt  }
0x59: {  	_ =	shalt  }
0x5a: {  	_ =	shalt  }
0x5b: {  	_ =	shalt  }
0x5c: {  	_ =	shalt  }
0x5d: {  	_ =	shalt  }
0x5e: {  	_ =	shalt  }
0x5f: {  	_ =	shalt  }
0x60: {  	_ =	shalt  }
0x61: {  	_ =	shalt  }
0x62: {  	_ =	shalt  }
0x63: {  	_ =	shalt  }
0x64: {  	_ =	shalt  }
0x65: {  	_ =	shalt  }
0x66: {  	_ =	shalt  }
0x67: {  	_ =	shalt  }
0x68: {  	_ =	shalt  }
0x69: {  	_ =	shalt  }
0x6a: {  	_ =	shalt  }
0x6b: {  	_ =	shalt  }
0x6c: {  	_ =	shalt  }
0x6d: {  	_ =	shalt  }
0x6e: {  	_ =	shalt  }
0x6f: {  	_ =	shalt  }
0x70: {  	_ =	shalt  }
0x71: {  	_ =	shalt  }
0x72: {  	_ =	shalt  }
0x73: {  	_ =	shalt  }
0x74: {  	_ =	shalt  }
0x75: {  	_ =	shalt  }
0x76: {  	_ =	shalt  }
0x77: {  	_ =	shalt  }
0x78: {  	_ =	shalt  }
0x79: {  	_ =	shalt  }
0x7a: {  	_ =	shalt  }
0x7b: {  	_ =	shalt  }
0x7c: {  	_ =	shalt  }
0x7d: {  	_ =	shalt  }
0x7e: {  	_ =	shalt  }
0x7f: {  	_ =	shalt  }
0x80: {  	_ =	shalt  }
0x81: {  	_ =	shalt  }
0x82: {  	_ =	shalt  }
0x83: {  	_ =	shalt  }
0x84: {  	_ =	shalt  }
0x85: {  	_ =	shalt  }
0x86: {  	_ =	shalt  }
0x87: {  	_ =	shalt  }
.Lfunc_end0:
.L_simem_size_0:
called_computation_lowered:
.L_overlay_start_0:
0x88: {  	s2 =	sld [smem:$0x3FD9]  }
0x89: {  	s3 =	sld [smem:$0x3FFE];
	_ =	sdelay $0x1  }
0x8a: {  	s1 =	srdreg.scid  }
0x8b: {  	s0 =	sand.u32 $0x1, s1  }
0x8c: {  	s17 =	sshll.u32 s0, $0xA;
	s2 =	sadd.s32 s3, s2  }
0x8d: {  	s2 =	sadd.s32 s2, s17  }
0x8e: {  	[smem:$0x3FC1] =	sst s2  }
0x8f: {  	_ = 	snop  }
0x90: {  	s2 =	sld [smem:$0x3FC6]  }
0x91: {  	s18 =	sld [smem:$0x3FC5]  }
0x92: {  	s4 =	sld [smem:$0x3FC4]  }
0x93: {  	s5 =	sld [smem:$0x3FC3];
	(tm) =	ssettm $0x1  }
0x94: {  	s6 =	sld [smem:$0x3FFB];
	_ =	sdelay $0x3  }
0x95: {  	_ =	strace s6  }
0x96: {  	s6 =	sld [smem:$0x3FFC];
	_ =	sdelay $0x3  }
0x97: {  	_ =	strace s6  }
0x98: {  	s6 =	sld [smem:$0x3FFD];
	_ =	sdelay $0x3  }
0x99: {  	_ =	strace s6  }
0x9a: {  	_ =	strace $0x8FFFFFFF  }
0x9b: {  	s19 =	sld [smem:$0x3FDB];
	_ =	sdelay $0x1  }
0x9c: {  	s7 =	simm.s32 $_scs_section_size  }
0x9d: {  	s8 =	simm.s32 $_size__tile_overlayer_lowered;
	s9 =	simm.s32 $_tile_overlayer_lowered  }
0x9e: {  	s22 =	simm.s32 $0x1BFF;
	s21 =	sshll.u32 s9, $0x1;
	s6 =	sadd.s32 s7, s19  }
0x9f: {  	s10 =	simm.s32 $0x0;
	s20 =	sshll.u32 s8, $0x1;
	s8 =	sadd.s32 s21, s6  }
0xa0: {  	[timem:s10], [sflag:s22] =	dma.local [hbm:s8], s20  }
0xa1: {  	_ =	swait.ge [sflag:s22], s20  }
0xa2: {  	s7 =	ssub.s32 $0x0, s20;
	[sflag:s22] =	ssyncset.done $0x0  }
0xa3: {  	[sflag:s22] =	ssyncadd.s32 s7;
	_ =	sdelay $0x1  }
0xa4: {  	s23 =	simm.s32 $0x1B8B  }
0xa5: {  	_ =	swait.ge [sflag:s23], $0x1  }
0xa6: {  	[sflag:s23] =	ssyncset.done $0x0  }
0xa7: {  	s25 =	simm.s32 $0x1B8E;
	s24 =	sld [smem:$0x3FFE];
	[sflag:s23] =	ssyncadd.s32 $0xFFFFFFFF  }
0xa8: {  	s26 =	simm.s32 $execute0_lowered;
	[smem:$0x3FD2] =	sst s25  }
0xa9: {  	s8 =	sshll.u32 s26, $0x1;
	_ =	strace $0x80000046;
	[dreg:$0x1] =	wrdreg $0xFFFFFFFF  }
0xaa: {  	s28 =	simm.s32 $_size_execute0_lowered;
	s6 =	sadd.s32 s6, s8;
	[dreg:$0x0] =	wrdreg $0x0  }
0xab: {  	s8 =	sshll.u32 s28, $0x1;
	[dreg:$0x2] =	wrdreg s6  }
0xac: {  	[dreg:$0x3] =	wrdreg s8  }
0xad: {  	[dreg:$0x4] =	wrdreg $0xC0  }
0xae: {  	_ =	task [dreg:s10], $0x5FFFF  }
0xaf: {  	[dreg:$0x1] =	wrdreg $0xFFFFFFFF  }
0xb0: {  	[dreg:$0x0] =	wrdreg $0x60  }
0xb1: {  	[dreg:$0x2] =	wrdreg s24  }
0xb2: {  	[dreg:$0x3] =	wrdreg s2  }
0xb3: {  	[dreg:$0x4] =	wrdreg s18  }
0xb4: {  	[dreg:$0x5] =	wrdreg s4  }
0xb5: {  	[dreg:$0x6] =	wrdreg s5  }
0xb6: {  	[dreg:$0x7] =	wrdreg $0x9  }
0xb7: {  	_ =	task.clear_ibuf [dreg:s10], $0x8FFFF;
	_ =	strace $0x90000046  }
0xb8: {  	s29 =	simm.s32 $0x9;
	_ =	strace $0x80000048  }
0xb9: {  	_ =	swait.ge [sflag:s29], $0x1  }
0xba: {  	[sflag:s29] =	ssyncadd.s32 $0xFFFFFFFF  }
0xbb: {  	_ =	strace $0x90000048  }
0xbc: {  	_ =	sfence  }
0xbd: {  	s30 =	sld [smem:$0x0];
	_ =	sdelay $0x2  }
0xbe: {  	s31 =	sshll.u32 s1, $0xD;
	s1 =	sshrl.u32 s1, $0x2  }
0xbf: {  	s3 =	sand.u32 $0x4000, s31;
	s1 =	sadd.s32 s1, s30  }
0xc0: {  	s0 =	sor.u32 s3, s0;
	s1 =	sshll.u32 s1, $0x11  }
0xc1: {  	s0 =	sor.u32 s1, s0  }
0xc2: {  	s0 =	sadd.s32 $0x8F2B, s0  }
0xc3: {  	[sflag:s0] =	ssyncadd.remote.s32 $0x1  }
0xc4: {  	_ =	sfence.sel $0xFFFF  }
0xc5: {  	[dreg:$0x0] =	wrdreg $0xFFFFFFFF;
	(pc) =	sbr.abs _section_cstart, $3  }
0xc6: {  	[dreg:$0x1] =	wrdreg $0xFFFFFFFF  }
0xc7: {  	_ =	task.clear_ibuf [dreg:s10], $0x2FFFF;
	_ =	strace $0x9FFFFFFF  }
0xc8: {  	(tm) =	ssettm $0x7FFFFFFF  }
0xc9: {  	_ =	shalt  }
tec
execute0_lowered:
.L_overlay_start_1:
0x0: {  	(tag) =	ssettag $0x1  }
0x1: {  	s0 =	rddreg [dreg:$0x0]  }
0x2: {  	s2 =	rddreg [dreg:$0x2]  }
0x3: {  	s3 =	rddreg [dreg:$0x3]  }
0x4: {  	s4 =	rddreg [dreg:$0x4];
	s6 =	simm.s32 $0x0;
	s1 =	srdreg.scid  }
0x5: {  	s11 =	stileid.u32;
	s15 =	simm.s32 $0x8;
	s18 =	simm.s32 $0x32  }
0x6: {  	v0 =	vlaneseq.u32;
	s28 =	simm.s32 $0x400;
	s29 =	simm.s32 $0x1000;
	s30 =	simm.s32 $0x6  }
0x7: {  	s31 =	simm.s32 $0x7;
	[smem:$0x7FF] =	sst s6;
	s9 =	smul.u32 $0x380000, s11;
	v1 =	vmul.u32 $0x80, v0  }
0x8: {  	s1 =	sand.u32 $0x1, s1;
	s23 =	smul.u32 $0x7D00, s11;
	_ =	strace $0x80000047  }
0x9: {  	s5 =	sshll.u32 s11, $0xB;
	s7 =	sshll.u32 s1, $0xA;
	s10 =	smul.u32 $0x1C0000, s1;
	v2 =	vor.u32 $0x800, v1;
	v3 =	vor.u32 $0x1000, v1;
	v4 =	vadd.s32 $0x1100, v1  }
0xa: {  	s8 =	ssub.s32 $0x2, s1;
	s1 =	smul.u32 $0x3E80, s1;
	s5 =	sor.u32 s7, s5;
	v5 =	vor.u32 $0x1, v1;
	v6 =	vor.u32 $0x801, v1;
	v7 =	vor.u32 $0x1001, v1  }
0xb: {  	s19 =	sshrl.u32 s8, $0x1;
	v8 =	vadd.s32 $0x1101, v1;
	v9 =	vor.u32 $0x2, v1;
	v10 =	vor.u32 $0x802, v1;
	s7 =	simm.s32 $0x0;
	s5 =	sadd.s32 s5, s0  }
0xc: {  	v11 =	vor.u32 $0x1002, v1;
	v12 =	vadd.s32 $0x1102, v1;
	v13 =	vor.u32 $0x3, v1;
	s0 =	sadd.s32 $0x30800, s0;
	s20 =	ssub.s32 s8, s19;
	s22 =	sadd.s32 s10, s9  }
0xd: {  	v14 =	vor.u32 $0x803, v1;
	v15 =	vor.u32 $0x1003, v1;
	v16 =	vadd.s32 $0x1103, v1;
	s26 =	sadd.s32 s1, s23;
	s19 =	simm.s32 $0x6000;
	s23 =	simm.s32 $0xD000  }
0xe: {  	v17 =	vor.u32 $0x4, v1;
	v18 =	vor.u32 $0x804, v1;
	v19 =	vor.u32 $0x1004, v1;
	s8 =	simm.s32 $0x2;
	s10 =	simm.s32 $0x3;
	s1 =	simm.s32 $0x5  }
0xf: {  	v20 =	vadd.s32 $0x1104, v1;
	v21 =	vadd.s32 $0x1900, v1;
	v22 =	vadd.s32 $0x2100, v1;
	[dreg:$0x6] =	wrdreg s0;
	s21 =	sadd.s32 $0x800, s5;
	s24 =	sadd.s32 $0x10800, s5  }
0x10: {  	v23 =	vadd.s32 $0x2900, v1;
	v24 =	vadd.s32 $0x2A00, v1;
	v25 =	vadd.s32 $0x1901, v1;
	s25 =	sor.u32 $0x7C00, s22;
	s5 =	sadd.s32 $0x20800, s5;
	[dreg:$0xb] =	wrdreg s26  }
.Ltmp0:
0x11: {  	v26 =	vadd.s32 $0x2101, v1;
	v27 =	vadd.s32 $0x2901, v1;
	v28 =	vadd.s32 $0x2A01, v1;
	s0 =	smax.u32 s20, $0x1;
	[dreg:$0x7] =	wrdreg s21;
	(pc) =	sbr.rel .LBB2_1-.Ltmp0, $4  }
0x12: {  	v29 =	vadd.s32 $0x1902, v1;
	v30 =	vadd.s32 $0x2102, v1;
	v31 =	vadd.s32 $0x2902, v1;
	s13 =	sshrl.u32 s22, $0x3;
	s20 =	simm.s32 $0x7C00;
	[dreg:$0x8] =	wrdreg s24  }
0x13: {  	v32 =	vadd.s32 $0x2A02, v1;
	v33 =	vadd.s32 $0x1903, v1;
	v34 =	vadd.s32 $0x2103, v1;
	s22 =	simm.s32 $0xB400;
	s26 =	simm.s32 $0x10C00;
	[dreg:$0x9] =	wrdreg s5  }
0x14: {  	v35 =	vadd.s32 $0x2903, v1;
	v36 =	vadd.s32 $0x2A03, v1;
	v37 =	vadd.s32 $0x1904, v1;
	[dreg:$0xa] =	wrdreg s0;
	s12 =	sshrl.u32 s25, $0x3;
	s21 =	simm.s32 $0x9800  }
0x15: {  	v38 =	vadd.s32 $0x2104, v1;
	v39 =	vadd.s32 $0x2904, v1;
	v40 =	vadd.s32 $0x2A04, v1;
	s24 =	simm.s32 $0xEC00;
	s25 =	simm.s32 $0x10800;
	s5 =	simm.s32 $0x1  }
.LBB2_7:
0x16: {  	s0 =	simm.s32 $0x4  }
0x17: {  	_ =	swait.ge [sflag:s0], $0x3200  }
0x18: {  	[sflag:s0] =	ssyncset.done $0x0  }
0x19: {  	[sflag:s0] =	ssyncadd.s32 $0xFFFFCE00  }
0x1a: {  	_ =	swait.ge [sflag:s1], $0x3200  }
0x1b: {  	[sflag:s1] =	ssyncset.done $0x0  }
0x1c: {  	[sflag:s1] =	ssyncadd.s32 $0xFFFFCE00  }
0x1d: {  	_ =	swait.ge [sflag:s30], $0x3200  }
0x1e: {  	[sflag:s30] =	ssyncset.done $0x0  }
0x1f: {  	[sflag:s30] =	ssyncadd.s32 $0xFFFFCE00  }
0x20: {  	_ =	swait.ge [sflag:s31], $0x1900  }
0x21: {  	[sflag:s31] =	ssyncset.done $0x0  }
0x22: {  	[sflag:s31] =	ssyncadd.s32 $0xFFFFE700  }
0x23: {  	_ =	swait.ge [sflag:s31], $0x1900  }
0x24: {  	s7 =	rddreg [dreg:$0xc]  }
0x25: {  	s17 =	rddreg [dreg:$0xa];
	s7 =	sadd.s32 $0x1, s7  }
0x26: {  	p0 =	sne.s32 s7, s17  }
.Ltmp1:
0x27: {  	_ = 	snop;
	(pc) =	sbr.rel @!p0 .LBB2_8-.Ltmp1, $3  }
0x28: {  	_ =	sdelay $0x1  }
0x29: {  	[sflag:s31] =	ssyncset.done $0x0  }
0x2a: {  	[sflag:s31] =	ssyncadd.s32 $0xFFFFE700  }
.LBB2_1:
0x2b: {  	[dreg:$0xc] =	wrdreg s7  }
0x2c: {  	s0 =	rddreg [dreg:$0x7]  }
0x2d: {  	[tilespmem:s6], [sflag:$0x8] =	stream.linear.gather [hbm4b:s0+s6], $0x2000, $0x38;
	[tilespmem:$0x14000] =	vst v63  }
0x2e: {  	_ =	swait.ge [sflag:s15], $0x2000  }
0x2f: {  	[sflag:s15] =	ssyncset.done $0x0  }
0x30: {  	s14 =	simm.s32 $0x2000;
	s11 =	rddreg [dreg:$0x8];
	[sflag:s15] =	ssyncadd.s32 $0xFFFFE000  }
0x31: {  	[tilespmem:s14], [sflag:$0x8] =	stream.linear.gather [hbm4b:s11+s6], $0x2000, $0x38;
	[tilespmem:$0x14000] =	vst v63  }
0x32: {  	_ =	swait.ge [sflag:s15], $0x2000  }
0x33: {  	s17 =	simm.s32 $0x4000;
	[sflag:s15] =	ssyncset.done $0x0  }
.Ltmp2:
0x34: {  	s16 =	rddreg [dreg:$0x9];
	[sflag:s15] =	ssyncadd.s32 $0xFFFFE000;
	(pc) =	sbr.rel .LBB2_2-.Ltmp2, $4  }
0x35: {  	[tilespmem:s17], [sflag:$0x8] =	stream.linear.gather [hbm4b:s16+s6], $0x2000, $0x38;
	[tilespmem:$0x14000] =	vst v63  }
0x36: {  	_ =	swait.ge [sflag:s15], $0x2000  }
0x37: {  	s7 =	simm.s32 $0x0;
	[sflag:s15] =	ssyncset.done $0x0;
	s0 =	rddreg [dreg:$0xb]  }
0x38: {  	s17 =	simm.s32 $0x0;
	s16 =	rddreg [dreg:$0x6];
	[sflag:s15] =	ssyncadd.s32 $0xFFFFE000  }
.LBB2_3:
0x39: {  	[tilespmem:s21], [sflag:$0x2] =	stream.indirect.gather [hbm4b:s3+s18], $0x80, s14, s18, $0xb8;
	[tilespmem:$0x14000] =	vst v63  }
0x3a: {  	_ = 	snop  }
0x3b: {  	[tilespmem:s22], [sflag:$0x2] =	stream.indirect.gather [hbm4b:s3+s18], $0x80, s11, s18, $0xb8;
	[tilespmem:$0x14000] =	vst v63  }
0x3c: {  	s14 =	sadd.s32 $0x4000, s9  }
0x3d: {  	[tilespmem:s23], [sflag:$0x3] =	stream.indirect.gather [hbm4b:s4+s18], $0x80, s14, s18, $0xb8;
	[tilespmem:$0x14000] =	vst v63  }
0x3e: {  	s14 =	sadd.s32 $0x4080, s9  }
0x3f: {  	[tilespmem:s24], [sflag:$0x3] =	stream.indirect.gather [hbm4b:s4+s18], $0x80, s14, s18, $0xb8;
	[tilespmem:$0x14000] =	vst v63  }
.LBB2_5:
0x40: {  	s9 =	sshrl.u32 s0, $0x3;
	s11 =	rddreg [dreg:$0x1]  }
0x41: {  	s11 =	sadd.s32 s11, s9;
	s9 =	simm.s32 $0x0  }
0x42: {  	[tilespmem:s25], [sflag:$0x8] =	stream.linear.gather [hbm4b:s11+s9], $0x3E8, $0x38;
	[tilespmem:$0x14000] =	vst v63  }
0x43: {  	_ =	swait.ge [sflag:s15], $0x3E8  }
0x44: {  	[sflag:s15] =	ssyncset.done $0x0  }
0x45: {  	[sflag:s15] =	ssyncadd.s32 $0xFFFFFC18  }
.LBB2_6:
0x46: {  	v41 =	vadd.s32 s9, v0;
	_ =	sdelay $0x4  }
0x47: {  	s11 =	sadd.s32 $0x10, s9;
	v41 =	vld.idx.msk [tilespmem:v41+s25+$0x0], $0xffff  }
0x48: {  	v42 =	vadd.s32 s11, v0;
	_ =	sdelay $0x3  }
0x49: {  	[tilespmem:v1+s26+$0x0] =	vst.idx.msk $0xffff, v41  }
0x4a: {  	s14 =	sadd.s32 $0x20, s9;
	v41 =	vld.idx.msk [tilespmem:v42+s25+$0x0], $0xffff  }
0x4b: {  	v45 =	vadd.s32 s14, v0;
	_ =	sdelay $0x3  }
0x4c: {  	[tilespmem:v2+s26+$0x0] =	vst.idx.msk $0xffff, v41  }
0x4d: {  	s14 =	sadd.s32 $0x22, s9;
	v41 =	vld.idx.msk [tilespmem:v45+s25+$0x0], $0xffff  }
0x4e: {  	v46 =	vadd.s32 s14, v0;
	_ =	sdelay $0x3  }
0x4f: {  	[tilespmem:v3+s26+$0x0] =	vst.idx.msk $0xffff, v41  }
0x50: {  	s14 =	sadd.s32 $0x32, s9;
	v41 =	vld.idx.msk [tilespmem:v46+s25+$0x0], $0xffff  }
0x51: {  	v47 =	vadd.s32 s14, v0;
	_ =	sdelay $0x3  }
0x52: {  	[tilespmem:v4+s26+$0x0] =	vst.idx.msk $0xffff, v41  }
0x53: {  	s14 =	sadd.s32 $0x42, s9;
	v41 =	vld.idx.msk [tilespmem:v47+s25+$0x0], $0xffff  }
0x54: {  	v48 =	vadd.s32 s14, v0;
	_ =	sdelay $0x3  }
0x55: {  	[tilespmem:v5+s26+$0x0] =	vst.idx.msk $0xffff, v41  }
0x56: {  	s14 =	sadd.s32 $0x52, s9;
	v41 =	vld.idx.msk [tilespmem:v48+s25+$0x0], $0xffff  }
0x57: {  	v49 =	vadd.s32 s14, v0;
	_ =	sdelay $0x3  }
0x58: {  	[tilespmem:v6+s26+$0x0] =	vst.idx.msk $0xffff, v41  }
0x59: {  	s14 =	sadd.s32 $0x54, s9;
	v41 =	vld.idx.msk [tilespmem:v49+s25+$0x0], $0xffff  }
0x5a: {  	v50 =	vadd.s32 s14, v0;
	_ =	sdelay $0x3  }
0x5b: {  	[tilespmem:v7+s26+$0x0] =	vst.idx.msk $0xffff, v41  }
0x5c: {  	s14 =	sadd.s32 $0x64, s9;
	v41 =	vld.idx.msk [tilespmem:v50+s25+$0x0], $0xffff  }
0x5d: {  	v51 =	vadd.s32 s14, v0;
	_ =	sdelay $0x3  }
0x5e: {  	[tilespmem:v8+s26+$0x0] =	vst.idx.msk $0xffff, v41  }
0x5f: {  	s14 =	sadd.s32 $0x74, s9;
	v41 =	vld.idx.msk [tilespmem:v51+s25+$0x0], $0xffff  }
0x60: {  	v52 =	vadd.s32 s14, v0;
	_ =	sdelay $0x3  }
0x61: {  	[tilespmem:v9+s26+$0x0] =	vst.idx.msk $0xffff, v41  }
0x62: {  	s14 =	sadd.s32 $0x84, s9;
	v41 =	vld.idx.msk [tilespmem:v52+s25+$0x0], $0xffff  }
0x63: {  	v53 =	vadd.s32 s14, v0;
	_ =	sdelay $0x3  }
0x64: {  	[tilespmem:v10+s26+$0x0] =	vst.idx.msk $0xffff, v41  }
0x65: {  	s14 =	sadd.s32 $0x86, s9;
	v41 =	vld.idx.msk [tilespmem:v53+s25+$0x0], $0xffff  }
0x66: {  	v54 =	vadd.s32 s14, v0;
	_ =	sdelay $0x3  }
0x67: {  	[tilespmem:v11+s26+$0x0] =	vst.idx.msk $0xffff, v41  }
0x68: {  	s14 =	sadd.s32 $0x96, s9;
	v41 =	vld.idx.msk [tilespmem:v54+s25+$0x0], $0xffff  }
0x69: {  	v55 =	vadd.s32 s14, v0;
	_ =	sdelay $0x3  }
0x6a: {  	[tilespmem:v12+s26+$0x0] =	vst.idx.msk $0xffff, v41  }
0x6b: {  	s14 =	sadd.s32 $0xA6, s9;
	v41 =	vld.idx.msk [tilespmem:v55+s25+$0x0], $0xffff  }
0x6c: {  	v56 =	vadd.s32 s14, v0;
	_ =	sdelay $0x3  }
0x6d: {  	[tilespmem:v13+s26+$0x0] =	vst.idx.msk $0xffff, v41  }
0x6e: {  	s14 =	sadd.s32 $0xB6, s9;
	v41 =	vld.idx.msk [tilespmem:v56+s25+$0x0], $0xffff  }
0x6f: {  	v57 =	vadd.s32 s14, v0;
	_ =	sdelay $0x3  }
0x70: {  	[tilespmem:v14+s26+$0x0] =	vst.idx.msk $0xffff, v41  }
0x71: {  	s14 =	sadd.s32 $0xB8, s9;
	v41 =	vld.idx.msk [tilespmem:v57+s25+$0x0], $0xffff  }
0x72: {  	v58 =	vadd.s32 s14, v0;
	_ =	sdelay $0x3  }
0x73: {  	[tilespmem:v15+s26+$0x0] =	vst.idx.msk $0xffff, v41  }
0x74: {  	s14 =	sadd.s32 $0xC8, s9;
	v41 =	vld.idx.msk [tilespmem:v58+s25+$0x0], $0xffff  }
0x75: {  	v59 =	vadd.s32 s14, v0;
	_ =	sdelay $0x3  }
0x76: {  	[tilespmem:v16+s26+$0x0] =	vst.idx.msk $0xffff, v41  }
0x77: {  	s14 =	sadd.s32 $0xD8, s9;
	v41 =	vld.idx.msk [tilespmem:v59+s25+$0x0], $0xffff  }
0x78: {  	v60 =	vadd.s32 s14, v0;
	_ =	sdelay $0x3  }
0x79: {  	[tilespmem:v17+s26+$0x0] =	vst.idx.msk $0xffff, v41  }
0x7a: {  	s14 =	sadd.s32 $0xE8, s9;
	v41 =	vld.idx.msk [tilespmem:v60+s25+$0x0], $0xffff  }
0x7b: {  	v61 =	vadd.s32 s14, v0;
	_ =	sdelay $0x3  }
0x7c: {  	[tilespmem:v18+s26+$0x0] =	vst.idx.msk $0xffff, v41  }
0x7d: {  	s14 =	sadd.s32 $0xEA, s9;
	v41 =	vld.idx.msk [tilespmem:v61+s25+$0x0], $0xffff  }
0x7e: {  	v62 =	vadd.s32 s14, v0;
	_ =	sdelay $0x3  }
0x7f: {  	[tilespmem:v19+s26+$0x0] =	vst.idx.msk $0xffff, v41  }
0x80: {  	s14 =	sadd.s32 $0xFA, s9;
	v41 =	vld.idx.msk [tilespmem:v62+s25+$0x0], $0xffff  }
0x81: {  	v63 =	vadd.s32 s14, v0;
	_ =	sdelay $0x3  }
0x82: {  	[tilespmem:v20+s26+$0x0] =	vst.idx.msk $0xffff, v41  }
0x83: {  	s14 =	sadd.s32 $0x10A, s9;
	v41 =	vld.idx.msk [tilespmem:v63+s25+$0x0], $0xffff  }
0x84: {  	v45 =	vadd.s32 s14, v0;
	_ =	sdelay $0x3  }
0x85: {  	[tilespmem:v21+s26+$0x0] =	vst.idx.msk $0xffff, v41  }
0x86: {  	s14 =	sadd.s32 $0x11A, s9;
	v41 =	vld.idx.msk [tilespmem:v45+s25+$0x0], $0xffff  }
0x87: {  	v46 =	vadd.s32 s14, v0;
	_ =	sdelay $0x3  }
0x88: {  	[tilespmem:v22+s26+$0x0] =	vst.idx.msk $0xffff, v41  }
0x89: {  	s14 =	sadd.s32 $0x11C, s9;
	v41 =	vld.idx.msk [tilespmem:v46+s25+$0x0], $0xffff  }
0x8a: {  	v47 =	vadd.s32 s14, v0;
	_ =	sdelay $0x3  }
0x8b: {  	[tilespmem:v23+s26+$0x0] =	vst.idx.msk $0xffff, v41  }
0x8c: {  	s14 =	sadd.s32 $0x12C, s9;
	v41 =	vld.idx.msk [tilespmem:v47+s25+$0x0], $0xffff  }
0x8d: {  	v48 =	vadd.s32 s14, v0;
	_ =	sdelay $0x3  }
0x8e: {  	[tilespmem:v24+s26+$0x0] =	vst.idx.msk $0xffff, v41  }
0x8f: {  	s14 =	sadd.s32 $0x13C, s9;
	v41 =	vld.idx.msk [tilespmem:v48+s25+$0x0], $0xffff  }
0x90: {  	v49 =	vadd.s32 s14, v0;
	_ =	sdelay $0x3  }
0x91: {  	[tilespmem:v25+s26+$0x0] =	vst.idx.msk $0xffff, v41  }
0x92: {  	s14 =	sadd.s32 $0x14C, s9;
	v41 =	vld.idx.msk [tilespmem:v49+s25+$0x0], $0xffff  }
0x93: {  	v50 =	vadd.s32 s14, v0;
	_ =	sdelay $0x3  }
0x94: {  	[tilespmem:v26+s26+$0x0] =	vst.idx.msk $0xffff, v41  }
0x95: {  	s14 =	sadd.s32 $0x14E, s9;
	v41 =	vld.idx.msk [tilespmem:v50+s25+$0x0], $0xffff  }
0x96: {  	v51 =	vadd.s32 s14, v0;
	_ =	sdelay $0x3  }
0x97: {  	[tilespmem:v27+s26+$0x0] =	vst.idx.msk $0xffff, v41  }
0x98: {  	s14 =	sadd.s32 $0x15E, s9;
	v41 =	vld.idx.msk [tilespmem:v51+s25+$0x0], $0xffff  }
0x99: {  	v52 =	vadd.s32 s14, v0;
	_ =	sdelay $0x3  }
0x9a: {  	[tilespmem:v28+s26+$0x0] =	vst.idx.msk $0xffff, v41  }
0x9b: {  	s14 =	sadd.s32 $0x16E, s9;
	v41 =	vld.idx.msk [tilespmem:v52+s25+$0x0], $0xffff  }
0x9c: {  	v53 =	vadd.s32 s14, v0;
	_ =	sdelay $0x3  }
0x9d: {  	[tilespmem:v29+s26+$0x0] =	vst.idx.msk $0xffff, v41  }
0x9e: {  	s14 =	sadd.s32 $0x17E, s9;
	v41 =	vld.idx.msk [tilespmem:v53+s25+$0x0], $0xffff  }
0x9f: {  	v54 =	vadd.s32 s14, v0;
	_ =	sdelay $0x3  }
0xa0: {  	[tilespmem:v30+s26+$0x0] =	vst.idx.msk $0xffff, v41  }
0xa1: {  	s14 =	sadd.s32 $0x180, s9;
	v41 =	vld.idx.msk [tilespmem:v54+s25+$0x0], $0xffff  }
0xa2: {  	v55 =	vadd.s32 s14, v0;
	_ =	sdelay $0x3  }
0xa3: {  	[tilespmem:v31+s26+$0x0] =	vst.idx.msk $0xffff, v41  }
0xa4: {  	s14 =	sadd.s32 $0x190, s9;
	v41 =	vld.idx.msk [tilespmem:v55+s25+$0x0], $0xffff  }
0xa5: {  	v56 =	vadd.s32 s14, v0;
	_ =	sdelay $0x3  }
0xa6: {  	[tilespmem:v32+s26+$0x0] =	vst.idx.msk $0xffff, v41  }
0xa7: {  	s14 =	sadd.s32 $0x1A0, s9;
	v41 =	vld.idx.msk [tilespmem:v56+s25+$0x0], $0xffff  }
0xa8: {  	v57 =	vadd.s32 s14, v0;
	_ =	sdelay $0x3  }
0xa9: {  	[tilespmem:v33+s26+$0x0] =	vst.idx.msk $0xffff, v41  }
0xaa: {  	s14 =	sadd.s32 $0x1B0, s9;
	v41 =	vld.idx.msk [tilespmem:v57+s25+$0x0], $0xffff  }
0xab: {  	v58 =	vadd.s32 s14, v0;
	_ =	sdelay $0x3  }
0xac: {  	[tilespmem:v34+s26+$0x0] =	vst.idx.msk $0xffff, v41  }
0xad: {  	s14 =	sadd.s32 $0x1B2, s9;
	v41 =	vld.idx.msk [tilespmem:v58+s25+$0x0], $0xffff  }
0xae: {  	v59 =	vadd.s32 s14, v0;
	_ =	sdelay $0x3  }
0xaf: {  	[tilespmem:v35+s26+$0x0] =	vst.idx.msk $0xffff, v41  }
0xb0: {  	s14 =	sadd.s32 $0x1C2, s9;
	v41 =	vld.idx.msk [tilespmem:v59+s25+$0x0], $0xffff  }
0xb1: {  	v60 =	vadd.s32 s14, v0;
	_ =	sdelay $0x3  }
0xb2: {  	[tilespmem:v36+s26+$0x0] =	vst.idx.msk $0xffff, v41  }
0xb3: {  	s14 =	sadd.s32 $0x1D2, s9;
	v41 =	vld.idx.msk [tilespmem:v60+s25+$0x0], $0xffff  }
0xb4: {  	v61 =	vadd.s32 s14, v0;
	_ =	sdelay $0x3  }
0xb5: {  	[tilespmem:v37+s26+$0x0] =	vst.idx.msk $0xffff, v41  }
0xb6: {  	s14 =	sadd.s32 $0x1E2, s9;
	v41 =	vld.idx.msk [tilespmem:v61+s25+$0x0], $0xffff  }
0xb7: {  	v62 =	vadd.s32 s14, v0;
	_ =	sdelay $0x3  }
0xb8: {  	[tilespmem:v38+s26+$0x0] =	vst.idx.msk $0xffff, v41  }
0xb9: {  	s11 =	sadd.s32 $0x1E4, s9;
	v41 =	vld.idx.msk [tilespmem:v62+s25+$0x0], $0xffff  }
0xba: {  	v63 =	vadd.s32 s11, v0;
	_ =	sdelay $0x3  }
0xbb: {  	[tilespmem:v39+s26+$0x0] =	vst.idx.msk $0xffff, v41  }
0xbc: {  	v41 =	vld.idx.msk [tilespmem:v63+s25+$0x0], $0xffff;
	_ =	sdelay $0x3  }
0xbd: {  	s9 =	sadd.s32 s16, s13  }
0xbe: {  	s14 =	sadd.s32 $0x180, s9;
	[tilespmem:v40+s26+$0x0] =	vst.idx.msk $0xffff, v41  }
0xbf: {  	[hbm4b:s14+s28] =	stream.strided.scatter [tilespmem:s26], [sflag:$0x7], $0x1800, s29, s28, $0x38;
	[tilespmem:$0x14000] =	vst v63  }
0xc0: {  	s11 =	sadd.s32 $0xD80, s9;
	s14 =	simm.s32 $0x12400  }
0xc1: {  	[hbm4b:s11+s6] =	stream.linear.scatter [tilespmem:s14], [sflag:$0x7], $0x100, $0x38;
	[tilespmem:$0x14000] =	vst v63  }
0xc2: {  	s11 =	sadd.s32 s16, s12;
	s14 =	simm.s32 $0x12500  }
0xc3: {  	[hbm4b:s11+s28] =	stream.strided.scatter [tilespmem:s14], [sflag:$0x7], $0x1800, s29, s28, $0x38;
	[tilespmem:$0x14000] =	vst v63  }
0xc4: {  	s11 =	sadd.s32 $0xC00, s11;
	s14 =	simm.s32 $0x13D00  }
0xc5: {  	[hbm4b:s11+s6] =	stream.linear.scatter [tilespmem:s14], [sflag:$0x7], $0x100, $0x38;
	[tilespmem:$0x14000] =	vst v63  }
0xc6: {  	_ =	swait.ge [sflag:s5], $0x1900  }
0xc7: {  	[sflag:s5] =	ssyncset.done $0x0  }
0xc8: {  	[sflag:s5] =	ssyncadd.s32 $0xFFFFE700  }
0xc9: {  	_ =	swait.ge [sflag:s5], $0x1900  }
0xca: {  	[sflag:s5] =	ssyncset.done $0x0  }
0xcb: {  	[sflag:s5] =	ssyncadd.s32 $0xFFFFE700  }
0xcc: {  	[hbm4b:s9+s28] =	stream.strided.scatter [tilespmem:s19], [sflag:$0x4], $0x1800, s29, s28, $0x38;
	[tilespmem:$0x14000] =	vst v63  }
0xcd: {  	s14 =	sadd.s32 $0xE00, s9  }
0xce: {  	[hbm4b:s14+s28] =	stream.strided.scatter [tilespmem:s20], [sflag:$0x4], $0x1800, s29, s28, $0x38;
	[tilespmem:$0x14000] =	vst v63  }
0xcf: {  	s11 =	sadd.s32 $0xC00, s9;
	s14 =	simm.s32 $0x7800  }
0xd0: {  	[hbm4b:s11+s6] =	stream.linear.scatter [tilespmem:s14], [sflag:$0x4], $0x100, $0x38;
	[tilespmem:$0x14000] =	vst v63  }
0xd1: {  	s11 =	sadd.s32 $0x1A00, s9;
	s14 =	simm.s32 $0x9400  }
0xd2: {  	[hbm4b:s11+s6] =	stream.linear.scatter [tilespmem:s14], [sflag:$0x4], $0x100, $0x38;
	[tilespmem:$0x14000] =	vst v63  }
0xd3: {  	_ =	swait.ge [sflag:s8], $0x1900  }
0xd4: {  	[sflag:s8] =	ssyncset.done $0x0  }
0xd5: {  	[sflag:s8] =	ssyncadd.s32 $0xFFFFE700  }
0xd6: {  	_ =	swait.ge [sflag:s8], $0x1900  }
0xd7: {  	[sflag:s8] =	ssyncset.done $0x0  }
0xd8: {  	s14 =	sadd.s32 $0x80, s9;
	[sflag:s8] =	ssyncadd.s32 $0xFFFFE700  }
0xd9: {  	[hbm4b:s14+s28] =	stream.strided.scatter [tilespmem:s21], [sflag:$0x5], $0x1800, s29, s28, $0x38;
	[tilespmem:$0x14000] =	vst v63  }
0xda: {  	s14 =	sadd.s32 $0xE80, s9  }
0xdb: {  	[hbm4b:s14+s28] =	stream.strided.scatter [tilespmem:s22], [sflag:$0x5], $0x1800, s29, s28, $0x38;
	[tilespmem:$0x14000] =	vst v63  }
0xdc: {  	s11 =	sadd.s32 $0xC80, s9;
	s14 =	simm.s32 $0xB000  }
0xdd: {  	[hbm4b:s11+s6] =	stream.linear.scatter [tilespmem:s14], [sflag:$0x5], $0x100, $0x38;
	[tilespmem:$0x14000] =	vst v63  }
0xde: {  	s11 =	sadd.s32 $0x1A80, s9;
	s14 =	simm.s32 $0xCC00  }
0xdf: {  	[hbm4b:s11+s6] =	stream.linear.scatter [tilespmem:s14], [sflag:$0x5], $0x100, $0x38;
	[tilespmem:$0x14000] =	vst v63  }
0xe0: {  	_ =	swait.ge [sflag:s10], $0x1900  }
0xe1: {  	[sflag:s10] =	ssyncset.done $0x0  }
0xe2: {  	[sflag:s10] =	ssyncadd.s32 $0xFFFFE700  }
0xe3: {  	_ =	swait.ge [sflag:s10], $0x1900  }
0xe4: {  	[sflag:s10] =	ssyncset.done $0x0  }
0xe5: {  	s17 =	sadd.s32 $0x400, s17;
	s14 =	sadd.s32 $0x100, s9;
	[sflag:s10] =	ssyncadd.s32 $0xFFFFE700  }
0xe6: {  	[hbm4b:s14+s28] =	stream.strided.scatter [tilespmem:s23], [sflag:$0x6], $0x1800, s29, s28, $0x38;
	[tilespmem:$0x14000] =	vst v63  }
0xe7: {  	p0 =	sne.s32 s17, $0x8000;
	s14 =	sadd.s32 $0xF00, s9  }
0xe8: {  	[hbm4b:s14+s28] =	stream.strided.scatter [tilespmem:s24], [sflag:$0x6], $0x1800, s29, s28, $0x38;
	[tilespmem:$0x14000] =	vst v63  }
.Ltmp3:
0xe9: {  	s7 =	sadd.s32 $0x1, s7;
	(pc) =	sbr.rel @!p0 .LBB2_7-.Ltmp3, $4  }
0xea: {  	s0 =	sadd.s32 $0x1F4, s0;
	s11 =	sadd.s32 $0xD00, s9;
	s14 =	simm.s32 $0xE800  }
0xeb: {  	[hbm4b:s11+s6] =	stream.linear.scatter [tilespmem:s14], [sflag:$0x6], $0x100, $0x38;
	[tilespmem:$0x14000] =	vst v63  }
0xec: {  	s16 =	sadd.s32 $0x1C00, s16;
	s9 =	sadd.s32 $0x1B00, s9;
	s14 =	simm.s32 $0x10400  }
0xed: {  	[hbm4b:s9+s6] =	stream.linear.scatter [tilespmem:s14], [sflag:$0x6], $0x100, $0x38;
	[tilespmem:$0x14000] =	vst v63  }
.LBB2_2:
0xee: {  	p0 =	seq.s32 s17, $0x0  }
0xef: {  	s9 =	simm.s32 @!p0 $0x4  }
0xf0: {  	_ =	swait.ge @!p0 [sflag:s9], $0x3200  }
0xf1: {  	[sflag:s9] =	ssyncset.done @!p0 $0x0  }
0xf2: {  	[sflag:s9] =	ssyncadd.s32 @!p0 $0xFFFFCE00;
	p0 =	sne.s32 s17, $0x0  }
.Ltmp4:
0xf3: {  	s9 =	sshra.s32 s17, $0x2;
	(pc) =	sbr.rel @!p0 .LBB2_3-.Ltmp4, $4  }
0xf4: {  	[tilespmem:s19], [sflag:$0x1] =	stream.indirect.gather [hbm4b:s2+s18], $0x80, s9, s18, $0xb8;
	[tilespmem:$0x14000] =	vst v63  }
0xf5: {  	s11 =	sadd.s32 $0x80, s9  }
0xf6: {  	[tilespmem:s20], [sflag:$0x1] =	stream.indirect.gather [hbm4b:s2+s18], $0x80, s11, s18, $0xb8;
	[tilespmem:$0x14000] =	vst v63  }
0xf7: {  	s14 =	sadd.s32 $0x2000, s9;
	s11 =	sadd.s32 $0x2080, s9  }
0xf8: {  	_ =	swait.ge [sflag:s1], $0x3200  }
0xf9: {  	[sflag:s1] =	ssyncset.done $0x0  }
0xfa: {  	[sflag:s1] =	ssyncadd.s32 $0xFFFFCE00  }
0xfb: {  	[tilespmem:s21], [sflag:$0x2] =	stream.indirect.gather [hbm4b:s3+s18], $0x80, s14, s18, $0xb8;
	[tilespmem:$0x14000] =	vst v63  }
0xfc: {  	_ = 	snop  }
0xfd: {  	[tilespmem:s22], [sflag:$0x2] =	stream.indirect.gather [hbm4b:s3+s18], $0x80, s11, s18, $0xb8;
	[tilespmem:$0x14000] =	vst v63  }
0xfe: {  	_ =	swait.ge [sflag:s30], $0x3200  }
0xff: {  	[sflag:s30] =	ssyncset.done $0x0  }
0x100: {  	s14 =	sadd.s32 $0x4000, s9;
	[sflag:s30] =	ssyncadd.s32 $0xFFFFCE00  }
0x101: {  	[tilespmem:s23], [sflag:$0x3] =	stream.indirect.gather [hbm4b:s4+s18], $0x80, s14, s18, $0xb8;
	[tilespmem:$0x14000] =	vst v63  }
0x102: {  	s11 =	sadd.s32 $0x4080, s9;
	s14 =	sand.u32 $0x1, s7  }
0x103: {  	[tilespmem:s24], [sflag:$0x3] =	stream.indirect.gather [hbm4b:s4+s18], $0x80, s11, s18, $0xb8;
	[tilespmem:$0x14000] =	vst v63  }
0x104: {  	p0 =	seq.s32 s14, $0x1;
	_ =	swait.ge [sflag:s31], $0x1900  }
.Ltmp5:
0x105: {  	[sflag:s31] =	ssyncset.done $0x0;
	(pc) =	sbr.rel @p0 .LBB2_6-.Ltmp5, $4  }
.Ltmp6:
0x106: {  	[sflag:s31] =	ssyncadd.s32 $0xFFFFE700;
	(pc) =	sbr.rel @!p0 .LBB2_5-.Ltmp6, $4  }
0x107: {  	_ =	swait.ge [sflag:s31], $0x1900  }
0x108: {  	[sflag:s31] =	ssyncset.done $0x0  }
0x109: {  	s9 =	simm.s32 $0x1F4;
	[sflag:s31] =	ssyncadd.s32 $0xFFFFE700  }
0x10a: {  	_ = 	snop  }
.LBB2_8:
0x10b: {  	_ =	sfence.sel $0x180000  }
0x10c: {  	[bflag:$0x0] =	sbarrier.arrive $0xFFFF  }
0x10d: {  	_ =	strace $0x90000047  }
0x10e: {  	s0 =	stileid.u32;
	[bflag:$0x2] =	sbarrier.arrive $0xFFFF  }
0x10f: {  	p0 =	sne.s32 s0, $0x0;
	s0 =	rddreg [dreg:$0x5]  }
0x110: {  	s0 =	sadd.s32 @!p0 $0x100000, s0  }
0x111: {  	[sflag:s0] =	ssyncadd.tile.s32 @!p0 $0x1;
	_ =	shalt  }
.Lfunc_end2:
_tile_overlayer_lowered:
.L_overlay_start_2:
0x112: {  	(tag) =	ssettag $0x2  }
0x113: {  	s0 =	rddreg [dreg:$0x0];
	s2 =	stileid.u32  }
0x114: {  	s1 =	rddreg [dreg:$0x1];
	p0 =	sne.s32 s2, $0x0  }
0x115: {  	s3 =	rddreg [dreg:$0x2];
	[bflag:$0x3] =	sbarrier.arrive $0xFFFF;
	s2 =	simm.s32 @!p0 $0x1C08  }
0x116: {  	[timem:s3], [sflag:s2] =	dma.local @!p0 [hbm:s0], s1  }
0x117: {  	s0 =	simm.s32 @!p0 $0x8  }
0x118: {  	_ =	swait.ge @!p0 [sflag:s0], s1  }
0x119: {  	s1 =	ssub.s32 @!p0 $0x0, s1;
	[sflag:s0] =	ssyncset.done @!p0 $0x0  }
0x11a: {  	[sflag:s0] =	ssyncadd.s32 @!p0 s1  }
0x11b: {  	[bflag:$0x3] =	sbarrier.arrive $0xFFFF  }
0x11c: {  	_ =	shalt  }

// kernel: _run.9.cloned.1.call-start
scs
__scs_entry_jumppad:
0x0: {  	(pc) =	sbr.rel $0x88, $3  }
0x1: {  	(tag) =	ssettag $0x0;
	lr =	simm.s32 $0x1  }
0x2: {  	[smem:$0x3F9A] =	sst lr;
	_ =	strace $0xD0000000  }
0x3: {  	_ = 	snop  }
0x4: {  	_ = 	snop  }
0x5: {  	_ = 	snop  }
0x6: {  	_ = 	snop  }
0x7: {  	_ = 	snop  }
__scs_overlays_trampoline_lowered:
0x8: {  	[smem:$0x3FA9] =	sst s0  }
0x9: {  	[smem:$0x3FAA] =	sst s1  }
0xa: {  	[smem:$0x3FAB] =	sst s2  }
0xb: {  	[smem:$0x3FAC] =	sst s3  }
0xc: {  	[smem:$0x3FAD] =	sst s4  }
0xd: {  	[smem:$0x3FAE] =	sst s5  }
0xe: {  	[smem:$0x3FAF] =	sst s6  }
0xf: {  	[smem:$0x3FB0] =	sst s7  }
0x10: {  	[smem:$0x3FB1] =	sst s8  }
0x11: {  	[smem:$0x3FB2] =	sst s9;
	s0 =	simm.s32 @!p0 $0x0  }
0x12: {  	s1 =	sld [smem:$0x3F98];
	s0 =	simm.s32 @p0 $0x1  }
0x13: {  	[smem:$0x3FB3] =	sst s0;
	s0 =	simm.s32 @!p1 $0x0  }
0x14: {  	s2 =	sld [smem:$0x3F97];
	s0 =	simm.s32 @p1 $0x1  }
0x15: {  	[smem:$0x3FB4] =	sst s0;
	s0 =	simm.s32 @!p2 $0x0  }
0x16: {  	s3 =	sld [smem:$0x3FDB];
	s0 =	simm.s32 @p2 $0x1  }
0x17: {  	s4 =	simm.s32 $0x1BF5;
	[smem:$0x3FB6] =	sst s0  }
0x18: {  	s0 =	sld [smem:$0x3F99];
	_ =	swait.ge [sflag:s4], $0x0  }
0x19: {  	s7 =	sld [smem:$0x3F9A]  }
0x1a: {  	s8 =	sadd.s32 $0xFFFFE003, lr  }
0x1b: {  	s9 =	sadd.s32 $0xFFFFFEF7, lr;
	s5 =	simm.s32 $0xFFFFFFFF;
	p2 =	slt.u32 s8, $0xFFFFF086  }
0x1c: {  	p1 =	slt.u32 s9, $0xF7A;
	s5 =	simm.s32 @!p2 $0x0  }
0x1d: {  	s5 =	simm.s32 @p1 $0x1;
	p0 =	seq.s32 s7, s2  }
0x1e: {  	s7 =	smul.u32 @!p0 $0xF7A, s2;
	p2 =	seq.s32 @!p0 s5, $0x0  }
0x1f: {  	s9 =	smul.u32 $0xF7A, s1;
	s8 =	simm.s32 @!p0 $0x1BF5;
	p2 =	por !p2, p0  }
0x20: {  	[sflag:s8] =	ssyncset.s32 @!p0 $0xFFFFF086;
	s6 =	sadd.s32 @!p0 s3, s7;
	s7 =	simm.s32 @!p0 $0x108  }
0x21: {  	s3 =	sadd.s32 s3, s9;
	s6 =	sadd.s32 @!p0 $0x88, s6;
	s7 =	simm.s32 @p2 $0x1082  }
0x22: {  	[simem:s7], [sflag:s8] =	dma.local @!p0 [hbm:s6], $0xF7A  }
0x23: {  	s9 =	sor.u32 $0xD0000000, s2;
	s6 =	simm.s32 $0x108;
	_ =	swait.ge @!p0 [sflag:s8], $0x0  }
0x24: {  	s3 =	sadd.s32 $0x88, s3;
	s6 =	simm.s32 @!p1 $0x1082;
	[sflag:s4] =	ssyncset.s32 $0xFFFFF086  }
0x25: {  	[simem:s6], [sflag:s4] =	dma.local [hbm:s3], $0xF7A  }
0x26: {  	[smem:$0x3F9A] =	sst s1;
	(tag) =	ssettag s2;
	_ =	strace s9  }
0x27: {  	s1 =	sld [smem:$0x3FAA]  }
0x28: {  	s2 =	sld [smem:$0x3FAB]  }
0x29: {  	s4 =	sld [smem:$0x3FAD]  }
0x2a: {  	p0 =	seq.s32 s5, $0x0;
	s5 =	sld [smem:$0x3FAE]  }
0x2b: {  	s6 =	sld [smem:$0x3FAF]  }
0x2c: {  	s7 =	sld [smem:$0x3FB0]  }
0x2d: {  	s3 =	simm.s32 $0x108;
	s8 =	sld [smem:$0x3FB1]  }
0x2e: {  	s3 =	simm.s32 @!p0 $0x1082;
	s9 =	sld [smem:$0x3FB2]  }
0x2f: {  	lr =	sadd.s32 s0, s3;
	s0 =	sld [smem:$0x3FA9]  }
0x30: {  	s3 =	sld [smem:$0x3FAC]  }
0x31: {  	[smem:$0x3FB5] =	sst s10  }
0x32: {  	s10 =	sld [smem:$0x3FB3];
	_ =	sdelay $0x3  }
0x33: {  	p0 =	seq.s32 s10, $0x1;
	s10 =	sld [smem:$0x3FB5];
	_ =	sdelay $0x3  }
0x34: {  	[smem:$0x3FB5] =	sst s10  }
0x35: {  	s10 =	sld [smem:$0x3FB4];
	_ =	sdelay $0x3  }
0x36: {  	p1 =	seq.s32 s10, $0x1;
	s10 =	sld [smem:$0x3FB5];
	_ =	sdelay $0x3  }
0x37: {  	[smem:$0x3FB5] =	sst s10  }
0x38: {  	s10 =	sld [smem:$0x3FB6]  }
0x39: {  	_ = 	snop;
	(pc) =	sbr.ind lr, $3  }
0x3a: {  	_ = 	snop  }
0x3b: {  	_ = 	snop  }
0x3c: {  	p2 =	seq.s32 s10, $0x1;
	s10 =	sld [smem:$0x3FB5]  }
0x3d: {  	_ =	shalt  }
0x3e: {  	_ =	shalt  }
0x3f: {  	_ =	shalt  }
0x40: {  	_ =	shalt  }
0x41: {  	_ =	shalt  }
0x42: {  	_ =	shalt  }
0x43: {  	_ =	shalt  }
0x44: {  	_ =	shalt  }
0x45: {  	_ =	shalt  }
0x46: {  	_ =	shalt  }
0x47: {  	_ =	shalt  }
0x48: {  	_ =	shalt  }
0x49: {  	_ =	shalt  }
0x4a: {  	_ =	shalt  }
0x4b: {  	_ =	shalt  }
0x4c: {  	_ =	shalt  }
0x4d: {  	_ =	shalt  }
0x4e: {  	_ =	shalt  }
0x4f: {  	_ =	shalt  }
0x50: {  	_ =	shalt  }
0x51: {  	_ =	shalt  }
0x52: {  	_ =	shalt  }
0x53: {  	_ =	shalt  }
0x54: {  	_ =	shalt  }
0x55: {  	_ =	shalt  }
0x56: {  	_ =	shalt  }
0x57: {  	_ =	shalt  }
0x58: {  	_ =	shalt  }
0x59: {  	_ =	shalt  }
0x5a: {  	_ =	shalt  }
0x5b: {  	_ =	shalt  }
0x5c: {  	_ =	shalt  }
0x5d: {  	_ =	shalt  }
0x5e: {  	_ =	shalt  }
0x5f: {  	_ =	shalt  }
0x60: {  	_ =	shalt  }
0x61: {  	_ =	shalt  }
0x62: {  	_ =	shalt  }
0x63: {  	_ =	shalt  }
0x64: {  	_ =	shalt  }
0x65: {  	_ =	shalt  }
0x66: {  	_ =	shalt  }
0x67: {  	_ =	shalt  }
0x68: {  	_ =	shalt  }
0x69: {  	_ =	shalt  }
0x6a: {  	_ =	shalt  }
0x6b: {  	_ =	shalt  }
0x6c: {  	_ =	shalt  }
0x6d: {  	_ =	shalt  }
0x6e: {  	_ =	shalt  }
0x6f: {  	_ =	shalt  }
0x70: {  	_ =	shalt  }
0x71: {  	_ =	shalt  }
0x72: {  	_ =	shalt  }
0x73: {  	_ =	shalt  }
0x74: {  	_ =	shalt  }
0x75: {  	_ =	shalt  }
0x76: {  	_ =	shalt  }
0x77: {  	_ =	shalt  }
0x78: {  	_ =	shalt  }
0x79: {  	_ =	shalt  }
0x7a: {  	_ =	shalt  }
0x7b: {  	_ =	shalt  }
0x7c: {  	_ =	shalt  }
0x7d: {  	_ =	shalt  }
0x7e: {  	_ =	shalt  }
0x7f: {  	_ =	shalt  }
0x80: {  	_ =	shalt  }
0x81: {  	_ =	shalt  }
0x82: {  	_ =	shalt  }
0x83: {  	_ =	shalt  }
0x84: {  	_ =	shalt  }
0x85: {  	_ =	shalt  }
0x86: {  	_ =	shalt  }
0x87: {  	_ =	shalt  }
.Lfunc_end0:
.L_simem_size_0:
called_computation.1_lowered:
.L_overlay_start_0:
0x88: {  	s2 =	sld [smem:$0x3FD9]  }
0x89: {  	s3 =	sld [smem:$0x3FFE];
	_ =	sdelay $0x1  }
0x8a: {  	s1 =	srdreg.scid  }
0x8b: {  	s0 =	sand.u32 $0x1, s1  }
0x8c: {  	s17 =	sshll.u32 s0, $0xA;
	s2 =	sadd.s32 s3, s2  }
0x8d: {  	s2 =	sadd.s32 s2, s17  }
0x8e: {  	[smem:$0x3FC1] =	sst s2  }
0x8f: {  	_ = 	snop  }
0x90: {  	s18 =	sld [smem:$0x3FC6]  }
0x91: {  	s4 =	sld [smem:$0x3FC5]  }
0x92: {  	s5 =	sld [smem:$0x3FC4]  }
0x93: {  	s6 =	sld [smem:$0x3FC3];
	(tm) =	ssettm $0x1  }
0x94: {  	s19 =	sld [smem:$0x3FFB];
	_ =	sdelay $0x3  }
0x95: {  	_ =	strace s19  }
0x96: {  	s2 =	sld [smem:$0x3FFC];
	_ =	sdelay $0x3  }
0x97: {  	_ =	strace s2  }
0x98: {  	s2 =	sld [smem:$0x3FFD];
	_ =	sdelay $0x3  }
0x99: {  	_ =	strace s2  }
0x9a: {  	_ =	strace $0x8FFFFFFF  }
0x9b: {  	s20 =	sld [smem:$0x3FDB];
	_ =	sdelay $0x1  }
0x9c: {  	s7 =	simm.s32 $_scs_section_size  }
0x9d: {  	s8 =	simm.s32 $_size__tile_overlayer_lowered;
	s9 =	simm.s32 $_tile_overlayer_lowered  }
0x9e: {  	s10 =	simm.s32 $0x1BFF;
	s21 =	sshll.u32 s9, $0x1;
	s7 =	sadd.s32 s7, s20  }
0x9f: {  	s22 =	simm.s32 $0x0;
	s8 =	sshll.u32 s8, $0x1;
	s9 =	sadd.s32 s21, s7  }
0xa0: {  	[timem:s22], [sflag:s10] =	dma.local [hbm:s9], s8  }
0xa1: {  	_ =	swait.ge [sflag:s10], s8  }
0xa2: {  	s8 =	ssub.s32 $0x0, s8;
	[sflag:s10] =	ssyncset.done $0x0  }
0xa3: {  	[sflag:s10] =	ssyncadd.s32 s8;
	_ =	sdelay $0x1  }
0xa4: {  	s23 =	simm.s32 $0x1B8B  }
0xa5: {  	_ =	swait.ge [sflag:s23], $0x1  }
0xa6: {  	[sflag:s23] =	ssyncset.done $0x0  }
0xa7: {  	[sflag:s23] =	ssyncadd.s32 $0xFFFFFFFF  }
0xa8: {  	s8 =	sld [smem:$0x0]  }
0xa9: {  	s9 =	sand.u32 $0xFFFFFFFE, s1  }
0xaa: {  	p0 =	sne.s32 s1, s9  }
0xab: {  	s9 =	sshll.u32 @p0 s9, $0xE  }
0xac: {  	s9 =	sadd.s32 @p0 $0x11B8D, s9;
	s10 =	sshll.u32 @p0 s8, $0x11  }
0xad: {  	s9 =	sor.u32 @p0 s10, s9  }
0xae: {  	[sflag:s9] =	ssyncadd.remote.s32 @p0 $0x1;
	_ =	sdelay $0x1  }
0xaf: {  	s9 =	simm.s32 @p0 $0x1B8D  }
0xb0: {  	_ =	swait.eq @p0 [sflag:s9], $0x1  }
0xb1: {  	[sflag:s9] =	ssyncadd.s32 @p0 $0xFFFFFFFF  }
0xb2: {  	s10 =	sshll.u32 @!p0 s1, $0xE  }
0xb3: {  	s10 =	sor.u32 @!p0 $0x4000, s10;
	s9 =	simm.s32 @!p0 $0x1B8D  }
0xb4: {  	s8 =	sshll.u32 @!p0 s8, $0x11;
	s10 =	sadd.s32 @!p0 $0x11B8D, s10;
	_ =	swait.eq @!p0 [sflag:s9], $0x1  }
0xb5: {  	s8 =	sor.u32 @!p0 s8, s10;
	[sflag:s9] =	ssyncadd.s32 @!p0 $0xFFFFFFFF  }
0xb6: {  	s25 =	simm.s32 $0x1B8E;
	s24 =	sld [smem:$0x3FFE];
	[sflag:s8] =	ssyncadd.remote.s32 @!p0 $0x1  }
0xb7: {  	s26 =	simm.s32 $execute0_lowered;
	[smem:$0x3FD2] =	sst s25  }
0xb8: {  	s9 =	sshll.u32 s26, $0x1;
	_ =	strace $0x80000049;
	[dreg:$0x1] =	wrdreg $0xFFFFFFFF  }
0xb9: {  	s28 =	simm.s32 $_size_execute0_lowered;
	s7 =	sadd.s32 s7, s9;
	[dreg:$0x0] =	wrdreg $0x0  }
0xba: {  	s9 =	sshll.u32 s28, $0x1;
	[dreg:$0x2] =	wrdreg s7  }
0xbb: {  	[dreg:$0x3] =	wrdreg s9  }
0xbc: {  	[dreg:$0x4] =	wrdreg $0xC0  }
0xbd: {  	_ =	task [dreg:s22], $0x5FFFF  }
0xbe: {  	[dreg:$0x1] =	wrdreg $0xFFFFFFFF  }
0xbf: {  	[dreg:$0x0] =	wrdreg $0x60  }
0xc0: {  	[dreg:$0x2] =	wrdreg s24  }
0xc1: {  	[dreg:$0x3] =	wrdreg s18  }
0xc2: {  	[dreg:$0x4] =	wrdreg s4  }
0xc3: {  	[dreg:$0x5] =	wrdreg s5  }
0xc4: {  	[dreg:$0x6] =	wrdreg s6  }
0xc5: {  	[dreg:$0x7] =	wrdreg $0xA  }
0xc6: {  	_ =	task.clear_ibuf [dreg:s22], $0x8FFFF;
	_ =	strace $0x90000049  }
0xc7: {  	s29 =	simm.s32 $0xA;
	_ =	strace $0x8000004B  }
0xc8: {  	_ =	swait.ge [sflag:s29], $0x1  }
0xc9: {  	[sflag:s29] =	ssyncadd.s32 $0xFFFFFFFF  }
0xca: {  	_ =	strace $0x9000004B  }
0xcb: {  	_ =	sfence  }
0xcc: {  	s30 =	sld [smem:$0x0];
	_ =	sdelay $0x2  }
0xcd: {  	s31 =	sshll.u32 s1, $0xD;
	s1 =	sshrl.u32 s1, $0x2  }
0xce: {  	s4 =	sand.u32 $0x4000, s31;
	s1 =	sadd.s32 s1, s30  }
0xcf: {  	s0 =	sor.u32 s4, s0;
	s1 =	sshll.u32 s1, $0x11  }
0xd0: {  	s0 =	sor.u32 s1, s0  }
0xd1: {  	s0 =	sadd.s32 $0x8F2B, s0  }
0xd2: {  	[sflag:s0] =	ssyncadd.remote.s32 $0x1  }
0xd3: {  	_ =	sfence.sel $0xFFFF  }
0xd4: {  	[dreg:$0x0] =	wrdreg $0xFFFFFFFF;
	(pc) =	sbr.abs _section_cstart, $3  }
0xd5: {  	[dreg:$0x1] =	wrdreg $0xFFFFFFFF  }
0xd6: {  	_ =	task.clear_ibuf [dreg:s22], $0x2FFFF;
	_ =	strace $0x9FFFFFFF  }
0xd7: {  	(tm) =	ssettm $0x7FFFFFFF  }
tec
execute0_lowered:
.L_overlay_start_1:
0x0: {  	(tag) =	ssettag $0x1  }
0x1: {  	s0 =	rddreg [dreg:$0x0]  }
0x2: {  	s2 =	rddreg [dreg:$0x2]  }
0x3: {  	s3 =	rddreg [dreg:$0x3]  }
0x4: {  	s4 =	rddreg [dreg:$0x4]  }
0x5: {  	s6 =	simm.s32 $0x0;
	s1 =	srdreg.scid;
	s10 =	stileid.u32  }
0x6: {  	s15 =	simm.s32 $0x8;
	s18 =	simm.s32 $0x32;
	s19 =	simm.s32 $0x6000  }
0x7: {  	v0 =	vlaneseq.u32;
	s28 =	simm.s32 $0x400;
	s29 =	simm.s32 $0x1000;
	s30 =	simm.s32 $0x6  }
0x8: {  	[smem:$0x7FF] =	sst s6;
	s1 =	sand.u32 $0x1, s1;
	s8 =	smul.u32 $0x7D00, s10;
	v1 =	vmul.u32 $0x80, v0  }
0x9: {  	s5 =	sshll.u32 s10, $0xB;
	s10 =	smul.u32 $0x380000, s10;
	s7 =	sshll.u32 s1, $0xA  }
0xa: {  	s31 =	simm.s32 $0x7;
	_ =	strace $0x8000004A;
	s20 =	smul.u32 $0x3E80, s1;
	v2 =	vor.u32 $0x800, v1;
	v3 =	vor.u32 $0x1000, v1;
	v4 =	vadd.s32 $0x1100, v1  }
0xb: {  	s9 =	ssub.s32 $0x2, s1;
	s1 =	smul.u32 $0x1C0000, s1;
	s5 =	sor.u32 s7, s5;
	v5 =	vor.u32 $0x1, v1;
	v6 =	vor.u32 $0x801, v1;
	v7 =	vor.u32 $0x1001, v1  }
0xc: {  	s21 =	sshrl.u32 s9, $0x1;
	v8 =	vadd.s32 $0x1101, v1;
	v9 =	vor.u32 $0x2, v1;
	v10 =	vor.u32 $0x802, v1;
	s7 =	simm.s32 $0x2;
	s5 =	sadd.s32 s5, s0  }
0xd: {  	v11 =	vor.u32 $0x1002, v1;
	v12 =	vadd.s32 $0x1102, v1;
	v13 =	vor.u32 $0x3, v1;
	s0 =	sadd.s32 $0x730800, s0;
	s24 =	sadd.s32 s20, s8;
	s1 =	sadd.s32 s1, s10  }
0xe: {  	v14 =	vor.u32 $0x803, v1;
	v15 =	vor.u32 $0x1003, v1;
	v16 =	vadd.s32 $0x1103, v1;
	s20 =	simm.s32 $0x7C00;
	s10 =	simm.s32 $0x3;
	s8 =	simm.s32 $0x0  }
0xf: {  	v17 =	vor.u32 $0x4, v1;
	v18 =	vor.u32 $0x804, v1;
	v19 =	vor.u32 $0x1004, v1;
	[dreg:$0x6] =	wrdreg s0;
	s0 =	ssub.s32 s9, s21;
	s22 =	sadd.s32 $0x8800, s5  }
0x10: {  	v20 =	vadd.s32 $0x1104, v1;
	v21 =	vadd.s32 $0x1900, v1;
	v22 =	vadd.s32 $0x2100, v1;
	s23 =	sadd.s32 $0x18800, s5;
	s5 =	sadd.s32 $0x28800, s5;
	s25 =	sadd.s32 $0x7D000, s24  }
0x11: {  	v23 =	vadd.s32 $0x2900, v1;
	v24 =	vadd.s32 $0x2A00, v1;
	v25 =	vadd.s32 $0x1901, v1;
	s26 =	sor.u32 $0x7C00, s1;
	s14 =	sshrl.u32 s1, $0x3;
	[dreg:$0x7] =	wrdreg s22  }
.Ltmp0:
0x12: {  	v26 =	vadd.s32 $0x2101, v1;
	v27 =	vadd.s32 $0x2901, v1;
	v28 =	vadd.s32 $0x2A01, v1;
	s21 =	simm.s32 $0x9800;
	[dreg:$0x8] =	wrdreg s23;
	(pc) =	sbr.rel .LBB2_1-.Ltmp0, $4  }
0x13: {  	v29 =	vadd.s32 $0x1902, v1;
	v30 =	vadd.s32 $0x2102, v1;
	v31 =	vadd.s32 $0x2902, v1;
	s24 =	simm.s32 $0xEC00;
	s1 =	simm.s32 $0x5;
	[dreg:$0x9] =	wrdreg s5  }
0x14: {  	v32 =	vadd.s32 $0x2A02, v1;
	v33 =	vadd.s32 $0x1903, v1;
	v34 =	vadd.s32 $0x2103, v1;
	s0 =	smax.u32 s0, $0x1;
	[dreg:$0xb] =	wrdreg s25;
	s13 =	sshrl.u32 s26, $0x3  }
0x15: {  	v35 =	vadd.s32 $0x2903, v1;
	v36 =	vadd.s32 $0x2A03, v1;
	v37 =	vadd.s32 $0x1904, v1;
	s22 =	simm.s32 $0xB400;
	s23 =	simm.s32 $0xD000;
	s25 =	simm.s32 $0x10800  }
0x16: {  	v38 =	vadd.s32 $0x2104, v1;
	v39 =	vadd.s32 $0x2904, v1;
	v40 =	vadd.s32 $0x2A04, v1;
	s26 =	simm.s32 $0x10C00;
	s5 =	simm.s32 $0x1;
	[dreg:$0xa] =	wrdreg s0  }
.LBB2_7:
0x17: {  	s0 =	simm.s32 $0x4  }
0x18: {  	_ =	swait.ge [sflag:s0], $0x3200  }
0x19: {  	[sflag:s0] =	ssyncset.done $0x0  }
0x1a: {  	[sflag:s0] =	ssyncadd.s32 $0xFFFFCE00  }
0x1b: {  	_ =	swait.ge [sflag:s1], $0x3200  }
0x1c: {  	[sflag:s1] =	ssyncset.done $0x0  }
0x1d: {  	[sflag:s1] =	ssyncadd.s32 $0xFFFFCE00  }
0x1e: {  	_ =	swait.ge [sflag:s30], $0x3200  }
0x1f: {  	[sflag:s30] =	ssyncset.done $0x0  }
0x20: {  	[sflag:s30] =	ssyncadd.s32 $0xFFFFCE00  }
0x21: {  	_ =	swait.ge [sflag:s31], $0x1900  }
0x22: {  	[sflag:s31] =	ssyncset.done $0x0  }
0x23: {  	[sflag:s31] =	ssyncadd.s32 $0xFFFFE700  }
0x24: {  	_ =	swait.ge [sflag:s31], $0x1900  }
0x25: {  	s8 =	rddreg [dreg:$0xc]  }
0x26: {  	s17 =	rddreg [dreg:$0xa];
	s8 =	sadd.s32 $0x1, s8  }
0x27: {  	p0 =	sne.s32 s8, s17  }
.Ltmp1:
0x28: {  	_ = 	snop;
	(pc) =	sbr.rel @!p0 .LBB2_8-.Ltmp1, $3  }
0x29: {  	_ =	sdelay $0x1  }
0x2a: {  	[sflag:s31] =	ssyncset.done $0x0  }
0x2b: {  	[sflag:s31] =	ssyncadd.s32 $0xFFFFE700  }
.LBB2_1:
0x2c: {  	[dreg:$0xc] =	wrdreg s8  }
0x2d: {  	s0 =	rddreg [dreg:$0x7]  }
0x2e: {  	[tilespmem:s6], [sflag:$0x8] =	stream.linear.gather [hbm4b:s0+s6], $0x2000, $0x38;
	[tilespmem:$0x14000] =	vst v63  }
0x2f: {  	_ =	swait.ge [sflag:s15], $0x2000  }
0x30: {  	[sflag:s15] =	ssyncset.done $0x0  }
0x31: {  	s12 =	simm.s32 $0x2000;
	s11 =	rddreg [dreg:$0x8];
	[sflag:s15] =	ssyncadd.s32 $0xFFFFE000  }
0x32: {  	[tilespmem:s12], [sflag:$0x8] =	stream.linear.gather [hbm4b:s11+s6], $0x2000, $0x38;
	[tilespmem:$0x14000] =	vst v63  }
0x33: {  	_ =	swait.ge [sflag:s15], $0x2000  }
0x34: {  	s17 =	simm.s32 $0x4000;
	[sflag:s15] =	ssyncset.done $0x0  }
.Ltmp2:
0x35: {  	s16 =	rddreg [dreg:$0x9];
	[sflag:s15] =	ssyncadd.s32 $0xFFFFE000;
	(pc) =	sbr.rel .LBB2_2-.Ltmp2, $4  }
0x36: {  	[tilespmem:s17], [sflag:$0x8] =	stream.linear.gather [hbm4b:s16+s6], $0x2000, $0x38;
	[tilespmem:$0x14000] =	vst v63  }
0x37: {  	_ =	swait.ge [sflag:s15], $0x2000  }
0x38: {  	s8 =	simm.s32 $0x0;
	[sflag:s15] =	ssyncset.done $0x0;
	s0 =	rddreg [dreg:$0x6]  }
0x39: {  	s17 =	simm.s32 $0x0;
	s16 =	rddreg [dreg:$0xb];
	[sflag:s15] =	ssyncadd.s32 $0xFFFFE000  }
.LBB2_3:
0x3a: {  	[tilespmem:s21], [sflag:$0x2] =	stream.indirect.gather [hbm4b:s3+s18], $0x80, s12, s18, $0xb8;
	[tilespmem:$0x14000] =	vst v63  }
0x3b: {  	_ = 	snop  }
0x3c: {  	[tilespmem:s22], [sflag:$0x2] =	stream.indirect.gather [hbm4b:s3+s18], $0x80, s11, s18, $0xb8;
	[tilespmem:$0x14000] =	vst v63  }
0x3d: {  	s12 =	sadd.s32 $0x4000, s9  }
0x3e: {  	[tilespmem:s23], [sflag:$0x3] =	stream.indirect.gather [hbm4b:s4+s18], $0x80, s12, s18, $0xb8;
	[tilespmem:$0x14000] =	vst v63  }
0x3f: {  	s12 =	sadd.s32 $0x4080, s9  }
0x40: {  	[tilespmem:s24], [sflag:$0x3] =	stream.indirect.gather [hbm4b:s4+s18], $0x80, s12, s18, $0xb8;
	[tilespmem:$0x14000] =	vst v63  }
.LBB2_5:
0x41: {  	s9 =	sshrl.u32 s16, $0x3;
	s11 =	rddreg [dreg:$0x1]  }
0x42: {  	s11 =	sadd.s32 s11, s9;
	s9 =	simm.s32 $0x0  }
0x43: {  	[tilespmem:s25], [sflag:$0x8] =	stream.linear.gather [hbm4b:s11+s9], $0x3E8, $0x38;
	[tilespmem:$0x14000] =	vst v63  }
0x44: {  	_ =	swait.ge [sflag:s15], $0x3E8  }
0x45: {  	[sflag:s15] =	ssyncset.done $0x0  }
0x46: {  	[sflag:s15] =	ssyncadd.s32 $0xFFFFFC18  }
.LBB2_6:
0x47: {  	v41 =	vadd.s32 s9, v0;
	_ =	sdelay $0x4  }
0x48: {  	s11 =	sadd.s32 $0x10, s9;
	v41 =	vld.idx.msk [tilespmem:v41+s25+$0x0], $0xffff  }
0x49: {  	v42 =	vadd.s32 s11, v0;
	_ =	sdelay $0x3  }
0x4a: {  	[tilespmem:v1+s26+$0x0] =	vst.idx.msk $0xffff, v41  }
0x4b: {  	s12 =	sadd.s32 $0x20, s9;
	v41 =	vld.idx.msk [tilespmem:v42+s25+$0x0], $0xffff  }
0x4c: {  	v45 =	vadd.s32 s12, v0;
	_ =	sdelay $0x3  }
0x4d: {  	[tilespmem:v2+s26+$0x0] =	vst.idx.msk $0xffff, v41  }
0x4e: {  	s12 =	sadd.s32 $0x22, s9;
	v41 =	vld.idx.msk [tilespmem:v45+s25+$0x0], $0xffff  }
0x4f: {  	v46 =	vadd.s32 s12, v0;
	_ =	sdelay $0x3  }
0x50: {  	[tilespmem:v3+s26+$0x0] =	vst.idx.msk $0xffff, v41  }
0x51: {  	s12 =	sadd.s32 $0x32, s9;
	v41 =	vld.idx.msk [tilespmem:v46+s25+$0x0], $0xffff  }
0x52: {  	v47 =	vadd.s32 s12, v0;
	_ =	sdelay $0x3  }
0x53: {  	[tilespmem:v4+s26+$0x0] =	vst.idx.msk $0xffff, v41  }
0x54: {  	s12 =	sadd.s32 $0x42, s9;
	v41 =	vld.idx.msk [tilespmem:v47+s25+$0x0], $0xffff  }
0x55: {  	v48 =	vadd.s32 s12, v0;
	_ =	sdelay $0x3  }
0x56: {  	[tilespmem:v5+s26+$0x0] =	vst.idx.msk $0xffff, v41  }
0x57: {  	s12 =	sadd.s32 $0x52, s9;
	v41 =	vld.idx.msk [tilespmem:v48+s25+$0x0], $0xffff  }
0x58: {  	v49 =	vadd.s32 s12, v0;
	_ =	sdelay $0x3  }
0x59: {  	[tilespmem:v6+s26+$0x0] =	vst.idx.msk $0xffff, v41  }
0x5a: {  	s12 =	sadd.s32 $0x54, s9;
	v41 =	vld.idx.msk [tilespmem:v49+s25+$0x0], $0xffff  }
0x5b: {  	v50 =	vadd.s32 s12, v0;
	_ =	sdelay $0x3  }
0x5c: {  	[tilespmem:v7+s26+$0x0] =	vst.idx.msk $0xffff, v41  }
0x5d: {  	s12 =	sadd.s32 $0x64, s9;
	v41 =	vld.idx.msk [tilespmem:v50+s25+$0x0], $0xffff  }
0x5e: {  	v51 =	vadd.s32 s12, v0;
	_ =	sdelay $0x3  }
0x5f: {  	[tilespmem:v8+s26+$0x0] =	vst.idx.msk $0xffff, v41  }
0x60: {  	s12 =	sadd.s32 $0x74, s9;
	v41 =	vld.idx.msk [tilespmem:v51+s25+$0x0], $0xffff  }
0x61: {  	v52 =	vadd.s32 s12, v0;
	_ =	sdelay $0x3  }
0x62: {  	[tilespmem:v9+s26+$0x0] =	vst.idx.msk $0xffff, v41  }
0x63: {  	s12 =	sadd.s32 $0x84, s9;
	v41 =	vld.idx.msk [tilespmem:v52+s25+$0x0], $0xffff  }
0x64: {  	v53 =	vadd.s32 s12, v0;
	_ =	sdelay $0x3  }
0x65: {  	[tilespmem:v10+s26+$0x0] =	vst.idx.msk $0xffff, v41  }
0x66: {  	s12 =	sadd.s32 $0x86, s9;
	v41 =	vld.idx.msk [tilespmem:v53+s25+$0x0], $0xffff  }
0x67: {  	v54 =	vadd.s32 s12, v0;
	_ =	sdelay $0x3  }
0x68: {  	[tilespmem:v11+s26+$0x0] =	vst.idx.msk $0xffff, v41  }
0x69: {  	s12 =	sadd.s32 $0x96, s9;
	v41 =	vld.idx.msk [tilespmem:v54+s25+$0x0], $0xffff  }
0x6a: {  	v55 =	vadd.s32 s12, v0;
	_ =	sdelay $0x3  }
0x6b: {  	[tilespmem:v12+s26+$0x0] =	vst.idx.msk $0xffff, v41  }
0x6c: {  	s12 =	sadd.s32 $0xA6, s9;
	v41 =	vld.idx.msk [tilespmem:v55+s25+$0x0], $0xffff  }
0x6d: {  	v56 =	vadd.s32 s12, v0;
	_ =	sdelay $0x3  }
0x6e: {  	[tilespmem:v13+s26+$0x0] =	vst.idx.msk $0xffff, v41  }
0x6f: {  	s12 =	sadd.s32 $0xB6, s9;
	v41 =	vld.idx.msk [tilespmem:v56+s25+$0x0], $0xffff  }
0x70: {  	v57 =	vadd.s32 s12, v0;
	_ =	sdelay $0x3  }
0x71: {  	[tilespmem:v14+s26+$0x0] =	vst.idx.msk $0xffff, v41  }
0x72: {  	s12 =	sadd.s32 $0xB8, s9;
	v41 =	vld.idx.msk [tilespmem:v57+s25+$0x0], $0xffff  }
0x73: {  	v58 =	vadd.s32 s12, v0;
	_ =	sdelay $0x3  }
0x74: {  	[tilespmem:v15+s26+$0x0] =	vst.idx.msk $0xffff, v41  }
0x75: {  	s12 =	sadd.s32 $0xC8, s9;
	v41 =	vld.idx.msk [tilespmem:v58+s25+$0x0], $0xffff  }
0x76: {  	v59 =	vadd.s32 s12, v0;
	_ =	sdelay $0x3  }
0x77: {  	[tilespmem:v16+s26+$0x0] =	vst.idx.msk $0xffff, v41  }
0x78: {  	s12 =	sadd.s32 $0xD8, s9;
	v41 =	vld.idx.msk [tilespmem:v59+s25+$0x0], $0xffff  }
0x79: {  	v60 =	vadd.s32 s12, v0;
	_ =	sdelay $0x3  }
0x7a: {  	[tilespmem:v17+s26+$0x0] =	vst.idx.msk $0xffff, v41  }
0x7b: {  	s12 =	sadd.s32 $0xE8, s9;
	v41 =	vld.idx.msk [tilespmem:v60+s25+$0x0], $0xffff  }
0x7c: {  	v61 =	vadd.s32 s12, v0;
	_ =	sdelay $0x3  }
0x7d: {  	[tilespmem:v18+s26+$0x0] =	vst.idx.msk $0xffff, v41  }
0x7e: {  	s12 =	sadd.s32 $0xEA, s9;
	v41 =	vld.idx.msk [tilespmem:v61+s25+$0x0], $0xffff  }
0x7f: {  	v62 =	vadd.s32 s12, v0;
	_ =	sdelay $0x3  }
0x80: {  	[tilespmem:v19+s26+$0x0] =	vst.idx.msk $0xffff, v41  }
0x81: {  	s12 =	sadd.s32 $0xFA, s9;
	v41 =	vld.idx.msk [tilespmem:v62+s25+$0x0], $0xffff  }
0x82: {  	v63 =	vadd.s32 s12, v0;
	_ =	sdelay $0x3  }
0x83: {  	[tilespmem:v20+s26+$0x0] =	vst.idx.msk $0xffff, v41  }
0x84: {  	s12 =	sadd.s32 $0x10A, s9;
	v41 =	vld.idx.msk [tilespmem:v63+s25+$0x0], $0xffff  }
0x85: {  	v45 =	vadd.s32 s12, v0;
	_ =	sdelay $0x3  }
0x86: {  	[tilespmem:v21+s26+$0x0] =	vst.idx.msk $0xffff, v41  }
0x87: {  	s12 =	sadd.s32 $0x11A, s9;
	v41 =	vld.idx.msk [tilespmem:v45+s25+$0x0], $0xffff  }
0x88: {  	v46 =	vadd.s32 s12, v0;
	_ =	sdelay $0x3  }
0x89: {  	[tilespmem:v22+s26+$0x0] =	vst.idx.msk $0xffff, v41  }
0x8a: {  	s12 =	sadd.s32 $0x11C, s9;
	v41 =	vld.idx.msk [tilespmem:v46+s25+$0x0], $0xffff  }
0x8b: {  	v47 =	vadd.s32 s12, v0;
	_ =	sdelay $0x3  }
0x8c: {  	[tilespmem:v23+s26+$0x0] =	vst.idx.msk $0xffff, v41  }
0x8d: {  	s12 =	sadd.s32 $0x12C, s9;
	v41 =	vld.idx.msk [tilespmem:v47+s25+$0x0], $0xffff  }
0x8e: {  	v48 =	vadd.s32 s12, v0;
	_ =	sdelay $0x3  }
0x8f: {  	[tilespmem:v24+s26+$0x0] =	vst.idx.msk $0xffff, v41  }
0x90: {  	s12 =	sadd.s32 $0x13C, s9;
	v41 =	vld.idx.msk [tilespmem:v48+s25+$0x0], $0xffff  }
0x91: {  	v49 =	vadd.s32 s12, v0;
	_ =	sdelay $0x3  }
0x92: {  	[tilespmem:v25+s26+$0x0] =	vst.idx.msk $0xffff, v41  }
0x93: {  	s12 =	sadd.s32 $0x14C, s9;
	v41 =	vld.idx.msk [tilespmem:v49+s25+$0x0], $0xffff  }
0x94: {  	v50 =	vadd.s32 s12, v0;
	_ =	sdelay $0x3  }
0x95: {  	[tilespmem:v26+s26+$0x0] =	vst.idx.msk $0xffff, v41  }
0x96: {  	s12 =	sadd.s32 $0x14E, s9;
	v41 =	vld.idx.msk [tilespmem:v50+s25+$0x0], $0xffff  }
0x97: {  	v51 =	vadd.s32 s12, v0;
	_ =	sdelay $0x3  }
0x98: {  	[tilespmem:v27+s26+$0x0] =	vst.idx.msk $0xffff, v41  }
0x99: {  	s12 =	sadd.s32 $0x15E, s9;
	v41 =	vld.idx.msk [tilespmem:v51+s25+$0x0], $0xffff  }
0x9a: {  	v52 =	vadd.s32 s12, v0;
	_ =	sdelay $0x3  }
0x9b: {  	[tilespmem:v28+s26+$0x0] =	vst.idx.msk $0xffff, v41  }
0x9c: {  	s12 =	sadd.s32 $0x16E, s9;
	v41 =	vld.idx.msk [tilespmem:v52+s25+$0x0], $0xffff  }
0x9d: {  	v53 =	vadd.s32 s12, v0;
	_ =	sdelay $0x3  }
0x9e: {  	[tilespmem:v29+s26+$0x0] =	vst.idx.msk $0xffff, v41  }
0x9f: {  	s12 =	sadd.s32 $0x17E, s9;
	v41 =	vld.idx.msk [tilespmem:v53+s25+$0x0], $0xffff  }
0xa0: {  	v54 =	vadd.s32 s12, v0;
	_ =	sdelay $0x3  }
0xa1: {  	[tilespmem:v30+s26+$0x0] =	vst.idx.msk $0xffff, v41  }
0xa2: {  	s12 =	sadd.s32 $0x180, s9;
	v41 =	vld.idx.msk [tilespmem:v54+s25+$0x0], $0xffff  }
0xa3: {  	v55 =	vadd.s32 s12, v0;
	_ =	sdelay $0x3  }
0xa4: {  	[tilespmem:v31+s26+$0x0] =	vst.idx.msk $0xffff, v41  }
0xa5: {  	s12 =	sadd.s32 $0x190, s9;
	v41 =	vld.idx.msk [tilespmem:v55+s25+$0x0], $0xffff  }
0xa6: {  	v56 =	vadd.s32 s12, v0;
	_ =	sdelay $0x3  }
0xa7: {  	[tilespmem:v32+s26+$0x0] =	vst.idx.msk $0xffff, v41  }
0xa8: {  	s12 =	sadd.s32 $0x1A0, s9;
	v41 =	vld.idx.msk [tilespmem:v56+s25+$0x0], $0xffff  }
0xa9: {  	v57 =	vadd.s32 s12, v0;
	_ =	sdelay $0x3  }
0xaa: {  	[tilespmem:v33+s26+$0x0] =	vst.idx.msk $0xffff, v41  }
0xab: {  	s12 =	sadd.s32 $0x1B0, s9;
	v41 =	vld.idx.msk [tilespmem:v57+s25+$0x0], $0xffff  }
0xac: {  	v58 =	vadd.s32 s12, v0;
	_ =	sdelay $0x3  }
0xad: {  	[tilespmem:v34+s26+$0x0] =	vst.idx.msk $0xffff, v41  }
0xae: {  	s12 =	sadd.s32 $0x1B2, s9;
	v41 =	vld.idx.msk [tilespmem:v58+s25+$0x0], $0xffff  }
0xaf: {  	v59 =	vadd.s32 s12, v0;
	_ =	sdelay $0x3  }
0xb0: {  	[tilespmem:v35+s26+$0x0] =	vst.idx.msk $0xffff, v41  }
0xb1: {  	s12 =	sadd.s32 $0x1C2, s9;
	v41 =	vld.idx.msk [tilespmem:v59+s25+$0x0], $0xffff  }
0xb2: {  	v60 =	vadd.s32 s12, v0;
	_ =	sdelay $0x3  }
0xb3: {  	[tilespmem:v36+s26+$0x0] =	vst.idx.msk $0xffff, v41  }
0xb4: {  	s12 =	sadd.s32 $0x1D2, s9;
	v41 =	vld.idx.msk [tilespmem:v60+s25+$0x0], $0xffff  }
0xb5: {  	v61 =	vadd.s32 s12, v0;
	_ =	sdelay $0x3  }
0xb6: {  	[tilespmem:v37+s26+$0x0] =	vst.idx.msk $0xffff, v41  }
0xb7: {  	s12 =	sadd.s32 $0x1E2, s9;
	v41 =	vld.idx.msk [tilespmem:v61+s25+$0x0], $0xffff  }
0xb8: {  	v62 =	vadd.s32 s12, v0;
	_ =	sdelay $0x3  }
0xb9: {  	[tilespmem:v38+s26+$0x0] =	vst.idx.msk $0xffff, v41  }
0xba: {  	s11 =	sadd.s32 $0x1E4, s9;
	v41 =	vld.idx.msk [tilespmem:v62+s25+$0x0], $0xffff  }
0xbb: {  	v63 =	vadd.s32 s11, v0;
	_ =	sdelay $0x3  }
0xbc: {  	[tilespmem:v39+s26+$0x0] =	vst.idx.msk $0xffff, v41  }
0xbd: {  	v41 =	vld.idx.msk [tilespmem:v63+s25+$0x0], $0xffff;
	_ =	sdelay $0x3  }
0xbe: {  	s9 =	sadd.s32 s0, s14  }
0xbf: {  	s12 =	sadd.s32 $0x180, s9;
	[tilespmem:v40+s26+$0x0] =	vst.idx.msk $0xffff, v41  }
0xc0: {  	[hbm4b:s12+s28] =	stream.strided.scatter [tilespmem:s26], [sflag:$0x7], $0x1800, s29, s28, $0x38;
	[tilespmem:$0x14000] =	vst v63  }
0xc1: {  	s11 =	sadd.s32 $0xD80, s9;
	s12 =	simm.s32 $0x12400  }
0xc2: {  	[hbm4b:s11+s6] =	stream.linear.scatter [tilespmem:s12], [sflag:$0x7], $0x100, $0x38;
	[tilespmem:$0x14000] =	vst v63  }
0xc3: {  	s11 =	sadd.s32 s0, s13;
	s12 =	simm.s32 $0x12500  }
0xc4: {  	[hbm4b:s11+s28] =	stream.strided.scatter [tilespmem:s12], [sflag:$0x7], $0x1800, s29, s28, $0x38;
	[tilespmem:$0x14000] =	vst v63  }
0xc5: {  	s11 =	sadd.s32 $0xC00, s11;
	s12 =	simm.s32 $0x13D00  }
0xc6: {  	[hbm4b:s11+s6] =	stream.linear.scatter [tilespmem:s12], [sflag:$0x7], $0x100, $0x38;
	[tilespmem:$0x14000] =	vst v63  }
0xc7: {  	_ =	swait.ge [sflag:s5], $0x1900  }
0xc8: {  	[sflag:s5] =	ssyncset.done $0x0  }
0xc9: {  	[sflag:s5] =	ssyncadd.s32 $0xFFFFE700  }
0xca: {  	_ =	swait.ge [sflag:s5], $0x1900  }
0xcb: {  	[sflag:s5] =	ssyncset.done $0x0  }
0xcc: {  	[sflag:s5] =	ssyncadd.s32 $0xFFFFE700  }
0xcd: {  	[hbm4b:s9+s28] =	stream.strided.scatter [tilespmem:s19], [sflag:$0x4], $0x1800, s29, s28, $0x38;
	[tilespmem:$0x14000] =	vst v63  }
0xce: {  	s12 =	sadd.s32 $0xE00, s9  }
0xcf: {  	[hbm4b:s12+s28] =	stream.strided.scatter [tilespmem:s20], [sflag:$0x4], $0x1800, s29, s28, $0x38;
	[tilespmem:$0x14000] =	vst v63  }
0xd0: {  	s11 =	sadd.s32 $0xC00, s9;
	s12 =	simm.s32 $0x7800  }
0xd1: {  	[hbm4b:s11+s6] =	stream.linear.scatter [tilespmem:s12], [sflag:$0x4], $0x100, $0x38;
	[tilespmem:$0x14000] =	vst v63  }
0xd2: {  	s11 =	sadd.s32 $0x1A00, s9;
	s12 =	simm.s32 $0x9400  }
0xd3: {  	[hbm4b:s11+s6] =	stream.linear.scatter [tilespmem:s12], [sflag:$0x4], $0x100, $0x38;
	[tilespmem:$0x14000] =	vst v63  }
0xd4: {  	_ =	swait.ge [sflag:s7], $0x1900  }
0xd5: {  	[sflag:s7] =	ssyncset.done $0x0  }
0xd6: {  	[sflag:s7] =	ssyncadd.s32 $0xFFFFE700  }
0xd7: {  	_ =	swait.ge [sflag:s7], $0x1900  }
0xd8: {  	[sflag:s7] =	ssyncset.done $0x0  }
0xd9: {  	s12 =	sadd.s32 $0x80, s9;
	[sflag:s7] =	ssyncadd.s32 $0xFFFFE700  }
0xda: {  	[hbm4b:s12+s28] =	stream.strided.scatter [tilespmem:s21], [sflag:$0x5], $0x1800, s29, s28, $0x38;
	[tilespmem:$0x14000] =	vst v63  }
0xdb: {  	s12 =	sadd.s32 $0xE80, s9  }
0xdc: {  	[hbm4b:s12+s28] =	stream.strided.scatter [tilespmem:s22], [sflag:$0x5], $0x1800, s29, s28, $0x38;
	[tilespmem:$0x14000] =	vst v63  }
0xdd: {  	s11 =	sadd.s32 $0xC80, s9;
	s12 =	simm.s32 $0xB000  }
0xde: {  	[hbm4b:s11+s6] =	stream.linear.scatter [tilespmem:s12], [sflag:$0x5], $0x100, $0x38;
	[tilespmem:$0x14000] =	vst v63  }
0xdf: {  	s11 =	sadd.s32 $0x1A80, s9;
	s12 =	simm.s32 $0xCC00  }
0xe0: {  	[hbm4b:s11+s6] =	stream.linear.scatter [tilespmem:s12], [sflag:$0x5], $0x100, $0x38;
	[tilespmem:$0x14000] =	vst v63  }
0xe1: {  	_ =	swait.ge [sflag:s10], $0x1900  }
0xe2: {  	[sflag:s10] =	ssyncset.done $0x0  }
0xe3: {  	[sflag:s10] =	ssyncadd.s32 $0xFFFFE700  }
0xe4: {  	_ =	swait.ge [sflag:s10], $0x1900  }
0xe5: {  	[sflag:s10] =	ssyncset.done $0x0  }
0xe6: {  	s17 =	sadd.s32 $0x400, s17;
	s12 =	sadd.s32 $0x100, s9;
	[sflag:s10] =	ssyncadd.s32 $0xFFFFE700  }
0xe7: {  	[hbm4b:s12+s28] =	stream.strided.scatter [tilespmem:s23], [sflag:$0x6], $0x1800, s29, s28, $0x38;
	[tilespmem:$0x14000] =	vst v63  }
0xe8: {  	p0 =	sne.s32 s17, $0x8000;
	s12 =	sadd.s32 $0xF00, s9  }
0xe9: {  	[hbm4b:s12+s28] =	stream.strided.scatter [tilespmem:s24], [sflag:$0x6], $0x1800, s29, s28, $0x38;
	[tilespmem:$0x14000] =	vst v63  }
.Ltmp3:
0xea: {  	s8 =	sadd.s32 $0x1, s8;
	(pc) =	sbr.rel @!p0 .LBB2_7-.Ltmp3, $4  }
0xeb: {  	s16 =	sadd.s32 $0x1F4, s16;
	s11 =	sadd.s32 $0xD00, s9;
	s12 =	simm.s32 $0xE800  }
0xec: {  	[hbm4b:s11+s6] =	stream.linear.scatter [tilespmem:s12], [sflag:$0x6], $0x100, $0x38;
	[tilespmem:$0x14000] =	vst v63  }
0xed: {  	s0 =	sadd.s32 $0x1C00, s0;
	s9 =	sadd.s32 $0x1B00, s9;
	s12 =	simm.s32 $0x10400  }
0xee: {  	[hbm4b:s9+s6] =	stream.linear.scatter [tilespmem:s12], [sflag:$0x6], $0x100, $0x38;
	[tilespmem:$0x14000] =	vst v63  }
.LBB2_2:
0xef: {  	p0 =	seq.s32 s17, $0x0  }
0xf0: {  	s9 =	simm.s32 @!p0 $0x4  }
0xf1: {  	_ =	swait.ge @!p0 [sflag:s9], $0x3200  }
0xf2: {  	[sflag:s9] =	ssyncset.done @!p0 $0x0  }
0xf3: {  	[sflag:s9] =	ssyncadd.s32 @!p0 $0xFFFFCE00;
	p0 =	sne.s32 s17, $0x0  }
.Ltmp4:
0xf4: {  	s9 =	sshra.s32 s17, $0x2;
	(pc) =	sbr.rel @!p0 .LBB2_3-.Ltmp4, $4  }
0xf5: {  	[tilespmem:s19], [sflag:$0x1] =	stream.indirect.gather [hbm4b:s2+s18], $0x80, s9, s18, $0xb8;
	[tilespmem:$0x14000] =	vst v63  }
0xf6: {  	s11 =	sadd.s32 $0x80, s9  }
0xf7: {  	[tilespmem:s20], [sflag:$0x1] =	stream.indirect.gather [hbm4b:s2+s18], $0x80, s11, s18, $0xb8;
	[tilespmem:$0x14000] =	vst v63  }
0xf8: {  	s12 =	sadd.s32 $0x2000, s9;
	s11 =	sadd.s32 $0x2080, s9  }
0xf9: {  	_ =	swait.ge [sflag:s1], $0x3200  }
0xfa: {  	[sflag:s1] =	ssyncset.done $0x0  }
0xfb: {  	[sflag:s1] =	ssyncadd.s32 $0xFFFFCE00  }
0xfc: {  	[tilespmem:s21], [sflag:$0x2] =	stream.indirect.gather [hbm4b:s3+s18], $0x80, s12, s18, $0xb8;
	[tilespmem:$0x14000] =	vst v63  }
0xfd: {  	_ = 	snop  }
0xfe: {  	[tilespmem:s22], [sflag:$0x2] =	stream.indirect.gather [hbm4b:s3+s18], $0x80, s11, s18, $0xb8;
	[tilespmem:$0x14000] =	vst v63  }
0xff: {  	_ =	swait.ge [sflag:s30], $0x3200  }
0x100: {  	[sflag:s30] =	ssyncset.done $0x0  }
0x101: {  	s12 =	sadd.s32 $0x4000, s9;
	[sflag:s30] =	ssyncadd.s32 $0xFFFFCE00  }
0x102: {  	[tilespmem:s23], [sflag:$0x3] =	stream.indirect.gather [hbm4b:s4+s18], $0x80, s12, s18, $0xb8;
	[tilespmem:$0x14000] =	vst v63  }
0x103: {  	s11 =	sadd.s32 $0x4080, s9;
	s12 =	sand.u32 $0x1, s8  }
0x104: {  	[tilespmem:s24], [sflag:$0x3] =	stream.indirect.gather [hbm4b:s4+s18], $0x80, s11, s18, $0xb8;
	[tilespmem:$0x14000] =	vst v63  }
0x105: {  	p0 =	seq.s32 s12, $0x1;
	_ =	swait.ge [sflag:s31], $0x1900  }
.Ltmp5:
0x106: {  	[sflag:s31] =	ssyncset.done $0x0;
	(pc) =	sbr.rel @p0 .LBB2_6-.Ltmp5, $4  }
.Ltmp6:
0x107: {  	[sflag:s31] =	ssyncadd.s32 $0xFFFFE700;
	(pc) =	sbr.rel @!p0 .LBB2_5-.Ltmp6, $4  }
0x108: {  	_ =	swait.ge [sflag:s31], $0x1900  }
0x109: {  	[sflag:s31] =	ssyncset.done $0x0  }
0x10a: {  	s9 =	simm.s32 $0x1F4;
	[sflag:s31] =	ssyncadd.s32 $0xFFFFE700  }
0x10b: {  	_ = 	snop  }
.LBB2_8:
0x10c: {  	_ =	sfence.sel $0x180000  }
0x10d: {  	[bflag:$0x0] =	sbarrier.arrive $0xFFFF  }
0x10e: {  	_ =	strace $0x9000004A  }
0x10f: {  	s0 =	stileid.u32;
	[bflag:$0x2] =	sbarrier.arrive $0xFFFF  }
0x110: {  	p0 =	sne.s32 s0, $0x0;
	s0 =	rddreg [dreg:$0x5]  }
0x111: {  	s0 =	sadd.s32 @!p0 $0x100000, s0  }
0x112: {  	[sflag:s0] =	ssyncadd.tile.s32 @!p0 $0x1;
	_ =	shalt  }
.Lfunc_end2:
_tile_overlayer_lowered:
.L_overlay_start_2:
0x113: {  	(tag) =	ssettag $0x2  }
0x114: {  	s0 =	rddreg [dreg:$0x0];
	s2 =	stileid.u32  }
0x115: {  	s1 =	rddreg [dreg:$0x1];
	p0 =	sne.s32 s2, $0x0  }
0x116: {  	s3 =	rddreg [dreg:$0x2];
	[bflag:$0x3] =	sbarrier.arrive $0xFFFF;
	s2 =	simm.s32 @!p0 $0x1C08  }
0x117: {  	[timem:s3], [sflag:s2] =	dma.local @!p0 [hbm:s0], s1  }
0x118: {  	s0 =	simm.s32 @!p0 $0x8  }
0x119: {  	_ =	swait.ge @!p0 [sflag:s0], s1  }
0x11a: {  	s1 =	ssub.s32 @!p0 $0x0, s1;
	[sflag:s0] =	ssyncset.done @!p0 $0x0  }
0x11b: {  	[sflag:s0] =	ssyncadd.s32 @!p0 s1  }
0x11c: {  	[bflag:$0x3] =	sbarrier.arrive $0xFFFF  }
0x11d: {  	_ =	shalt  }

</sc_bundles>
